<compile_context>
chip_gen: v7x
topology: tpu7x:2x2x1
jax: 0.10.2.dev20260603
libtpu: 0.0.44.dev20260713+nightly
codegen_flags: <defaults>
</compile_context>

<pallas_src>
import functools

import jax
import jax.numpy as jnp
from jax import lax
from jax.experimental import pallas as pl
from jax.experimental.pallas import tpu as pltpu, tpu_sc as plsc

_NSAMPLE = 32
_QBLK = 256
_CHUNK = 128


_DEPTH = 5


def _topk_body(q_ref, x_ref, idx_ref, d_ref):
    b = pl.program_id(0)
    n = x_ref.shape[2]
    qblk = q_ref.shape[1]
    n_chunks = n // _CHUNK

    x = x_ref[0]
    q = q_ref[0]

    def dist_chunk(k):
        dk = None
        for c in range(3):
            xc = x[c : c + 1, k * _CHUNK : (k + 1) * _CHUNK]
            diff = q[:, c : c + 1] - xc
            sq = diff * diff
            dk = sq if dk is None else dk + sq
        return dk

    lane_iota = lax.broadcasted_iota(jnp.int32, (qblk, _CHUNK), 1)
    iota_s = lax.broadcasted_iota(jnp.int32, (qblk, _NSAMPLE), 1)
    big = jnp.int32(2 * n)

    ms = [jnp.full((qblk, _CHUNK), jnp.inf, jnp.float32) for _ in range(_DEPTH)]
    gs = [jnp.full((qblk, _CHUNK), big, jnp.int32) for _ in range(_DEPTH)]
    for k in range(n_chunks):
        dk = dist_chunk(k)
        gk = lane_iota + (k * _CHUNK)
        t = [dk < ms[i] for i in range(_DEPTH)]
        new_ms = []
        new_gs = []
        for i in range(_DEPTH - 1, 0, -1):
            new_ms.append(jnp.where(t[i], jnp.where(t[i - 1], ms[i - 1], dk), ms[i]))
            new_gs.append(jnp.where(t[i], jnp.where(t[i - 1], gs[i - 1], gk), gs[i]))
        new_ms.append(jnp.where(t[0], dk, ms[0]))
        new_gs.append(jnp.where(t[0], gk, gs[0]))
        ms = new_ms[::-1]
        gs = new_gs[::-1]
    m_last, g_last = ms[_DEPTH - 1], gs[_DEPTH - 1]

    def step(s, carry):
        cnt, _, _, acc = carry
        am = jnp.full((qblk, _CHUNK), jnp.inf, jnp.float32)
        ag = jnp.full((qblk, _CHUNK), big, jnp.int32)
        for i in range(_DEPTH - 1, -1, -1):
            hit = cnt == i
            am = jnp.where(hit, ms[i], am)
            ag = jnp.where(hit, gs[i], ag)
        m = jnp.min(am, axis=1, keepdims=True)
        idx = jnp.min(jnp.where(am == m, ag, big), axis=1, keepdims=True)
        cnt = cnt + (ag == idx).astype(jnp.int32)
        acc = jnp.where(iota_s == s, idx, acc)
        return cnt, idx, m, acc

    cnt0 = jnp.zeros((qblk, _CHUNK), jnp.int32)
    _, last_idx, last_m, acc = lax.fori_loop(
        0,
        _NSAMPLE,
        step,
        (
            cnt0,
            jnp.full((qblk, 1), -1, jnp.int32),
            jnp.zeros((qblk, 1), jnp.float32),
            jnp.zeros((qblk, _NSAMPLE), jnp.int32),
        ),
    )

    suspect = jnp.any(
        (m_last < last_m) | ((m_last == last_m) & (g_last < last_idx))
    )

    def exact_path(_):
        for k in range(n_chunks):
            d_ref[:, pl.ds(k * _CHUNK, _CHUNK)] = dist_chunk(k)

        def estep(s, carry):
            prev_idx, eacc = carry
            evm = None
            evi = None
            for k in range(n_chunks):
                sl = pl.ds(k * _CHUNK, _CHUNK)
                ik = lane_iota + (k * _CHUNK)
                dk = d_ref[:, sl]
                dk = jnp.where(ik == prev_idx, jnp.inf, dk)
                d_ref[:, sl] = dk
                if evm is None:
                    evm, evi = dk, ik
                else:
                    take = dk < evm
                    evm = jnp.where(take, dk, evm)
                    evi = jnp.where(take, ik, evi)
            em = jnp.min(evm, axis=1, keepdims=True)
            eidx = jnp.min(jnp.where(evm == em, evi, big), axis=1, keepdims=True)
            eacc = jnp.where(iota_s == s, eidx, eacc)
            return eidx, eacc

        _, eacc = lax.fori_loop(
            0,
            _NSAMPLE,
            estep,
            (jnp.full((qblk, 1), -1, jnp.int32), jnp.zeros((qblk, _NSAMPLE), jnp.int32)),
        )
        return eacc

    acc = lax.cond(suspect, exact_path, lambda _: acc, 0)
    idx_ref[0] = acc + b * n


def _topk_indices(new_xyz, xyz_t):
    b, p, _ = new_xyz.shape
    n = xyz_t.shape[2]
    grid = (b, p // _QBLK)
    return pl.pallas_call(
        _topk_body,
        grid=grid,
        in_specs=[
            pl.BlockSpec((1, _QBLK, 3), lambda i, j: (i, j, 0)),
            pl.BlockSpec((1, 3, n), lambda i, j: (i, 0, 0)),
        ],
        out_specs=pl.BlockSpec((1, _QBLK, _NSAMPLE), lambda i, j: (i, j, 0)),
        out_shape=jax.ShapeDtypeStruct((b, p, _NSAMPLE), jnp.int32),
        scratch_shapes=[pltpu.VMEM((_QBLK, n), jnp.float32)],
    )(new_xyz, xyz_t)


_GCHUNK = 128


def _gather_rows(table, idx_flat):
    m, d = idx_flat.shape[0], table.shape[1]
    mesh = plsc.VectorSubcoreMesh(core_axis_name="c", subcore_axis_name="s")
    nw = mesh.num_cores * mesh.num_subcores
    per_w = m // nw
    n_chunks = per_w // _GCHUNK

    @functools.partial(
        pl.kernel,
        mesh=mesh,
        out_type=jax.ShapeDtypeStruct((m, d), jnp.float32),
        scratch_types=[
            pltpu.VMEM((_GCHUNK,), jnp.int32),
            pltpu.VMEM((_GCHUNK, d), jnp.float32),
            pltpu.SemaphoreType.DMA,
        ],
        compiler_params=pltpu.CompilerParams(use_tc_tiling_on_sc=False),
    )
    def gather_kernel(table_hbm, idx_hbm, out_hbm, idx_v, rows_v, sem):
        wid = lax.axis_index("s") * mesh.num_cores + lax.axis_index("c")
        base = wid * per_w

        def chunk(i, carry):
            off = base + i * _GCHUNK
            pltpu.sync_copy(idx_hbm.at[pl.ds(off, _GCHUNK)], idx_v)
            pltpu.async_copy(table_hbm.at[idx_v], rows_v, sem).wait()
            pltpu.sync_copy(rows_v, out_hbm.at[pl.ds(off, _GCHUNK)])
            return carry

        lax.fori_loop(0, n_chunks, chunk, 0)

    return gather_kernel(table, idx_flat)


def kernel(xyz, new_xyz, components, new_components, features):
    del components, new_components
    b, n, _ = xyz.shape
    p = new_xyz.shape[1]
    c = features.shape[1]
    s = _NSAMPLE

    xyz_t = jnp.transpose(xyz, (0, 2, 1))

    d_pad = 80
    table = jnp.concatenate(
        [
            xyz,
            jnp.transpose(features, (0, 2, 1)),
            jnp.zeros((b, n, d_pad - 3 - c), jnp.float32),
        ],
        axis=-1,
    ).reshape(b * n, d_pad)

    hb = b // 2
    outs = []
    for h in range(2):
        sel = slice(h * hb, (h + 1) * hb)
        idx = _topk_indices(new_xyz[sel], xyz_t[sel])
        idx_flat = (idx + h * hb * n).reshape(-1)
        rows = _gather_rows(table, idx_flat)
        rows = rows.reshape(hb, p, s, d_pad)

        grouped_xyz = rows[..., :3] - new_xyz[sel][:, :, None, :]
        grouped_feat = rows[..., 3 : 3 + c]
        out = jnp.concatenate([grouped_xyz, grouped_feat], axis=-1)
        outs.append(jnp.transpose(out, (0, 3, 1, 2)))
    return jnp.concatenate(outs, axis=0)

# --- scband reference (transcript-rebuilt; emitter-appended) ---
"""Pipeline reference for scband-gagknnquery-and-group-48215302865115 (READ-ONLY COPY).

The authoritative reference and input builder live on the scoring server;
editing this copy changes nothing except your own understanding.
"""

import jax, jax.numpy as jnp
import numpy as np

NSAMPLE = 32
LAMBDA = 0.5


def setup_inputs(seed: int = 0) -> dict:
    key = jax.random.key(seed)
    k1, k2, k3, k4, k5 = jax.random.split(key, 5)
    B, N, NPOINT, C = 4, 4096, 1024, 64
    xyz = jax.random.uniform(k1, (B, N, 3), dtype=jnp.float32)
    new_xyz = jax.random.uniform(k2, (B, NPOINT, 3), dtype=jnp.float32)
    components = jax.random.randint(k3, (B, N, 1), 0, 32)
    new_components = jax.random.randint(k4, (B, NPOINT, 1), 0, 32)
    features = jax.random.normal(k5, (B, C, N), dtype=jnp.float32)
    return {"xyz": xyz, "new_xyz": new_xyz, "components": components, "new_components": new_components, "features": features}


def _group(features, idx):
    # features: (B, C, N), idx: (B, npoint, nsample) -> (B, C, npoint, nsample)
    return jax.vmap(lambda f, i: f[:, i])(features, idx)


def reference(xyz, new_xyz, components, new_components, features):
    comp = components[..., 0]          # (B, N)
    new_comp = new_components[..., 0]  # (B, npoint)
    # squared pairwise distances (B, npoint, N)
    diff = new_xyz[:, :, None, :] - xyz[:, None, :, :]
    dists = jnp.sum(diff ** 2, axis=-1)
    # geometry-aware grouping reweighting
    component_mask = comp[:, None, :] == new_comp[:, :, None]
    dists = jnp.where(component_mask, dists * LAMBDA, dists * (1.0 - LAMBDA))
    # knn indices (B, npoint, nsample)
    idx = jnp.argsort(dists, axis=-1)[:, :, :NSAMPLE]
    # group xyz
    xyz_trans = jnp.transpose(xyz, (0, 2, 1))  # (B, 3, N)
    grouped_xyz = _group(xyz_trans, idx)       # (B, 3, npoint, nsample)
    grouped_xyz = grouped_xyz - jnp.transpose(new_xyz, (0, 2, 1))[..., None]
    # group features and concat (use_xyz=True)
    grouped_features = _group(features, idx)   # (B, C, npoint, nsample)
    new_features = jnp.concatenate([grouped_xyz, grouped_features], axis=1)
    return new_features

if __name__ == "__main__":
    import jax
    _d = setup_inputs()
    print(jax.jit(kernel)(*tuple(_d.values())))

</pallas_src>

<mosaic_0001>
#map = affine_map<(d0, d1) -> (0, 0)>
#map1 = affine_map<(d0, d1) -> (0)>
module attributes {stable_mosaic.version = 14 : i64} {
  func.func @gather_kernel(%arg0: i32, %arg1: i32, %arg2: memref<16384x80xf32, #tpu.memory_space<hbm>>, %arg3: memref<65536xi32, #tpu.memory_space<hbm>>, %arg4: memref<65536x80xf32, #tpu.memory_space<hbm>>, %arg5: memref<128xi32, #tpu.memory_space<vmem>>, %arg6: memref<128x80xf32, #tpu.memory_space<vmem>>, %arg7: memref<!tpu.dma_semaphore, #tpu.memory_space<semaphore_mem>>) attributes {dimension_semantics = [#tpu.dimension_semantics<core_parallel>, #tpu.dimension_semantics<subcore_parallel>], iteration_bounds = array<i64: 2, 16>, scalar_prefetch = 0 : i64, scratch_operands = 3 : i64, tpu.core_type = #tpu.core_type<sc_vector_subcore>, window_params = [{transform_indices = #map}, {transform_indices = #map1}, {transform_indices = #map}]} {
    %mul3A = arith.constant 2 : i32
    %mul3A_0 = arith.muli %arg1, %mul3A : i32
    %add3A = arith.addi %mul3A_0, %arg0 : i32
    %mul3A_1 = arith.constant 2048 : i32
    %mul3A_2 = arith.muli %add3A, %mul3A_1 : i32
    %scan3A = arith.constant 0 : i32
    %scan3A_3 = arith.constant 0 : i32
    %scan3A_4 = arith.constant 16 : i32
    %scan3A_5 = arith.addi %scan3A_3, %scan3A_4 : i32
    %scan3A_6 = arith.constant 1 : i32
    scf.for %scan3A_8 = %scan3A_3 to %scan3A_5 step %scan3A_6  : i32 {
      %mul3A_9 = arith.constant 128 : i32
      %mul3A_10 = arith.muli %scan3A_8, %mul3A_9 : i32
      %add3A_11 = arith.addi %mul3A_2, %mul3A_10 : i32
      "tpu.region"() ({
        %run_scoped3A = tpu.sem_alloc : memref<!tpu.dma_semaphore, #tpu.memory_space<semaphore_mem>>
        %dma_start3A_16 = tpu.memref_slice %arg3[%add3A_11] : memref<65536xi32, #tpu.memory_space<hbm>> -> memref<128xi32, #tpu.memory_space<hbm>>
        %dma_start3A_17 = tpu.memref_slice %arg3[%add3A_11] : memref<65536xi32, #tpu.memory_space<hbm>> -> memref<128xi32, #tpu.memory_space<hbm>>
        tpu.enqueue_dma source(%dma_start3A_17 : memref<128xi32, #tpu.memory_space<hbm>>) target(%arg5 : memref<128xi32, #tpu.memory_space<vmem>>) target_semaphore(%run_scoped3A : memref<!tpu.dma_semaphore, #tpu.memory_space<semaphore_mem>>)
        %dma_wait3A_18 = tpu.memref_slice %arg3[%add3A_11] : memref<65536xi32, #tpu.memory_space<hbm>> -> memref<128xi32, #tpu.memory_space<hbm>>
        %dma_wait3A_19 = tpu.memref_slice %arg3[%add3A_11] : memref<65536xi32, #tpu.memory_space<hbm>> -> memref<128xi32, #tpu.memory_space<hbm>>
        tpu.wait_dma2 semaphore(%run_scoped3A : memref<!tpu.dma_semaphore, #tpu.memory_space<semaphore_mem>>) src(%dma_wait3A_19 : memref<128xi32, #tpu.memory_space<hbm>>) dst(%arg5 : memref<128xi32, #tpu.memory_space<vmem>>)
        tpu.yield
      }) : () -> ()
      %dma_start3A = arith.constant 0 : i32
      %dma_start3A_12 = arith.constant 0 : i32
      %dma_start3A_13 = tpu.memref_slice %arg2[%dma_start3A, %dma_start3A_12] : memref<16384x80xf32, #tpu.memory_space<hbm>> -> memref<16384x80xf32, #tpu.memory_space<hbm>>
      tpu.enqueue_indirect_dma source(%dma_start3A_13 : memref<16384x80xf32, #tpu.memory_space<hbm>>) target(%arg6 : memref<128x80xf32, #tpu.memory_space<vmem>>) offsets(%arg5 : memref<128xi32, #tpu.memory_space<vmem>>) semaphore(%arg7 : memref<!tpu.dma_semaphore, #tpu.memory_space<semaphore_mem>>)
      %dma_wait3A = arith.constant 0 : i32
      %dma_wait3A_14 = arith.constant 0 : i32
      %dma_wait3A_15 = tpu.memref_slice %arg2[%dma_wait3A, %dma_wait3A_14] : memref<16384x80xf32, #tpu.memory_space<hbm>> -> memref<16384x80xf32, #tpu.memory_space<hbm>>
      tpu.wait_indirect_dma semaphore(%arg7 : memref<!tpu.dma_semaphore, #tpu.memory_space<semaphore_mem>>) src(%dma_wait3A_15 : memref<16384x80xf32, #tpu.memory_space<hbm>>) dst(%arg6 : memref<128x80xf32, #tpu.memory_space<vmem>>)
      "tpu.region"() ({
        %run_scoped3A = tpu.sem_alloc : memref<!tpu.dma_semaphore, #tpu.memory_space<semaphore_mem>>
        %dma_start3A_16 = arith.constant 0 : i32
        %dma_start3A_17 = tpu.memref_slice %arg4[%add3A_11, %dma_start3A_16] : memref<65536x80xf32, #tpu.memory_space<hbm>> -> memref<128x80xf32, #tpu.memory_space<hbm>>
        %dma_start3A_18 = arith.constant 0 : i32
        %dma_start3A_19 = tpu.memref_slice %arg4[%add3A_11, %dma_start3A_18] : memref<65536x80xf32, #tpu.memory_space<hbm>> -> memref<128x80xf32, #tpu.memory_space<hbm>>
        tpu.enqueue_dma source(%arg6 : memref<128x80xf32, #tpu.memory_space<vmem>>) target(%dma_start3A_19 : memref<128x80xf32, #tpu.memory_space<hbm>>) target_semaphore(%run_scoped3A : memref<!tpu.dma_semaphore, #tpu.memory_space<semaphore_mem>>)
        %dma_wait3A_20 = arith.constant 0 : i32
        %dma_wait3A_21 = tpu.memref_slice %arg4[%add3A_11, %dma_wait3A_20] : memref<65536x80xf32, #tpu.memory_space<hbm>> -> memref<128x80xf32, #tpu.memory_space<hbm>>
        %dma_wait3A_22 = arith.constant 0 : i32
        %dma_wait3A_23 = tpu.memref_slice %arg4[%add3A_11, %dma_wait3A_22] : memref<65536x80xf32, #tpu.memory_space<hbm>> -> memref<128x80xf32, #tpu.memory_space<hbm>>
        tpu.wait_dma2 semaphore(%run_scoped3A : memref<!tpu.dma_semaphore, #tpu.memory_space<semaphore_mem>>) src(%arg6 : memref<128x80xf32, #tpu.memory_space<vmem>>) dst(%dma_wait3A_23 : memref<128x80xf32, #tpu.memory_space<hbm>>)
        tpu.yield
      }) : () -> ()
    }
    %scan3A_7 = arith.constant 16 : i32
    return
  }
}

#map = affine_map<(d0, d1) -> (0, 0)>
#map1 = affine_map<(d0, d1) -> (0)>
module attributes {stable_mosaic.version = 14 : i64} {
  func.func @gather_kernel(%arg0: i32, %arg1: i32, %arg2: memref<16384x80xf32, #tpu.memory_space<hbm>>, %arg3: memref<65536xi32, #tpu.memory_space<hbm>>, %arg4: memref<65536x80xf32, #tpu.memory_space<hbm>>, %arg5: memref<128xi32, #tpu.memory_space<vmem>>, %arg6: memref<128x80xf32, #tpu.memory_space<vmem>>, %arg7: memref<!tpu.dma_semaphore, #tpu.memory_space<semaphore_mem>>) attributes {dimension_semantics = [#tpu.dimension_semantics<core_parallel>, #tpu.dimension_semantics<subcore_parallel>], iteration_bounds = array<i64: 2, 16>, scalar_prefetch = 0 : i64, scratch_operands = 3 : i64, tpu.core_type = #tpu.core_type<sc_vector_subcore>, window_params = [{transform_indices = #map}, {transform_indices = #map1}, {transform_indices = #map}]} {
    %mul3A = arith.constant 2 : i32
    %mul3A_0 = arith.muli %arg1, %mul3A : i32
    %add3A = arith.addi %mul3A_0, %arg0 : i32
    %mul3A_1 = arith.constant 2048 : i32
    %mul3A_2 = arith.muli %add3A, %mul3A_1 : i32
    %scan3A = arith.constant 0 : i32
    %scan3A_3 = arith.constant 0 : i32
    %scan3A_4 = arith.constant 16 : i32
    %scan3A_5 = arith.addi %scan3A_3, %scan3A_4 : i32
    %scan3A_6 = arith.constant 1 : i32
    scf.for %scan3A_8 = %scan3A_3 to %scan3A_5 step %scan3A_6  : i32 {
      %mul3A_9 = arith.constant 128 : i32
      %mul3A_10 = arith.muli %scan3A_8, %mul3A_9 : i32
      %add3A_11 = arith.addi %mul3A_2, %mul3A_10 : i32
      "tpu.region"() ({
        %run_scoped3A = tpu.sem_alloc : memref<!tpu.dma_semaphore, #tpu.memory_space<semaphore_mem>>
        %dma_start3A_16 = tpu.memref_slice %arg3[%add3A_11] : memref<65536xi32, #tpu.memory_space<hbm>> -> memref<128xi32, #tpu.memory_space<hbm>>
        %dma_start3A_17 = tpu.memref_slice %arg3[%add3A_11] : memref<65536xi32, #tpu.memory_space<hbm>> -> memref<128xi32, #tpu.memory_space<hbm>>
        tpu.enqueue_dma source(%dma_start3A_17 : memref<128xi32, #tpu.memory_space<hbm>>) target(%arg5 : memref<128xi32, #tpu.memory_space<vmem>>) target_semaphore(%run_scoped3A : memref<!tpu.dma_semaphore, #tpu.memory_space<semaphore_mem>>)
        %dma_wait3A_18 = tpu.memref_slice %arg3[%add3A_11] : memref<65536xi32, #tpu.memory_space<hbm>> -> memref<128xi32, #tpu.memory_space<hbm>>
        %dma_wait3A_19 = tpu.memref_slice %arg3[%add3A_11] : memref<65536xi32, #tpu.memory_space<hbm>> -> memref<128xi32, #tpu.memory_space<hbm>>
        tpu.wait_dma2 semaphore(%run_scoped3A : memref<!tpu.dma_semaphore, #tpu.memory_space<semaphore_mem>>) src(%dma_wait3A_19 : memref<128xi32, #tpu.memory_space<hbm>>) dst(%arg5 : memref<128xi32, #tpu.memory_space<vmem>>)
        tpu.yield
      }) : () -> ()
      %dma_start3A = arith.constant 0 : i32
      %dma_start3A_12 = arith.constant 0 : i32
      %dma_start3A_13 = tpu.memref_slice %arg2[%dma_start3A, %dma_start3A_12] : memref<16384x80xf32, #tpu.memory_space<hbm>> -> memref<16384x80xf32, #tpu.memory_space<hbm>>
      tpu.enqueue_indirect_dma source(%dma_start3A_13 : memref<16384x80xf32, #tpu.memory_space<hbm>>) target(%arg6 : memref<128x80xf32, #tpu.memory_space<vmem>>) offsets(%arg5 : memref<128xi32, #tpu.memory_space<vmem>>) semaphore(%arg7 : memref<!tpu.dma_semaphore, #tpu.memory_space<semaphore_mem>>)
      %dma_wait3A = arith.constant 0 : i32
      %dma_wait3A_14 = arith.constant 0 : i32
      %dma_wait3A_15 = tpu.memref_slice %arg2[%dma_wait3A, %dma_wait3A_14] : memref<16384x80xf32, #tpu.memory_space<hbm>> -> memref<16384x80xf32, #tpu.memory_space<hbm>>
      tpu.wait_indirect_dma semaphore(%arg7 : memref<!tpu.dma_semaphore, #tpu.memory_space<semaphore_mem>>) src(%dma_wait3A_15 : memref<16384x80xf32, #tpu.memory_space<hbm>>) dst(%arg6 : memref<128x80xf32, #tpu.memory_space<vmem>>)
      "tpu.region"() ({
        %run_scoped3A = tpu.sem_alloc : memref<!tpu.dma_semaphore, #tpu.memory_space<semaphore_mem>>
        %dma_start3A_16 = arith.constant 0 : i32
        %dma_start3A_17 = tpu.memref_slice %arg4[%add3A_11, %dma_start3A_16] : memref<65536x80xf32, #tpu.memory_space<hbm>> -> memref<128x80xf32, #tpu.memory_space<hbm>>
        %dma_start3A_18 = arith.constant 0 : i32
        %dma_start3A_19 = tpu.memref_slice %arg4[%add3A_11, %dma_start3A_18] : memref<65536x80xf32, #tpu.memory_space<hbm>> -> memref<128x80xf32, #tpu.memory_space<hbm>>
        tpu.enqueue_dma source(%arg6 : memref<128x80xf32, #tpu.memory_space<vmem>>) target(%dma_start3A_19 : memref<128x80xf32, #tpu.memory_space<hbm>>) target_semaphore(%run_scoped3A : memref<!tpu.dma_semaphore, #tpu.memory_space<semaphore_mem>>)
        %dma_wait3A_20 = arith.constant 0 : i32
        %dma_wait3A_21 = tpu.memref_slice %arg4[%add3A_11, %dma_wait3A_20] : memref<65536x80xf32, #tpu.memory_space<hbm>> -> memref<128x80xf32, #tpu.memory_space<hbm>>
        %dma_wait3A_22 = arith.constant 0 : i32
        %dma_wait3A_23 = tpu.memref_slice %arg4[%add3A_11, %dma_wait3A_22] : memref<65536x80xf32, #tpu.memory_space<hbm>> -> memref<128x80xf32, #tpu.memory_space<hbm>>
        tpu.wait_dma2 semaphore(%run_scoped3A : memref<!tpu.dma_semaphore, #tpu.memory_space<semaphore_mem>>) src(%arg6 : memref<128x80xf32, #tpu.memory_space<vmem>>) dst(%dma_wait3A_23 : memref<128x80xf32, #tpu.memory_space<hbm>>)
        tpu.yield
      }) : () -> ()
    }
    %scan3A_7 = arith.constant 16 : i32
    return
  }
}

module attributes {stable_mosaic.version = 14 : i64} {
  func.func @_topk_body(%arg0: i32, %arg1: i32, %arg2: memref<1x256x3xf32, #tpu.memory_space<vmem>>, %arg3: memref<1x3x4096xf32, #tpu.memory_space<vmem>>, %arg4: memref<1x256x32xi32, #tpu.memory_space<vmem>>, %arg5: memref<256x4096xf32, #tpu.memory_space<vmem>>) attributes {dimension_semantics = [#tpu.dimension_semantics<arbitrary>, #tpu.dimension_semantics<arbitrary>], iteration_bounds = array<i64: 2, 4>, scalar_prefetch = 0 : i64, scratch_operands = 1 : i64, tpu.core_type = #tpu.core_type<tc>, window_params = [{transform_indices = @transform_0, window_bounds = array<i64: 1, 256, 3>}, {transform_indices = @transform_1, window_bounds = array<i64: 1, 3, 4096>}, {transform_indices = @transform_2, window_bounds = array<i64: 1, 256, 32>}]} {
    %get3A = arith.constant 0 : index
    %get3A_0 = arith.constant 0 : index
    %get3A_1 = arith.constant 0 : index
    %get3A_2 = vector.load %arg3[%get3A, %get3A_0, %get3A_1] : memref<1x3x4096xf32, #tpu.memory_space<vmem>>, vector<1x3x4096xf32>
    %get3A_3 = vector.shape_cast %get3A_2 : vector<1x3x4096xf32> to vector<3x4096xf32>
    %get3A_4 = arith.constant 0 : index
    %get3A_5 = arith.constant 0 : index
    %get3A_6 = arith.constant 0 : index
    %get3A_7 = vector.load %arg2[%get3A_4, %get3A_5, %get3A_6] : memref<1x256x3xf32, #tpu.memory_space<vmem>>, vector<1x256x3xf32>
    %get3A_8 = vector.shape_cast %get3A_7 : vector<1x256x3xf32> to vector<256x3xf32>
    %iota3A = tpu.iota {dimensions = array<i32: 1>} : vector<256x128xi32>
    %iota3A_9 = tpu.iota {dimensions = array<i32: 1>} : vector<256x32xi32>
    %broadcast_in_dim3A = arith.constant 0x7F800000 : f32
    %broadcast_in_dim3A_10 = vector.broadcast %broadcast_in_dim3A : f32 to vector<256x128xf32>
    %broadcast_in_dim3A_11 = arith.constant 0x7F800000 : f32
    %broadcast_in_dim3A_12 = vector.broadcast %broadcast_in_dim3A_11 : f32 to vector<256x128xf32>
    %broadcast_in_dim3A_13 = arith.constant 0x7F800000 : f32
    %broadcast_in_dim3A_14 = vector.broadcast %broadcast_in_dim3A_13 : f32 to vector<256x128xf32>
    %broadcast_in_dim3A_15 = arith.constant 0x7F800000 : f32
    %broadcast_in_dim3A_16 = vector.broadcast %broadcast_in_dim3A_15 : f32 to vector<256x128xf32>
    %broadcast_in_dim3A_17 = arith.constant 0x7F800000 : f32
    %broadcast_in_dim3A_18 = vector.broadcast %broadcast_in_dim3A_17 : f32 to vector<256x128xf32>
    %broadcast_in_dim3A_19 = arith.constant 8192 : i32
    %broadcast_in_dim3A_20 = vector.broadcast %broadcast_in_dim3A_19 : i32 to vector<256x128xi32>
    %broadcast_in_dim3A_21 = arith.constant 8192 : i32
    %broadcast_in_dim3A_22 = vector.broadcast %broadcast_in_dim3A_21 : i32 to vector<256x128xi32>
    %broadcast_in_dim3A_23 = arith.constant 8192 : i32
    %broadcast_in_dim3A_24 = vector.broadcast %broadcast_in_dim3A_23 : i32 to vector<256x128xi32>
    %broadcast_in_dim3A_25 = arith.constant 8192 : i32
    %broadcast_in_dim3A_26 = vector.broadcast %broadcast_in_dim3A_25 : i32 to vector<256x128xi32>
    %broadcast_in_dim3A_27 = arith.constant 8192 : i32
    %broadcast_in_dim3A_28 = vector.broadcast %broadcast_in_dim3A_27 : i32 to vector<256x128xi32>
    %slice3A = vector.extract_strided_slice %get3A_3 {offsets = [0, 0], sizes = [1, 128], strides = [1, 1]} : vector<3x4096xf32> to vector<1x128xf32>
    %slice3A_29 = vector.extract_strided_slice %get3A_8 {offsets = [0, 0], sizes = [256, 1], strides = [1, 1]} : vector<256x3xf32> to vector<256x1xf32>
    %sub3A = vector.broadcast %slice3A_29 : vector<256x1xf32> to vector<256x128xf32>
    %sub3A_30 = vector.broadcast %slice3A : vector<1x128xf32> to vector<256x128xf32>
    %sub3A_31 = arith.subf %sub3A, %sub3A_30 : vector<256x128xf32>
    %mul3A = arith.mulf %sub3A_31, %sub3A_31 : vector<256x128xf32>
    %slice3A_32 = vector.extract_strided_slice %get3A_3 {offsets = [1, 0], sizes = [1, 128], strides = [1, 1]} : vector<3x4096xf32> to vector<1x128xf32>
    %slice3A_33 = vector.extract_strided_slice %get3A_8 {offsets = [0, 1], sizes = [256, 1], strides = [1, 1]} : vector<256x3xf32> to vector<256x1xf32>
    %sub3A_34 = vector.broadcast %slice3A_33 : vector<256x1xf32> to vector<256x128xf32>
    %sub3A_35 = vector.broadcast %slice3A_32 : vector<1x128xf32> to vector<256x128xf32>
    %sub3A_36 = arith.subf %sub3A_34, %sub3A_35 : vector<256x128xf32>
    %mul3A_37 = arith.mulf %sub3A_36, %sub3A_36 : vector<256x128xf32>
    %add3A = arith.addf %mul3A, %mul3A_37 : vector<256x128xf32>
    %slice3A_38 = vector.extract_strided_slice %get3A_3 {offsets = [2, 0], sizes = [1, 128], strides = [1, 1]} : vector<3x4096xf32> to vector<1x128xf32>
    %slice3A_39 = vector.extract_strided_slice %get3A_8 {offsets = [0, 2], sizes = [256, 1], strides = [1, 1]} : vector<256x3xf32> to vector<256x1xf32>
    %sub3A_40 = vector.broadcast %slice3A_39 : vector<256x1xf32> to vector<256x128xf32>
    %sub3A_41 = vector.broadcast %slice3A_38 : vector<1x128xf32> to vector<256x128xf32>
    %sub3A_42 = arith.subf %sub3A_40, %sub3A_41 : vector<256x128xf32>
    %mul3A_43 = arith.mulf %sub3A_42, %sub3A_42 : vector<256x128xf32>
    %add3A_44 = arith.addf %add3A, %mul3A_43 : vector<256x128xf32>
    %add3A_45 = arith.constant 0 : i32
    %add3A_46 = vector.broadcast %add3A_45 : i32 to vector<256x128xi32>
    %add3A_47 = arith.addi %iota3A, %add3A_46 : vector<256x128xi32>
    %lt3A = arith.cmpf olt, %add3A_44, %broadcast_in_dim3A_10 : vector<256x128xf32>
    %lt3A_48 = arith.cmpf olt, %add3A_44, %broadcast_in_dim3A_12 : vector<256x128xf32>
    %lt3A_49 = arith.cmpf olt, %add3A_44, %broadcast_in_dim3A_14 : vector<256x128xf32>
    %lt3A_50 = arith.cmpf olt, %add3A_44, %broadcast_in_dim3A_16 : vector<256x128xf32>
    %lt3A_51 = arith.cmpf olt, %add3A_44, %broadcast_in_dim3A_18 : vector<256x128xf32>
    %select_n3A = arith.select %lt3A_50, %broadcast_in_dim3A_16, %add3A_44 : vector<256x128xi1>, vector<256x128xf32>
    %select_n3A_52 = arith.select %lt3A_51, %select_n3A, %broadcast_in_dim3A_18 : vector<256x128xi1>, vector<256x128xf32>
    %select_n3A_53 = arith.select %lt3A_50, %broadcast_in_dim3A_26, %add3A_47 : vector<256x128xi1>, vector<256x128xi32>
    %select_n3A_54 = arith.select %lt3A_51, %select_n3A_53, %broadcast_in_dim3A_28 : vector<256x128xi1>, vector<256x128xi32>
    %select_n3A_55 = arith.select %lt3A_49, %broadcast_in_dim3A_14, %add3A_44 : vector<256x128xi1>, vector<256x128xf32>
    %select_n3A_56 = arith.select %lt3A_50, %select_n3A_55, %broadcast_in_dim3A_16 : vector<256x128xi1>, vector<256x128xf32>
    %select_n3A_57 = arith.select %lt3A_49, %broadcast_in_dim3A_24, %add3A_47 : vector<256x128xi1>, vector<256x128xi32>
    %select_n3A_58 = arith.select %lt3A_50, %select_n3A_57, %broadcast_in_dim3A_26 : vector<256x128xi1>, vector<256x128xi32>
    %select_n3A_59 = arith.select %lt3A_48, %broadcast_in_dim3A_12, %add3A_44 : vector<256x128xi1>, vector<256x128xf32>
    %select_n3A_60 = arith.select %lt3A_49, %select_n3A_59, %broadcast_in_dim3A_14 : vector<256x128xi1>, vector<256x128xf32>
    %select_n3A_61 = arith.select %lt3A_48, %broadcast_in_dim3A_22, %add3A_47 : vector<256x128xi1>, vector<256x128xi32>
    %select_n3A_62 = arith.select %lt3A_49, %select_n3A_61, %broadcast_in_dim3A_24 : vector<256x128xi1>, vector<256x128xi32>
    %select_n3A_63 = arith.select %lt3A, %broadcast_in_dim3A_10, %add3A_44 : vector<256x128xi1>, vector<256x128xf32>
    %select_n3A_64 = arith.select %lt3A_48, %select_n3A_63, %broadcast_in_dim3A_12 : vector<256x128xi1>, vector<256x128xf32>
    %select_n3A_65 = arith.select %lt3A, %broadcast_in_dim3A_20, %add3A_47 : vector<256x128xi1>, vector<256x128xi32>
    %select_n3A_66 = arith.select %lt3A_48, %select_n3A_65, %broadcast_in_dim3A_22 : vector<256x128xi1>, vector<256x128xi32>
    %select_n3A_67 = arith.select %lt3A, %add3A_44, %broadcast_in_dim3A_10 : vector<256x128xi1>, vector<256x128xf32>
    %select_n3A_68 = arith.select %lt3A, %add3A_47, %broadcast_in_dim3A_20 : vector<256x128xi1>, vector<256x128xi32>
    %slice3A_69 = vector.extract_strided_slice %get3A_3 {offsets = [0, 128], sizes = [1, 128], strides = [1, 1]} : vector<3x4096xf32> to vector<1x128xf32>
    %slice3A_70 = vector.extract_strided_slice %get3A_8 {offsets = [0, 0], sizes = [256, 1], strides = [1, 1]} : vector<256x3xf32> to vector<256x1xf32>
    %sub3A_71 = vector.broadcast %slice3A_70 : vector<256x1xf32> to vector<256x128xf32>
    %sub3A_72 = vector.broadcast %slice3A_69 : vector<1x128xf32> to vector<256x128xf32>
    %sub3A_73 = arith.subf %sub3A_71, %sub3A_72 : vector<256x128xf32>
    %mul3A_74 = arith.mulf %sub3A_73, %sub3A_73 : vector<256x128xf32>
    %slice3A_75 = vector.extract_strided_slice %get3A_3 {offsets = [1, 128], sizes = [1, 128], strides = [1, 1]} : vector<3x4096xf32> to vector<1x128xf32>
    %slice3A_76 = vector.extract_strided_slice %get3A_8 {offsets = [0, 1], sizes = [256, 1], strides = [1, 1]} : vector<256x3xf32> to vector<256x1xf32>
    %sub3A_77 = vector.broadcast %slice3A_76 : vector<256x1xf32> to vector<256x128xf32>
    %sub3A_78 = vector.broadcast %slice3A_75 : vector<1x128xf32> to vector<256x128xf32>
    %sub3A_79 = arith.subf %sub3A_77, %sub3A_78 : vector<256x128xf32>
    %mul3A_80 = arith.mulf %sub3A_79, %sub3A_79 : vector<256x128xf32>
    %add3A_81 = arith.addf %mul3A_74, %mul3A_80 : vector<256x128xf32>
    %slice3A_82 = vector.extract_strided_slice %get3A_3 {offsets = [2, 128], sizes = [1, 128], strides = [1, 1]} : vector<3x4096xf32> to vector<1x128xf32>
    %slice3A_83 = vector.extract_strided_slice %get3A_8 {offsets = [0, 2], sizes = [256, 1], strides = [1, 1]} : vector<256x3xf32> to vector<256x1xf32>
    %sub3A_84 = vector.broadcast %slice3A_83 : vector<256x1xf32> to vector<256x128xf32>
    %sub3A_85 = vector.broadcast %slice3A_82 : vector<1x128xf32> to vector<256x128xf32>
    %sub3A_86 = arith.subf %sub3A_84, %sub3A_85 : vector<256x128xf32>
    %mul3A_87 = arith.mulf %sub3A_86, %sub3A_86 : vector<256x128xf32>
    %add3A_88 = arith.addf %add3A_81, %mul3A_87 : vector<256x128xf32>
    %add3A_89 = arith.constant 128 : i32
    %add3A_90 = vector.broadcast %add3A_89 : i32 to vector<256x128xi32>
    %add3A_91 = arith.addi %iota3A, %add3A_90 : vector<256x128xi32>
    %lt3A_92 = arith.cmpf olt, %add3A_88, %select_n3A_67 : vector<256x128xf32>
    %lt3A_93 = arith.cmpf olt, %add3A_88, %select_n3A_64 : vector<256x128xf32>
    %lt3A_94 = arith.cmpf olt, %add3A_88, %select_n3A_60 : vector<256x128xf32>
    %lt3A_95 = arith.cmpf olt, %add3A_88, %select_n3A_56 : vector<256x128xf32>
    %lt3A_96 = arith.cmpf olt, %add3A_88, %select_n3A_52 : vector<256x128xf32>
    %select_n3A_97 = arith.select %lt3A_95, %select_n3A_56, %add3A_88 : vector<256x128xi1>, vector<256x128xf32>
    %select_n3A_98 = arith.select %lt3A_96, %select_n3A_97, %select_n3A_52 : vector<256x128xi1>, vector<256x128xf32>
    %select_n3A_99 = arith.select %lt3A_95, %select_n3A_58, %add3A_91 : vector<256x128xi1>, vector<256x128xi32>
    %select_n3A_100 = arith.select %lt3A_96, %select_n3A_99, %select_n3A_54 : vector<256x128xi1>, vector<256x128xi32>
    %select_n3A_101 = arith.select %lt3A_94, %select_n3A_60, %add3A_88 : vector<256x128xi1>, vector<256x128xf32>
    %select_n3A_102 = arith.select %lt3A_95, %select_n3A_101, %select_n3A_56 : vector<256x128xi1>, vector<256x128xf32>
    %select_n3A_103 = arith.select %lt3A_94, %select_n3A_62, %add3A_91 : vector<256x128xi1>, vector<256x128xi32>
    %select_n3A_104 = arith.select %lt3A_95, %select_n3A_103, %select_n3A_58 : vector<256x128xi1>, vector<256x128xi32>
    %select_n3A_105 = arith.select %lt3A_93, %select_n3A_64, %add3A_88 : vector<256x128xi1>, vector<256x128xf32>
    %select_n3A_106 = arith.select %lt3A_94, %select_n3A_105, %select_n3A_60 : vector<256x128xi1>, vector<256x128xf32>
    %select_n3A_107 = arith.select %lt3A_93, %select_n3A_66, %add3A_91 : vector<256x128xi1>, vector<256x128xi32>
    %select_n3A_108 = arith.select %lt3A_94, %select_n3A_107, %select_n3A_62 : vector<256x128xi1>, vector<256x128xi32>
    %select_n3A_109 = arith.select %lt3A_92, %select_n3A_67, %add3A_88 : vector<256x128xi1>, vector<256x128xf32>
    %select_n3A_110 = arith.select %lt3A_93, %select_n3A_109, %select_n3A_64 : vector<256x128xi1>, vector<256x128xf32>
    %select_n3A_111 = arith.select %lt3A_92, %select_n3A_68, %add3A_91 : vector<256x128xi1>, vector<256x128xi32>
    %select_n3A_112 = arith.select %lt3A_93, %select_n3A_111, %select_n3A_66 : vector<256x128xi1>, vector<256x128xi32>
    %select_n3A_113 = arith.select %lt3A_92, %add3A_88, %select_n3A_67 : vector<256x128xi1>, vector<256x128xf32>
    %select_n3A_114 = arith.select %lt3A_92, %add3A_91, %select_n3A_68 : vector<256x128xi1>, vector<256x128xi32>
    %slice3A_115 = vector.extract_strided_slice %get3A_3 {offsets = [0, 256], sizes = [1, 128], strides = [1, 1]} : vector<3x4096xf32> to vector<1x128xf32>
    %slice3A_116 = vector.extract_strided_slice %get3A_8 {offsets = [0, 0], sizes = [256, 1], strides = [1, 1]} : vector<256x3xf32> to vector<256x1xf32>
    %sub3A_117 = vector.broadcast %slice3A_116 : vector<256x1xf32> to vector<256x128xf32>
    %sub3A_118 = vector.broadcast %slice3A_115 : vector<1x128xf32> to vector<256x128xf32>
    %sub3A_119 = arith.subf %sub3A_117, %sub3A_118 : vector<256x128xf32>
    %mul3A_120 = arith.mulf %sub3A_119, %sub3A_119 : vector<256x128xf32>
    %slice3A_121 = vector.extract_strided_slice %get3A_3 {offsets = [1, 256], sizes = [1, 128], strides = [1, 1]} : vector<3x4096xf32> to vector<1x128xf32>
    %slice3A_122 = vector.extract_strided_slice %get3A_8 {offsets = [0, 1], sizes = [256, 1], strides = [1, 1]} : vector<256x3xf32> to vector<256x1xf32>
    %sub3A_123 = vector.broadcast %slice3A_122 : vector<256x1xf32> to vector<256x128xf32>
    %sub3A_124 = vector.broadcast %slice3A_121 : vector<1x128xf32> to vector<256x128xf32>
    %sub3A_125 = arith.subf %sub3A_123, %sub3A_124 : vector<256x128xf32>
    %mul3A_126 = arith.mulf %sub3A_125, %sub3A_125 : vector<256x128xf32>
    %add3A_127 = arith.addf %mul3A_120, %mul3A_126 : vector<256x128xf32>
    %slice3A_128 = vector.extract_strided_slice %get3A_3 {offsets = [2, 256], sizes = [1, 128], strides = [1, 1]} : vector<3x4096xf32> to vector<1x128xf32>
    %slice3A_129 = vector.extract_strided_slice %get3A_8 {offsets = [0, 2], sizes = [256, 1], strides = [1, 1]} : vector<256x3xf32> to vector<256x1xf32>
    %sub3A_130 = vector.broadcast %slice3A_129 : vector<256x1xf32> to vector<256x128xf32>
    %sub3A_131 = vector.broadcast %slice3A_128 : vector<1x128xf32> to vector<256x128xf32>
    %sub3A_132 = arith.subf %sub3A_130, %sub3A_131 : vector<256x128xf32>
    %mul3A_133 = arith.mulf %sub3A_132, %sub3A_132 : vector<256x128xf32>
    %add3A_134 = arith.addf %add3A_127, %mul3A_133 : vector<256x128xf32>
    %add3A_135 = arith.constant 256 : i32
    %add3A_136 = vector.broadcast %add3A_135 : i32 to vector<256x128xi32>
    %add3A_137 = arith.addi %iota3A, %add3A_136 : vector<256x128xi32>
    %lt3A_138 = arith.cmpf olt, %add3A_134, %select_n3A_113 : vector<256x128xf32>
    %lt3A_139 = arith.cmpf olt, %add3A_134, %select_n3A_110 : vector<256x128xf32>
    %lt3A_140 = arith.cmpf olt, %add3A_134, %select_n3A_106 : vector<256x128xf32>
    %lt3A_141 = arith.cmpf olt, %add3A_134, %select_n3A_102 : vector<256x128xf32>
    %lt3A_142 = arith.cmpf olt, %add3A_134, %select_n3A_98 : vector<256x128xf32>
    %select_n3A_143 = arith.select %lt3A_141, %select_n3A_102, %add3A_134 : vector<256x128xi1>, vector<256x128xf32>
    %select_n3A_144 = arith.select %lt3A_142, %select_n3A_143, %select_n3A_98 : vector<256x128xi1>, vector<256x128xf32>
    %select_n3A_145 = arith.select %lt3A_141, %select_n3A_104, %add3A_137 : vector<256x128xi1>, vector<256x128xi32>
    %select_n3A_146 = arith.select %lt3A_142, %select_n3A_145, %select_n3A_100 : vector<256x128xi1>, vector<256x128xi32>
    %select_n3A_147 = arith.select %lt3A_140, %select_n3A_106, %add3A_134 : vector<256x128xi1>, vector<256x128xf32>
    %select_n3A_148 = arith.select %lt3A_141, %select_n3A_147, %select_n3A_102 : vector<256x128xi1>, vector<256x128xf32>
    %select_n3A_149 = arith.select %lt3A_140, %select_n3A_108, %add3A_137 : vector<256x128xi1>, vector<256x128xi32>
    %select_n3A_150 = arith.select %lt3A_141, %select_n3A_149, %select_n3A_104 : vector<256x128xi1>, vector<256x128xi32>
    %select_n3A_151 = arith.select %lt3A_139, %select_n3A_110, %add3A_134 : vector<256x128xi1>, vector<256x128xf32>
    %select_n3A_152 = arith.select %lt3A_140, %select_n3A_151, %select_n3A_106 : vector<256x128xi1>, vector<256x128xf32>
    %select_n3A_153 = arith.select %lt3A_139, %select_n3A_112, %add3A_137 : vector<256x128xi1>, vector<256x128xi32>
    %select_n3A_154 = arith.select %lt3A_140, %select_n3A_153, %select_n3A_108 : vector<256x128xi1>, vector<256x128xi32>
    %select_n3A_155 = arith.select %lt3A_138, %select_n3A_113, %add3A_134 : vector<256x128xi1>, vector<256x128xf32>
    %select_n3A_156 = arith.select %lt3A_139, %select_n3A_155, %select_n3A_110 : vector<256x128xi1>, vector<256x128xf32>
    %select_n3A_157 = arith.select %lt3A_138, %select_n3A_114, %add3A_137 : vector<256x128xi1>, vector<256x128xi32>
    %select_n3A_158 = arith.select %lt3A_139, %select_n3A_157, %select_n3A_112 : vector<256x128xi1>, vector<256x128xi32>
    %select_n3A_159 = arith.select %lt3A_138, %add3A_134, %select_n3A_113 : vector<256x128xi1>, vector<256x128xf32>
    %select_n3A_160 = arith.select %lt3A_138, %add3A_137, %select_n3A_114 : vector<256x128xi1>, vector<256x128xi32>
    %slice3A_161 = vector.extract_strided_slice %get3A_3 {offsets = [0, 384], sizes = [1, 128], strides = [1, 1]} : vector<3x4096xf32> to vector<1x128xf32>
    %slice3A_162 = vector.extract_strided_slice %get3A_8 {offsets = [0, 0], sizes = [256, 1], strides = [1, 1]} : vector<256x3xf32> to vector<256x1xf32>
    %sub3A_163 = vector.broadcast %slice3A_162 : vector<256x1xf32> to vector<256x128xf32>
    %sub3A_164 = vector.broadcast %slice3A_161 : vector<1x128xf32> to vector<256x128xf32>
    %sub3A_165 = arith.subf %sub3A_163, %sub3A_164 : vector<256x128xf32>
    %mul3A_166 = arith.mulf %sub3A_165, %sub3A_165 : vector<256x128xf32>
    %slice3A_167 = vector.extract_strided_slice %get3A_3 {offsets = [1, 384], sizes = [1, 128], strides = [1, 1]} : vector<3x4096xf32> to vector<1x128xf32>
    %slice3A_168 = vector.extract_strided_slice %get3A_8 {offsets = [0, 1], sizes = [256, 1], strides = [1, 1]} : vector<256x3xf32> to vector<256x1xf32>
    %sub3A_169 = vector.broadcast %slice3A_168 : vector<256x1xf32> to vector<256x128xf32>
    %sub3A_170 = vector.broadcast %slice3A_167 : vector<1x128xf32> to vector<256x128xf32>
    %sub3A_171 = arith.subf %sub3A_169, %sub3A_170 : vector<256x128xf32>
    %mul3A_172 = arith.mulf %sub3A_171, %sub3A_171 : vector<256x128xf32>
    %add3A_173 = arith.addf %mul3A_166, %mul3A_172 : vector<256x128xf32>
    %slice3A_174 = vector.extract_strided_slice %get3A_3 {offsets = [2, 384], sizes = [1, 128], strides = [1, 1]} : vector<3x4096xf32> to vector<1x128xf32>
    %slice3A_175 = vector.extract_strided_slice %get3A_8 {offsets = [0, 2], sizes = [256, 1], strides = [1, 1]} : vector<256x3xf32> to vector<256x1xf32>
    %sub3A_176 = vector.broadcast %slice3A_175 : vector<256x1xf32> to vector<256x128xf32>
    %sub3A_177 = vector.broadcast %slice3A_174 : vector<1x128xf32> to vector<256x128xf32>
    %sub3A_178 = arith.subf %sub3A_176, %sub3A_177 : vector<256x128xf32>
    %mul3A_179 = arith.mulf %sub3A_178, %sub3A_178 : vector<256x128xf32>
    %add3A_180 = arith.addf %add3A_173, %mul3A_179 : vector<256x128xf32>
    %add3A_181 = arith.constant 384 : i32
    %add3A_182 = vector.broadcast %add3A_181 : i32 to vector<256x128xi32>
    %add3A_183 = arith.addi %iota3A, %add3A_182 : vector<256x128xi32>
    %lt3A_184 = arith.cmpf olt, %add3A_180, %select_n3A_159 : vector<256x128xf32>
    %lt3A_185 = arith.cmpf olt, %add3A_180, %select_n3A_156 : vector<256x128xf32>
    %lt3A_186 = arith.cmpf olt, %add3A_180, %select_n3A_152 : vector<256x128xf32>
    %lt3A_187 = arith.cmpf olt, %add3A_180, %select_n3A_148 : vector<256x128xf32>
    %lt3A_188 = arith.cmpf olt, %add3A_180, %select_n3A_144 : vector<256x128xf32>
    %select_n3A_189 = arith.select %lt3A_187, %select_n3A_148, %add3A_180 : vector<256x128xi1>, vector<256x128xf32>
    %select_n3A_190 = arith.select %lt3A_188, %select_n3A_189, %select_n3A_144 : vector<256x128xi1>, vector<256x128xf32>
    %select_n3A_191 = arith.select %lt3A_187, %select_n3A_150, %add3A_183 : vector<256x128xi1>, vector<256x128xi32>
    %select_n3A_192 = arith.select %lt3A_188, %select_n3A_191, %select_n3A_146 : vector<256x128xi1>, vector<256x128xi32>
    %select_n3A_193 = arith.select %lt3A_186, %select_n3A_152, %add3A_180 : vector<256x128xi1>, vector<256x128xf32>
    %select_n3A_194 = arith.select %lt3A_187, %select_n3A_193, %select_n3A_148 : vector<256x128xi1>, vector<256x128xf32>
    %select_n3A_195 = arith.select %lt3A_186, %select_n3A_154, %add3A_183 : vector<256x128xi1>, vector<256x128xi32>
    %select_n3A_196 = arith.select %lt3A_187, %select_n3A_195, %select_n3A_150 : vector<256x128xi1>, vector<256x128xi32>
    %select_n3A_197 = arith.select %lt3A_185, %select_n3A_156, %add3A_180 : vector<256x128xi1>, vector<256x128xf32>
    %select_n3A_198 = arith.select %lt3A_186, %select_n3A_197, %select_n3A_152 : vector<256x128xi1>, vector<256x128xf32>
    %select_n3A_199 = arith.select %lt3A_185, %select_n3A_158, %add3A_183 : vector<256x128xi1>, vector<256x128xi32>
    %select_n3A_200 = arith.select %lt3A_186, %select_n3A_199, %select_n3A_154 : vector<256x128xi1>, vector<256x128xi32>
    %select_n3A_201 = arith.select %lt3A_184, %select_n3A_159, %add3A_180 : vector<256x128xi1>, vector<256x128xf32>
    %select_n3A_202 = arith.select %lt3A_185, %select_n3A_201, %select_n3A_156 : vector<256x128xi1>, vector<256x128xf32>
    %select_n3A_203 = arith.select %lt3A_184, %select_n3A_160, %add3A_183 : vector<256x128xi1>, vector<256x128xi32>
    %select_n3A_204 = arith.select %lt3A_185, %select_n3A_203, %select_n3A_158 : vector<256x128xi1>, vector<256x128xi32>
    %select_n3A_205 = arith.select %lt3A_184, %add3A_180, %select_n3A_159 : vector<256x128xi1>, vector<256x128xf32>
    %select_n3A_206 = arith.select %lt3A_184, %add3A_183, %select_n3A_160 : vector<256x128xi1>, vector<256x128xi32>
    %slice3A_207 = vector.extract_strided_slice %get3A_3 {offsets = [0, 512], sizes = [1, 128], strides = [1, 1]} : vector<3x4096xf32> to vector<1x128xf32>
    %slice3A_208 = vector.extract_strided_slice %get3A_8 {offsets = [0, 0], sizes = [256, 1], strides = [1, 1]} : vector<256x3xf32> to vector<256x1xf32>
    %sub3A_209 = vector.broadcast %slice3A_208 : vector<256x1xf32> to vector<256x128xf32>
    %sub3A_210 = vector.broadcast %slice3A_207 : vector<1x128xf32> to vector<256x128xf32>
    %sub3A_211 = arith.subf %sub3A_209, %sub3A_210 : vector<256x128xf32>
    %mul3A_212 = arith.mulf %sub3A_211, %sub3A_211 : vector<256x128xf32>
    %slice3A_213 = vector.extract_strided_slice %get3A_3 {offsets = [1, 512], sizes = [1, 128], strides = [1, 1]} : vector<3x4096xf32> to vector<1x128xf32>
    %slice3A_214 = vector.extract_strided_slice %get3A_8 {offsets = [0, 1], sizes = [256, 1], strides = [1, 1]} : vector<256x3xf32> to vector<256x1xf32>
    %sub3A_215 = vector.broadcast %slice3A_214 : vector<256x1xf32> to vector<256x128xf32>
    %sub3A_216 = vector.broadcast %slice3A_213 : vector<1x128xf32> to vector<256x128xf32>
    %sub3A_217 = arith.subf %sub3A_215, %sub3A_216 : vector<256x128xf32>
    %mul3A_218 = arith.mulf %sub3A_217, %sub3A_217 : vector<256x128xf32>
    %add3A_219 = arith.addf %mul3A_212, %mul3A_218 : vector<256x128xf32>
    %slice3A_220 = vector.extract_strided_slice %get3A_3 {offsets = [2, 512], sizes = [1, 128], strides = [1, 1]} : vector<3x4096xf32> to vector<1x128xf32>
    %slice3A_221 = vector.extract_strided_slice %get3A_8 {offsets = [0, 2], sizes = [256, 1], strides = [1, 1]} : vector<256x3xf32> to vector<256x1xf32>
    %sub3A_222 = vector.broadcast %slice3A_221 : vector<256x1xf32> to vector<256x128xf32>
    %sub3A_223 = vector.broadcast %slice3A_220 : vector<1x128xf32> to vector<256x128xf32>
    %sub3A_224 = arith.subf %sub3A_222, %sub3A_223 : vector<256x128xf32>
    %mul3A_225 = arith.mulf %sub3A_224, %sub3A_224 : vector<256x128xf32>
    %add3A_226 = arith.addf %add3A_219, %mul3A_225 : vector<256x128xf32>
    %add3A_227 = arith.constant 512 : i32
    %add3A_228 = vector.broadcast %add3A_227 : i32 to vector<256x128xi32>
    %add3A_229 = arith.addi %iota3A, %add3A_228 : vector<256x128xi32>
    %lt3A_230 = arith.cmpf olt, %add3A_226, %select_n3A_205 : vector<256x128xf32>
    %lt3A_231 = arith.cmpf olt, %add3A_226, %select_n3A_202 : vector<256x128xf32>
    %lt3A_232 = arith.cmpf olt, %add3A_226, %select_n3A_198 : vector<256x128xf32>
    %lt3A_233 = arith.cmpf olt, %add3A_226, %select_n3A_194 : vector<256x128xf32>
    %lt3A_234 = arith.cmpf olt, %add3A_226, %select_n3A_190 : vector<256x128xf32>
    %select_n3A_235 = arith.select %lt3A_233, %select_n3A_194, %add3A_226 : vector<256x128xi1>, vector<256x128xf32>
    %select_n3A_236 = arith.select %lt3A_234, %select_n3A_235, %select_n3A_190 : vector<256x128xi1>, vector<256x128xf32>
    %select_n3A_237 = arith.select %lt3A_233, %select_n3A_196, %add3A_229 : vector<256x128xi1>, vector<256x128xi32>
    %select_n3A_238 = arith.select %lt3A_234, %select_n3A_237, %select_n3A_192 : vector<256x128xi1>, vector<256x128xi32>
    %select_n3A_239 = arith.select %lt3A_232, %select_n3A_198, %add3A_226 : vector<256x128xi1>, vector<256x128xf32>
    %select_n3A_240 = arith.select %lt3A_233, %select_n3A_239, %select_n3A_194 : vector<256x128xi1>, vector<256x128xf32>
    %select_n3A_241 = arith.select %lt3A_232, %select_n3A_200, %add3A_229 : vector<256x128xi1>, vector<256x128xi32>
    %select_n3A_242 = arith.select %lt3A_233, %select_n3A_241, %select_n3A_196 : vector<256x128xi1>, vector<256x128xi32>
    %select_n3A_243 = arith.select %lt3A_231, %select_n3A_202, %add3A_226 : vector<256x128xi1>, vector<256x128xf32>
    %select_n3A_244 = arith.select %lt3A_232, %select_n3A_243, %select_n3A_198 : vector<256x128xi1>, vector<256x128xf32>
    %select_n3A_245 = arith.select %lt3A_231, %select_n3A_204, %add3A_229 : vector<256x128xi1>, vector<256x128xi32>
    %select_n3A_246 = arith.select %lt3A_232, %select_n3A_245, %select_n3A_200 : vector<256x128xi1>, vector<256x128xi32>
    %select_n3A_247 = arith.select %lt3A_230, %select_n3A_205, %add3A_226 : vector<256x128xi1>, vector<256x128xf32>
    %select_n3A_248 = arith.select %lt3A_231, %select_n3A_247, %select_n3A_202 : vector<256x128xi1>, vector<256x128xf32>
    %select_n3A_249 = arith.select %lt3A_230, %select_n3A_206, %add3A_229 : vector<256x128xi1>, vector<256x128xi32>
    %select_n3A_250 = arith.select %lt3A_231, %select_n3A_249, %select_n3A_204 : vector<256x128xi1>, vector<256x128xi32>
    %select_n3A_251 = arith.select %lt3A_230, %add3A_226, %select_n3A_205 : vector<256x128xi1>, vector<256x128xf32>
    %select_n3A_252 = arith.select %lt3A_230, %add3A_229, %select_n3A_206 : vector<256x128xi1>, vector<256x128xi32>
    %slice3A_253 = vector.extract_strided_slice %get3A_3 {offsets = [0, 640], sizes = [1, 128], strides = [1, 1]} : vector<3x4096xf32> to vector<1x128xf32>
    %slice3A_254 = vector.extract_strided_slice %get3A_8 {offsets = [0, 0], sizes = [256, 1], strides = [1, 1]} : vector<256x3xf32> to vector<256x1xf32>
    %sub3A_255 = vector.broadcast %slice3A_254 : vector<256x1xf32> to vector<256x128xf32>
    %sub3A_256 = vector.broadcast %slice3A_253 : vector<1x128xf32> to vector<256x128xf32>
    %sub3A_257 = arith.subf %sub3A_255, %sub3A_256 : vector<256x128xf32>
    %mul3A_258 = arith.mulf %sub3A_257, %sub3A_257 : vector<256x128xf32>
    %slice3A_259 = vector.extract_strided_slice %get3A_3 {offsets = [1, 640], sizes = [1, 128], strides = [1, 1]} : vector<3x4096xf32> to vector<1x128xf32>
    %slice3A_260 = vector.extract_strided_slice %get3A_8 {offsets = [0, 1], sizes = [256, 1], strides = [1, 1]} : vector<256x3xf32> to vector<256x1xf32>
    %sub3A_261 = vector.broadcast %slice3A_260 : vector<256x1xf32> to vector<256x128xf32>
    %sub3A_262 = vector.broadcast %slice3A_259 : vector<1x128xf32> to vector<256x128xf32>
    %sub3A_263 = arith.subf %sub3A_261, %sub3A_262 : vector<256x128xf32>
    %mul3A_264 = arith.mulf %sub3A_263, %sub3A_263 : vector<256x128xf32>
    %add3A_265 = arith.addf %mul3A_258, %mul3A_264 : vector<256x128xf32>
    %slice3A_266 = vector.extract_strided_slice %get3A_3 {offsets = [2, 640], sizes = [1, 128], strides = [1, 1]} : vector<3x4096xf32> to vector<1x128xf32>
    %slice3A_267 = vector.extract_strided_slice %get3A_8 {offsets = [0, 2], sizes = [256, 1], strides = [1, 1]} : vector<256x3xf32> to vector<256x1xf32>
    %sub3A_268 = vector.broadcast %slice3A_267 : vector<256x1xf32> to vector<256x128xf32>
    %sub3A_269 = vector.broadcast %slice3A_266 : vector<1x128xf32> to vector<256x128xf32>
    %sub3A_270 = arith.subf %sub3A_268, %sub3A_269 : vector<256x128xf32>
    %mul3A_271 = arith.mulf %sub3A_270, %sub3A_270 : vector<256x128xf32>
    %add3A_272 = arith.addf %add3A_265, %mul3A_271 : vector<256x128xf32>
    %add3A_273 = arith.constant 640 : i32
    %add3A_274 = vector.broadcast %add3A_273 : i32 to vector<256x128xi32>
    %add3A_275 = arith.addi %iota3A, %add3A_274 : vector<256x128xi32>
    %lt3A_276 = arith.cmpf olt, %add3A_272, %select_n3A_251 : vector<256x128xf32>
    %lt3A_277 = arith.cmpf olt, %add3A_272, %select_n3A_248 : vector<256x128xf32>
    %lt3A_278 = arith.cmpf olt, %add3A_272, %select_n3A_244 : vector<256x128xf32>
    %lt3A_279 = arith.cmpf olt, %add3A_272, %select_n3A_240 : vector<256x128xf32>
    %lt3A_280 = arith.cmpf olt, %add3A_272, %select_n3A_236 : vector<256x128xf32>
    %select_n3A_281 = arith.select %lt3A_279, %select_n3A_240, %add3A_272 : vector<256x128xi1>, vector<256x128xf32>
    %select_n3A_282 = arith.select %lt3A_280, %select_n3A_281, %select_n3A_236 : vector<256x128xi1>, vector<256x128xf32>
    %select_n3A_283 = arith.select %lt3A_279, %select_n3A_242, %add3A_275 : vector<256x128xi1>, vector<256x128xi32>
    %select_n3A_284 = arith.select %lt3A_280, %select_n3A_283, %select_n3A_238 : vector<256x128xi1>, vector<256x128xi32>
    %select_n3A_285 = arith.select %lt3A_278, %select_n3A_244, %add3A_272 : vector<256x128xi1>, vector<256x128xf32>
    %select_n3A_286 = arith.select %lt3A_279, %select_n3A_285, %select_n3A_240 : vector<256x128xi1>, vector<256x128xf32>
    %select_n3A_287 = arith.select %lt3A_278, %select_n3A_246, %add3A_275 : vector<256x128xi1>, vector<256x128xi32>
    %select_n3A_288 = arith.select %lt3A_279, %select_n3A_287, %select_n3A_242 : vector<256x128xi1>, vector<256x128xi32>
    %select_n3A_289 = arith.select %lt3A_277, %select_n3A_248, %add3A_272 : vector<256x128xi1>, vector<256x128xf32>
    %select_n3A_290 = arith.select %lt3A_278, %select_n3A_289, %select_n3A_244 : vector<256x128xi1>, vector<256x128xf32>
    %select_n3A_291 = arith.select %lt3A_277, %select_n3A_250, %add3A_275 : vector<256x128xi1>, vector<256x128xi32>
    %select_n3A_292 = arith.select %lt3A_278, %select_n3A_291, %select_n3A_246 : vector<256x128xi1>, vector<256x128xi32>
    %select_n3A_293 = arith.select %lt3A_276, %select_n3A_251, %add3A_272 : vector<256x128xi1>, vector<256x128xf32>
    %select_n3A_294 = arith.select %lt3A_277, %select_n3A_293, %select_n3A_248 : vector<256x128xi1>, vector<256x128xf32>
    %select_n3A_295 = arith.select %lt3A_276, %select_n3A_252, %add3A_275 : vector<256x128xi1>, vector<256x128xi32>
    %select_n3A_296 = arith.select %lt3A_277, %select_n3A_295, %select_n3A_250 : vector<256x128xi1>, vector<256x128xi32>
    %select_n3A_297 = arith.select %lt3A_276, %add3A_272, %select_n3A_251 : vector<256x128xi1>, vector<256x128xf32>
    %select_n3A_298 = arith.select %lt3A_276, %add3A_275, %select_n3A_252 : vector<256x128xi1>, vector<256x128xi32>
    %slice3A_299 = vector.extract_strided_slice %get3A_3 {offsets = [0, 768], sizes = [1, 128], strides = [1, 1]} : vector<3x4096xf32> to vector<1x128xf32>
    %slice3A_300 = vector.extract_strided_slice %get3A_8 {offsets = [0, 0], sizes = [256, 1], strides = [1, 1]} : vector<256x3xf32> to vector<256x1xf32>
    %sub3A_301 = vector.broadcast %slice3A_300 : vector<256x1xf32> to vector<256x128xf32>
    %sub3A_302 = vector.broadcast %slice3A_299 : vector<1x128xf32> to vector<256x128xf32>
    %sub3A_303 = arith.subf %sub3A_301, %sub3A_302 : vector<256x128xf32>
    %mul3A_304 = arith.mulf %sub3A_303, %sub3A_303 : vector<256x128xf32>
    %slice3A_305 = vector.extract_strided_slice %get3A_3 {offsets = [1, 768], sizes = [1, 128], strides = [1, 1]} : vector<3x4096xf32> to vector<1x128xf32>
    %slice3A_306 = vector.extract_strided_slice %get3A_8 {offsets = [0, 1], sizes = [256, 1], strides = [1, 1]} : vector<256x3xf32> to vector<256x1xf32>
    %sub3A_307 = vector.broadcast %slice3A_306 : vector<256x1xf32> to vector<256x128xf32>
    %sub3A_308 = vector.broadcast %slice3A_305 : vector<1x128xf32> to vector<256x128xf32>
    %sub3A_309 = arith.subf %sub3A_307, %sub3A_308 : vector<256x128xf32>
    %mul3A_310 = arith.mulf %sub3A_309, %sub3A_309 : vector<256x128xf32>
    %add3A_311 = arith.addf %mul3A_304, %mul3A_310 : vector<256x128xf32>
    %slice3A_312 = vector.extract_strided_slice %get3A_3 {offsets = [2, 768], sizes = [1, 128], strides = [1, 1]} : vector<3x4096xf32> to vector<1x128xf32>
    %slice3A_313 = vector.extract_strided_slice %get3A_8 {offsets = [0, 2], sizes = [256, 1], strides = [1, 1]} : vector<256x3xf32> to vector<256x1xf32>
    %sub3A_314 = vector.broadcast %slice3A_313 : vector<256x1xf32> to vector<256x128xf32>
    %sub3A_315 = vector.broadcast %slice3A_312 : vector<1x128xf32> to vector<256x128xf32>
    %sub3A_316 = arith.subf %sub3A_314, %sub3A_315 : vector<256x128xf32>
    %mul3A_317 = arith.mulf %sub3A_316, %sub3A_316 : vector<256x128xf32>
    %add3A_318 = arith.addf %add3A_311, %mul3A_317 : vector<256x128xf32>
    %add3A_319 = arith.constant 768 : i32
    %add3A_320 = vector.broadcast %add3A_319 : i32 to vector<256x128xi32>
    %add3A_321 = arith.addi %iota3A, %add3A_320 : vector<256x128xi32>
    %lt3A_322 = arith.cmpf olt, %add3A_318, %select_n3A_297 : vector<256x128xf32>
    %lt3A_323 = arith.cmpf olt, %add3A_318, %select_n3A_294 : vector<256x128xf32>
    %lt3A_324 = arith.cmpf olt, %add3A_318, %select_n3A_290 : vector<256x128xf32>
    %lt3A_325 = arith.cmpf olt, %add3A_318, %select_n3A_286 : vector<256x128xf32>
    %lt3A_326 = arith.cmpf olt, %add3A_318, %select_n3A_282 : vector<256x128xf32>
    %select_n3A_327 = arith.select %lt3A_325, %select_n3A_286, %add3A_318 : vector<256x128xi1>, vector<256x128xf32>
    %select_n3A_328 = arith.select %lt3A_326, %select_n3A_327, %select_n3A_282 : vector<256x128xi1>, vector<256x128xf32>
    %select_n3A_329 = arith.select %lt3A_325, %select_n3A_288, %add3A_321 : vector<256x128xi1>, vector<256x128xi32>
    %select_n3A_330 = arith.select %lt3A_326, %select_n3A_329, %select_n3A_284 : vector<256x128xi1>, vector<256x128xi32>
    %select_n3A_331 = arith.select %lt3A_324, %select_n3A_290, %add3A_318 : vector<256x128xi1>, vector<256x128xf32>
    %select_n3A_332 = arith.select %lt3A_325, %select_n3A_331, %select_n3A_286 : vector<256x128xi1>, vector<256x128xf32>
    %select_n3A_333 = arith.select %lt3A_324, %select_n3A_292, %add3A_321 : vector<256x128xi1>, vector<256x128xi32>
    %select_n3A_334 = arith.select %lt3A_325, %select_n3A_333, %select_n3A_288 : vector<256x128xi1>, vector<256x128xi32>
    %select_n3A_335 = arith.select %lt3A_323, %select_n3A_294, %add3A_318 : vector<256x128xi1>, vector<256x128xf32>
    %select_n3A_336 = arith.select %lt3A_324, %select_n3A_335, %select_n3A_290 : vector<256x128xi1>, vector<256x128xf32>
    %select_n3A_337 = arith.select %lt3A_323, %select_n3A_296, %add3A_321 : vector<256x128xi1>, vector<256x128xi32>
    %select_n3A_338 = arith.select %lt3A_324, %select_n3A_337, %select_n3A_292 : vector<256x128xi1>, vector<256x128xi32>
    %select_n3A_339 = arith.select %lt3A_322, %select_n3A_297, %add3A_318 : vector<256x128xi1>, vector<256x128xf32>
    %select_n3A_340 = arith.select %lt3A_323, %select_n3A_339, %select_n3A_294 : vector<256x128xi1>, vector<256x128xf32>
    %select_n3A_341 = arith.select %lt3A_322, %select_n3A_298, %add3A_321 : vector<256x128xi1>, vector<256x128xi32>
    %select_n3A_342 = arith.select %lt3A_323, %select_n3A_341, %select_n3A_296 : vector<256x128xi1>, vector<256x128xi32>
    %select_n3A_343 = arith.select %lt3A_322, %add3A_318, %select_n3A_297 : vector<256x128xi1>, vector<256x128xf32>
    %select_n3A_344 = arith.select %lt3A_322, %add3A_321, %select_n3A_298 : vector<256x128xi1>, vector<256x128xi32>
    %slice3A_345 = vector.extract_strided_slice %get3A_3 {offsets = [0, 896], sizes = [1, 128], strides = [1, 1]} : vector<3x4096xf32> to vector<1x128xf32>
    %slice3A_346 = vector.extract_strided_slice %get3A_8 {offsets = [0, 0], sizes = [256, 1], strides = [1, 1]} : vector<256x3xf32> to vector<256x1xf32>
    %sub3A_347 = vector.broadcast %slice3A_346 : vector<256x1xf32> to vector<256x128xf32>
    %sub3A_348 = vector.broadcast %slice3A_345 : vector<1x128xf32> to vector<256x128xf32>
    %sub3A_349 = arith.subf %sub3A_347, %sub3A_348 : vector<256x128xf32>
    %mul3A_350 = arith.mulf %sub3A_349, %sub3A_349 : vector<256x128xf32>
    %slice3A_351 = vector.extract_strided_slice %get3A_3 {offsets = [1, 896], sizes = [1, 128], strides = [1, 1]} : vector<3x4096xf32> to vector<1x128xf32>
    %slice3A_352 = vector.extract_strided_slice %get3A_8 {offsets = [0, 1], sizes = [256, 1], strides = [1, 1]} : vector<256x3xf32> to vector<256x1xf32>
    %sub3A_353 = vector.broadcast %slice3A_352 : vector<256x1xf32> to vector<256x128xf32>
    %sub3A_354 = vector.broadcast %slice3A_351 : vector<1x128xf32> to vector<256x128xf32>
    %sub3A_355 = arith.subf %sub3A_353, %sub3A_354 : vector<256x128xf32>
    %mul3A_356 = arith.mulf %sub3A_355, %sub3A_355 : vector<256x128xf32>
    %add3A_357 = arith.addf %mul3A_350, %mul3A_356 : vector<256x128xf32>
    %slice3A_358 = vector.extract_strided_slice %get3A_3 {offsets = [2, 896], sizes = [1, 128], strides = [1, 1]} : vector<3x4096xf32> to vector<1x128xf32>
    %slice3A_359 = vector.extract_strided_slice %get3A_8 {offsets = [0, 2], sizes = [256, 1], strides = [1, 1]} : vector<256x3xf32> to vector<256x1xf32>
    %sub3A_360 = vector.broadcast %slice3A_359 : vector<256x1xf32> to vector<256x128xf32>
    %sub3A_361 = vector.broadcast %slice3A_358 : vector<1x128xf32> to vector<256x128xf32>
    %sub3A_362 = arith.subf %sub3A_360, %sub3A_361 : vector<256x128xf32>
    %mul3A_363 = arith.mulf %sub3A_362, %sub3A_362 : vector<256x128xf32>
    %add3A_364 = arith.addf %add3A_357, %mul3A_363 : vector<256x128xf32>
    %add3A_365 = arith.constant 896 : i32
    %add3A_366 = vector.broadcast %add3A_365 : i32 to vector<256x128xi32>
    %add3A_367 = arith.addi %iota3A, %add3A_366 : vector<256x128xi32>
    %lt3A_368 = arith.cmpf olt, %add3A_364, %select_n3A_343 : vector<256x128xf32>
    %lt3A_369 = arith.cmpf olt, %add3A_364, %select_n3A_340 : vector<256x128xf32>
    %lt3A_370 = arith.cmpf olt, %add3A_364, %select_n3A_336 : vector<256x128xf32>
    %lt3A_371 = arith.cmpf olt, %add3A_364, %select_n3A_332 : vector<256x128xf32>
    %lt3A_372 = arith.cmpf olt, %add3A_364, %select_n3A_328 : vector<256x128xf32>
    %select_n3A_373 = arith.select %lt3A_371, %select_n3A_332, %add3A_364 : vector<256x128xi1>, vector<256x128xf32>
    %select_n3A_374 = arith.select %lt3A_372, %select_n3A_373, %select_n3A_328 : vector<256x128xi1>, vector<256x128xf32>
    %select_n3A_375 = arith.select %lt3A_371, %select_n3A_334, %add3A_367 : vector<256x128xi1>, vector<256x128xi32>
    %select_n3A_376 = arith.select %lt3A_372, %select_n3A_375, %select_n3A_330 : vector<256x128xi1>, vector<256x128xi32>
    %select_n3A_377 = arith.select %lt3A_370, %select_n3A_336, %add3A_364 : vector<256x128xi1>, vector<256x128xf32>
    %select_n3A_378 = arith.select %lt3A_371, %select_n3A_377, %select_n3A_332 : vector<256x128xi1>, vector<256x128xf32>
    %select_n3A_379 = arith.select %lt3A_370, %select_n3A_338, %add3A_367 : vector<256x128xi1>, vector<256x128xi32>
    %select_n3A_380 = arith.select %lt3A_371, %select_n3A_379, %select_n3A_334 : vector<256x128xi1>, vector<256x128xi32>
    %select_n3A_381 = arith.select %lt3A_369, %select_n3A_340, %add3A_364 : vector<256x128xi1>, vector<256x128xf32>
    %select_n3A_382 = arith.select %lt3A_370, %select_n3A_381, %select_n3A_336 : vector<256x128xi1>, vector<256x128xf32>
    %select_n3A_383 = arith.select %lt3A_369, %select_n3A_342, %add3A_367 : vector<256x128xi1>, vector<256x128xi32>
    %select_n3A_384 = arith.select %lt3A_370, %select_n3A_383, %select_n3A_338 : vector<256x128xi1>, vector<256x128xi32>
    %select_n3A_385 = arith.select %lt3A_368, %select_n3A_343, %add3A_364 : vector<256x128xi1>, vector<256x128xf32>
    %select_n3A_386 = arith.select %lt3A_369, %select_n3A_385, %select_n3A_340 : vector<256x128xi1>, vector<256x128xf32>
    %select_n3A_387 = arith.select %lt3A_368, %select_n3A_344, %add3A_367 : vector<256x128xi1>, vector<256x128xi32>
    %select_n3A_388 = arith.select %lt3A_369, %select_n3A_387, %select_n3A_342 : vector<256x128xi1>, vector<256x128xi32>
    %select_n3A_389 = arith.select %lt3A_368, %add3A_364, %select_n3A_343 : vector<256x128xi1>, vector<256x128xf32>
    %select_n3A_390 = arith.select %lt3A_368, %add3A_367, %select_n3A_344 : vector<256x128xi1>, vector<256x128xi32>
    %slice3A_391 = vector.extract_strided_slice %get3A_3 {offsets = [0, 1024], sizes = [1, 128], strides = [1, 1]} : vector<3x4096xf32> to vector<1x128xf32>
    %slice3A_392 = vector.extract_strided_slice %get3A_8 {offsets = [0, 0], sizes = [256, 1], strides = [1, 1]} : vector<256x3xf32> to vector<256x1xf32>
    %sub3A_393 = vector.broadcast %slice3A_392 : vector<256x1xf32> to vector<256x128xf32>
    %sub3A_394 = vector.broadcast %slice3A_391 : vector<1x128xf32> to vector<256x128xf32>
    %sub3A_395 = arith.subf %sub3A_393, %sub3A_394 : vector<256x128xf32>
    %mul3A_396 = arith.mulf %sub3A_395, %sub3A_395 : vector<256x128xf32>
    %slice3A_397 = vector.extract_strided_slice %get3A_3 {offsets = [1, 1024], sizes = [1, 128], strides = [1, 1]} : vector<3x4096xf32> to vector<1x128xf32>
    %slice3A_398 = vector.extract_strided_slice %get3A_8 {offsets = [0, 1], sizes = [256, 1], strides = [1, 1]} : vector<256x3xf32> to vector<256x1xf32>
    %sub3A_399 = vector.broadcast %slice3A_398 : vector<256x1xf32> to vector<256x128xf32>
    %sub3A_400 = vector.broadcast %slice3A_397 : vector<1x128xf32> to vector<256x128xf32>
    %sub3A_401 = arith.subf %sub3A_399, %sub3A_400 : vector<256x128xf32>
    %mul3A_402 = arith.mulf %sub3A_401, %sub3A_401 : vector<256x128xf32>
    %add3A_403 = arith.addf %mul3A_396, %mul3A_402 : vector<256x128xf32>
    %slice3A_404 = vector.extract_strided_slice %get3A_3 {offsets = [2, 1024], sizes = [1, 128], strides = [1, 1]} : vector<3x4096xf32> to vector<1x128xf32>
    %slice3A_405 = vector.extract_strided_slice %get3A_8 {offsets = [0, 2], sizes = [256, 1], strides = [1, 1]} : vector<256x3xf32> to vector<256x1xf32>
    %sub3A_406 = vector.broadcast %slice3A_405 : vector<256x1xf32> to vector<256x128xf32>
    %sub3A_407 = vector.broadcast %slice3A_404 : vector<1x128xf32> to vector<256x128xf32>
    %sub3A_408 = arith.subf %sub3A_406, %sub3A_407 : vector<256x128xf32>
    %mul3A_409 = arith.mulf %sub3A_408, %sub3A_408 : vector<256x128xf32>
    %add3A_410 = arith.addf %add3A_403, %mul3A_409 : vector<256x128xf32>
    %add3A_411 = arith.constant 1024 : i32
    %add3A_412 = vector.broadcast %add3A_411 : i32 to vector<256x128xi32>
    %add3A_413 = arith.addi %iota3A, %add3A_412 : vector<256x128xi32>
    %lt3A_414 = arith.cmpf olt, %add3A_410, %select_n3A_389 : vector<256x128xf32>
    %lt3A_415 = arith.cmpf olt, %add3A_410, %select_n3A_386 : vector<256x128xf32>
    %lt3A_416 = arith.cmpf olt, %add3A_410, %select_n3A_382 : vector<256x128xf32>
    %lt3A_417 = arith.cmpf olt, %add3A_410, %select_n3A_378 : vector<256x128xf32>
    %lt3A_418 = arith.cmpf olt, %add3A_410, %select_n3A_374 : vector<256x128xf32>
    %select_n3A_419 = arith.select %lt3A_417, %select_n3A_378, %add3A_410 : vector<256x128xi1>, vector<256x128xf32>
    %select_n3A_420 = arith.select %lt3A_418, %select_n3A_419, %select_n3A_374 : vector<256x128xi1>, vector<256x128xf32>
    %select_n3A_421 = arith.select %lt3A_417, %select_n3A_380, %add3A_413 : vector<256x128xi1>, vector<256x128xi32>
    %select_n3A_422 = arith.select %lt3A_418, %select_n3A_421, %select_n3A_376 : vector<256x128xi1>, vector<256x128xi32>
    %select_n3A_423 = arith.select %lt3A_416, %select_n3A_382, %add3A_410 : vector<256x128xi1>, vector<256x128xf32>
    %select_n3A_424 = arith.select %lt3A_417, %select_n3A_423, %select_n3A_378 : vector<256x128xi1>, vector<256x128xf32>
    %select_n3A_425 = arith.select %lt3A_416, %select_n3A_384, %add3A_413 : vector<256x128xi1>, vector<256x128xi32>
    %select_n3A_426 = arith.select %lt3A_417, %select_n3A_425, %select_n3A_380 : vector<256x128xi1>, vector<256x128xi32>
    %select_n3A_427 = arith.select %lt3A_415, %select_n3A_386, %add3A_410 : vector<256x128xi1>, vector<256x128xf32>
    %select_n3A_428 = arith.select %lt3A_416, %select_n3A_427, %select_n3A_382 : vector<256x128xi1>, vector<256x128xf32>
    %select_n3A_429 = arith.select %lt3A_415, %select_n3A_388, %add3A_413 : vector<256x128xi1>, vector<256x128xi32>
    %select_n3A_430 = arith.select %lt3A_416, %select_n3A_429, %select_n3A_384 : vector<256x128xi1>, vector<256x128xi32>
    %select_n3A_431 = arith.select %lt3A_414, %select_n3A_389, %add3A_410 : vector<256x128xi1>, vector<256x128xf32>
    %select_n3A_432 = arith.select %lt3A_415, %select_n3A_431, %select_n3A_386 : vector<256x128xi1>, vector<256x128xf32>
    %select_n3A_433 = arith.select %lt3A_414, %select_n3A_390, %add3A_413 : vector<256x128xi1>, vector<256x128xi32>
    %select_n3A_434 = arith.select %lt3A_415, %select_n3A_433, %select_n3A_388 : vector<256x128xi1>, vector<256x128xi32>
    %select_n3A_435 = arith.select %lt3A_414, %add3A_410, %select_n3A_389 : vector<256x128xi1>, vector<256x128xf32>
    %select_n3A_436 = arith.select %lt3A_414, %add3A_413, %select_n3A_390 : vector<256x128xi1>, vector<256x128xi32>
    %slice3A_437 = vector.extract_strided_slice %get3A_3 {offsets = [0, 1152], sizes = [1, 128], strides = [1, 1]} : vector<3x4096xf32> to vector<1x128xf32>
    %slice3A_438 = vector.extract_strided_slice %get3A_8 {offsets = [0, 0], sizes = [256, 1], strides = [1, 1]} : vector<256x3xf32> to vector<256x1xf32>
    %sub3A_439 = vector.broadcast %slice3A_438 : vector<256x1xf32> to vector<256x128xf32>
    %sub3A_440 = vector.broadcast %slice3A_437 : vector<1x128xf32> to vector<256x128xf32>
    %sub3A_441 = arith.subf %sub3A_439, %sub3A_440 : vector<256x128xf32>
    %mul3A_442 = arith.mulf %sub3A_441, %sub3A_441 : vector<256x128xf32>
    %slice3A_443 = vector.extract_strided_slice %get3A_3 {offsets = [1, 1152], sizes = [1, 128], strides = [1, 1]} : vector<3x4096xf32> to vector<1x128xf32>
    %slice3A_444 = vector.extract_strided_slice %get3A_8 {offsets = [0, 1], sizes = [256, 1], strides = [1, 1]} : vector<256x3xf32> to vector<256x1xf32>
    %sub3A_445 = vector.broadcast %slice3A_444 : vector<256x1xf32> to vector<256x128xf32>
    %sub3A_446 = vector.broadcast %slice3A_443 : vector<1x128xf32> to vector<256x128xf32>
    %sub3A_447 = arith.subf %sub3A_445, %sub3A_446 : vector<256x128xf32>
    %mul3A_448 = arith.mulf %sub3A_447, %sub3A_447 : vector<256x128xf32>
    %add3A_449 = arith.addf %mul3A_442, %mul3A_448 : vector<256x128xf32>
    %slice3A_450 = vector.extract_strided_slice %get3A_3 {offsets = [2, 1152], sizes = [1, 128], strides = [1, 1]} : vector<3x4096xf32> to vector<1x128xf32>
    %slice3A_451 = vector.extract_strided_slice %get3A_8 {offsets = [0, 2], sizes = [256, 1], strides = [1, 1]} : vector<256x3xf32> to vector<256x1xf32>
    %sub3A_452 = vector.broadcast %slice3A_451 : vector<256x1xf32> to vector<256x128xf32>
    %sub3A_453 = vector.broadcast %slice3A_450 : vector<1x128xf32> to vector<256x128xf32>
    %sub3A_454 = arith.subf %sub3A_452, %sub3A_453 : vector<256x128xf32>
    %mul3A_455 = arith.mulf %sub3A_454, %sub3A_454 : vector<256x128xf32>
    %add3A_456 = arith.addf %add3A_449, %mul3A_455 : vector<256x128xf32>
    %add3A_457 = arith.constant 1152 : i32
    %add3A_458 = vector.broadcast %add3A_457 : i32 to vector<256x128xi32>
    %add3A_459 = arith.addi %iota3A, %add3A_458 : vector<256x128xi32>
    %lt3A_460 = arith.cmpf olt, %add3A_456, %select_n3A_435 : vector<256x128xf32>
    %lt3A_461 = arith.cmpf olt, %add3A_456, %select_n3A_432 : vector<256x128xf32>
    %lt3A_462 = arith.cmpf olt, %add3A_456, %select_n3A_428 : vector<256x128xf32>
    %lt3A_463 = arith.cmpf olt, %add3A_456, %select_n3A_424 : vector<256x128xf32>
    %lt3A_464 = arith.cmpf olt, %add3A_456, %select_n3A_420 : vector<256x128xf32>
    %select_n3A_465 = arith.select %lt3A_463, %select_n3A_424, %add3A_456 : vector<256x128xi1>, vector<256x128xf32>
    %select_n3A_466 = arith.select %lt3A_464, %select_n3A_465, %select_n3A_420 : vector<256x128xi1>, vector<256x128xf32>
    %select_n3A_467 = arith.select %lt3A_463, %select_n3A_426, %add3A_459 : vector<256x128xi1>, vector<256x128xi32>
    %select_n3A_468 = arith.select %lt3A_464, %select_n3A_467, %select_n3A_422 : vector<256x128xi1>, vector<256x128xi32>
    %select_n3A_469 = arith.select %lt3A_462, %select_n3A_428, %add3A_456 : vector<256x128xi1>, vector<256x128xf32>
    %select_n3A_470 = arith.select %lt3A_463, %select_n3A_469, %select_n3A_424 : vector<256x128xi1>, vector<256x128xf32>
    %select_n3A_471 = arith.select %lt3A_462, %select_n3A_430, %add3A_459 : vector<256x128xi1>, vector<256x128xi32>
    %select_n3A_472 = arith.select %lt3A_463, %select_n3A_471, %select_n3A_426 : vector<256x128xi1>, vector<256x128xi32>
    %select_n3A_473 = arith.select %lt3A_461, %select_n3A_432, %add3A_456 : vector<256x128xi1>, vector<256x128xf32>
    %select_n3A_474 = arith.select %lt3A_462, %select_n3A_473, %select_n3A_428 : vector<256x128xi1>, vector<256x128xf32>
    %select_n3A_475 = arith.select %lt3A_461, %select_n3A_434, %add3A_459 : vector<256x128xi1>, vector<256x128xi32>
    %select_n3A_476 = arith.select %lt3A_462, %select_n3A_475, %select_n3A_430 : vector<256x128xi1>, vector<256x128xi32>
    %select_n3A_477 = arith.select %lt3A_460, %select_n3A_435, %add3A_456 : vector<256x128xi1>, vector<256x128xf32>
    %select_n3A_478 = arith.select %lt3A_461, %select_n3A_477, %select_n3A_432 : vector<256x128xi1>, vector<256x128xf32>
    %select_n3A_479 = arith.select %lt3A_460, %select_n3A_436, %add3A_459 : vector<256x128xi1>, vector<256x128xi32>
    %select_n3A_480 = arith.select %lt3A_461, %select_n3A_479, %select_n3A_434 : vector<256x128xi1>, vector<256x128xi32>
    %select_n3A_481 = arith.select %lt3A_460, %add3A_456, %select_n3A_435 : vector<256x128xi1>, vector<256x128xf32>
    %select_n3A_482 = arith.select %lt3A_460, %add3A_459, %select_n3A_436 : vector<256x128xi1>, vector<256x128xi32>
    %slice3A_483 = vector.extract_strided_slice %get3A_3 {offsets = [0, 1280], sizes = [1, 128], strides = [1, 1]} : vector<3x4096xf32> to vector<1x128xf32>
    %slice3A_484 = vector.extract_strided_slice %get3A_8 {offsets = [0, 0], sizes = [256, 1], strides = [1, 1]} : vector<256x3xf32> to vector<256x1xf32>
    %sub3A_485 = vector.broadcast %slice3A_484 : vector<256x1xf32> to vector<256x128xf32>
    %sub3A_486 = vector.broadcast %slice3A_483 : vector<1x128xf32> to vector<256x128xf32>
    %sub3A_487 = arith.subf %sub3A_485, %sub3A_486 : vector<256x128xf32>
    %mul3A_488 = arith.mulf %sub3A_487, %sub3A_487 : vector<256x128xf32>
    %slice3A_489 = vector.extract_strided_slice %get3A_3 {offsets = [1, 1280], sizes = [1, 128], strides = [1, 1]} : vector<3x4096xf32> to vector<1x128xf32>
    %slice3A_490 = vector.extract_strided_slice %get3A_8 {offsets = [0, 1], sizes = [256, 1], strides = [1, 1]} : vector<256x3xf32> to vector<256x1xf32>
    %sub3A_491 = vector.broadcast %slice3A_490 : vector<256x1xf32> to vector<256x128xf32>
    %sub3A_492 = vector.broadcast %slice3A_489 : vector<1x128xf32> to vector<256x128xf32>
    %sub3A_493 = arith.subf %sub3A_491, %sub3A_492 : vector<256x128xf32>
    %mul3A_494 = arith.mulf %sub3A_493, %sub3A_493 : vector<256x128xf32>
    %add3A_495 = arith.addf %mul3A_488, %mul3A_494 : vector<256x128xf32>
    %slice3A_496 = vector.extract_strided_slice %get3A_3 {offsets = [2, 1280], sizes = [1, 128], strides = [1, 1]} : vector<3x4096xf32> to vector<1x128xf32>
    %slice3A_497 = vector.extract_strided_slice %get3A_8 {offsets = [0, 2], sizes = [256, 1], strides = [1, 1]} : vector<256x3xf32> to vector<256x1xf32>
    %sub3A_498 = vector.broadcast %slice3A_497 : vector<256x1xf32> to vector<256x128xf32>
    %sub3A_499 = vector.broadcast %slice3A_496 : vector<1x128xf32> to vector<256x128xf32>
    %sub3A_500 = arith.subf %sub3A_498, %sub3A_499 : vector<256x128xf32>
    %mul3A_501 = arith.mulf %sub3A_500, %sub3A_500 : vector<256x128xf32>
    %add3A_502 = arith.addf %add3A_495, %mul3A_501 : vector<256x128xf32>
    %add3A_503 = arith.constant 1280 : i32
    %add3A_504 = vector.broadcast %add3A_503 : i32 to vector<256x128xi32>
    %add3A_505 = arith.addi %iota3A, %add3A_504 : vector<256x128xi32>
    %lt3A_506 = arith.cmpf olt, %add3A_502, %select_n3A_481 : vector<256x128xf32>
    %lt3A_507 = arith.cmpf olt, %add3A_502, %select_n3A_478 : vector<256x128xf32>
    %lt3A_508 = arith.cmpf olt, %add3A_502, %select_n3A_474 : vector<256x128xf32>
    %lt3A_509 = arith.cmpf olt, %add3A_502, %select_n3A_470 : vector<256x128xf32>
    %lt3A_510 = arith.cmpf olt, %add3A_502, %select_n3A_466 : vector<256x128xf32>
    %select_n3A_511 = arith.select %lt3A_509, %select_n3A_470, %add3A_502 : vector<256x128xi1>, vector<256x128xf32>
    %select_n3A_512 = arith.select %lt3A_510, %select_n3A_511, %select_n3A_466 : vector<256x128xi1>, vector<256x128xf32>
    %select_n3A_513 = arith.select %lt3A_509, %select_n3A_472, %add3A_505 : vector<256x128xi1>, vector<256x128xi32>
    %select_n3A_514 = arith.select %lt3A_510, %select_n3A_513, %select_n3A_468 : vector<256x128xi1>, vector<256x128xi32>
    %select_n3A_515 = arith.select %lt3A_508, %select_n3A_474, %add3A_502 : vector<256x128xi1>, vector<256x128xf32>
    %select_n3A_516 = arith.select %lt3A_509, %select_n3A_515, %select_n3A_470 : vector<256x128xi1>, vector<256x128xf32>
    %select_n3A_517 = arith.select %lt3A_508, %select_n3A_476, %add3A_505 : vector<256x128xi1>, vector<256x128xi32>
    %select_n3A_518 = arith.select %lt3A_509, %select_n3A_517, %select_n3A_472 : vector<256x128xi1>, vector<256x128xi32>
    %select_n3A_519 = arith.select %lt3A_507, %select_n3A_478, %add3A_502 : vector<256x128xi1>, vector<256x128xf32>
    %select_n3A_520 = arith.select %lt3A_508, %select_n3A_519, %select_n3A_474 : vector<256x128xi1>, vector<256x128xf32>
    %select_n3A_521 = arith.select %lt3A_507, %select_n3A_480, %add3A_505 : vector<256x128xi1>, vector<256x128xi32>
    %select_n3A_522 = arith.select %lt3A_508, %select_n3A_521, %select_n3A_476 : vector<256x128xi1>, vector<256x128xi32>
    %select_n3A_523 = arith.select %lt3A_506, %select_n3A_481, %add3A_502 : vector<256x128xi1>, vector<256x128xf32>
    %select_n3A_524 = arith.select %lt3A_507, %select_n3A_523, %select_n3A_478 : vector<256x128xi1>, vector<256x128xf32>
    %select_n3A_525 = arith.select %lt3A_506, %select_n3A_482, %add3A_505 : vector<256x128xi1>, vector<256x128xi32>
    %select_n3A_526 = arith.select %lt3A_507, %select_n3A_525, %select_n3A_480 : vector<256x128xi1>, vector<256x128xi32>
    %select_n3A_527 = arith.select %lt3A_506, %add3A_502, %select_n3A_481 : vector<256x128xi1>, vector<256x128xf32>
    %select_n3A_528 = arith.select %lt3A_506, %add3A_505, %select_n3A_482 : vector<256x128xi1>, vector<256x128xi32>
    %slice3A_529 = vector.extract_strided_slice %get3A_3 {offsets = [0, 1408], sizes = [1, 128], strides = [1, 1]} : vector<3x4096xf32> to vector<1x128xf32>
    %slice3A_530 = vector.extract_strided_slice %get3A_8 {offsets = [0, 0], sizes = [256, 1], strides = [1, 1]} : vector<256x3xf32> to vector<256x1xf32>
    %sub3A_531 = vector.broadcast %slice3A_530 : vector<256x1xf32> to vector<256x128xf32>
    %sub3A_532 = vector.broadcast %slice3A_529 : vector<1x128xf32> to vector<256x128xf32>
    %sub3A_533 = arith.subf %sub3A_531, %sub3A_532 : vector<256x128xf32>
    %mul3A_534 = arith.mulf %sub3A_533, %sub3A_533 : vector<256x128xf32>
    %slice3A_535 = vector.extract_strided_slice %get3A_3 {offsets = [1, 1408], sizes = [1, 128], strides = [1, 1]} : vector<3x4096xf32> to vector<1x128xf32>
    %slice3A_536 = vector.extract_strided_slice %get3A_8 {offsets = [0, 1], sizes = [256, 1], strides = [1, 1]} : vector<256x3xf32> to vector<256x1xf32>
    %sub3A_537 = vector.broadcast %slice3A_536 : vector<256x1xf32> to vector<256x128xf32>
    %sub3A_538 = vector.broadcast %slice3A_535 : vector<1x128xf32> to vector<256x128xf32>
    %sub3A_539 = arith.subf %sub3A_537, %sub3A_538 : vector<256x128xf32>
    %mul3A_540 = arith.mulf %sub3A_539, %sub3A_539 : vector<256x128xf32>
    %add3A_541 = arith.addf %mul3A_534, %mul3A_540 : vector<256x128xf32>
    %slice3A_542 = vector.extract_strided_slice %get3A_3 {offsets = [2, 1408], sizes = [1, 128], strides = [1, 1]} : vector<3x4096xf32> to vector<1x128xf32>
    %slice3A_543 = vector.extract_strided_slice %get3A_8 {offsets = [0, 2], sizes = [256, 1], strides = [1, 1]} : vector<256x3xf32> to vector<256x1xf32>
    %sub3A_544 = vector.broadcast %slice3A_543 : vector<256x1xf32> to vector<256x128xf32>
    %sub3A_545 = vector.broadcast %slice3A_542 : vector<1x128xf32> to vector<256x128xf32>
    %sub3A_546 = arith.subf %sub3A_544, %sub3A_545 : vector<256x128xf32>
    %mul3A_547 = arith.mulf %sub3A_546, %sub3A_546 : vector<256x128xf32>
    %add3A_548 = arith.addf %add3A_541, %mul3A_547 : vector<256x128xf32>
    %add3A_549 = arith.constant 1408 : i32
    %add3A_550 = vector.broadcast %add3A_549 : i32 to vector<256x128xi32>
    %add3A_551 = arith.addi %iota3A, %add3A_550 : vector<256x128xi32>
    %lt3A_552 = arith.cmpf olt, %add3A_548, %select_n3A_527 : vector<256x128xf32>
    %lt3A_553 = arith.cmpf olt, %add3A_548, %select_n3A_524 : vector<256x128xf32>
    %lt3A_554 = arith.cmpf olt, %add3A_548, %select_n3A_520 : vector<256x128xf32>
    %lt3A_555 = arith.cmpf olt, %add3A_548, %select_n3A_516 : vector<256x128xf32>
    %lt3A_556 = arith.cmpf olt, %add3A_548, %select_n3A_512 : vector<256x128xf32>
    %select_n3A_557 = arith.select %lt3A_555, %select_n3A_516, %add3A_548 : vector<256x128xi1>, vector<256x128xf32>
    %select_n3A_558 = arith.select %lt3A_556, %select_n3A_557, %select_n3A_512 : vector<256x128xi1>, vector<256x128xf32>
    %select_n3A_559 = arith.select %lt3A_555, %select_n3A_518, %add3A_551 : vector<256x128xi1>, vector<256x128xi32>
    %select_n3A_560 = arith.select %lt3A_556, %select_n3A_559, %select_n3A_514 : vector<256x128xi1>, vector<256x128xi32>
    %select_n3A_561 = arith.select %lt3A_554, %select_n3A_520, %add3A_548 : vector<256x128xi1>, vector<256x128xf32>
    %select_n3A_562 = arith.select %lt3A_555, %select_n3A_561, %select_n3A_516 : vector<256x128xi1>, vector<256x128xf32>
    %select_n3A_563 = arith.select %lt3A_554, %select_n3A_522, %add3A_551 : vector<256x128xi1>, vector<256x128xi32>
    %select_n3A_564 = arith.select %lt3A_555, %select_n3A_563, %select_n3A_518 : vector<256x128xi1>, vector<256x128xi32>
    %select_n3A_565 = arith.select %lt3A_553, %select_n3A_524, %add3A_548 : vector<256x128xi1>, vector<256x128xf32>
    %select_n3A_566 = arith.select %lt3A_554, %select_n3A_565, %select_n3A_520 : vector<256x128xi1>, vector<256x128xf32>
    %select_n3A_567 = arith.select %lt3A_553, %select_n3A_526, %add3A_551 : vector<256x128xi1>, vector<256x128xi32>
    %select_n3A_568 = arith.select %lt3A_554, %select_n3A_567, %select_n3A_522 : vector<256x128xi1>, vector<256x128xi32>
    %select_n3A_569 = arith.select %lt3A_552, %select_n3A_527, %add3A_548 : vector<256x128xi1>, vector<256x128xf32>
    %select_n3A_570 = arith.select %lt3A_553, %select_n3A_569, %select_n3A_524 : vector<256x128xi1>, vector<256x128xf32>
    %select_n3A_571 = arith.select %lt3A_552, %select_n3A_528, %add3A_551 : vector<256x128xi1>, vector<256x128xi32>
    %select_n3A_572 = arith.select %lt3A_553, %select_n3A_571, %select_n3A_526 : vector<256x128xi1>, vector<256x128xi32>
    %select_n3A_573 = arith.select %lt3A_552, %add3A_548, %select_n3A_527 : vector<256x128xi1>, vector<256x128xf32>
    %select_n3A_574 = arith.select %lt3A_552, %add3A_551, %select_n3A_528 : vector<256x128xi1>, vector<256x128xi32>
    %slice3A_575 = vector.extract_strided_slice %get3A_3 {offsets = [0, 1536], sizes = [1, 128], strides = [1, 1]} : vector<3x4096xf32> to vector<1x128xf32>
    %slice3A_576 = vector.extract_strided_slice %get3A_8 {offsets = [0, 0], sizes = [256, 1], strides = [1, 1]} : vector<256x3xf32> to vector<256x1xf32>
    %sub3A_577 = vector.broadcast %slice3A_576 : vector<256x1xf32> to vector<256x128xf32>
    %sub3A_578 = vector.broadcast %slice3A_575 : vector<1x128xf32> to vector<256x128xf32>
    %sub3A_579 = arith.subf %sub3A_577, %sub3A_578 : vector<256x128xf32>
    %mul3A_580 = arith.mulf %sub3A_579, %sub3A_579 : vector<256x128xf32>
    %slice3A_581 = vector.extract_strided_slice %get3A_3 {offsets = [1, 1536], sizes = [1, 128], strides = [1, 1]} : vector<3x4096xf32> to vector<1x128xf32>
    %slice3A_582 = vector.extract_strided_slice %get3A_8 {offsets = [0, 1], sizes = [256, 1], strides = [1, 1]} : vector<256x3xf32> to vector<256x1xf32>
    %sub3A_583 = vector.broadcast %slice3A_582 : vector<256x1xf32> to vector<256x128xf32>
    %sub3A_584 = vector.broadcast %slice3A_581 : vector<1x128xf32> to vector<256x128xf32>
    %sub3A_585 = arith.subf %sub3A_583, %sub3A_584 : vector<256x128xf32>
    %mul3A_586 = arith.mulf %sub3A_585, %sub3A_585 : vector<256x128xf32>
    %add3A_587 = arith.addf %mul3A_580, %mul3A_586 : vector<256x128xf32>
    %slice3A_588 = vector.extract_strided_slice %get3A_3 {offsets = [2, 1536], sizes = [1, 128], strides = [1, 1]} : vector<3x4096xf32> to vector<1x128xf32>
    %slice3A_589 = vector.extract_strided_slice %get3A_8 {offsets = [0, 2], sizes = [256, 1], strides = [1, 1]} : vector<256x3xf32> to vector<256x1xf32>
    %sub3A_590 = vector.broadcast %slice3A_589 : vector<256x1xf32> to vector<256x128xf32>
    %sub3A_591 = vector.broadcast %slice3A_588 : vector<1x128xf32> to vector<256x128xf32>
    %sub3A_592 = arith.subf %sub3A_590, %sub3A_591 : vector<256x128xf32>
    %mul3A_593 = arith.mulf %sub3A_592, %sub3A_592 : vector<256x128xf32>
    %add3A_594 = arith.addf %add3A_587, %mul3A_593 : vector<256x128xf32>
    %add3A_595 = arith.constant 1536 : i32
    %add3A_596 = vector.broadcast %add3A_595 : i32 to vector<256x128xi32>
    %add3A_597 = arith.addi %iota3A, %add3A_596 : vector<256x128xi32>
    %lt3A_598 = arith.cmpf olt, %add3A_594, %select_n3A_573 : vector<256x128xf32>
    %lt3A_599 = arith.cmpf olt, %add3A_594, %select_n3A_570 : vector<256x128xf32>
    %lt3A_600 = arith.cmpf olt, %add3A_594, %select_n3A_566 : vector<256x128xf32>
    %lt3A_601 = arith.cmpf olt, %add3A_594, %select_n3A_562 : vector<256x128xf32>
    %lt3A_602 = arith.cmpf olt, %add3A_594, %select_n3A_558 : vector<256x128xf32>
    %select_n3A_603 = arith.select %lt3A_601, %select_n3A_562, %add3A_594 : vector<256x128xi1>, vector<256x128xf32>
    %select_n3A_604 = arith.select %lt3A_602, %select_n3A_603, %select_n3A_558 : vector<256x128xi1>, vector<256x128xf32>
    %select_n3A_605 = arith.select %lt3A_601, %select_n3A_564, %add3A_597 : vector<256x128xi1>, vector<256x128xi32>
    %select_n3A_606 = arith.select %lt3A_602, %select_n3A_605, %select_n3A_560 : vector<256x128xi1>, vector<256x128xi32>
    %select_n3A_607 = arith.select %lt3A_600, %select_n3A_566, %add3A_594 : vector<256x128xi1>, vector<256x128xf32>
    %select_n3A_608 = arith.select %lt3A_601, %select_n3A_607, %select_n3A_562 : vector<256x128xi1>, vector<256x128xf32>
    %select_n3A_609 = arith.select %lt3A_600, %select_n3A_568, %add3A_597 : vector<256x128xi1>, vector<256x128xi32>
    %select_n3A_610 = arith.select %lt3A_601, %select_n3A_609, %select_n3A_564 : vector<256x128xi1>, vector<256x128xi32>
    %select_n3A_611 = arith.select %lt3A_599, %select_n3A_570, %add3A_594 : vector<256x128xi1>, vector<256x128xf32>
    %select_n3A_612 = arith.select %lt3A_600, %select_n3A_611, %select_n3A_566 : vector<256x128xi1>, vector<256x128xf32>
    %select_n3A_613 = arith.select %lt3A_599, %select_n3A_572, %add3A_597 : vector<256x128xi1>, vector<256x128xi32>
    %select_n3A_614 = arith.select %lt3A_600, %select_n3A_613, %select_n3A_568 : vector<256x128xi1>, vector<256x128xi32>
    %select_n3A_615 = arith.select %lt3A_598, %select_n3A_573, %add3A_594 : vector<256x128xi1>, vector<256x128xf32>
    %select_n3A_616 = arith.select %lt3A_599, %select_n3A_615, %select_n3A_570 : vector<256x128xi1>, vector<256x128xf32>
    %select_n3A_617 = arith.select %lt3A_598, %select_n3A_574, %add3A_597 : vector<256x128xi1>, vector<256x128xi32>
    %select_n3A_618 = arith.select %lt3A_599, %select_n3A_617, %select_n3A_572 : vector<256x128xi1>, vector<256x128xi32>
    %select_n3A_619 = arith.select %lt3A_598, %add3A_594, %select_n3A_573 : vector<256x128xi1>, vector<256x128xf32>
    %select_n3A_620 = arith.select %lt3A_598, %add3A_597, %select_n3A_574 : vector<256x128xi1>, vector<256x128xi32>
    %slice3A_621 = vector.extract_strided_slice %get3A_3 {offsets = [0, 1664], sizes = [1, 128], strides = [1, 1]} : vector<3x4096xf32> to vector<1x128xf32>
    %slice3A_622 = vector.extract_strided_slice %get3A_8 {offsets = [0, 0], sizes = [256, 1], strides = [1, 1]} : vector<256x3xf32> to vector<256x1xf32>
    %sub3A_623 = vector.broadcast %slice3A_622 : vector<256x1xf32> to vector<256x128xf32>
    %sub3A_624 = vector.broadcast %slice3A_621 : vector<1x128xf32> to vector<256x128xf32>
    %sub3A_625 = arith.subf %sub3A_623, %sub3A_624 : vector<256x128xf32>
    %mul3A_626 = arith.mulf %sub3A_625, %sub3A_625 : vector<256x128xf32>
    %slice3A_627 = vector.extract_strided_slice %get3A_3 {offsets = [1, 1664], sizes = [1, 128], strides = [1, 1]} : vector<3x4096xf32> to vector<1x128xf32>
    %slice3A_628 = vector.extract_strided_slice %get3A_8 {offsets = [0, 1], sizes = [256, 1], strides = [1, 1]} : vector<256x3xf32> to vector<256x1xf32>
    %sub3A_629 = vector.broadcast %slice3A_628 : vector<256x1xf32> to vector<256x128xf32>
    %sub3A_630 = vector.broadcast %slice3A_627 : vector<1x128xf32> to vector<256x128xf32>
    %sub3A_631 = arith.subf %sub3A_629, %sub3A_630 : vector<256x128xf32>
    %mul3A_632 = arith.mulf %sub3A_631, %sub3A_631 : vector<256x128xf32>
    %add3A_633 = arith.addf %mul3A_626, %mul3A_632 : vector<256x128xf32>
    %slice3A_634 = vector.extract_strided_slice %get3A_3 {offsets = [2, 1664], sizes = [1, 128], strides = [1, 1]} : vector<3x4096xf32> to vector<1x128xf32>
    %slice3A_635 = vector.extract_strided_slice %get3A_8 {offsets = [0, 2], sizes = [256, 1], strides = [1, 1]} : vector<256x3xf32> to vector<256x1xf32>
    %sub3A_636 = vector.broadcast %slice3A_635 : vector<256x1xf32> to vector<256x128xf32>
    %sub3A_637 = vector.broadcast %slice3A_634 : vector<1x128xf32> to vector<256x128xf32>
    %sub3A_638 = arith.subf %sub3A_636, %sub3A_637 : vector<256x128xf32>
    %mul3A_639 = arith.mulf %sub3A_638, %sub3A_638 : vector<256x128xf32>
    %add3A_640 = arith.addf %add3A_633, %mul3A_639 : vector<256x128xf32>
    %add3A_641 = arith.constant 1664 : i32
    %add3A_642 = vector.broadcast %add3A_641 : i32 to vector<256x128xi32>
    %add3A_643 = arith.addi %iota3A, %add3A_642 : vector<256x128xi32>
    %lt3A_644 = arith.cmpf olt, %add3A_640, %select_n3A_619 : vector<256x128xf32>
    %lt3A_645 = arith.cmpf olt, %add3A_640, %select_n3A_616 : vector<256x128xf32>
    %lt3A_646 = arith.cmpf olt, %add3A_640, %select_n3A_612 : vector<256x128xf32>
    %lt3A_647 = arith.cmpf olt, %add3A_640, %select_n3A_608 : vector<256x128xf32>
    %lt3A_648 = arith.cmpf olt, %add3A_640, %select_n3A_604 : vector<256x128xf32>
    %select_n3A_649 = arith.select %lt3A_647, %select_n3A_608, %add3A_640 : vector<256x128xi1>, vector<256x128xf32>
    %select_n3A_650 = arith.select %lt3A_648, %select_n3A_649, %select_n3A_604 : vector<256x128xi1>, vector<256x128xf32>
    %select_n3A_651 = arith.select %lt3A_647, %select_n3A_610, %add3A_643 : vector<256x128xi1>, vector<256x128xi32>
    %select_n3A_652 = arith.select %lt3A_648, %select_n3A_651, %select_n3A_606 : vector<256x128xi1>, vector<256x128xi32>
    %select_n3A_653 = arith.select %lt3A_646, %select_n3A_612, %add3A_640 : vector<256x128xi1>, vector<256x128xf32>
    %select_n3A_654 = arith.select %lt3A_647, %select_n3A_653, %select_n3A_608 : vector<256x128xi1>, vector<256x128xf32>
    %select_n3A_655 = arith.select %lt3A_646, %select_n3A_614, %add3A_643 : vector<256x128xi1>, vector<256x128xi32>
    %select_n3A_656 = arith.select %lt3A_647, %select_n3A_655, %select_n3A_610 : vector<256x128xi1>, vector<256x128xi32>
    %select_n3A_657 = arith.select %lt3A_645, %select_n3A_616, %add3A_640 : vector<256x128xi1>, vector<256x128xf32>
    %select_n3A_658 = arith.select %lt3A_646, %select_n3A_657, %select_n3A_612 : vector<256x128xi1>, vector<256x128xf32>
    %select_n3A_659 = arith.select %lt3A_645, %select_n3A_618, %add3A_643 : vector<256x128xi1>, vector<256x128xi32>
    %select_n3A_660 = arith.select %lt3A_646, %select_n3A_659, %select_n3A_614 : vector<256x128xi1>, vector<256x128xi32>
    %select_n3A_661 = arith.select %lt3A_644, %select_n3A_619, %add3A_640 : vector<256x128xi1>, vector<256x128xf32>
    %select_n3A_662 = arith.select %lt3A_645, %select_n3A_661, %select_n3A_616 : vector<256x128xi1>, vector<256x128xf32>
    %select_n3A_663 = arith.select %lt3A_644, %select_n3A_620, %add3A_643 : vector<256x128xi1>, vector<256x128xi32>
    %select_n3A_664 = arith.select %lt3A_645, %select_n3A_663, %select_n3A_618 : vector<256x128xi1>, vector<256x128xi32>
    %select_n3A_665 = arith.select %lt3A_644, %add3A_640, %select_n3A_619 : vector<256x128xi1>, vector<256x128xf32>
    %select_n3A_666 = arith.select %lt3A_644, %add3A_643, %select_n3A_620 : vector<256x128xi1>, vector<256x128xi32>
    %slice3A_667 = vector.extract_strided_slice %get3A_3 {offsets = [0, 1792], sizes = [1, 128], strides = [1, 1]} : vector<3x4096xf32> to vector<1x128xf32>
    %slice3A_668 = vector.extract_strided_slice %get3A_8 {offsets = [0, 0], sizes = [256, 1], strides = [1, 1]} : vector<256x3xf32> to vector<256x1xf32>
    %sub3A_669 = vector.broadcast %slice3A_668 : vector<256x1xf32> to vector<256x128xf32>
    %sub3A_670 = vector.broadcast %slice3A_667 : vector<1x128xf32> to vector<256x128xf32>
    %sub3A_671 = arith.subf %sub3A_669, %sub3A_670 : vector<256x128xf32>
    %mul3A_672 = arith.mulf %sub3A_671, %sub3A_671 : vector<256x128xf32>
    %slice3A_673 = vector.extract_strided_slice %get3A_3 {offsets = [1, 1792], sizes = [1, 128], strides = [1, 1]} : vector<3x4096xf32> to vector<1x128xf32>
    %slice3A_674 = vector.extract_strided_slice %get3A_8 {offsets = [0, 1], sizes = [256, 1], strides = [1, 1]} : vector<256x3xf32> to vector<256x1xf32>
    %sub3A_675 = vector.broadcast %slice3A_674 : vector<256x1xf32> to vector<256x128xf32>
    %sub3A_676 = vector.broadcast %slice3A_673 : vector<1x128xf32> to vector<256x128xf32>
    %sub3A_677 = arith.subf %sub3A_675, %sub3A_676 : vector<256x128xf32>
    %mul3A_678 = arith.mulf %sub3A_677, %sub3A_677 : vector<256x128xf32>
    %add3A_679 = arith.addf %mul3A_672, %mul3A_678 : vector<256x128xf32>
    %slice3A_680 = vector.extract_strided_slice %get3A_3 {offsets = [2, 1792], sizes = [1, 128], strides = [1, 1]} : vector<3x4096xf32> to vector<1x128xf32>
    %slice3A_681 = vector.extract_strided_slice %get3A_8 {offsets = [0, 2], sizes = [256, 1], strides = [1, 1]} : vector<256x3xf32> to vector<256x1xf32>
    %sub3A_682 = vector.broadcast %slice3A_681 : vector<256x1xf32> to vector<256x128xf32>
    %sub3A_683 = vector.broadcast %slice3A_680 : vector<1x128xf32> to vector<256x128xf32>
    %sub3A_684 = arith.subf %sub3A_682, %sub3A_683 : vector<256x128xf32>
    %mul3A_685 = arith.mulf %sub3A_684, %sub3A_684 : vector<256x128xf32>
    %add3A_686 = arith.addf %add3A_679, %mul3A_685 : vector<256x128xf32>
    %add3A_687 = arith.constant 1792 : i32
    %add3A_688 = vector.broadcast %add3A_687 : i32 to vector<256x128xi32>
    %add3A_689 = arith.addi %iota3A, %add3A_688 : vector<256x128xi32>
    %lt3A_690 = arith.cmpf olt, %add3A_686, %select_n3A_665 : vector<256x128xf32>
    %lt3A_691 = arith.cmpf olt, %add3A_686, %select_n3A_662 : vector<256x128xf32>
    %lt3A_692 = arith.cmpf olt, %add3A_686, %select_n3A_658 : vector<256x128xf32>
    %lt3A_693 = arith.cmpf olt, %add3A_686, %select_n3A_654 : vector<256x128xf32>
    %lt3A_694 = arith.cmpf olt, %add3A_686, %select_n3A_650 : vector<256x128xf32>
    %select_n3A_695 = arith.select %lt3A_693, %select_n3A_654, %add3A_686 : vector<256x128xi1>, vector<256x128xf32>
    %select_n3A_696 = arith.select %lt3A_694, %select_n3A_695, %select_n3A_650 : vector<256x128xi1>, vector<256x128xf32>
    %select_n3A_697 = arith.select %lt3A_693, %select_n3A_656, %add3A_689 : vector<256x128xi1>, vector<256x128xi32>
    %select_n3A_698 = arith.select %lt3A_694, %select_n3A_697, %select_n3A_652 : vector<256x128xi1>, vector<256x128xi32>
    %select_n3A_699 = arith.select %lt3A_692, %select_n3A_658, %add3A_686 : vector<256x128xi1>, vector<256x128xf32>
    %select_n3A_700 = arith.select %lt3A_693, %select_n3A_699, %select_n3A_654 : vector<256x128xi1>, vector<256x128xf32>
    %select_n3A_701 = arith.select %lt3A_692, %select_n3A_660, %add3A_689 : vector<256x128xi1>, vector<256x128xi32>
    %select_n3A_702 = arith.select %lt3A_693, %select_n3A_701, %select_n3A_656 : vector<256x128xi1>, vector<256x128xi32>
    %select_n3A_703 = arith.select %lt3A_691, %select_n3A_662, %add3A_686 : vector<256x128xi1>, vector<256x128xf32>
    %select_n3A_704 = arith.select %lt3A_692, %select_n3A_703, %select_n3A_658 : vector<256x128xi1>, vector<256x128xf32>
    %select_n3A_705 = arith.select %lt3A_691, %select_n3A_664, %add3A_689 : vector<256x128xi1>, vector<256x128xi32>
    %select_n3A_706 = arith.select %lt3A_692, %select_n3A_705, %select_n3A_660 : vector<256x128xi1>, vector<256x128xi32>
    %select_n3A_707 = arith.select %lt3A_690, %select_n3A_665, %add3A_686 : vector<256x128xi1>, vector<256x128xf32>
    %select_n3A_708 = arith.select %lt3A_691, %select_n3A_707, %select_n3A_662 : vector<256x128xi1>, vector<256x128xf32>
    %select_n3A_709 = arith.select %lt3A_690, %select_n3A_666, %add3A_689 : vector<256x128xi1>, vector<256x128xi32>
    %select_n3A_710 = arith.select %lt3A_691, %select_n3A_709, %select_n3A_664 : vector<256x128xi1>, vector<256x128xi32>
    %select_n3A_711 = arith.select %lt3A_690, %add3A_686, %select_n3A_665 : vector<256x128xi1>, vector<256x128xf32>
    %select_n3A_712 = arith.select %lt3A_690, %add3A_689, %select_n3A_666 : vector<256x128xi1>, vector<256x128xi32>
    %slice3A_713 = vector.extract_strided_slice %get3A_3 {offsets = [0, 1920], sizes = [1, 128], strides = [1, 1]} : vector<3x4096xf32> to vector<1x128xf32>
    %slice3A_714 = vector.extract_strided_slice %get3A_8 {offsets = [0, 0], sizes = [256, 1], strides = [1, 1]} : vector<256x3xf32> to vector<256x1xf32>
    %sub3A_715 = vector.broadcast %slice3A_714 : vector<256x1xf32> to vector<256x128xf32>
    %sub3A_716 = vector.broadcast %slice3A_713 : vector<1x128xf32> to vector<256x128xf32>
    %sub3A_717 = arith.subf %sub3A_715, %sub3A_716 : vector<256x128xf32>
    %mul3A_718 = arith.mulf %sub3A_717, %sub3A_717 : vector<256x128xf32>
    %slice3A_719 = vector.extract_strided_slice %get3A_3 {offsets = [1, 1920], sizes = [1, 128], strides = [1, 1]} : vector<3x4096xf32> to vector<1x128xf32>
    %slice3A_720 = vector.extract_strided_slice %get3A_8 {offsets = [0, 1], sizes = [256, 1], strides = [1, 1]} : vector<256x3xf32> to vector<256x1xf32>
    %sub3A_721 = vector.broadcast %slice3A_720 : vector<256x1xf32> to vector<256x128xf32>
    %sub3A_722 = vector.broadcast %slice3A_719 : vector<1x128xf32> to vector<256x128xf32>
    %sub3A_723 = arith.subf %sub3A_721, %sub3A_722 : vector<256x128xf32>
    %mul3A_724 = arith.mulf %sub3A_723, %sub3A_723 : vector<256x128xf32>
    %add3A_725 = arith.addf %mul3A_718, %mul3A_724 : vector<256x128xf32>
    %slice3A_726 = vector.extract_strided_slice %get3A_3 {offsets = [2, 1920], sizes = [1, 128], strides = [1, 1]} : vector<3x4096xf32> to vector<1x128xf32>
    %slice3A_727 = vector.extract_strided_slice %get3A_8 {offsets = [0, 2], sizes = [256, 1], strides = [1, 1]} : vector<256x3xf32> to vector<256x1xf32>
    %sub3A_728 = vector.broadcast %slice3A_727 : vector<256x1xf32> to vector<256x128xf32>
    %sub3A_729 = vector.broadcast %slice3A_726 : vector<1x128xf32> to vector<256x128xf32>
    %sub3A_730 = arith.subf %sub3A_728, %sub3A_729 : vector<256x128xf32>
    %mul3A_731 = arith.mulf %sub3A_730, %sub3A_730 : vector<256x128xf32>
    %add3A_732 = arith.addf %add3A_725, %mul3A_731 : vector<256x128xf32>
    %add3A_733 = arith.constant 1920 : i32
    %add3A_734 = vector.broadcast %add3A_733 : i32 to vector<256x128xi32>
    %add3A_735 = arith.addi %iota3A, %add3A_734 : vector<256x128xi32>
    %lt3A_736 = arith.cmpf olt, %add3A_732, %select_n3A_711 : vector<256x128xf32>
    %lt3A_737 = arith.cmpf olt, %add3A_732, %select_n3A_708 : vector<256x128xf32>
    %lt3A_738 = arith.cmpf olt, %add3A_732, %select_n3A_704 : vector<256x128xf32>
    %lt3A_739 = arith.cmpf olt, %add3A_732, %select_n3A_700 : vector<256x128xf32>
    %lt3A_740 = arith.cmpf olt, %add3A_732, %select_n3A_696 : vector<256x128xf32>
    %select_n3A_741 = arith.select %lt3A_739, %select_n3A_700, %add3A_732 : vector<256x128xi1>, vector<256x128xf32>
    %select_n3A_742 = arith.select %lt3A_740, %select_n3A_741, %select_n3A_696 : vector<256x128xi1>, vector<256x128xf32>
    %select_n3A_743 = arith.select %lt3A_739, %select_n3A_702, %add3A_735 : vector<256x128xi1>, vector<256x128xi32>
    %select_n3A_744 = arith.select %lt3A_740, %select_n3A_743, %select_n3A_698 : vector<256x128xi1>, vector<256x128xi32>
    %select_n3A_745 = arith.select %lt3A_738, %select_n3A_704, %add3A_732 : vector<256x128xi1>, vector<256x128xf32>
    %select_n3A_746 = arith.select %lt3A_739, %select_n3A_745, %select_n3A_700 : vector<256x128xi1>, vector<256x128xf32>
    %select_n3A_747 = arith.select %lt3A_738, %select_n3A_706, %add3A_735 : vector<256x128xi1>, vector<256x128xi32>
    %select_n3A_748 = arith.select %lt3A_739, %select_n3A_747, %select_n3A_702 : vector<256x128xi1>, vector<256x128xi32>
    %select_n3A_749 = arith.select %lt3A_737, %select_n3A_708, %add3A_732 : vector<256x128xi1>, vector<256x128xf32>
    %select_n3A_750 = arith.select %lt3A_738, %select_n3A_749, %select_n3A_704 : vector<256x128xi1>, vector<256x128xf32>
    %select_n3A_751 = arith.select %lt3A_737, %select_n3A_710, %add3A_735 : vector<256x128xi1>, vector<256x128xi32>
    %select_n3A_752 = arith.select %lt3A_738, %select_n3A_751, %select_n3A_706 : vector<256x128xi1>, vector<256x128xi32>
    %select_n3A_753 = arith.select %lt3A_736, %select_n3A_711, %add3A_732 : vector<256x128xi1>, vector<256x128xf32>
    %select_n3A_754 = arith.select %lt3A_737, %select_n3A_753, %select_n3A_708 : vector<256x128xi1>, vector<256x128xf32>
    %select_n3A_755 = arith.select %lt3A_736, %select_n3A_712, %add3A_735 : vector<256x128xi1>, vector<256x128xi32>
    %select_n3A_756 = arith.select %lt3A_737, %select_n3A_755, %select_n3A_710 : vector<256x128xi1>, vector<256x128xi32>
    %select_n3A_757 = arith.select %lt3A_736, %add3A_732, %select_n3A_711 : vector<256x128xi1>, vector<256x128xf32>
    %select_n3A_758 = arith.select %lt3A_736, %add3A_735, %select_n3A_712 : vector<256x128xi1>, vector<256x128xi32>
    %slice3A_759 = vector.extract_strided_slice %get3A_3 {offsets = [0, 2048], sizes = [1, 128], strides = [1, 1]} : vector<3x4096xf32> to vector<1x128xf32>
    %slice3A_760 = vector.extract_strided_slice %get3A_8 {offsets = [0, 0], sizes = [256, 1], strides = [1, 1]} : vector<256x3xf32> to vector<256x1xf32>
    %sub3A_761 = vector.broadcast %slice3A_760 : vector<256x1xf32> to vector<256x128xf32>
    %sub3A_762 = vector.broadcast %slice3A_759 : vector<1x128xf32> to vector<256x128xf32>
    %sub3A_763 = arith.subf %sub3A_761, %sub3A_762 : vector<256x128xf32>
    %mul3A_764 = arith.mulf %sub3A_763, %sub3A_763 : vector<256x128xf32>
    %slice3A_765 = vector.extract_strided_slice %get3A_3 {offsets = [1, 2048], sizes = [1, 128], strides = [1, 1]} : vector<3x4096xf32> to vector<1x128xf32>
    %slice3A_766 = vector.extract_strided_slice %get3A_8 {offsets = [0, 1], sizes = [256, 1], strides = [1, 1]} : vector<256x3xf32> to vector<256x1xf32>
    %sub3A_767 = vector.broadcast %slice3A_766 : vector<256x1xf32> to vector<256x128xf32>
    %sub3A_768 = vector.broadcast %slice3A_765 : vector<1x128xf32> to vector<256x128xf32>
    %sub3A_769 = arith.subf %sub3A_767, %sub3A_768 : vector<256x128xf32>
    %mul3A_770 = arith.mulf %sub3A_769, %sub3A_769 : vector<256x128xf32>
    %add3A_771 = arith.addf %mul3A_764, %mul3A_770 : vector<256x128xf32>
    %slice3A_772 = vector.extract_strided_slice %get3A_3 {offsets = [2, 2048], sizes = [1, 128], strides = [1, 1]} : vector<3x4096xf32> to vector<1x128xf32>
    %slice3A_773 = vector.extract_strided_slice %get3A_8 {offsets = [0, 2], sizes = [256, 1], strides = [1, 1]} : vector<256x3xf32> to vector<256x1xf32>
    %sub3A_774 = vector.broadcast %slice3A_773 : vector<256x1xf32> to vector<256x128xf32>
    %sub3A_775 = vector.broadcast %slice3A_772 : vector<1x128xf32> to vector<256x128xf32>
    %sub3A_776 = arith.subf %sub3A_774, %sub3A_775 : vector<256x128xf32>
    %mul3A_777 = arith.mulf %sub3A_776, %sub3A_776 : vector<256x128xf32>
    %add3A_778 = arith.addf %add3A_771, %mul3A_777 : vector<256x128xf32>
    %add3A_779 = arith.constant 2048 : i32
    %add3A_780 = vector.broadcast %add3A_779 : i32 to vector<256x128xi32>
    %add3A_781 = arith.addi %iota3A, %add3A_780 : vector<256x128xi32>
    %lt3A_782 = arith.cmpf olt, %add3A_778, %select_n3A_757 : vector<256x128xf32>
    %lt3A_783 = arith.cmpf olt, %add3A_778, %select_n3A_754 : vector<256x128xf32>
    %lt3A_784 = arith.cmpf olt, %add3A_778, %select_n3A_750 : vector<256x128xf32>
    %lt3A_785 = arith.cmpf olt, %add3A_778, %select_n3A_746 : vector<256x128xf32>
    %lt3A_786 = arith.cmpf olt, %add3A_778, %select_n3A_742 : vector<256x128xf32>
    %select_n3A_787 = arith.select %lt3A_785, %select_n3A_746, %add3A_778 : vector<256x128xi1>, vector<256x128xf32>
    %select_n3A_788 = arith.select %lt3A_786, %select_n3A_787, %select_n3A_742 : vector<256x128xi1>, vector<256x128xf32>
    %select_n3A_789 = arith.select %lt3A_785, %select_n3A_748, %add3A_781 : vector<256x128xi1>, vector<256x128xi32>
    %select_n3A_790 = arith.select %lt3A_786, %select_n3A_789, %select_n3A_744 : vector<256x128xi1>, vector<256x128xi32>
    %select_n3A_791 = arith.select %lt3A_784, %select_n3A_750, %add3A_778 : vector<256x128xi1>, vector<256x128xf32>
    %select_n3A_792 = arith.select %lt3A_785, %select_n3A_791, %select_n3A_746 : vector<256x128xi1>, vector<256x128xf32>
    %select_n3A_793 = arith.select %lt3A_784, %select_n3A_752, %add3A_781 : vector<256x128xi1>, vector<256x128xi32>
    %select_n3A_794 = arith.select %lt3A_785, %select_n3A_793, %select_n3A_748 : vector<256x128xi1>, vector<256x128xi32>
    %select_n3A_795 = arith.select %lt3A_783, %select_n3A_754, %add3A_778 : vector<256x128xi1>, vector<256x128xf32>
    %select_n3A_796 = arith.select %lt3A_784, %select_n3A_795, %select_n3A_750 : vector<256x128xi1>, vector<256x128xf32>
    %select_n3A_797 = arith.select %lt3A_783, %select_n3A_756, %add3A_781 : vector<256x128xi1>, vector<256x128xi32>
    %select_n3A_798 = arith.select %lt3A_784, %select_n3A_797, %select_n3A_752 : vector<256x128xi1>, vector<256x128xi32>
    %select_n3A_799 = arith.select %lt3A_782, %select_n3A_757, %add3A_778 : vector<256x128xi1>, vector<256x128xf32>
    %select_n3A_800 = arith.select %lt3A_783, %select_n3A_799, %select_n3A_754 : vector<256x128xi1>, vector<256x128xf32>
    %select_n3A_801 = arith.select %lt3A_782, %select_n3A_758, %add3A_781 : vector<256x128xi1>, vector<256x128xi32>
    %select_n3A_802 = arith.select %lt3A_783, %select_n3A_801, %select_n3A_756 : vector<256x128xi1>, vector<256x128xi32>
    %select_n3A_803 = arith.select %lt3A_782, %add3A_778, %select_n3A_757 : vector<256x128xi1>, vector<256x128xf32>
    %select_n3A_804 = arith.select %lt3A_782, %add3A_781, %select_n3A_758 : vector<256x128xi1>, vector<256x128xi32>
    %slice3A_805 = vector.extract_strided_slice %get3A_3 {offsets = [0, 2176], sizes = [1, 128], strides = [1, 1]} : vector<3x4096xf32> to vector<1x128xf32>
    %slice3A_806 = vector.extract_strided_slice %get3A_8 {offsets = [0, 0], sizes = [256, 1], strides = [1, 1]} : vector<256x3xf32> to vector<256x1xf32>
    %sub3A_807 = vector.broadcast %slice3A_806 : vector<256x1xf32> to vector<256x128xf32>
    %sub3A_808 = vector.broadcast %slice3A_805 : vector<1x128xf32> to vector<256x128xf32>
    %sub3A_809 = arith.subf %sub3A_807, %sub3A_808 : vector<256x128xf32>
    %mul3A_810 = arith.mulf %sub3A_809, %sub3A_809 : vector<256x128xf32>
    %slice3A_811 = vector.extract_strided_slice %get3A_3 {offsets = [1, 2176], sizes = [1, 128], strides = [1, 1]} : vector<3x4096xf32> to vector<1x128xf32>
    %slice3A_812 = vector.extract_strided_slice %get3A_8 {offsets = [0, 1], sizes = [256, 1], strides = [1, 1]} : vector<256x3xf32> to vector<256x1xf32>
    %sub3A_813 = vector.broadcast %slice3A_812 : vector<256x1xf32> to vector<256x128xf32>
    %sub3A_814 = vector.broadcast %slice3A_811 : vector<1x128xf32> to vector<256x128xf32>
    %sub3A_815 = arith.subf %sub3A_813, %sub3A_814 : vector<256x128xf32>
    %mul3A_816 = arith.mulf %sub3A_815, %sub3A_815 : vector<256x128xf32>
    %add3A_817 = arith.addf %mul3A_810, %mul3A_816 : vector<256x128xf32>
    %slice3A_818 = vector.extract_strided_slice %get3A_3 {offsets = [2, 2176], sizes = [1, 128], strides = [1, 1]} : vector<3x4096xf32> to vector<1x128xf32>
    %slice3A_819 = vector.extract_strided_slice %get3A_8 {offsets = [0, 2], sizes = [256, 1], strides = [1, 1]} : vector<256x3xf32> to vector<256x1xf32>
    %sub3A_820 = vector.broadcast %slice3A_819 : vector<256x1xf32> to vector<256x128xf32>
    %sub3A_821 = vector.broadcast %slice3A_818 : vector<1x128xf32> to vector<256x128xf32>
    %sub3A_822 = arith.subf %sub3A_820, %sub3A_821 : vector<256x128xf32>
    %mul3A_823 = arith.mulf %sub3A_822, %sub3A_822 : vector<256x128xf32>
    %add3A_824 = arith.addf %add3A_817, %mul3A_823 : vector<256x128xf32>
    %add3A_825 = arith.constant 2176 : i32
    %add3A_826 = vector.broadcast %add3A_825 : i32 to vector<256x128xi32>
    %add3A_827 = arith.addi %iota3A, %add3A_826 : vector<256x128xi32>
    %lt3A_828 = arith.cmpf olt, %add3A_824, %select_n3A_803 : vector<256x128xf32>
    %lt3A_829 = arith.cmpf olt, %add3A_824, %select_n3A_800 : vector<256x128xf32>
    %lt3A_830 = arith.cmpf olt, %add3A_824, %select_n3A_796 : vector<256x128xf32>
    %lt3A_831 = arith.cmpf olt, %add3A_824, %select_n3A_792 : vector<256x128xf32>
    %lt3A_832 = arith.cmpf olt, %add3A_824, %select_n3A_788 : vector<256x128xf32>
    %select_n3A_833 = arith.select %lt3A_831, %select_n3A_792, %add3A_824 : vector<256x128xi1>, vector<256x128xf32>
    %select_n3A_834 = arith.select %lt3A_832, %select_n3A_833, %select_n3A_788 : vector<256x128xi1>, vector<256x128xf32>
    %select_n3A_835 = arith.select %lt3A_831, %select_n3A_794, %add3A_827 : vector<256x128xi1>, vector<256x128xi32>
    %select_n3A_836 = arith.select %lt3A_832, %select_n3A_835, %select_n3A_790 : vector<256x128xi1>, vector<256x128xi32>
    %select_n3A_837 = arith.select %lt3A_830, %select_n3A_796, %add3A_824 : vector<256x128xi1>, vector<256x128xf32>
    %select_n3A_838 = arith.select %lt3A_831, %select_n3A_837, %select_n3A_792 : vector<256x128xi1>, vector<256x128xf32>
    %select_n3A_839 = arith.select %lt3A_830, %select_n3A_798, %add3A_827 : vector<256x128xi1>, vector<256x128xi32>
    %select_n3A_840 = arith.select %lt3A_831, %select_n3A_839, %select_n3A_794 : vector<256x128xi1>, vector<256x128xi32>
    %select_n3A_841 = arith.select %lt3A_829, %select_n3A_800, %add3A_824 : vector<256x128xi1>, vector<256x128xf32>
    %select_n3A_842 = arith.select %lt3A_830, %select_n3A_841, %select_n3A_796 : vector<256x128xi1>, vector<256x128xf32>
    %select_n3A_843 = arith.select %lt3A_829, %select_n3A_802, %add3A_827 : vector<256x128xi1>, vector<256x128xi32>
    %select_n3A_844 = arith.select %lt3A_830, %select_n3A_843, %select_n3A_798 : vector<256x128xi1>, vector<256x128xi32>
    %select_n3A_845 = arith.select %lt3A_828, %select_n3A_803, %add3A_824 : vector<256x128xi1>, vector<256x128xf32>
    %select_n3A_846 = arith.select %lt3A_829, %select_n3A_845, %select_n3A_800 : vector<256x128xi1>, vector<256x128xf32>
    %select_n3A_847 = arith.select %lt3A_828, %select_n3A_804, %add3A_827 : vector<256x128xi1>, vector<256x128xi32>
    %select_n3A_848 = arith.select %lt3A_829, %select_n3A_847, %select_n3A_802 : vector<256x128xi1>, vector<256x128xi32>
    %select_n3A_849 = arith.select %lt3A_828, %add3A_824, %select_n3A_803 : vector<256x128xi1>, vector<256x128xf32>
    %select_n3A_850 = arith.select %lt3A_828, %add3A_827, %select_n3A_804 : vector<256x128xi1>, vector<256x128xi32>
    %slice3A_851 = vector.extract_strided_slice %get3A_3 {offsets = [0, 2304], sizes = [1, 128], strides = [1, 1]} : vector<3x4096xf32> to vector<1x128xf32>
    %slice3A_852 = vector.extract_strided_slice %get3A_8 {offsets = [0, 0], sizes = [256, 1], strides = [1, 1]} : vector<256x3xf32> to vector<256x1xf32>
    %sub3A_853 = vector.broadcast %slice3A_852 : vector<256x1xf32> to vector<256x128xf32>
    %sub3A_854 = vector.broadcast %slice3A_851 : vector<1x128xf32> to vector<256x128xf32>
    %sub3A_855 = arith.subf %sub3A_853, %sub3A_854 : vector<256x128xf32>
    %mul3A_856 = arith.mulf %sub3A_855, %sub3A_855 : vector<256x128xf32>
    %slice3A_857 = vector.extract_strided_slice %get3A_3 {offsets = [1, 2304], sizes = [1, 128], strides = [1, 1]} : vector<3x4096xf32> to vector<1x128xf32>
    %slice3A_858 = vector.extract_strided_slice %get3A_8 {offsets = [0, 1], sizes = [256, 1], strides = [1, 1]} : vector<256x3xf32> to vector<256x1xf32>
    %sub3A_859 = vector.broadcast %slice3A_858 : vector<256x1xf32> to vector<256x128xf32>
    %sub3A_860 = vector.broadcast %slice3A_857 : vector<1x128xf32> to vector<256x128xf32>
    %sub3A_861 = arith.subf %sub3A_859, %sub3A_860 : vector<256x128xf32>
    %mul3A_862 = arith.mulf %sub3A_861, %sub3A_861 : vector<256x128xf32>
    %add3A_863 = arith.addf %mul3A_856, %mul3A_862 : vector<256x128xf32>
    %slice3A_864 = vector.extract_strided_slice %get3A_3 {offsets = [2, 2304], sizes = [1, 128], strides = [1, 1]} : vector<3x4096xf32> to vector<1x128xf32>
    %slice3A_865 = vector.extract_strided_slice %get3A_8 {offsets = [0, 2], sizes = [256, 1], strides = [1, 1]} : vector<256x3xf32> to vector<256x1xf32>
    %sub3A_866 = vector.broadcast %slice3A_865 : vector<256x1xf32> to vector<256x128xf32>
    %sub3A_867 = vector.broadcast %slice3A_864 : vector<1x128xf32> to vector<256x128xf32>
    %sub3A_868 = arith.subf %sub3A_866, %sub3A_867 : vector<256x128xf32>
    %mul3A_869 = arith.mulf %sub3A_868, %sub3A_868 : vector<256x128xf32>
    %add3A_870 = arith.addf %add3A_863, %mul3A_869 : vector<256x128xf32>
    %add3A_871 = arith.constant 2304 : i32
    %add3A_872 = vector.broadcast %add3A_871 : i32 to vector<256x128xi32>
    %add3A_873 = arith.addi %iota3A, %add3A_872 : vector<256x128xi32>
    %lt3A_874 = arith.cmpf olt, %add3A_870, %select_n3A_849 : vector<256x128xf32>
    %lt3A_875 = arith.cmpf olt, %add3A_870, %select_n3A_846 : vector<256x128xf32>
    %lt3A_876 = arith.cmpf olt, %add3A_870, %select_n3A_842 : vector<256x128xf32>
    %lt3A_877 = arith.cmpf olt, %add3A_870, %select_n3A_838 : vector<256x128xf32>
    %lt3A_878 = arith.cmpf olt, %add3A_870, %select_n3A_834 : vector<256x128xf32>
    %select_n3A_879 = arith.select %lt3A_877, %select_n3A_838, %add3A_870 : vector<256x128xi1>, vector<256x128xf32>
    %select_n3A_880 = arith.select %lt3A_878, %select_n3A_879, %select_n3A_834 : vector<256x128xi1>, vector<256x128xf32>
    %select_n3A_881 = arith.select %lt3A_877, %select_n3A_840, %add3A_873 : vector<256x128xi1>, vector<256x128xi32>
    %select_n3A_882 = arith.select %lt3A_878, %select_n3A_881, %select_n3A_836 : vector<256x128xi1>, vector<256x128xi32>
    %select_n3A_883 = arith.select %lt3A_876, %select_n3A_842, %add3A_870 : vector<256x128xi1>, vector<256x128xf32>
    %select_n3A_884 = arith.select %lt3A_877, %select_n3A_883, %select_n3A_838 : vector<256x128xi1>, vector<256x128xf32>
    %select_n3A_885 = arith.select %lt3A_876, %select_n3A_844, %add3A_873 : vector<256x128xi1>, vector<256x128xi32>
    %select_n3A_886 = arith.select %lt3A_877, %select_n3A_885, %select_n3A_840 : vector<256x128xi1>, vector<256x128xi32>
    %select_n3A_887 = arith.select %lt3A_875, %select_n3A_846, %add3A_870 : vector<256x128xi1>, vector<256x128xf32>
    %select_n3A_888 = arith.select %lt3A_876, %select_n3A_887, %select_n3A_842 : vector<256x128xi1>, vector<256x128xf32>
    %select_n3A_889 = arith.select %lt3A_875, %select_n3A_848, %add3A_873 : vector<256x128xi1>, vector<256x128xi32>
    %select_n3A_890 = arith.select %lt3A_876, %select_n3A_889, %select_n3A_844 : vector<256x128xi1>, vector<256x128xi32>
    %select_n3A_891 = arith.select %lt3A_874, %select_n3A_849, %add3A_870 : vector<256x128xi1>, vector<256x128xf32>
    %select_n3A_892 = arith.select %lt3A_875, %select_n3A_891, %select_n3A_846 : vector<256x128xi1>, vector<256x128xf32>
    %select_n3A_893 = arith.select %lt3A_874, %select_n3A_850, %add3A_873 : vector<256x128xi1>, vector<256x128xi32>
    %select_n3A_894 = arith.select %lt3A_875, %select_n3A_893, %select_n3A_848 : vector<256x128xi1>, vector<256x128xi32>
    %select_n3A_895 = arith.select %lt3A_874, %add3A_870, %select_n3A_849 : vector<256x128xi1>, vector<256x128xf32>
    %select_n3A_896 = arith.select %lt3A_874, %add3A_873, %select_n3A_850 : vector<256x128xi1>, vector<256x128xi32>
    %slice3A_897 = vector.extract_strided_slice %get3A_3 {offsets = [0, 2432], sizes = [1, 128], strides = [1, 1]} : vector<3x4096xf32> to vector<1x128xf32>
    %slice3A_898 = vector.extract_strided_slice %get3A_8 {offsets = [0, 0], sizes = [256, 1], strides = [1, 1]} : vector<256x3xf32> to vector<256x1xf32>
    %sub3A_899 = vector.broadcast %slice3A_898 : vector<256x1xf32> to vector<256x128xf32>
    %sub3A_900 = vector.broadcast %slice3A_897 : vector<1x128xf32> to vector<256x128xf32>
    %sub3A_901 = arith.subf %sub3A_899, %sub3A_900 : vector<256x128xf32>
    %mul3A_902 = arith.mulf %sub3A_901, %sub3A_901 : vector<256x128xf32>
    %slice3A_903 = vector.extract_strided_slice %get3A_3 {offsets = [1, 2432], sizes = [1, 128], strides = [1, 1]} : vector<3x4096xf32> to vector<1x128xf32>
    %slice3A_904 = vector.extract_strided_slice %get3A_8 {offsets = [0, 1], sizes = [256, 1], strides = [1, 1]} : vector<256x3xf32> to vector<256x1xf32>
    %sub3A_905 = vector.broadcast %slice3A_904 : vector<256x1xf32> to vector<256x128xf32>
    %sub3A_906 = vector.broadcast %slice3A_903 : vector<1x128xf32> to vector<256x128xf32>
    %sub3A_907 = arith.subf %sub3A_905, %sub3A_906 : vector<256x128xf32>
    %mul3A_908 = arith.mulf %sub3A_907, %sub3A_907 : vector<256x128xf32>
    %add3A_909 = arith.addf %mul3A_902, %mul3A_908 : vector<256x128xf32>
    %slice3A_910 = vector.extract_strided_slice %get3A_3 {offsets = [2, 2432], sizes = [1, 128], strides = [1, 1]} : vector<3x4096xf32> to vector<1x128xf32>
    %slice3A_911 = vector.extract_strided_slice %get3A_8 {offsets = [0, 2], sizes = [256, 1], strides = [1, 1]} : vector<256x3xf32> to vector<256x1xf32>
    %sub3A_912 = vector.broadcast %slice3A_911 : vector<256x1xf32> to vector<256x128xf32>
    %sub3A_913 = vector.broadcast %slice3A_910 : vector<1x128xf32> to vector<256x128xf32>
    %sub3A_914 = arith.subf %sub3A_912, %sub3A_913 : vector<256x128xf32>
    %mul3A_915 = arith.mulf %sub3A_914, %sub3A_914 : vector<256x128xf32>
    %add3A_916 = arith.addf %add3A_909, %mul3A_915 : vector<256x128xf32>
    %add3A_917 = arith.constant 2432 : i32
    %add3A_918 = vector.broadcast %add3A_917 : i32 to vector<256x128xi32>
    %add3A_919 = arith.addi %iota3A, %add3A_918 : vector<256x128xi32>
    %lt3A_920 = arith.cmpf olt, %add3A_916, %select_n3A_895 : vector<256x128xf32>
    %lt3A_921 = arith.cmpf olt, %add3A_916, %select_n3A_892 : vector<256x128xf32>
    %lt3A_922 = arith.cmpf olt, %add3A_916, %select_n3A_888 : vector<256x128xf32>
    %lt3A_923 = arith.cmpf olt, %add3A_916, %select_n3A_884 : vector<256x128xf32>
    %lt3A_924 = arith.cmpf olt, %add3A_916, %select_n3A_880 : vector<256x128xf32>
    %select_n3A_925 = arith.select %lt3A_923, %select_n3A_884, %add3A_916 : vector<256x128xi1>, vector<256x128xf32>
    %select_n3A_926 = arith.select %lt3A_924, %select_n3A_925, %select_n3A_880 : vector<256x128xi1>, vector<256x128xf32>
    %select_n3A_927 = arith.select %lt3A_923, %select_n3A_886, %add3A_919 : vector<256x128xi1>, vector<256x128xi32>
    %select_n3A_928 = arith.select %lt3A_924, %select_n3A_927, %select_n3A_882 : vector<256x128xi1>, vector<256x128xi32>
    %select_n3A_929 = arith.select %lt3A_922, %select_n3A_888, %add3A_916 : vector<256x128xi1>, vector<256x128xf32>
    %select_n3A_930 = arith.select %lt3A_923, %select_n3A_929, %select_n3A_884 : vector<256x128xi1>, vector<256x128xf32>
    %select_n3A_931 = arith.select %lt3A_922, %select_n3A_890, %add3A_919 : vector<256x128xi1>, vector<256x128xi32>
    %select_n3A_932 = arith.select %lt3A_923, %select_n3A_931, %select_n3A_886 : vector<256x128xi1>, vector<256x128xi32>
    %select_n3A_933 = arith.select %lt3A_921, %select_n3A_892, %add3A_916 : vector<256x128xi1>, vector<256x128xf32>
    %select_n3A_934 = arith.select %lt3A_922, %select_n3A_933, %select_n3A_888 : vector<256x128xi1>, vector<256x128xf32>
    %select_n3A_935 = arith.select %lt3A_921, %select_n3A_894, %add3A_919 : vector<256x128xi1>, vector<256x128xi32>
    %select_n3A_936 = arith.select %lt3A_922, %select_n3A_935, %select_n3A_890 : vector<256x128xi1>, vector<256x128xi32>
    %select_n3A_937 = arith.select %lt3A_920, %select_n3A_895, %add3A_916 : vector<256x128xi1>, vector<256x128xf32>
    %select_n3A_938 = arith.select %lt3A_921, %select_n3A_937, %select_n3A_892 : vector<256x128xi1>, vector<256x128xf32>
    %select_n3A_939 = arith.select %lt3A_920, %select_n3A_896, %add3A_919 : vector<256x128xi1>, vector<256x128xi32>
    %select_n3A_940 = arith.select %lt3A_921, %select_n3A_939, %select_n3A_894 : vector<256x128xi1>, vector<256x128xi32>
    %select_n3A_941 = arith.select %lt3A_920, %add3A_916, %select_n3A_895 : vector<256x128xi1>, vector<256x128xf32>
    %select_n3A_942 = arith.select %lt3A_920, %add3A_919, %select_n3A_896 : vector<256x128xi1>, vector<256x128xi32>
    %slice3A_943 = vector.extract_strided_slice %get3A_3 {offsets = [0, 2560], sizes = [1, 128], strides = [1, 1]} : vector<3x4096xf32> to vector<1x128xf32>
    %slice3A_944 = vector.extract_strided_slice %get3A_8 {offsets = [0, 0], sizes = [256, 1], strides = [1, 1]} : vector<256x3xf32> to vector<256x1xf32>
    %sub3A_945 = vector.broadcast %slice3A_944 : vector<256x1xf32> to vector<256x128xf32>
    %sub3A_946 = vector.broadcast %slice3A_943 : vector<1x128xf32> to vector<256x128xf32>
    %sub3A_947 = arith.subf %sub3A_945, %sub3A_946 : vector<256x128xf32>
    %mul3A_948 = arith.mulf %sub3A_947, %sub3A_947 : vector<256x128xf32>
    %slice3A_949 = vector.extract_strided_slice %get3A_3 {offsets = [1, 2560], sizes = [1, 128], strides = [1, 1]} : vector<3x4096xf32> to vector<1x128xf32>
    %slice3A_950 = vector.extract_strided_slice %get3A_8 {offsets = [0, 1], sizes = [256, 1], strides = [1, 1]} : vector<256x3xf32> to vector<256x1xf32>
    %sub3A_951 = vector.broadcast %slice3A_950 : vector<256x1xf32> to vector<256x128xf32>
    %sub3A_952 = vector.broadcast %slice3A_949 : vector<1x128xf32> to vector<256x128xf32>
    %sub3A_953 = arith.subf %sub3A_951, %sub3A_952 : vector<256x128xf32>
    %mul3A_954 = arith.mulf %sub3A_953, %sub3A_953 : vector<256x128xf32>
    %add3A_955 = arith.addf %mul3A_948, %mul3A_954 : vector<256x128xf32>
    %slice3A_956 = vector.extract_strided_slice %get3A_3 {offsets = [2, 2560], sizes = [1, 128], strides = [1, 1]} : vector<3x4096xf32> to vector<1x128xf32>
    %slice3A_957 = vector.extract_strided_slice %get3A_8 {offsets = [0, 2], sizes = [256, 1], strides = [1, 1]} : vector<256x3xf32> to vector<256x1xf32>
    %sub3A_958 = vector.broadcast %slice3A_957 : vector<256x1xf32> to vector<256x128xf32>
    %sub3A_959 = vector.broadcast %slice3A_956 : vector<1x128xf32> to vector<256x128xf32>
    %sub3A_960 = arith.subf %sub3A_958, %sub3A_959 : vector<256x128xf32>
    %mul3A_961 = arith.mulf %sub3A_960, %sub3A_960 : vector<256x128xf32>
    %add3A_962 = arith.addf %add3A_955, %mul3A_961 : vector<256x128xf32>
    %add3A_963 = arith.constant 2560 : i32
    %add3A_964 = vector.broadcast %add3A_963 : i32 to vector<256x128xi32>
    %add3A_965 = arith.addi %iota3A, %add3A_964 : vector<256x128xi32>
    %lt3A_966 = arith.cmpf olt, %add3A_962, %select_n3A_941 : vector<256x128xf32>
    %lt3A_967 = arith.cmpf olt, %add3A_962, %select_n3A_938 : vector<256x128xf32>
    %lt3A_968 = arith.cmpf olt, %add3A_962, %select_n3A_934 : vector<256x128xf32>
    %lt3A_969 = arith.cmpf olt, %add3A_962, %select_n3A_930 : vector<256x128xf32>
    %lt3A_970 = arith.cmpf olt, %add3A_962, %select_n3A_926 : vector<256x128xf32>
    %select_n3A_971 = arith.select %lt3A_969, %select_n3A_930, %add3A_962 : vector<256x128xi1>, vector<256x128xf32>
    %select_n3A_972 = arith.select %lt3A_970, %select_n3A_971, %select_n3A_926 : vector<256x128xi1>, vector<256x128xf32>
    %select_n3A_973 = arith.select %lt3A_969, %select_n3A_932, %add3A_965 : vector<256x128xi1>, vector<256x128xi32>
    %select_n3A_974 = arith.select %lt3A_970, %select_n3A_973, %select_n3A_928 : vector<256x128xi1>, vector<256x128xi32>
    %select_n3A_975 = arith.select %lt3A_968, %select_n3A_934, %add3A_962 : vector<256x128xi1>, vector<256x128xf32>
    %select_n3A_976 = arith.select %lt3A_969, %select_n3A_975, %select_n3A_930 : vector<256x128xi1>, vector<256x128xf32>
    %select_n3A_977 = arith.select %lt3A_968, %select_n3A_936, %add3A_965 : vector<256x128xi1>, vector<256x128xi32>
    %select_n3A_978 = arith.select %lt3A_969, %select_n3A_977, %select_n3A_932 : vector<256x128xi1>, vector<256x128xi32>
    %select_n3A_979 = arith.select %lt3A_967, %select_n3A_938, %add3A_962 : vector<256x128xi1>, vector<256x128xf32>
    %select_n3A_980 = arith.select %lt3A_968, %select_n3A_979, %select_n3A_934 : vector<256x128xi1>, vector<256x128xf32>
    %select_n3A_981 = arith.select %lt3A_967, %select_n3A_940, %add3A_965 : vector<256x128xi1>, vector<256x128xi32>
    %select_n3A_982 = arith.select %lt3A_968, %select_n3A_981, %select_n3A_936 : vector<256x128xi1>, vector<256x128xi32>
    %select_n3A_983 = arith.select %lt3A_966, %select_n3A_941, %add3A_962 : vector<256x128xi1>, vector<256x128xf32>
    %select_n3A_984 = arith.select %lt3A_967, %select_n3A_983, %select_n3A_938 : vector<256x128xi1>, vector<256x128xf32>
    %select_n3A_985 = arith.select %lt3A_966, %select_n3A_942, %add3A_965 : vector<256x128xi1>, vector<256x128xi32>
    %select_n3A_986 = arith.select %lt3A_967, %select_n3A_985, %select_n3A_940 : vector<256x128xi1>, vector<256x128xi32>
    %select_n3A_987 = arith.select %lt3A_966, %add3A_962, %select_n3A_941 : vector<256x128xi1>, vector<256x128xf32>
    %select_n3A_988 = arith.select %lt3A_966, %add3A_965, %select_n3A_942 : vector<256x128xi1>, vector<256x128xi32>
    %slice3A_989 = vector.extract_strided_slice %get3A_3 {offsets = [0, 2688], sizes = [1, 128], strides = [1, 1]} : vector<3x4096xf32> to vector<1x128xf32>
    %slice3A_990 = vector.extract_strided_slice %get3A_8 {offsets = [0, 0], sizes = [256, 1], strides = [1, 1]} : vector<256x3xf32> to vector<256x1xf32>
    %sub3A_991 = vector.broadcast %slice3A_990 : vector<256x1xf32> to vector<256x128xf32>
    %sub3A_992 = vector.broadcast %slice3A_989 : vector<1x128xf32> to vector<256x128xf32>
    %sub3A_993 = arith.subf %sub3A_991, %sub3A_992 : vector<256x128xf32>
    %mul3A_994 = arith.mulf %sub3A_993, %sub3A_993 : vector<256x128xf32>
    %slice3A_995 = vector.extract_strided_slice %get3A_3 {offsets = [1, 2688], sizes = [1, 128], strides = [1, 1]} : vector<3x4096xf32> to vector<1x128xf32>
    %slice3A_996 = vector.extract_strided_slice %get3A_8 {offsets = [0, 1], sizes = [256, 1], strides = [1, 1]} : vector<256x3xf32> to vector<256x1xf32>
    %sub3A_997 = vector.broadcast %slice3A_996 : vector<256x1xf32> to vector<256x128xf32>
    %sub3A_998 = vector.broadcast %slice3A_995 : vector<1x128xf32> to vector<256x128xf32>
    %sub3A_999 = arith.subf %sub3A_997, %sub3A_998 : vector<256x128xf32>
    %mul3A_1000 = arith.mulf %sub3A_999, %sub3A_999 : vector<256x128xf32>
    %add3A_1001 = arith.addf %mul3A_994, %mul3A_1000 : vector<256x128xf32>
    %slice3A_1002 = vector.extract_strided_slice %get3A_3 {offsets = [2, 2688], sizes = [1, 128], strides = [1, 1]} : vector<3x4096xf32> to vector<1x128xf32>
    %slice3A_1003 = vector.extract_strided_slice %get3A_8 {offsets = [0, 2], sizes = [256, 1], strides = [1, 1]} : vector<256x3xf32> to vector<256x1xf32>
    %sub3A_1004 = vector.broadcast %slice3A_1003 : vector<256x1xf32> to vector<256x128xf32>
    %sub3A_1005 = vector.broadcast %slice3A_1002 : vector<1x128xf32> to vector<256x128xf32>
    %sub3A_1006 = arith.subf %sub3A_1004, %sub3A_1005 : vector<256x128xf32>
    %mul3A_1007 = arith.mulf %sub3A_1006, %sub3A_1006 : vector<256x128xf32>
    %add3A_1008 = arith.addf %add3A_1001, %mul3A_1007 : vector<256x128xf32>
    %add3A_1009 = arith.constant 2688 : i32
    %add3A_1010 = vector.broadcast %add3A_1009 : i32 to vector<256x128xi32>
    %add3A_1011 = arith.addi %iota3A, %add3A_1010 : vector<256x128xi32>
    %lt3A_1012 = arith.cmpf olt, %add3A_1008, %select_n3A_987 : vector<256x128xf32>
    %lt3A_1013 = arith.cmpf olt, %add3A_1008, %select_n3A_984 : vector<256x128xf32>
    %lt3A_1014 = arith.cmpf olt, %add3A_1008, %select_n3A_980 : vector<256x128xf32>
    %lt3A_1015 = arith.cmpf olt, %add3A_1008, %select_n3A_976 : vector<256x128xf32>
    %lt3A_1016 = arith.cmpf olt, %add3A_1008, %select_n3A_972 : vector<256x128xf32>
    %select_n3A_1017 = arith.select %lt3A_1015, %select_n3A_976, %add3A_1008 : vector<256x128xi1>, vector<256x128xf32>
    %select_n3A_1018 = arith.select %lt3A_1016, %select_n3A_1017, %select_n3A_972 : vector<256x128xi1>, vector<256x128xf32>
    %select_n3A_1019 = arith.select %lt3A_1015, %select_n3A_978, %add3A_1011 : vector<256x128xi1>, vector<256x128xi32>
    %select_n3A_1020 = arith.select %lt3A_1016, %select_n3A_1019, %select_n3A_974 : vector<256x128xi1>, vector<256x128xi32>
    %select_n3A_1021 = arith.select %lt3A_1014, %select_n3A_980, %add3A_1008 : vector<256x128xi1>, vector<256x128xf32>
    %select_n3A_1022 = arith.select %lt3A_1015, %select_n3A_1021, %select_n3A_976 : vector<256x128xi1>, vector<256x128xf32>
    %select_n3A_1023 = arith.select %lt3A_1014, %select_n3A_982, %add3A_1011 : vector<256x128xi1>, vector<256x128xi32>
    %select_n3A_1024 = arith.select %lt3A_1015, %select_n3A_1023, %select_n3A_978 : vector<256x128xi1>, vector<256x128xi32>
    %select_n3A_1025 = arith.select %lt3A_1013, %select_n3A_984, %add3A_1008 : vector<256x128xi1>, vector<256x128xf32>
    %select_n3A_1026 = arith.select %lt3A_1014, %select_n3A_1025, %select_n3A_980 : vector<256x128xi1>, vector<256x128xf32>
    %select_n3A_1027 = arith.select %lt3A_1013, %select_n3A_986, %add3A_1011 : vector<256x128xi1>, vector<256x128xi32>
    %select_n3A_1028 = arith.select %lt3A_1014, %select_n3A_1027, %select_n3A_982 : vector<256x128xi1>, vector<256x128xi32>
    %select_n3A_1029 = arith.select %lt3A_1012, %select_n3A_987, %add3A_1008 : vector<256x128xi1>, vector<256x128xf32>
    %select_n3A_1030 = arith.select %lt3A_1013, %select_n3A_1029, %select_n3A_984 : vector<256x128xi1>, vector<256x128xf32>
    %select_n3A_1031 = arith.select %lt3A_1012, %select_n3A_988, %add3A_1011 : vector<256x128xi1>, vector<256x128xi32>
    %select_n3A_1032 = arith.select %lt3A_1013, %select_n3A_1031, %select_n3A_986 : vector<256x128xi1>, vector<256x128xi32>
    %select_n3A_1033 = arith.select %lt3A_1012, %add3A_1008, %select_n3A_987 : vector<256x128xi1>, vector<256x128xf32>
    %select_n3A_1034 = arith.select %lt3A_1012, %add3A_1011, %select_n3A_988 : vector<256x128xi1>, vector<256x128xi32>
    %slice3A_1035 = vector.extract_strided_slice %get3A_3 {offsets = [0, 2816], sizes = [1, 128], strides = [1, 1]} : vector<3x4096xf32> to vector<1x128xf32>
    %slice3A_1036 = vector.extract_strided_slice %get3A_8 {offsets = [0, 0], sizes = [256, 1], strides = [1, 1]} : vector<256x3xf32> to vector<256x1xf32>
    %sub3A_1037 = vector.broadcast %slice3A_1036 : vector<256x1xf32> to vector<256x128xf32>
    %sub3A_1038 = vector.broadcast %slice3A_1035 : vector<1x128xf32> to vector<256x128xf32>
    %sub3A_1039 = arith.subf %sub3A_1037, %sub3A_1038 : vector<256x128xf32>
    %mul3A_1040 = arith.mulf %sub3A_1039, %sub3A_1039 : vector<256x128xf32>
    %slice3A_1041 = vector.extract_strided_slice %get3A_3 {offsets = [1, 2816], sizes = [1, 128], strides = [1, 1]} : vector<3x4096xf32> to vector<1x128xf32>
    %slice3A_1042 = vector.extract_strided_slice %get3A_8 {offsets = [0, 1], sizes = [256, 1], strides = [1, 1]} : vector<256x3xf32> to vector<256x1xf32>
    %sub3A_1043 = vector.broadcast %slice3A_1042 : vector<256x1xf32> to vector<256x128xf32>
    %sub3A_1044 = vector.broadcast %slice3A_1041 : vector<1x128xf32> to vector<256x128xf32>
    %sub3A_1045 = arith.subf %sub3A_1043, %sub3A_1044 : vector<256x128xf32>
    %mul3A_1046 = arith.mulf %sub3A_1045, %sub3A_1045 : vector<256x128xf32>
    %add3A_1047 = arith.addf %mul3A_1040, %mul3A_1046 : vector<256x128xf32>
    %slice3A_1048 = vector.extract_strided_slice %get3A_3 {offsets = [2, 2816], sizes = [1, 128], strides = [1, 1]} : vector<3x4096xf32> to vector<1x128xf32>
    %slice3A_1049 = vector.extract_strided_slice %get3A_8 {offsets = [0, 2], sizes = [256, 1], strides = [1, 1]} : vector<256x3xf32> to vector<256x1xf32>
    %sub3A_1050 = vector.broadcast %slice3A_1049 : vector<256x1xf32> to vector<256x128xf32>
    %sub3A_1051 = vector.broadcast %slice3A_1048 : vector<1x128xf32> to vector<256x128xf32>
    %sub3A_1052 = arith.subf %sub3A_1050, %sub3A_1051 : vector<256x128xf32>
    %mul3A_1053 = arith.mulf %sub3A_1052, %sub3A_1052 : vector<256x128xf32>
    %add3A_1054 = arith.addf %add3A_1047, %mul3A_1053 : vector<256x128xf32>
    %add3A_1055 = arith.constant 2816 : i32
    %add3A_1056 = vector.broadcast %add3A_1055 : i32 to vector<256x128xi32>
    %add3A_1057 = arith.addi %iota3A, %add3A_1056 : vector<256x128xi32>
    %lt3A_1058 = arith.cmpf olt, %add3A_1054, %select_n3A_1033 : vector<256x128xf32>
    %lt3A_1059 = arith.cmpf olt, %add3A_1054, %select_n3A_1030 : vector<256x128xf32>
    %lt3A_1060 = arith.cmpf olt, %add3A_1054, %select_n3A_1026 : vector<256x128xf32>
    %lt3A_1061 = arith.cmpf olt, %add3A_1054, %select_n3A_1022 : vector<256x128xf32>
    %lt3A_1062 = arith.cmpf olt, %add3A_1054, %select_n3A_1018 : vector<256x128xf32>
    %select_n3A_1063 = arith.select %lt3A_1061, %select_n3A_1022, %add3A_1054 : vector<256x128xi1>, vector<256x128xf32>
    %select_n3A_1064 = arith.select %lt3A_1062, %select_n3A_1063, %select_n3A_1018 : vector<256x128xi1>, vector<256x128xf32>
    %select_n3A_1065 = arith.select %lt3A_1061, %select_n3A_1024, %add3A_1057 : vector<256x128xi1>, vector<256x128xi32>
    %select_n3A_1066 = arith.select %lt3A_1062, %select_n3A_1065, %select_n3A_1020 : vector<256x128xi1>, vector<256x128xi32>
    %select_n3A_1067 = arith.select %lt3A_1060, %select_n3A_1026, %add3A_1054 : vector<256x128xi1>, vector<256x128xf32>
    %select_n3A_1068 = arith.select %lt3A_1061, %select_n3A_1067, %select_n3A_1022 : vector<256x128xi1>, vector<256x128xf32>
    %select_n3A_1069 = arith.select %lt3A_1060, %select_n3A_1028, %add3A_1057 : vector<256x128xi1>, vector<256x128xi32>
    %select_n3A_1070 = arith.select %lt3A_1061, %select_n3A_1069, %select_n3A_1024 : vector<256x128xi1>, vector<256x128xi32>
    %select_n3A_1071 = arith.select %lt3A_1059, %select_n3A_1030, %add3A_1054 : vector<256x128xi1>, vector<256x128xf32>
    %select_n3A_1072 = arith.select %lt3A_1060, %select_n3A_1071, %select_n3A_1026 : vector<256x128xi1>, vector<256x128xf32>
    %select_n3A_1073 = arith.select %lt3A_1059, %select_n3A_1032, %add3A_1057 : vector<256x128xi1>, vector<256x128xi32>
    %select_n3A_1074 = arith.select %lt3A_1060, %select_n3A_1073, %select_n3A_1028 : vector<256x128xi1>, vector<256x128xi32>
    %select_n3A_1075 = arith.select %lt3A_1058, %select_n3A_1033, %add3A_1054 : vector<256x128xi1>, vector<256x128xf32>
    %select_n3A_1076 = arith.select %lt3A_1059, %select_n3A_1075, %select_n3A_1030 : vector<256x128xi1>, vector<256x128xf32>
    %select_n3A_1077 = arith.select %lt3A_1058, %select_n3A_1034, %add3A_1057 : vector<256x128xi1>, vector<256x128xi32>
    %select_n3A_1078 = arith.select %lt3A_1059, %select_n3A_1077, %select_n3A_1032 : vector<256x128xi1>, vector<256x128xi32>
    %select_n3A_1079 = arith.select %lt3A_1058, %add3A_1054, %select_n3A_1033 : vector<256x128xi1>, vector<256x128xf32>
    %select_n3A_1080 = arith.select %lt3A_1058, %add3A_1057, %select_n3A_1034 : vector<256x128xi1>, vector<256x128xi32>
    %slice3A_1081 = vector.extract_strided_slice %get3A_3 {offsets = [0, 2944], sizes = [1, 128], strides = [1, 1]} : vector<3x4096xf32> to vector<1x128xf32>
    %slice3A_1082 = vector.extract_strided_slice %get3A_8 {offsets = [0, 0], sizes = [256, 1], strides = [1, 1]} : vector<256x3xf32> to vector<256x1xf32>
    %sub3A_1083 = vector.broadcast %slice3A_1082 : vector<256x1xf32> to vector<256x128xf32>
    %sub3A_1084 = vector.broadcast %slice3A_1081 : vector<1x128xf32> to vector<256x128xf32>
    %sub3A_1085 = arith.subf %sub3A_1083, %sub3A_1084 : vector<256x128xf32>
    %mul3A_1086 = arith.mulf %sub3A_1085, %sub3A_1085 : vector<256x128xf32>
    %slice3A_1087 = vector.extract_strided_slice %get3A_3 {offsets = [1, 2944], sizes = [1, 128], strides = [1, 1]} : vector<3x4096xf32> to vector<1x128xf32>
    %slice3A_1088 = vector.extract_strided_slice %get3A_8 {offsets = [0, 1], sizes = [256, 1], strides = [1, 1]} : vector<256x3xf32> to vector<256x1xf32>
    %sub3A_1089 = vector.broadcast %slice3A_1088 : vector<256x1xf32> to vector<256x128xf32>
    %sub3A_1090 = vector.broadcast %slice3A_1087 : vector<1x128xf32> to vector<256x128xf32>
    %sub3A_1091 = arith.subf %sub3A_1089, %sub3A_1090 : vector<256x128xf32>
    %mul3A_1092 = arith.mulf %sub3A_1091, %sub3A_1091 : vector<256x128xf32>
    %add3A_1093 = arith.addf %mul3A_1086, %mul3A_1092 : vector<256x128xf32>
    %slice3A_1094 = vector.extract_strided_slice %get3A_3 {offsets = [2, 2944], sizes = [1, 128], strides = [1, 1]} : vector<3x4096xf32> to vector<1x128xf32>
    %slice3A_1095 = vector.extract_strided_slice %get3A_8 {offsets = [0, 2], sizes = [256, 1], strides = [1, 1]} : vector<256x3xf32> to vector<256x1xf32>
    %sub3A_1096 = vector.broadcast %slice3A_1095 : vector<256x1xf32> to vector<256x128xf32>
    %sub3A_1097 = vector.broadcast %slice3A_1094 : vector<1x128xf32> to vector<256x128xf32>
    %sub3A_1098 = arith.subf %sub3A_1096, %sub3A_1097 : vector<256x128xf32>
    %mul3A_1099 = arith.mulf %sub3A_1098, %sub3A_1098 : vector<256x128xf32>
    %add3A_1100 = arith.addf %add3A_1093, %mul3A_1099 : vector<256x128xf32>
    %add3A_1101 = arith.constant 2944 : i32
    %add3A_1102 = vector.broadcast %add3A_1101 : i32 to vector<256x128xi32>
    %add3A_1103 = arith.addi %iota3A, %add3A_1102 : vector<256x128xi32>
    %lt3A_1104 = arith.cmpf olt, %add3A_1100, %select_n3A_1079 : vector<256x128xf32>
    %lt3A_1105 = arith.cmpf olt, %add3A_1100, %select_n3A_1076 : vector<256x128xf32>
    %lt3A_1106 = arith.cmpf olt, %add3A_1100, %select_n3A_1072 : vector<256x128xf32>
    %lt3A_1107 = arith.cmpf olt, %add3A_1100, %select_n3A_1068 : vector<256x128xf32>
    %lt3A_1108 = arith.cmpf olt, %add3A_1100, %select_n3A_1064 : vector<256x128xf32>
    %select_n3A_1109 = arith.select %lt3A_1107, %select_n3A_1068, %add3A_1100 : vector<256x128xi1>, vector<256x128xf32>
    %select_n3A_1110 = arith.select %lt3A_1108, %select_n3A_1109, %select_n3A_1064 : vector<256x128xi1>, vector<256x128xf32>
    %select_n3A_1111 = arith.select %lt3A_1107, %select_n3A_1070, %add3A_1103 : vector<256x128xi1>, vector<256x128xi32>
    %select_n3A_1112 = arith.select %lt3A_1108, %select_n3A_1111, %select_n3A_1066 : vector<256x128xi1>, vector<256x128xi32>
    %select_n3A_1113 = arith.select %lt3A_1106, %select_n3A_1072, %add3A_1100 : vector<256x128xi1>, vector<256x128xf32>
    %select_n3A_1114 = arith.select %lt3A_1107, %select_n3A_1113, %select_n3A_1068 : vector<256x128xi1>, vector<256x128xf32>
    %select_n3A_1115 = arith.select %lt3A_1106, %select_n3A_1074, %add3A_1103 : vector<256x128xi1>, vector<256x128xi32>
    %select_n3A_1116 = arith.select %lt3A_1107, %select_n3A_1115, %select_n3A_1070 : vector<256x128xi1>, vector<256x128xi32>
    %select_n3A_1117 = arith.select %lt3A_1105, %select_n3A_1076, %add3A_1100 : vector<256x128xi1>, vector<256x128xf32>
    %select_n3A_1118 = arith.select %lt3A_1106, %select_n3A_1117, %select_n3A_1072 : vector<256x128xi1>, vector<256x128xf32>
    %select_n3A_1119 = arith.select %lt3A_1105, %select_n3A_1078, %add3A_1103 : vector<256x128xi1>, vector<256x128xi32>
    %select_n3A_1120 = arith.select %lt3A_1106, %select_n3A_1119, %select_n3A_1074 : vector<256x128xi1>, vector<256x128xi32>
    %select_n3A_1121 = arith.select %lt3A_1104, %select_n3A_1079, %add3A_1100 : vector<256x128xi1>, vector<256x128xf32>
    %select_n3A_1122 = arith.select %lt3A_1105, %select_n3A_1121, %select_n3A_1076 : vector<256x128xi1>, vector<256x128xf32>
    %select_n3A_1123 = arith.select %lt3A_1104, %select_n3A_1080, %add3A_1103 : vector<256x128xi1>, vector<256x128xi32>
    %select_n3A_1124 = arith.select %lt3A_1105, %select_n3A_1123, %select_n3A_1078 : vector<256x128xi1>, vector<256x128xi32>
    %select_n3A_1125 = arith.select %lt3A_1104, %add3A_1100, %select_n3A_1079 : vector<256x128xi1>, vector<256x128xf32>
    %select_n3A_1126 = arith.select %lt3A_1104, %add3A_1103, %select_n3A_1080 : vector<256x128xi1>, vector<256x128xi32>
    %slice3A_1127 = vector.extract_strided_slice %get3A_3 {offsets = [0, 3072], sizes = [1, 128], strides = [1, 1]} : vector<3x4096xf32> to vector<1x128xf32>
    %slice3A_1128 = vector.extract_strided_slice %get3A_8 {offsets = [0, 0], sizes = [256, 1], strides = [1, 1]} : vector<256x3xf32> to vector<256x1xf32>
    %sub3A_1129 = vector.broadcast %slice3A_1128 : vector<256x1xf32> to vector<256x128xf32>
    %sub3A_1130 = vector.broadcast %slice3A_1127 : vector<1x128xf32> to vector<256x128xf32>
    %sub3A_1131 = arith.subf %sub3A_1129, %sub3A_1130 : vector<256x128xf32>
    %mul3A_1132 = arith.mulf %sub3A_1131, %sub3A_1131 : vector<256x128xf32>
    %slice3A_1133 = vector.extract_strided_slice %get3A_3 {offsets = [1, 3072], sizes = [1, 128], strides = [1, 1]} : vector<3x4096xf32> to vector<1x128xf32>
    %slice3A_1134 = vector.extract_strided_slice %get3A_8 {offsets = [0, 1], sizes = [256, 1], strides = [1, 1]} : vector<256x3xf32> to vector<256x1xf32>
    %sub3A_1135 = vector.broadcast %slice3A_1134 : vector<256x1xf32> to vector<256x128xf32>
    %sub3A_1136 = vector.broadcast %slice3A_1133 : vector<1x128xf32> to vector<256x128xf32>
    %sub3A_1137 = arith.subf %sub3A_1135, %sub3A_1136 : vector<256x128xf32>
    %mul3A_1138 = arith.mulf %sub3A_1137, %sub3A_1137 : vector<256x128xf32>
    %add3A_1139 = arith.addf %mul3A_1132, %mul3A_1138 : vector<256x128xf32>
    %slice3A_1140 = vector.extract_strided_slice %get3A_3 {offsets = [2, 3072], sizes = [1, 128], strides = [1, 1]} : vector<3x4096xf32> to vector<1x128xf32>
    %slice3A_1141 = vector.extract_strided_slice %get3A_8 {offsets = [0, 2], sizes = [256, 1], strides = [1, 1]} : vector<256x3xf32> to vector<256x1xf32>
    %sub3A_1142 = vector.broadcast %slice3A_1141 : vector<256x1xf32> to vector<256x128xf32>
    %sub3A_1143 = vector.broadcast %slice3A_1140 : vector<1x128xf32> to vector<256x128xf32>
    %sub3A_1144 = arith.subf %sub3A_1142, %sub3A_1143 : vector<256x128xf32>
    %mul3A_1145 = arith.mulf %sub3A_1144, %sub3A_1144 : vector<256x128xf32>
    %add3A_1146 = arith.addf %add3A_1139, %mul3A_1145 : vector<256x128xf32>
    %add3A_1147 = arith.constant 3072 : i32
    %add3A_1148 = vector.broadcast %add3A_1147 : i32 to vector<256x128xi32>
    %add3A_1149 = arith.addi %iota3A, %add3A_1148 : vector<256x128xi32>
    %lt3A_1150 = arith.cmpf olt, %add3A_1146, %select_n3A_1125 : vector<256x128xf32>
    %lt3A_1151 = arith.cmpf olt, %add3A_1146, %select_n3A_1122 : vector<256x128xf32>
    %lt3A_1152 = arith.cmpf olt, %add3A_1146, %select_n3A_1118 : vector<256x128xf32>
    %lt3A_1153 = arith.cmpf olt, %add3A_1146, %select_n3A_1114 : vector<256x128xf32>
    %lt3A_1154 = arith.cmpf olt, %add3A_1146, %select_n3A_1110 : vector<256x128xf32>
    %select_n3A_1155 = arith.select %lt3A_1153, %select_n3A_1114, %add3A_1146 : vector<256x128xi1>, vector<256x128xf32>
    %select_n3A_1156 = arith.select %lt3A_1154, %select_n3A_1155, %select_n3A_1110 : vector<256x128xi1>, vector<256x128xf32>
    %select_n3A_1157 = arith.select %lt3A_1153, %select_n3A_1116, %add3A_1149 : vector<256x128xi1>, vector<256x128xi32>
    %select_n3A_1158 = arith.select %lt3A_1154, %select_n3A_1157, %select_n3A_1112 : vector<256x128xi1>, vector<256x128xi32>
    %select_n3A_1159 = arith.select %lt3A_1152, %select_n3A_1118, %add3A_1146 : vector<256x128xi1>, vector<256x128xf32>
    %select_n3A_1160 = arith.select %lt3A_1153, %select_n3A_1159, %select_n3A_1114 : vector<256x128xi1>, vector<256x128xf32>
    %select_n3A_1161 = arith.select %lt3A_1152, %select_n3A_1120, %add3A_1149 : vector<256x128xi1>, vector<256x128xi32>
    %select_n3A_1162 = arith.select %lt3A_1153, %select_n3A_1161, %select_n3A_1116 : vector<256x128xi1>, vector<256x128xi32>
    %select_n3A_1163 = arith.select %lt3A_1151, %select_n3A_1122, %add3A_1146 : vector<256x128xi1>, vector<256x128xf32>
    %select_n3A_1164 = arith.select %lt3A_1152, %select_n3A_1163, %select_n3A_1118 : vector<256x128xi1>, vector<256x128xf32>
    %select_n3A_1165 = arith.select %lt3A_1151, %select_n3A_1124, %add3A_1149 : vector<256x128xi1>, vector<256x128xi32>
    %select_n3A_1166 = arith.select %lt3A_1152, %select_n3A_1165, %select_n3A_1120 : vector<256x128xi1>, vector<256x128xi32>
    %select_n3A_1167 = arith.select %lt3A_1150, %select_n3A_1125, %add3A_1146 : vector<256x128xi1>, vector<256x128xf32>
    %select_n3A_1168 = arith.select %lt3A_1151, %select_n3A_1167, %select_n3A_1122 : vector<256x128xi1>, vector<256x128xf32>
    %select_n3A_1169 = arith.select %lt3A_1150, %select_n3A_1126, %add3A_1149 : vector<256x128xi1>, vector<256x128xi32>
    %select_n3A_1170 = arith.select %lt3A_1151, %select_n3A_1169, %select_n3A_1124 : vector<256x128xi1>, vector<256x128xi32>
    %select_n3A_1171 = arith.select %lt3A_1150, %add3A_1146, %select_n3A_1125 : vector<256x128xi1>, vector<256x128xf32>
    %select_n3A_1172 = arith.select %lt3A_1150, %add3A_1149, %select_n3A_1126 : vector<256x128xi1>, vector<256x128xi32>
    %slice3A_1173 = vector.extract_strided_slice %get3A_3 {offsets = [0, 3200], sizes = [1, 128], strides = [1, 1]} : vector<3x4096xf32> to vector<1x128xf32>
    %slice3A_1174 = vector.extract_strided_slice %get3A_8 {offsets = [0, 0], sizes = [256, 1], strides = [1, 1]} : vector<256x3xf32> to vector<256x1xf32>
    %sub3A_1175 = vector.broadcast %slice3A_1174 : vector<256x1xf32> to vector<256x128xf32>
    %sub3A_1176 = vector.broadcast %slice3A_1173 : vector<1x128xf32> to vector<256x128xf32>
    %sub3A_1177 = arith.subf %sub3A_1175, %sub3A_1176 : vector<256x128xf32>
    %mul3A_1178 = arith.mulf %sub3A_1177, %sub3A_1177 : vector<256x128xf32>
    %slice3A_1179 = vector.extract_strided_slice %get3A_3 {offsets = [1, 3200], sizes = [1, 128], strides = [1, 1]} : vector<3x4096xf32> to vector<1x128xf32>
    %slice3A_1180 = vector.extract_strided_slice %get3A_8 {offsets = [0, 1], sizes = [256, 1], strides = [1, 1]} : vector<256x3xf32> to vector<256x1xf32>
    %sub3A_1181 = vector.broadcast %slice3A_1180 : vector<256x1xf32> to vector<256x128xf32>
    %sub3A_1182 = vector.broadcast %slice3A_1179 : vector<1x128xf32> to vector<256x128xf32>
    %sub3A_1183 = arith.subf %sub3A_1181, %sub3A_1182 : vector<256x128xf32>
    %mul3A_1184 = arith.mulf %sub3A_1183, %sub3A_1183 : vector<256x128xf32>
    %add3A_1185 = arith.addf %mul3A_1178, %mul3A_1184 : vector<256x128xf32>
    %slice3A_1186 = vector.extract_strided_slice %get3A_3 {offsets = [2, 3200], sizes = [1, 128], strides = [1, 1]} : vector<3x4096xf32> to vector<1x128xf32>
    %slice3A_1187 = vector.extract_strided_slice %get3A_8 {offsets = [0, 2], sizes = [256, 1], strides = [1, 1]} : vector<256x3xf32> to vector<256x1xf32>
    %sub3A_1188 = vector.broadcast %slice3A_1187 : vector<256x1xf32> to vector<256x128xf32>
    %sub3A_1189 = vector.broadcast %slice3A_1186 : vector<1x128xf32> to vector<256x128xf32>
    %sub3A_1190 = arith.subf %sub3A_1188, %sub3A_1189 : vector<256x128xf32>
    %mul3A_1191 = arith.mulf %sub3A_1190, %sub3A_1190 : vector<256x128xf32>
    %add3A_1192 = arith.addf %add3A_1185, %mul3A_1191 : vector<256x128xf32>
    %add3A_1193 = arith.constant 3200 : i32
    %add3A_1194 = vector.broadcast %add3A_1193 : i32 to vector<256x128xi32>
    %add3A_1195 = arith.addi %iota3A, %add3A_1194 : vector<256x128xi32>
    %lt3A_1196 = arith.cmpf olt, %add3A_1192, %select_n3A_1171 : vector<256x128xf32>
    %lt3A_1197 = arith.cmpf olt, %add3A_1192, %select_n3A_1168 : vector<256x128xf32>
    %lt3A_1198 = arith.cmpf olt, %add3A_1192, %select_n3A_1164 : vector<256x128xf32>
    %lt3A_1199 = arith.cmpf olt, %add3A_1192, %select_n3A_1160 : vector<256x128xf32>
    %lt3A_1200 = arith.cmpf olt, %add3A_1192, %select_n3A_1156 : vector<256x128xf32>
    %select_n3A_1201 = arith.select %lt3A_1199, %select_n3A_1160, %add3A_1192 : vector<256x128xi1>, vector<256x128xf32>
    %select_n3A_1202 = arith.select %lt3A_1200, %select_n3A_1201, %select_n3A_1156 : vector<256x128xi1>, vector<256x128xf32>
    %select_n3A_1203 = arith.select %lt3A_1199, %select_n3A_1162, %add3A_1195 : vector<256x128xi1>, vector<256x128xi32>
    %select_n3A_1204 = arith.select %lt3A_1200, %select_n3A_1203, %select_n3A_1158 : vector<256x128xi1>, vector<256x128xi32>
    %select_n3A_1205 = arith.select %lt3A_1198, %select_n3A_1164, %add3A_1192 : vector<256x128xi1>, vector<256x128xf32>
    %select_n3A_1206 = arith.select %lt3A_1199, %select_n3A_1205, %select_n3A_1160 : vector<256x128xi1>, vector<256x128xf32>
    %select_n3A_1207 = arith.select %lt3A_1198, %select_n3A_1166, %add3A_1195 : vector<256x128xi1>, vector<256x128xi32>
    %select_n3A_1208 = arith.select %lt3A_1199, %select_n3A_1207, %select_n3A_1162 : vector<256x128xi1>, vector<256x128xi32>
    %select_n3A_1209 = arith.select %lt3A_1197, %select_n3A_1168, %add3A_1192 : vector<256x128xi1>, vector<256x128xf32>
    %select_n3A_1210 = arith.select %lt3A_1198, %select_n3A_1209, %select_n3A_1164 : vector<256x128xi1>, vector<256x128xf32>
    %select_n3A_1211 = arith.select %lt3A_1197, %select_n3A_1170, %add3A_1195 : vector<256x128xi1>, vector<256x128xi32>
    %select_n3A_1212 = arith.select %lt3A_1198, %select_n3A_1211, %select_n3A_1166 : vector<256x128xi1>, vector<256x128xi32>
    %select_n3A_1213 = arith.select %lt3A_1196, %select_n3A_1171, %add3A_1192 : vector<256x128xi1>, vector<256x128xf32>
    %select_n3A_1214 = arith.select %lt3A_1197, %select_n3A_1213, %select_n3A_1168 : vector<256x128xi1>, vector<256x128xf32>
    %select_n3A_1215 = arith.select %lt3A_1196, %select_n3A_1172, %add3A_1195 : vector<256x128xi1>, vector<256x128xi32>
    %select_n3A_1216 = arith.select %lt3A_1197, %select_n3A_1215, %select_n3A_1170 : vector<256x128xi1>, vector<256x128xi32>
    %select_n3A_1217 = arith.select %lt3A_1196, %add3A_1192, %select_n3A_1171 : vector<256x128xi1>, vector<256x128xf32>
    %select_n3A_1218 = arith.select %lt3A_1196, %add3A_1195, %select_n3A_1172 : vector<256x128xi1>, vector<256x128xi32>
    %slice3A_1219 = vector.extract_strided_slice %get3A_3 {offsets = [0, 3328], sizes = [1, 128], strides = [1, 1]} : vector<3x4096xf32> to vector<1x128xf32>
    %slice3A_1220 = vector.extract_strided_slice %get3A_8 {offsets = [0, 0], sizes = [256, 1], strides = [1, 1]} : vector<256x3xf32> to vector<256x1xf32>
    %sub3A_1221 = vector.broadcast %slice3A_1220 : vector<256x1xf32> to vector<256x128xf32>
    %sub3A_1222 = vector.broadcast %slice3A_1219 : vector<1x128xf32> to vector<256x128xf32>
    %sub3A_1223 = arith.subf %sub3A_1221, %sub3A_1222 : vector<256x128xf32>
    %mul3A_1224 = arith.mulf %sub3A_1223, %sub3A_1223 : vector<256x128xf32>
    %slice3A_1225 = vector.extract_strided_slice %get3A_3 {offsets = [1, 3328], sizes = [1, 128], strides = [1, 1]} : vector<3x4096xf32> to vector<1x128xf32>
    %slice3A_1226 = vector.extract_strided_slice %get3A_8 {offsets = [0, 1], sizes = [256, 1], strides = [1, 1]} : vector<256x3xf32> to vector<256x1xf32>
    %sub3A_1227 = vector.broadcast %slice3A_1226 : vector<256x1xf32> to vector<256x128xf32>
    %sub3A_1228 = vector.broadcast %slice3A_1225 : vector<1x128xf32> to vector<256x128xf32>
    %sub3A_1229 = arith.subf %sub3A_1227, %sub3A_1228 : vector<256x128xf32>
    %mul3A_1230 = arith.mulf %sub3A_1229, %sub3A_1229 : vector<256x128xf32>
    %add3A_1231 = arith.addf %mul3A_1224, %mul3A_1230 : vector<256x128xf32>
    %slice3A_1232 = vector.extract_strided_slice %get3A_3 {offsets = [2, 3328], sizes = [1, 128], strides = [1, 1]} : vector<3x4096xf32> to vector<1x128xf32>
    %slice3A_1233 = vector.extract_strided_slice %get3A_8 {offsets = [0, 2], sizes = [256, 1], strides = [1, 1]} : vector<256x3xf32> to vector<256x1xf32>
    %sub3A_1234 = vector.broadcast %slice3A_1233 : vector<256x1xf32> to vector<256x128xf32>
    %sub3A_1235 = vector.broadcast %slice3A_1232 : vector<1x128xf32> to vector<256x128xf32>
    %sub3A_1236 = arith.subf %sub3A_1234, %sub3A_1235 : vector<256x128xf32>
    %mul3A_1237 = arith.mulf %sub3A_1236, %sub3A_1236 : vector<256x128xf32>
    %add3A_1238 = arith.addf %add3A_1231, %mul3A_1237 : vector<256x128xf32>
    %add3A_1239 = arith.constant 3328 : i32
    %add3A_1240 = vector.broadcast %add3A_1239 : i32 to vector<256x128xi32>
    %add3A_1241 = arith.addi %iota3A, %add3A_1240 : vector<256x128xi32>
    %lt3A_1242 = arith.cmpf olt, %add3A_1238, %select_n3A_1217 : vector<256x128xf32>
    %lt3A_1243 = arith.cmpf olt, %add3A_1238, %select_n3A_1214 : vector<256x128xf32>
    %lt3A_1244 = arith.cmpf olt, %add3A_1238, %select_n3A_1210 : vector<256x128xf32>
    %lt3A_1245 = arith.cmpf olt, %add3A_1238, %select_n3A_1206 : vector<256x128xf32>
    %lt3A_1246 = arith.cmpf olt, %add3A_1238, %select_n3A_1202 : vector<256x128xf32>
    %select_n3A_1247 = arith.select %lt3A_1245, %select_n3A_1206, %add3A_1238 : vector<256x128xi1>, vector<256x128xf32>
    %select_n3A_1248 = arith.select %lt3A_1246, %select_n3A_1247, %select_n3A_1202 : vector<256x128xi1>, vector<256x128xf32>
    %select_n3A_1249 = arith.select %lt3A_1245, %select_n3A_1208, %add3A_1241 : vector<256x128xi1>, vector<256x128xi32>
    %select_n3A_1250 = arith.select %lt3A_1246, %select_n3A_1249, %select_n3A_1204 : vector<256x128xi1>, vector<256x128xi32>
    %select_n3A_1251 = arith.select %lt3A_1244, %select_n3A_1210, %add3A_1238 : vector<256x128xi1>, vector<256x128xf32>
    %select_n3A_1252 = arith.select %lt3A_1245, %select_n3A_1251, %select_n3A_1206 : vector<256x128xi1>, vector<256x128xf32>
    %select_n3A_1253 = arith.select %lt3A_1244, %select_n3A_1212, %add3A_1241 : vector<256x128xi1>, vector<256x128xi32>
    %select_n3A_1254 = arith.select %lt3A_1245, %select_n3A_1253, %select_n3A_1208 : vector<256x128xi1>, vector<256x128xi32>
    %select_n3A_1255 = arith.select %lt3A_1243, %select_n3A_1214, %add3A_1238 : vector<256x128xi1>, vector<256x128xf32>
    %select_n3A_1256 = arith.select %lt3A_1244, %select_n3A_1255, %select_n3A_1210 : vector<256x128xi1>, vector<256x128xf32>
    %select_n3A_1257 = arith.select %lt3A_1243, %select_n3A_1216, %add3A_1241 : vector<256x128xi1>, vector<256x128xi32>
    %select_n3A_1258 = arith.select %lt3A_1244, %select_n3A_1257, %select_n3A_1212 : vector<256x128xi1>, vector<256x128xi32>
    %select_n3A_1259 = arith.select %lt3A_1242, %select_n3A_1217, %add3A_1238 : vector<256x128xi1>, vector<256x128xf32>
    %select_n3A_1260 = arith.select %lt3A_1243, %select_n3A_1259, %select_n3A_1214 : vector<256x128xi1>, vector<256x128xf32>
    %select_n3A_1261 = arith.select %lt3A_1242, %select_n3A_1218, %add3A_1241 : vector<256x128xi1>, vector<256x128xi32>
    %select_n3A_1262 = arith.select %lt3A_1243, %select_n3A_1261, %select_n3A_1216 : vector<256x128xi1>, vector<256x128xi32>
    %select_n3A_1263 = arith.select %lt3A_1242, %add3A_1238, %select_n3A_1217 : vector<256x128xi1>, vector<256x128xf32>
    %select_n3A_1264 = arith.select %lt3A_1242, %add3A_1241, %select_n3A_1218 : vector<256x128xi1>, vector<256x128xi32>
    %slice3A_1265 = vector.extract_strided_slice %get3A_3 {offsets = [0, 3456], sizes = [1, 128], strides = [1, 1]} : vector<3x4096xf32> to vector<1x128xf32>
    %slice3A_1266 = vector.extract_strided_slice %get3A_8 {offsets = [0, 0], sizes = [256, 1], strides = [1, 1]} : vector<256x3xf32> to vector<256x1xf32>
    %sub3A_1267 = vector.broadcast %slice3A_1266 : vector<256x1xf32> to vector<256x128xf32>
    %sub3A_1268 = vector.broadcast %slice3A_1265 : vector<1x128xf32> to vector<256x128xf32>
    %sub3A_1269 = arith.subf %sub3A_1267, %sub3A_1268 : vector<256x128xf32>
    %mul3A_1270 = arith.mulf %sub3A_1269, %sub3A_1269 : vector<256x128xf32>
    %slice3A_1271 = vector.extract_strided_slice %get3A_3 {offsets = [1, 3456], sizes = [1, 128], strides = [1, 1]} : vector<3x4096xf32> to vector<1x128xf32>
    %slice3A_1272 = vector.extract_strided_slice %get3A_8 {offsets = [0, 1], sizes = [256, 1], strides = [1, 1]} : vector<256x3xf32> to vector<256x1xf32>
    %sub3A_1273 = vector.broadcast %slice3A_1272 : vector<256x1xf32> to vector<256x128xf32>
    %sub3A_1274 = vector.broadcast %slice3A_1271 : vector<1x128xf32> to vector<256x128xf32>
    %sub3A_1275 = arith.subf %sub3A_1273, %sub3A_1274 : vector<256x128xf32>
    %mul3A_1276 = arith.mulf %sub3A_1275, %sub3A_1275 : vector<256x128xf32>
    %add3A_1277 = arith.addf %mul3A_1270, %mul3A_1276 : vector<256x128xf32>
    %slice3A_1278 = vector.extract_strided_slice %get3A_3 {offsets = [2, 3456], sizes = [1, 128], strides = [1, 1]} : vector<3x4096xf32> to vector<1x128xf32>
    %slice3A_1279 = vector.extract_strided_slice %get3A_8 {offsets = [0, 2], sizes = [256, 1], strides = [1, 1]} : vector<256x3xf32> to vector<256x1xf32>
    %sub3A_1280 = vector.broadcast %slice3A_1279 : vector<256x1xf32> to vector<256x128xf32>
    %sub3A_1281 = vector.broadcast %slice3A_1278 : vector<1x128xf32> to vector<256x128xf32>
    %sub3A_1282 = arith.subf %sub3A_1280, %sub3A_1281 : vector<256x128xf32>
    %mul3A_1283 = arith.mulf %sub3A_1282, %sub3A_1282 : vector<256x128xf32>
    %add3A_1284 = arith.addf %add3A_1277, %mul3A_1283 : vector<256x128xf32>
    %add3A_1285 = arith.constant 3456 : i32
    %add3A_1286 = vector.broadcast %add3A_1285 : i32 to vector<256x128xi32>
    %add3A_1287 = arith.addi %iota3A, %add3A_1286 : vector<256x128xi32>
    %lt3A_1288 = arith.cmpf olt, %add3A_1284, %select_n3A_1263 : vector<256x128xf32>
    %lt3A_1289 = arith.cmpf olt, %add3A_1284, %select_n3A_1260 : vector<256x128xf32>
    %lt3A_1290 = arith.cmpf olt, %add3A_1284, %select_n3A_1256 : vector<256x128xf32>
    %lt3A_1291 = arith.cmpf olt, %add3A_1284, %select_n3A_1252 : vector<256x128xf32>
    %lt3A_1292 = arith.cmpf olt, %add3A_1284, %select_n3A_1248 : vector<256x128xf32>
    %select_n3A_1293 = arith.select %lt3A_1291, %select_n3A_1252, %add3A_1284 : vector<256x128xi1>, vector<256x128xf32>
    %select_n3A_1294 = arith.select %lt3A_1292, %select_n3A_1293, %select_n3A_1248 : vector<256x128xi1>, vector<256x128xf32>
    %select_n3A_1295 = arith.select %lt3A_1291, %select_n3A_1254, %add3A_1287 : vector<256x128xi1>, vector<256x128xi32>
    %select_n3A_1296 = arith.select %lt3A_1292, %select_n3A_1295, %select_n3A_1250 : vector<256x128xi1>, vector<256x128xi32>
    %select_n3A_1297 = arith.select %lt3A_1290, %select_n3A_1256, %add3A_1284 : vector<256x128xi1>, vector<256x128xf32>
    %select_n3A_1298 = arith.select %lt3A_1291, %select_n3A_1297, %select_n3A_1252 : vector<256x128xi1>, vector<256x128xf32>
    %select_n3A_1299 = arith.select %lt3A_1290, %select_n3A_1258, %add3A_1287 : vector<256x128xi1>, vector<256x128xi32>
    %select_n3A_1300 = arith.select %lt3A_1291, %select_n3A_1299, %select_n3A_1254 : vector<256x128xi1>, vector<256x128xi32>
    %select_n3A_1301 = arith.select %lt3A_1289, %select_n3A_1260, %add3A_1284 : vector<256x128xi1>, vector<256x128xf32>
    %select_n3A_1302 = arith.select %lt3A_1290, %select_n3A_1301, %select_n3A_1256 : vector<256x128xi1>, vector<256x128xf32>
    %select_n3A_1303 = arith.select %lt3A_1289, %select_n3A_1262, %add3A_1287 : vector<256x128xi1>, vector<256x128xi32>
    %select_n3A_1304 = arith.select %lt3A_1290, %select_n3A_1303, %select_n3A_1258 : vector<256x128xi1>, vector<256x128xi32>
    %select_n3A_1305 = arith.select %lt3A_1288, %select_n3A_1263, %add3A_1284 : vector<256x128xi1>, vector<256x128xf32>
    %select_n3A_1306 = arith.select %lt3A_1289, %select_n3A_1305, %select_n3A_1260 : vector<256x128xi1>, vector<256x128xf32>
    %select_n3A_1307 = arith.select %lt3A_1288, %select_n3A_1264, %add3A_1287 : vector<256x128xi1>, vector<256x128xi32>
    %select_n3A_1308 = arith.select %lt3A_1289, %select_n3A_1307, %select_n3A_1262 : vector<256x128xi1>, vector<256x128xi32>
    %select_n3A_1309 = arith.select %lt3A_1288, %add3A_1284, %select_n3A_1263 : vector<256x128xi1>, vector<256x128xf32>
    %select_n3A_1310 = arith.select %lt3A_1288, %add3A_1287, %select_n3A_1264 : vector<256x128xi1>, vector<256x128xi32>
    %slice3A_1311 = vector.extract_strided_slice %get3A_3 {offsets = [0, 3584], sizes = [1, 128], strides = [1, 1]} : vector<3x4096xf32> to vector<1x128xf32>
    %slice3A_1312 = vector.extract_strided_slice %get3A_8 {offsets = [0, 0], sizes = [256, 1], strides = [1, 1]} : vector<256x3xf32> to vector<256x1xf32>
    %sub3A_1313 = vector.broadcast %slice3A_1312 : vector<256x1xf32> to vector<256x128xf32>
    %sub3A_1314 = vector.broadcast %slice3A_1311 : vector<1x128xf32> to vector<256x128xf32>
    %sub3A_1315 = arith.subf %sub3A_1313, %sub3A_1314 : vector<256x128xf32>
    %mul3A_1316 = arith.mulf %sub3A_1315, %sub3A_1315 : vector<256x128xf32>
    %slice3A_1317 = vector.extract_strided_slice %get3A_3 {offsets = [1, 3584], sizes = [1, 128], strides = [1, 1]} : vector<3x4096xf32> to vector<1x128xf32>
    %slice3A_1318 = vector.extract_strided_slice %get3A_8 {offsets = [0, 1], sizes = [256, 1], strides = [1, 1]} : vector<256x3xf32> to vector<256x1xf32>
    %sub3A_1319 = vector.broadcast %slice3A_1318 : vector<256x1xf32> to vector<256x128xf32>
    %sub3A_1320 = vector.broadcast %slice3A_1317 : vector<1x128xf32> to vector<256x128xf32>
    %sub3A_1321 = arith.subf %sub3A_1319, %sub3A_1320 : vector<256x128xf32>
    %mul3A_1322 = arith.mulf %sub3A_1321, %sub3A_1321 : vector<256x128xf32>
    %add3A_1323 = arith.addf %mul3A_1316, %mul3A_1322 : vector<256x128xf32>
    %slice3A_1324 = vector.extract_strided_slice %get3A_3 {offsets = [2, 3584], sizes = [1, 128], strides = [1, 1]} : vector<3x4096xf32> to vector<1x128xf32>
    %slice3A_1325 = vector.extract_strided_slice %get3A_8 {offsets = [0, 2], sizes = [256, 1], strides = [1, 1]} : vector<256x3xf32> to vector<256x1xf32>
    %sub3A_1326 = vector.broadcast %slice3A_1325 : vector<256x1xf32> to vector<256x128xf32>
    %sub3A_1327 = vector.broadcast %slice3A_1324 : vector<1x128xf32> to vector<256x128xf32>
    %sub3A_1328 = arith.subf %sub3A_1326, %sub3A_1327 : vector<256x128xf32>
    %mul3A_1329 = arith.mulf %sub3A_1328, %sub3A_1328 : vector<256x128xf32>
    %add3A_1330 = arith.addf %add3A_1323, %mul3A_1329 : vector<256x128xf32>
    %add3A_1331 = arith.constant 3584 : i32
    %add3A_1332 = vector.broadcast %add3A_1331 : i32 to vector<256x128xi32>
    %add3A_1333 = arith.addi %iota3A, %add3A_1332 : vector<256x128xi32>
    %lt3A_1334 = arith.cmpf olt, %add3A_1330, %select_n3A_1309 : vector<256x128xf32>
    %lt3A_1335 = arith.cmpf olt, %add3A_1330, %select_n3A_1306 : vector<256x128xf32>
    %lt3A_1336 = arith.cmpf olt, %add3A_1330, %select_n3A_1302 : vector<256x128xf32>
    %lt3A_1337 = arith.cmpf olt, %add3A_1330, %select_n3A_1298 : vector<256x128xf32>
    %lt3A_1338 = arith.cmpf olt, %add3A_1330, %select_n3A_1294 : vector<256x128xf32>
    %select_n3A_1339 = arith.select %lt3A_1337, %select_n3A_1298, %add3A_1330 : vector<256x128xi1>, vector<256x128xf32>
    %select_n3A_1340 = arith.select %lt3A_1338, %select_n3A_1339, %select_n3A_1294 : vector<256x128xi1>, vector<256x128xf32>
    %select_n3A_1341 = arith.select %lt3A_1337, %select_n3A_1300, %add3A_1333 : vector<256x128xi1>, vector<256x128xi32>
    %select_n3A_1342 = arith.select %lt3A_1338, %select_n3A_1341, %select_n3A_1296 : vector<256x128xi1>, vector<256x128xi32>
    %select_n3A_1343 = arith.select %lt3A_1336, %select_n3A_1302, %add3A_1330 : vector<256x128xi1>, vector<256x128xf32>
    %select_n3A_1344 = arith.select %lt3A_1337, %select_n3A_1343, %select_n3A_1298 : vector<256x128xi1>, vector<256x128xf32>
    %select_n3A_1345 = arith.select %lt3A_1336, %select_n3A_1304, %add3A_1333 : vector<256x128xi1>, vector<256x128xi32>
    %select_n3A_1346 = arith.select %lt3A_1337, %select_n3A_1345, %select_n3A_1300 : vector<256x128xi1>, vector<256x128xi32>
    %select_n3A_1347 = arith.select %lt3A_1335, %select_n3A_1306, %add3A_1330 : vector<256x128xi1>, vector<256x128xf32>
    %select_n3A_1348 = arith.select %lt3A_1336, %select_n3A_1347, %select_n3A_1302 : vector<256x128xi1>, vector<256x128xf32>
    %select_n3A_1349 = arith.select %lt3A_1335, %select_n3A_1308, %add3A_1333 : vector<256x128xi1>, vector<256x128xi32>
    %select_n3A_1350 = arith.select %lt3A_1336, %select_n3A_1349, %select_n3A_1304 : vector<256x128xi1>, vector<256x128xi32>
    %select_n3A_1351 = arith.select %lt3A_1334, %select_n3A_1309, %add3A_1330 : vector<256x128xi1>, vector<256x128xf32>
    %select_n3A_1352 = arith.select %lt3A_1335, %select_n3A_1351, %select_n3A_1306 : vector<256x128xi1>, vector<256x128xf32>
    %select_n3A_1353 = arith.select %lt3A_1334, %select_n3A_1310, %add3A_1333 : vector<256x128xi1>, vector<256x128xi32>
    %select_n3A_1354 = arith.select %lt3A_1335, %select_n3A_1353, %select_n3A_1308 : vector<256x128xi1>, vector<256x128xi32>
    %select_n3A_1355 = arith.select %lt3A_1334, %add3A_1330, %select_n3A_1309 : vector<256x128xi1>, vector<256x128xf32>
    %select_n3A_1356 = arith.select %lt3A_1334, %add3A_1333, %select_n3A_1310 : vector<256x128xi1>, vector<256x128xi32>
    %slice3A_1357 = vector.extract_strided_slice %get3A_3 {offsets = [0, 3712], sizes = [1, 128], strides = [1, 1]} : vector<3x4096xf32> to vector<1x128xf32>
    %slice3A_1358 = vector.extract_strided_slice %get3A_8 {offsets = [0, 0], sizes = [256, 1], strides = [1, 1]} : vector<256x3xf32> to vector<256x1xf32>
    %sub3A_1359 = vector.broadcast %slice3A_1358 : vector<256x1xf32> to vector<256x128xf32>
    %sub3A_1360 = vector.broadcast %slice3A_1357 : vector<1x128xf32> to vector<256x128xf32>
    %sub3A_1361 = arith.subf %sub3A_1359, %sub3A_1360 : vector<256x128xf32>
    %mul3A_1362 = arith.mulf %sub3A_1361, %sub3A_1361 : vector<256x128xf32>
    %slice3A_1363 = vector.extract_strided_slice %get3A_3 {offsets = [1, 3712], sizes = [1, 128], strides = [1, 1]} : vector<3x4096xf32> to vector<1x128xf32>
    %slice3A_1364 = vector.extract_strided_slice %get3A_8 {offsets = [0, 1], sizes = [256, 1], strides = [1, 1]} : vector<256x3xf32> to vector<256x1xf32>
    %sub3A_1365 = vector.broadcast %slice3A_1364 : vector<256x1xf32> to vector<256x128xf32>
    %sub3A_1366 = vector.broadcast %slice3A_1363 : vector<1x128xf32> to vector<256x128xf32>
    %sub3A_1367 = arith.subf %sub3A_1365, %sub3A_1366 : vector<256x128xf32>
    %mul3A_1368 = arith.mulf %sub3A_1367, %sub3A_1367 : vector<256x128xf32>
    %add3A_1369 = arith.addf %mul3A_1362, %mul3A_1368 : vector<256x128xf32>
    %slice3A_1370 = vector.extract_strided_slice %get3A_3 {offsets = [2, 3712], sizes = [1, 128], strides = [1, 1]} : vector<3x4096xf32> to vector<1x128xf32>
    %slice3A_1371 = vector.extract_strided_slice %get3A_8 {offsets = [0, 2], sizes = [256, 1], strides = [1, 1]} : vector<256x3xf32> to vector<256x1xf32>
    %sub3A_1372 = vector.broadcast %slice3A_1371 : vector<256x1xf32> to vector<256x128xf32>
    %sub3A_1373 = vector.broadcast %slice3A_1370 : vector<1x128xf32> to vector<256x128xf32>
    %sub3A_1374 = arith.subf %sub3A_1372, %sub3A_1373 : vector<256x128xf32>
    %mul3A_1375 = arith.mulf %sub3A_1374, %sub3A_1374 : vector<256x128xf32>
    %add3A_1376 = arith.addf %add3A_1369, %mul3A_1375 : vector<256x128xf32>
    %add3A_1377 = arith.constant 3712 : i32
    %add3A_1378 = vector.broadcast %add3A_1377 : i32 to vector<256x128xi32>
    %add3A_1379 = arith.addi %iota3A, %add3A_1378 : vector<256x128xi32>
    %lt3A_1380 = arith.cmpf olt, %add3A_1376, %select_n3A_1355 : vector<256x128xf32>
    %lt3A_1381 = arith.cmpf olt, %add3A_1376, %select_n3A_1352 : vector<256x128xf32>
    %lt3A_1382 = arith.cmpf olt, %add3A_1376, %select_n3A_1348 : vector<256x128xf32>
    %lt3A_1383 = arith.cmpf olt, %add3A_1376, %select_n3A_1344 : vector<256x128xf32>
    %lt3A_1384 = arith.cmpf olt, %add3A_1376, %select_n3A_1340 : vector<256x128xf32>
    %select_n3A_1385 = arith.select %lt3A_1383, %select_n3A_1344, %add3A_1376 : vector<256x128xi1>, vector<256x128xf32>
    %select_n3A_1386 = arith.select %lt3A_1384, %select_n3A_1385, %select_n3A_1340 : vector<256x128xi1>, vector<256x128xf32>
    %select_n3A_1387 = arith.select %lt3A_1383, %select_n3A_1346, %add3A_1379 : vector<256x128xi1>, vector<256x128xi32>
    %select_n3A_1388 = arith.select %lt3A_1384, %select_n3A_1387, %select_n3A_1342 : vector<256x128xi1>, vector<256x128xi32>
    %select_n3A_1389 = arith.select %lt3A_1382, %select_n3A_1348, %add3A_1376 : vector<256x128xi1>, vector<256x128xf32>
    %select_n3A_1390 = arith.select %lt3A_1383, %select_n3A_1389, %select_n3A_1344 : vector<256x128xi1>, vector<256x128xf32>
    %select_n3A_1391 = arith.select %lt3A_1382, %select_n3A_1350, %add3A_1379 : vector<256x128xi1>, vector<256x128xi32>
    %select_n3A_1392 = arith.select %lt3A_1383, %select_n3A_1391, %select_n3A_1346 : vector<256x128xi1>, vector<256x128xi32>
    %select_n3A_1393 = arith.select %lt3A_1381, %select_n3A_1352, %add3A_1376 : vector<256x128xi1>, vector<256x128xf32>
    %select_n3A_1394 = arith.select %lt3A_1382, %select_n3A_1393, %select_n3A_1348 : vector<256x128xi1>, vector<256x128xf32>
    %select_n3A_1395 = arith.select %lt3A_1381, %select_n3A_1354, %add3A_1379 : vector<256x128xi1>, vector<256x128xi32>
    %select_n3A_1396 = arith.select %lt3A_1382, %select_n3A_1395, %select_n3A_1350 : vector<256x128xi1>, vector<256x128xi32>
    %select_n3A_1397 = arith.select %lt3A_1380, %select_n3A_1355, %add3A_1376 : vector<256x128xi1>, vector<256x128xf32>
    %select_n3A_1398 = arith.select %lt3A_1381, %select_n3A_1397, %select_n3A_1352 : vector<256x128xi1>, vector<256x128xf32>
    %select_n3A_1399 = arith.select %lt3A_1380, %select_n3A_1356, %add3A_1379 : vector<256x128xi1>, vector<256x128xi32>
    %select_n3A_1400 = arith.select %lt3A_1381, %select_n3A_1399, %select_n3A_1354 : vector<256x128xi1>, vector<256x128xi32>
    %select_n3A_1401 = arith.select %lt3A_1380, %add3A_1376, %select_n3A_1355 : vector<256x128xi1>, vector<256x128xf32>
    %select_n3A_1402 = arith.select %lt3A_1380, %add3A_1379, %select_n3A_1356 : vector<256x128xi1>, vector<256x128xi32>
    %slice3A_1403 = vector.extract_strided_slice %get3A_3 {offsets = [0, 3840], sizes = [1, 128], strides = [1, 1]} : vector<3x4096xf32> to vector<1x128xf32>
    %slice3A_1404 = vector.extract_strided_slice %get3A_8 {offsets = [0, 0], sizes = [256, 1], strides = [1, 1]} : vector<256x3xf32> to vector<256x1xf32>
    %sub3A_1405 = vector.broadcast %slice3A_1404 : vector<256x1xf32> to vector<256x128xf32>
    %sub3A_1406 = vector.broadcast %slice3A_1403 : vector<1x128xf32> to vector<256x128xf32>
    %sub3A_1407 = arith.subf %sub3A_1405, %sub3A_1406 : vector<256x128xf32>
    %mul3A_1408 = arith.mulf %sub3A_1407, %sub3A_1407 : vector<256x128xf32>
    %slice3A_1409 = vector.extract_strided_slice %get3A_3 {offsets = [1, 3840], sizes = [1, 128], strides = [1, 1]} : vector<3x4096xf32> to vector<1x128xf32>
    %slice3A_1410 = vector.extract_strided_slice %get3A_8 {offsets = [0, 1], sizes = [256, 1], strides = [1, 1]} : vector<256x3xf32> to vector<256x1xf32>
    %sub3A_1411 = vector.broadcast %slice3A_1410 : vector<256x1xf32> to vector<256x128xf32>
    %sub3A_1412 = vector.broadcast %slice3A_1409 : vector<1x128xf32> to vector<256x128xf32>
    %sub3A_1413 = arith.subf %sub3A_1411, %sub3A_1412 : vector<256x128xf32>
    %mul3A_1414 = arith.mulf %sub3A_1413, %sub3A_1413 : vector<256x128xf32>
    %add3A_1415 = arith.addf %mul3A_1408, %mul3A_1414 : vector<256x128xf32>
    %slice3A_1416 = vector.extract_strided_slice %get3A_3 {offsets = [2, 3840], sizes = [1, 128], strides = [1, 1]} : vector<3x4096xf32> to vector<1x128xf32>
    %slice3A_1417 = vector.extract_strided_slice %get3A_8 {offsets = [0, 2], sizes = [256, 1], strides = [1, 1]} : vector<256x3xf32> to vector<256x1xf32>
    %sub3A_1418 = vector.broadcast %slice3A_1417 : vector<256x1xf32> to vector<256x128xf32>
    %sub3A_1419 = vector.broadcast %slice3A_1416 : vector<1x128xf32> to vector<256x128xf32>
    %sub3A_1420 = arith.subf %sub3A_1418, %sub3A_1419 : vector<256x128xf32>
    %mul3A_1421 = arith.mulf %sub3A_1420, %sub3A_1420 : vector<256x128xf32>
    %add3A_1422 = arith.addf %add3A_1415, %mul3A_1421 : vector<256x128xf32>
    %add3A_1423 = arith.constant 3840 : i32
    %add3A_1424 = vector.broadcast %add3A_1423 : i32 to vector<256x128xi32>
    %add3A_1425 = arith.addi %iota3A, %add3A_1424 : vector<256x128xi32>
    %lt3A_1426 = arith.cmpf olt, %add3A_1422, %select_n3A_1401 : vector<256x128xf32>
    %lt3A_1427 = arith.cmpf olt, %add3A_1422, %select_n3A_1398 : vector<256x128xf32>
    %lt3A_1428 = arith.cmpf olt, %add3A_1422, %select_n3A_1394 : vector<256x128xf32>
    %lt3A_1429 = arith.cmpf olt, %add3A_1422, %select_n3A_1390 : vector<256x128xf32>
    %lt3A_1430 = arith.cmpf olt, %add3A_1422, %select_n3A_1386 : vector<256x128xf32>
    %select_n3A_1431 = arith.select %lt3A_1429, %select_n3A_1390, %add3A_1422 : vector<256x128xi1>, vector<256x128xf32>
    %select_n3A_1432 = arith.select %lt3A_1430, %select_n3A_1431, %select_n3A_1386 : vector<256x128xi1>, vector<256x128xf32>
    %select_n3A_1433 = arith.select %lt3A_1429, %select_n3A_1392, %add3A_1425 : vector<256x128xi1>, vector<256x128xi32>
    %select_n3A_1434 = arith.select %lt3A_1430, %select_n3A_1433, %select_n3A_1388 : vector<256x128xi1>, vector<256x128xi32>
    %select_n3A_1435 = arith.select %lt3A_1428, %select_n3A_1394, %add3A_1422 : vector<256x128xi1>, vector<256x128xf32>
    %select_n3A_1436 = arith.select %lt3A_1429, %select_n3A_1435, %select_n3A_1390 : vector<256x128xi1>, vector<256x128xf32>
    %select_n3A_1437 = arith.select %lt3A_1428, %select_n3A_1396, %add3A_1425 : vector<256x128xi1>, vector<256x128xi32>
    %select_n3A_1438 = arith.select %lt3A_1429, %select_n3A_1437, %select_n3A_1392 : vector<256x128xi1>, vector<256x128xi32>
    %select_n3A_1439 = arith.select %lt3A_1427, %select_n3A_1398, %add3A_1422 : vector<256x128xi1>, vector<256x128xf32>
    %select_n3A_1440 = arith.select %lt3A_1428, %select_n3A_1439, %select_n3A_1394 : vector<256x128xi1>, vector<256x128xf32>
    %select_n3A_1441 = arith.select %lt3A_1427, %select_n3A_1400, %add3A_1425 : vector<256x128xi1>, vector<256x128xi32>
    %select_n3A_1442 = arith.select %lt3A_1428, %select_n3A_1441, %select_n3A_1396 : vector<256x128xi1>, vector<256x128xi32>
    %select_n3A_1443 = arith.select %lt3A_1426, %select_n3A_1401, %add3A_1422 : vector<256x128xi1>, vector<256x128xf32>
    %select_n3A_1444 = arith.select %lt3A_1427, %select_n3A_1443, %select_n3A_1398 : vector<256x128xi1>, vector<256x128xf32>
    %select_n3A_1445 = arith.select %lt3A_1426, %select_n3A_1402, %add3A_1425 : vector<256x128xi1>, vector<256x128xi32>
    %select_n3A_1446 = arith.select %lt3A_1427, %select_n3A_1445, %select_n3A_1400 : vector<256x128xi1>, vector<256x128xi32>
    %select_n3A_1447 = arith.select %lt3A_1426, %add3A_1422, %select_n3A_1401 : vector<256x128xi1>, vector<256x128xf32>
    %select_n3A_1448 = arith.select %lt3A_1426, %add3A_1425, %select_n3A_1402 : vector<256x128xi1>, vector<256x128xi32>
    %slice3A_1449 = vector.extract_strided_slice %get3A_3 {offsets = [0, 3968], sizes = [1, 128], strides = [1, 1]} : vector<3x4096xf32> to vector<1x128xf32>
    %slice3A_1450 = vector.extract_strided_slice %get3A_8 {offsets = [0, 0], sizes = [256, 1], strides = [1, 1]} : vector<256x3xf32> to vector<256x1xf32>
    %sub3A_1451 = vector.broadcast %slice3A_1450 : vector<256x1xf32> to vector<256x128xf32>
    %sub3A_1452 = vector.broadcast %slice3A_1449 : vector<1x128xf32> to vector<256x128xf32>
    %sub3A_1453 = arith.subf %sub3A_1451, %sub3A_1452 : vector<256x128xf32>
    %mul3A_1454 = arith.mulf %sub3A_1453, %sub3A_1453 : vector<256x128xf32>
    %slice3A_1455 = vector.extract_strided_slice %get3A_3 {offsets = [1, 3968], sizes = [1, 128], strides = [1, 1]} : vector<3x4096xf32> to vector<1x128xf32>
    %slice3A_1456 = vector.extract_strided_slice %get3A_8 {offsets = [0, 1], sizes = [256, 1], strides = [1, 1]} : vector<256x3xf32> to vector<256x1xf32>
    %sub3A_1457 = vector.broadcast %slice3A_1456 : vector<256x1xf32> to vector<256x128xf32>
    %sub3A_1458 = vector.broadcast %slice3A_1455 : vector<1x128xf32> to vector<256x128xf32>
    %sub3A_1459 = arith.subf %sub3A_1457, %sub3A_1458 : vector<256x128xf32>
    %mul3A_1460 = arith.mulf %sub3A_1459, %sub3A_1459 : vector<256x128xf32>
    %add3A_1461 = arith.addf %mul3A_1454, %mul3A_1460 : vector<256x128xf32>
    %slice3A_1462 = vector.extract_strided_slice %get3A_3 {offsets = [2, 3968], sizes = [1, 128], strides = [1, 1]} : vector<3x4096xf32> to vector<1x128xf32>
    %slice3A_1463 = vector.extract_strided_slice %get3A_8 {offsets = [0, 2], sizes = [256, 1], strides = [1, 1]} : vector<256x3xf32> to vector<256x1xf32>
    %sub3A_1464 = vector.broadcast %slice3A_1463 : vector<256x1xf32> to vector<256x128xf32>
    %sub3A_1465 = vector.broadcast %slice3A_1462 : vector<1x128xf32> to vector<256x128xf32>
    %sub3A_1466 = arith.subf %sub3A_1464, %sub3A_1465 : vector<256x128xf32>
    %mul3A_1467 = arith.mulf %sub3A_1466, %sub3A_1466 : vector<256x128xf32>
    %add3A_1468 = arith.addf %add3A_1461, %mul3A_1467 : vector<256x128xf32>
    %add3A_1469 = arith.constant 3968 : i32
    %add3A_1470 = vector.broadcast %add3A_1469 : i32 to vector<256x128xi32>
    %add3A_1471 = arith.addi %iota3A, %add3A_1470 : vector<256x128xi32>
    %lt3A_1472 = arith.cmpf olt, %add3A_1468, %select_n3A_1447 : vector<256x128xf32>
    %lt3A_1473 = arith.cmpf olt, %add3A_1468, %select_n3A_1444 : vector<256x128xf32>
    %lt3A_1474 = arith.cmpf olt, %add3A_1468, %select_n3A_1440 : vector<256x128xf32>
    %lt3A_1475 = arith.cmpf olt, %add3A_1468, %select_n3A_1436 : vector<256x128xf32>
    %lt3A_1476 = arith.cmpf olt, %add3A_1468, %select_n3A_1432 : vector<256x128xf32>
    %select_n3A_1477 = arith.select %lt3A_1475, %select_n3A_1436, %add3A_1468 : vector<256x128xi1>, vector<256x128xf32>
    %select_n3A_1478 = arith.select %lt3A_1476, %select_n3A_1477, %select_n3A_1432 : vector<256x128xi1>, vector<256x128xf32>
    %select_n3A_1479 = arith.select %lt3A_1475, %select_n3A_1438, %add3A_1471 : vector<256x128xi1>, vector<256x128xi32>
    %select_n3A_1480 = arith.select %lt3A_1476, %select_n3A_1479, %select_n3A_1434 : vector<256x128xi1>, vector<256x128xi32>
    %select_n3A_1481 = arith.select %lt3A_1474, %select_n3A_1440, %add3A_1468 : vector<256x128xi1>, vector<256x128xf32>
    %select_n3A_1482 = arith.select %lt3A_1475, %select_n3A_1481, %select_n3A_1436 : vector<256x128xi1>, vector<256x128xf32>
    %select_n3A_1483 = arith.select %lt3A_1474, %select_n3A_1442, %add3A_1471 : vector<256x128xi1>, vector<256x128xi32>
    %select_n3A_1484 = arith.select %lt3A_1475, %select_n3A_1483, %select_n3A_1438 : vector<256x128xi1>, vector<256x128xi32>
    %select_n3A_1485 = arith.select %lt3A_1473, %select_n3A_1444, %add3A_1468 : vector<256x128xi1>, vector<256x128xf32>
    %select_n3A_1486 = arith.select %lt3A_1474, %select_n3A_1485, %select_n3A_1440 : vector<256x128xi1>, vector<256x128xf32>
    %select_n3A_1487 = arith.select %lt3A_1473, %select_n3A_1446, %add3A_1471 : vector<256x128xi1>, vector<256x128xi32>
    %select_n3A_1488 = arith.select %lt3A_1474, %select_n3A_1487, %select_n3A_1442 : vector<256x128xi1>, vector<256x128xi32>
    %select_n3A_1489 = arith.select %lt3A_1472, %select_n3A_1447, %add3A_1468 : vector<256x128xi1>, vector<256x128xf32>
    %select_n3A_1490 = arith.select %lt3A_1473, %select_n3A_1489, %select_n3A_1444 : vector<256x128xi1>, vector<256x128xf32>
    %select_n3A_1491 = arith.select %lt3A_1472, %select_n3A_1448, %add3A_1471 : vector<256x128xi1>, vector<256x128xi32>
    %select_n3A_1492 = arith.select %lt3A_1473, %select_n3A_1491, %select_n3A_1446 : vector<256x128xi1>, vector<256x128xi32>
    %select_n3A_1493 = arith.select %lt3A_1472, %add3A_1468, %select_n3A_1447 : vector<256x128xi1>, vector<256x128xf32>
    %select_n3A_1494 = arith.select %lt3A_1472, %add3A_1471, %select_n3A_1448 : vector<256x128xi1>, vector<256x128xi32>
    %broadcast_in_dim3A_1495 = arith.constant 0 : i32
    %broadcast_in_dim3A_1496 = vector.broadcast %broadcast_in_dim3A_1495 : i32 to vector<256x128xi32>
    %broadcast_in_dim3A_1497 = arith.constant -1 : i32
    %broadcast_in_dim3A_1498 = vector.broadcast %broadcast_in_dim3A_1497 : i32 to vector<256x1xi32>
    %broadcast_in_dim3A_1499 = arith.constant 0.000000e+00 : f32
    %broadcast_in_dim3A_1500 = vector.broadcast %broadcast_in_dim3A_1499 : f32 to vector<256x1xf32>
    %broadcast_in_dim3A_1501 = arith.constant 0 : i32
    %broadcast_in_dim3A_1502 = vector.broadcast %broadcast_in_dim3A_1501 : i32 to vector<256x32xi32>
    %scan3A = arith.constant 8192 : i32
    %scan3A_1503 = arith.constant 0 : i32
    %scan3A_1504 = arith.constant 32 : i32
    %scan3A_1505 = arith.addi %scan3A_1503, %scan3A_1504 : i32
    %scan3A_1506 = arith.constant 1 : i32
    %scan3A_1507:4 = scf.for %scan3A_1537 = %scan3A_1503 to %scan3A_1505 step %scan3A_1506 iter_args(%scan3A_1538 = %broadcast_in_dim3A_1496, %scan3A_1539 = %broadcast_in_dim3A_1498, %scan3A_1540 = %broadcast_in_dim3A_1500, %scan3A_1541 = %broadcast_in_dim3A_1502) -> (vector<256x128xi32>, vector<256x1xi32>, vector<256x1xf32>, vector<256x32xi32>)  : i32 {
      %broadcast_in_dim3A_1542 = arith.constant 0x7F800000 : f32
      %broadcast_in_dim3A_1543 = vector.broadcast %broadcast_in_dim3A_1542 : f32 to vector<256x128xf32>
      %broadcast_in_dim3A_1544 = vector.broadcast %scan3A : i32 to vector<256x128xi32>
      %eq3A_1545 = arith.constant 4 : i32
      %eq3A_1546 = vector.broadcast %eq3A_1545 : i32 to vector<256x128xi32>
      %eq3A_1547 = arith.cmpi eq, %scan3A_1538, %eq3A_1546 : vector<256x128xi32>
      %select_n3A_1548 = arith.select %eq3A_1547, %select_n3A_1478, %broadcast_in_dim3A_1543 : vector<256x128xi1>, vector<256x128xf32>
      %select_n3A_1549 = arith.select %eq3A_1547, %select_n3A_1480, %broadcast_in_dim3A_1544 : vector<256x128xi1>, vector<256x128xi32>
      %eq3A_1550 = arith.constant 3 : i32
      %eq3A_1551 = vector.broadcast %eq3A_1550 : i32 to vector<256x128xi32>
      %eq3A_1552 = arith.cmpi eq, %scan3A_1538, %eq3A_1551 : vector<256x128xi32>
      %select_n3A_1553 = arith.select %eq3A_1552, %select_n3A_1482, %select_n3A_1548 : vector<256x128xi1>, vector<256x128xf32>
      %select_n3A_1554 = arith.select %eq3A_1552, %select_n3A_1484, %select_n3A_1549 : vector<256x128xi1>, vector<256x128xi32>
      %eq3A_1555 = arith.constant 2 : i32
      %eq3A_1556 = vector.broadcast %eq3A_1555 : i32 to vector<256x128xi32>
      %eq3A_1557 = arith.cmpi eq, %scan3A_1538, %eq3A_1556 : vector<256x128xi32>
      %select_n3A_1558 = arith.select %eq3A_1557, %select_n3A_1486, %select_n3A_1553 : vector<256x128xi1>, vector<256x128xf32>
      %select_n3A_1559 = arith.select %eq3A_1557, %select_n3A_1488, %select_n3A_1554 : vector<256x128xi1>, vector<256x128xi32>
      %eq3A_1560 = arith.constant 1 : i32
      %eq3A_1561 = vector.broadcast %eq3A_1560 : i32 to vector<256x128xi32>
      %eq3A_1562 = arith.cmpi eq, %scan3A_1538, %eq3A_1561 : vector<256x128xi32>
      %select_n3A_1563 = arith.select %eq3A_1562, %select_n3A_1490, %select_n3A_1558 : vector<256x128xi1>, vector<256x128xf32>
      %select_n3A_1564 = arith.select %eq3A_1562, %select_n3A_1492, %select_n3A_1559 : vector<256x128xi1>, vector<256x128xi32>
      %eq3A_1565 = arith.constant 0 : i32
      %eq3A_1566 = vector.broadcast %eq3A_1565 : i32 to vector<256x128xi32>
      %eq3A_1567 = arith.cmpi eq, %scan3A_1538, %eq3A_1566 : vector<256x128xi32>
      %select_n3A_1568 = arith.select %eq3A_1567, %select_n3A_1493, %select_n3A_1563 : vector<256x128xi1>, vector<256x128xf32>
      %select_n3A_1569 = arith.select %eq3A_1567, %select_n3A_1494, %select_n3A_1564 : vector<256x128xi1>, vector<256x128xi32>
      %reduce_min3A = arith.constant dense<0x7F800000> : vector<256xf32>
      %reduce_min3A_1570 = vector.multi_reduction <minimumf>, %select_n3A_1568, %reduce_min3A [1] : vector<256x128xf32> to vector<256xf32>
      %broadcast_in_dim3A_1571 = vector.shape_cast %reduce_min3A_1570 : vector<256xf32> to vector<256x1xf32>
      %eq3A_1572 = vector.broadcast %broadcast_in_dim3A_1571 : vector<256x1xf32> to vector<256x128xf32>
      %eq3A_1573 = arith.cmpf oeq, %select_n3A_1568, %eq3A_1572 : vector<256x128xf32>
      %broadcast_in_dim3A_1574 = vector.broadcast %scan3A : i32 to vector<256x128xi32>
      %select_n3A_1575 = arith.select %eq3A_1573, %select_n3A_1569, %broadcast_in_dim3A_1574 : vector<256x128xi1>, vector<256x128xi32>
      %reduce_min3A_1576 = arith.constant dense<2147483647> : vector<256xi32>
      %reduce_min3A_1577 = vector.multi_reduction <minsi>, %select_n3A_1575, %reduce_min3A_1576 [1] : vector<256x128xi32> to vector<256xi32>
      %broadcast_in_dim3A_1578 = vector.shape_cast %reduce_min3A_1577 : vector<256xi32> to vector<256x1xi32>
      %eq3A_1579 = vector.broadcast %broadcast_in_dim3A_1578 : vector<256x1xi32> to vector<256x128xi32>
      %eq3A_1580 = arith.cmpi eq, %select_n3A_1569, %eq3A_1579 : vector<256x128xi32>
      %convert_element_type3A_1581 = arith.extui %eq3A_1580 : vector<256x128xi1> to vector<256x128xi32>
      %add3A_1582 = arith.addi %scan3A_1538, %convert_element_type3A_1581 : vector<256x128xi32>
      %eq3A_1583 = vector.broadcast %scan3A_1537 : i32 to vector<256x32xi32>
      %eq3A_1584 = arith.cmpi eq, %iota3A_9, %eq3A_1583 : vector<256x32xi32>
      %broadcast_in_dim3A_1585 = vector.shape_cast %broadcast_in_dim3A_1578 : vector<256x1xi32> to vector<256x1xi32>
      %broadcast_in_dim3A_1586 = vector.broadcast %broadcast_in_dim3A_1585 : vector<256x1xi32> to vector<256x32xi32>
      %select_n3A_1587 = arith.select %eq3A_1584, %broadcast_in_dim3A_1586, %scan3A_1541 : vector<256x32xi1>, vector<256x32xi32>
      scf.yield %add3A_1582, %broadcast_in_dim3A_1578, %broadcast_in_dim3A_1571, %select_n3A_1587 : vector<256x128xi32>, vector<256x1xi32>, vector<256x1xf32>, vector<256x32xi32>
    }
    %scan3A_1508 = arith.constant 32 : i32
    %lt3A_1509 = vector.broadcast %scan3A_1507#2 : vector<256x1xf32> to vector<256x128xf32>
    %lt3A_1510 = arith.cmpf olt, %select_n3A_1478, %lt3A_1509 : vector<256x128xf32>
    %eq3A = vector.broadcast %scan3A_1507#2 : vector<256x1xf32> to vector<256x128xf32>
    %eq3A_1511 = arith.cmpf oeq, %select_n3A_1478, %eq3A : vector<256x128xf32>
    %lt3A_1512 = vector.broadcast %scan3A_1507#1 : vector<256x1xi32> to vector<256x128xi32>
    %lt3A_1513 = arith.cmpi slt, %select_n3A_1480, %lt3A_1512 : vector<256x128xi32>
    %and3A = arith.andi %eq3A_1511, %lt3A_1513 : vector<256x128xi1>
    %or3A = arith.ori %lt3A_1510, %and3A : vector<256x128xi1>
    %reduce_or3A = arith.constant 1.000000e+00 : f32
    %reduce_or3A_1514 = arith.constant 0.000000e+00 : f32
    %reduce_or3A_1515 = vector.broadcast %reduce_or3A : f32 to vector<256x128xf32>
    %reduce_or3A_1516 = vector.broadcast %reduce_or3A_1514 : f32 to vector<256x128xf32>
    %reduce_or3A_1517 = arith.select %or3A, %reduce_or3A_1515, %reduce_or3A_1516 : vector<256x128xi1>, vector<256x128xf32>
    %reduce_or3A_1518 = vector.shape_cast %reduce_or3A_1517 : vector<256x128xf32> to vector<1x256x128xf32>
    %reduce_or3A_1519 = arith.constant dense<0xFF800000> : vector<1xf32>
    %reduce_or3A_1520 = vector.multi_reduction <maximumf>, %reduce_or3A_1518, %reduce_or3A_1519 [1, 2] : vector<1x256x128xf32> to vector<1xf32>
    %reduce_or3A_1521 = vector.shape_cast %reduce_or3A_1520 : vector<1xf32> to vector<1x1x1xf32>
    %reduce_or3A_1522 = vector.extract %reduce_or3A_1521[0, 0, 0] : f32 from vector<1x1x1xf32>
    %reduce_or3A_1523 = arith.constant 0.000000e+00 : f32
    %reduce_or3A_1524 = arith.cmpf ogt, %reduce_or3A_1522, %reduce_or3A_1523 : f32
    %convert_element_type3A = arith.extui %reduce_or3A_1524 : i1 to i32
    %cond3A = arith.constant 8192 : i32
    %cond3A_1525 = arith.constant 0 : i32
    %cond3A_1526 = arith.cmpi ne, %convert_element_type3A, %cond3A_1525 : i32
    %cond3A_1527 = scf.if %cond3A_1526 -> (vector<256x32xi32>) {
      %slice3A_1537 = vector.extract_strided_slice %get3A_3 {offsets = [0, 0], sizes = [1, 128], strides = [1, 1]} : vector<3x4096xf32> to vector<1x128xf32>
      %slice3A_1538 = vector.extract_strided_slice %get3A_8 {offsets = [0, 0], sizes = [256, 1], strides = [1, 1]} : vector<256x3xf32> to vector<256x1xf32>
      %sub3A_1539 = vector.broadcast %slice3A_1538 : vector<256x1xf32> to vector<256x128xf32>
      %sub3A_1540 = vector.broadcast %slice3A_1537 : vector<1x128xf32> to vector<256x128xf32>
      %sub3A_1541 = arith.subf %sub3A_1539, %sub3A_1540 : vector<256x128xf32>
      %mul3A_1542 = arith.mulf %sub3A_1541, %sub3A_1541 : vector<256x128xf32>
      %slice3A_1543 = vector.extract_strided_slice %get3A_3 {offsets = [1, 0], sizes = [1, 128], strides = [1, 1]} : vector<3x4096xf32> to vector<1x128xf32>
      %slice3A_1544 = vector.extract_strided_slice %get3A_8 {offsets = [0, 1], sizes = [256, 1], strides = [1, 1]} : vector<256x3xf32> to vector<256x1xf32>
      %sub3A_1545 = vector.broadcast %slice3A_1544 : vector<256x1xf32> to vector<256x128xf32>
      %sub3A_1546 = vector.broadcast %slice3A_1543 : vector<1x128xf32> to vector<256x128xf32>
      %sub3A_1547 = arith.subf %sub3A_1545, %sub3A_1546 : vector<256x128xf32>
      %mul3A_1548 = arith.mulf %sub3A_1547, %sub3A_1547 : vector<256x128xf32>
      %add3A_1549 = arith.addf %mul3A_1542, %mul3A_1548 : vector<256x128xf32>
      %slice3A_1550 = vector.extract_strided_slice %get3A_3 {offsets = [2, 0], sizes = [1, 128], strides = [1, 1]} : vector<3x4096xf32> to vector<1x128xf32>
      %slice3A_1551 = vector.extract_strided_slice %get3A_8 {offsets = [0, 2], sizes = [256, 1], strides = [1, 1]} : vector<256x3xf32> to vector<256x1xf32>
      %sub3A_1552 = vector.broadcast %slice3A_1551 : vector<256x1xf32> to vector<256x128xf32>
      %sub3A_1553 = vector.broadcast %slice3A_1550 : vector<1x128xf32> to vector<256x128xf32>
      %sub3A_1554 = arith.subf %sub3A_1552, %sub3A_1553 : vector<256x128xf32>
      %mul3A_1555 = arith.mulf %sub3A_1554, %sub3A_1554 : vector<256x128xf32>
      %add3A_1556 = arith.addf %add3A_1549, %mul3A_1555 : vector<256x128xf32>
      %swap3A_1557 = arith.constant 0 : index
      %swap3A_1558 = arith.constant 0 : index
      %swap3A_1559 = vector.load %arg5[%swap3A_1557, %swap3A_1558] : memref<256x4096xf32, #tpu.memory_space<vmem>>, vector<256x128xf32>
      tpu.vector_store %arg5[%swap3A_1557, %swap3A_1558], %add3A_1556 {strides = array<i32>} : memref<256x4096xf32, #tpu.memory_space<vmem>>, vector<256x128xf32>,
      %slice3A_1560 = vector.extract_strided_slice %get3A_3 {offsets = [0, 128], sizes = [1, 128], strides = [1, 1]} : vector<3x4096xf32> to vector<1x128xf32>
      %slice3A_1561 = vector.extract_strided_slice %get3A_8 {offsets = [0, 0], sizes = [256, 1], strides = [1, 1]} : vector<256x3xf32> to vector<256x1xf32>
      %sub3A_1562 = vector.broadcast %slice3A_1561 : vector<256x1xf32> to vector<256x128xf32>
      %sub3A_1563 = vector.broadcast %slice3A_1560 : vector<1x128xf32> to vector<256x128xf32>
      %sub3A_1564 = arith.subf %sub3A_1562, %sub3A_1563 : vector<256x128xf32>
      %mul3A_1565 = arith.mulf %sub3A_1564, %sub3A_1564 : vector<256x128xf32>
      %slice3A_1566 = vector.extract_strided_slice %get3A_3 {offsets = [1, 128], sizes = [1, 128], strides = [1, 1]} : vector<3x4096xf32> to vector<1x128xf32>
      %slice3A_1567 = vector.extract_strided_slice %get3A_8 {offsets = [0, 1], sizes = [256, 1], strides = [1, 1]} : vector<256x3xf32> to vector<256x1xf32>
      %sub3A_1568 = vector.broadcast %slice3A_1567 : vector<256x1xf32> to vector<256x128xf32>
      %sub3A_1569 = vector.broadcast %slice3A_1566 : vector<1x128xf32> to vector<256x128xf32>
      %sub3A_1570 = arith.subf %sub3A_1568, %sub3A_1569 : vector<256x128xf32>
      %mul3A_1571 = arith.mulf %sub3A_1570, %sub3A_1570 : vector<256x128xf32>
      %add3A_1572 = arith.addf %mul3A_1565, %mul3A_1571 : vector<256x128xf32>
      %slice3A_1573 = vector.extract_strided_slice %get3A_3 {offsets = [2, 128], sizes = [1, 128], strides = [1, 1]} : vector<3x4096xf32> to vector<1x128xf32>
      %slice3A_1574 = vector.extract_strided_slice %get3A_8 {offsets = [0, 2], sizes = [256, 1], strides = [1, 1]} : vector<256x3xf32> to vector<256x1xf32>
      %sub3A_1575 = vector.broadcast %slice3A_1574 : vector<256x1xf32> to vector<256x128xf32>
      %sub3A_1576 = vector.broadcast %slice3A_1573 : vector<1x128xf32> to vector<256x128xf32>
      %sub3A_1577 = arith.subf %sub3A_1575, %sub3A_1576 : vector<256x128xf32>
      %mul3A_1578 = arith.mulf %sub3A_1577, %sub3A_1577 : vector<256x128xf32>
      %add3A_1579 = arith.addf %add3A_1572, %mul3A_1578 : vector<256x128xf32>
      %swap3A_1580 = arith.constant 0 : index
      %swap3A_1581 = arith.constant 128 : index
      %swap3A_1582 = vector.load %arg5[%swap3A_1580, %swap3A_1581] : memref<256x4096xf32, #tpu.memory_space<vmem>>, vector<256x128xf32>
      tpu.vector_store %arg5[%swap3A_1580, %swap3A_1581], %add3A_1579 {strides = array<i32>} : memref<256x4096xf32, #tpu.memory_space<vmem>>, vector<256x128xf32>,
      %slice3A_1583 = vector.extract_strided_slice %get3A_3 {offsets = [0, 256], sizes = [1, 128], strides = [1, 1]} : vector<3x4096xf32> to vector<1x128xf32>
      %slice3A_1584 = vector.extract_strided_slice %get3A_8 {offsets = [0, 0], sizes = [256, 1], strides = [1, 1]} : vector<256x3xf32> to vector<256x1xf32>
      %sub3A_1585 = vector.broadcast %slice3A_1584 : vector<256x1xf32> to vector<256x128xf32>
      %sub3A_1586 = vector.broadcast %slice3A_1583 : vector<1x128xf32> to vector<256x128xf32>
      %sub3A_1587 = arith.subf %sub3A_1585, %sub3A_1586 : vector<256x128xf32>
      %mul3A_1588 = arith.mulf %sub3A_1587, %sub3A_1587 : vector<256x128xf32>
      %slice3A_1589 = vector.extract_strided_slice %get3A_3 {offsets = [1, 256], sizes = [1, 128], strides = [1, 1]} : vector<3x4096xf32> to vector<1x128xf32>
      %slice3A_1590 = vector.extract_strided_slice %get3A_8 {offsets = [0, 1], sizes = [256, 1], strides = [1, 1]} : vector<256x3xf32> to vector<256x1xf32>
      %sub3A_1591 = vector.broadcast %slice3A_1590 : vector<256x1xf32> to vector<256x128xf32>
      %sub3A_1592 = vector.broadcast %slice3A_1589 : vector<1x128xf32> to vector<256x128xf32>
      %sub3A_1593 = arith.subf %sub3A_1591, %sub3A_1592 : vector<256x128xf32>
      %mul3A_1594 = arith.mulf %sub3A_1593, %sub3A_1593 : vector<256x128xf32>
      %add3A_1595 = arith.addf %mul3A_1588, %mul3A_1594 : vector<256x128xf32>
      %slice3A_1596 = vector.extract_strided_slice %get3A_3 {offsets = [2, 256], sizes = [1, 128], strides = [1, 1]} : vector<3x4096xf32> to vector<1x128xf32>
      %slice3A_1597 = vector.extract_strided_slice %get3A_8 {offsets = [0, 2], sizes = [256, 1], strides = [1, 1]} : vector<256x3xf32> to vector<256x1xf32>
      %sub3A_1598 = vector.broadcast %slice3A_1597 : vector<256x1xf32> to vector<256x128xf32>
      %sub3A_1599 = vector.broadcast %slice3A_1596 : vector<1x128xf32> to vector<256x128xf32>
      %sub3A_1600 = arith.subf %sub3A_1598, %sub3A_1599 : vector<256x128xf32>
      %mul3A_1601 = arith.mulf %sub3A_1600, %sub3A_1600 : vector<256x128xf32>
      %add3A_1602 = arith.addf %add3A_1595, %mul3A_1601 : vector<256x128xf32>
      %swap3A_1603 = arith.constant 0 : index
      %swap3A_1604 = arith.constant 256 : index
      %swap3A_1605 = vector.load %arg5[%swap3A_1603, %swap3A_1604] : memref<256x4096xf32, #tpu.memory_space<vmem>>, vector<256x128xf32>
      tpu.vector_store %arg5[%swap3A_1603, %swap3A_1604], %add3A_1602 {strides = array<i32>} : memref<256x4096xf32, #tpu.memory_space<vmem>>, vector<256x128xf32>,
      %slice3A_1606 = vector.extract_strided_slice %get3A_3 {offsets = [0, 384], sizes = [1, 128], strides = [1, 1]} : vector<3x4096xf32> to vector<1x128xf32>
      %slice3A_1607 = vector.extract_strided_slice %get3A_8 {offsets = [0, 0], sizes = [256, 1], strides = [1, 1]} : vector<256x3xf32> to vector<256x1xf32>
      %sub3A_1608 = vector.broadcast %slice3A_1607 : vector<256x1xf32> to vector<256x128xf32>
      %sub3A_1609 = vector.broadcast %slice3A_1606 : vector<1x128xf32> to vector<256x128xf32>
      %sub3A_1610 = arith.subf %sub3A_1608, %sub3A_1609 : vector<256x128xf32>
      %mul3A_1611 = arith.mulf %sub3A_1610, %sub3A_1610 : vector<256x128xf32>
      %slice3A_1612 = vector.extract_strided_slice %get3A_3 {offsets = [1, 384], sizes = [1, 128], strides = [1, 1]} : vector<3x4096xf32> to vector<1x128xf32>
      %slice3A_1613 = vector.extract_strided_slice %get3A_8 {offsets = [0, 1], sizes = [256, 1], strides = [1, 1]} : vector<256x3xf32> to vector<256x1xf32>
      %sub3A_1614 = vector.broadcast %slice3A_1613 : vector<256x1xf32> to vector<256x128xf32>
      %sub3A_1615 = vector.broadcast %slice3A_1612 : vector<1x128xf32> to vector<256x128xf32>
      %sub3A_1616 = arith.subf %sub3A_1614, %sub3A_1615 : vector<256x128xf32>
      %mul3A_1617 = arith.mulf %sub3A_1616, %sub3A_1616 : vector<256x128xf32>
      %add3A_1618 = arith.addf %mul3A_1611, %mul3A_1617 : vector<256x128xf32>
      %slice3A_1619 = vector.extract_strided_slice %get3A_3 {offsets = [2, 384], sizes = [1, 128], strides = [1, 1]} : vector<3x4096xf32> to vector<1x128xf32>
      %slice3A_1620 = vector.extract_strided_slice %get3A_8 {offsets = [0, 2], sizes = [256, 1], strides = [1, 1]} : vector<256x3xf32> to vector<256x1xf32>
      %sub3A_1621 = vector.broadcast %slice3A_1620 : vector<256x1xf32> to vector<256x128xf32>
      %sub3A_1622 = vector.broadcast %slice3A_1619 : vector<1x128xf32> to vector<256x128xf32>
      %sub3A_1623 = arith.subf %sub3A_1621, %sub3A_1622 : vector<256x128xf32>
      %mul3A_1624 = arith.mulf %sub3A_1623, %sub3A_1623 : vector<256x128xf32>
      %add3A_1625 = arith.addf %add3A_1618, %mul3A_1624 : vector<256x128xf32>
      %swap3A_1626 = arith.constant 0 : index
      %swap3A_1627 = arith.constant 384 : index
      %swap3A_1628 = vector.load %arg5[%swap3A_1626, %swap3A_1627] : memref<256x4096xf32, #tpu.memory_space<vmem>>, vector<256x128xf32>
      tpu.vector_store %arg5[%swap3A_1626, %swap3A_1627], %add3A_1625 {strides = array<i32>} : memref<256x4096xf32, #tpu.memory_space<vmem>>, vector<256x128xf32>,
      %slice3A_1629 = vector.extract_strided_slice %get3A_3 {offsets = [0, 512], sizes = [1, 128], strides = [1, 1]} : vector<3x4096xf32> to vector<1x128xf32>
      %slice3A_1630 = vector.extract_strided_slice %get3A_8 {offsets = [0, 0], sizes = [256, 1], strides = [1, 1]} : vector<256x3xf32> to vector<256x1xf32>
      %sub3A_1631 = vector.broadcast %slice3A_1630 : vector<256x1xf32> to vector<256x128xf32>
      %sub3A_1632 = vector.broadcast %slice3A_1629 : vector<1x128xf32> to vector<256x128xf32>
      %sub3A_1633 = arith.subf %sub3A_1631, %sub3A_1632 : vector<256x128xf32>
      %mul3A_1634 = arith.mulf %sub3A_1633, %sub3A_1633 : vector<256x128xf32>
      %slice3A_1635 = vector.extract_strided_slice %get3A_3 {offsets = [1, 512], sizes = [1, 128], strides = [1, 1]} : vector<3x4096xf32> to vector<1x128xf32>
      %slice3A_1636 = vector.extract_strided_slice %get3A_8 {offsets = [0, 1], sizes = [256, 1], strides = [1, 1]} : vector<256x3xf32> to vector<256x1xf32>
      %sub3A_1637 = vector.broadcast %slice3A_1636 : vector<256x1xf32> to vector<256x128xf32>
      %sub3A_1638 = vector.broadcast %slice3A_1635 : vector<1x128xf32> to vector<256x128xf32>
      %sub3A_1639 = arith.subf %sub3A_1637, %sub3A_1638 : vector<256x128xf32>
      %mul3A_1640 = arith.mulf %sub3A_1639, %sub3A_1639 : vector<256x128xf32>
      %add3A_1641 = arith.addf %mul3A_1634, %mul3A_1640 : vector<256x128xf32>
      %slice3A_1642 = vector.extract_strided_slice %get3A_3 {offsets = [2, 512], sizes = [1, 128], strides = [1, 1]} : vector<3x4096xf32> to vector<1x128xf32>
      %slice3A_1643 = vector.extract_strided_slice %get3A_8 {offsets = [0, 2], sizes = [256, 1], strides = [1, 1]} : vector<256x3xf32> to vector<256x1xf32>
      %sub3A_1644 = vector.broadcast %slice3A_1643 : vector<256x1xf32> to vector<256x128xf32>
      %sub3A_1645 = vector.broadcast %slice3A_1642 : vector<1x128xf32> to vector<256x128xf32>
      %sub3A_1646 = arith.subf %sub3A_1644, %sub3A_1645 : vector<256x128xf32>
      %mul3A_1647 = arith.mulf %sub3A_1646, %sub3A_1646 : vector<256x128xf32>
      %add3A_1648 = arith.addf %add3A_1641, %mul3A_1647 : vector<256x128xf32>
      %swap3A_1649 = arith.constant 0 : index
      %swap3A_1650 = arith.constant 512 : index
      %swap3A_1651 = vector.load %arg5[%swap3A_1649, %swap3A_1650] : memref<256x4096xf32, #tpu.memory_space<vmem>>, vector<256x128xf32>
      tpu.vector_store %arg5[%swap3A_1649, %swap3A_1650], %add3A_1648 {strides = array<i32>} : memref<256x4096xf32, #tpu.memory_space<vmem>>, vector<256x128xf32>,
      %slice3A_1652 = vector.extract_strided_slice %get3A_3 {offsets = [0, 640], sizes = [1, 128], strides = [1, 1]} : vector<3x4096xf32> to vector<1x128xf32>
      %slice3A_1653 = vector.extract_strided_slice %get3A_8 {offsets = [0, 0], sizes = [256, 1], strides = [1, 1]} : vector<256x3xf32> to vector<256x1xf32>
      %sub3A_1654 = vector.broadcast %slice3A_1653 : vector<256x1xf32> to vector<256x128xf32>
      %sub3A_1655 = vector.broadcast %slice3A_1652 : vector<1x128xf32> to vector<256x128xf32>
      %sub3A_1656 = arith.subf %sub3A_1654, %sub3A_1655 : vector<256x128xf32>
      %mul3A_1657 = arith.mulf %sub3A_1656, %sub3A_1656 : vector<256x128xf32>
      %slice3A_1658 = vector.extract_strided_slice %get3A_3 {offsets = [1, 640], sizes = [1, 128], strides = [1, 1]} : vector<3x4096xf32> to vector<1x128xf32>
      %slice3A_1659 = vector.extract_strided_slice %get3A_8 {offsets = [0, 1], sizes = [256, 1], strides = [1, 1]} : vector<256x3xf32> to vector<256x1xf32>
      %sub3A_1660 = vector.broadcast %slice3A_1659 : vector<256x1xf32> to vector<256x128xf32>
      %sub3A_1661 = vector.broadcast %slice3A_1658 : vector<1x128xf32> to vector<256x128xf32>
      %sub3A_1662 = arith.subf %sub3A_1660, %sub3A_1661 : vector<256x128xf32>
      %mul3A_1663 = arith.mulf %sub3A_1662, %sub3A_1662 : vector<256x128xf32>
      %add3A_1664 = arith.addf %mul3A_1657, %mul3A_1663 : vector<256x128xf32>
      %slice3A_1665 = vector.extract_strided_slice %get3A_3 {offsets = [2, 640], sizes = [1, 128], strides = [1, 1]} : vector<3x4096xf32> to vector<1x128xf32>
      %slice3A_1666 = vector.extract_strided_slice %get3A_8 {offsets = [0, 2], sizes = [256, 1], strides = [1, 1]} : vector<256x3xf32> to vector<256x1xf32>
      %sub3A_1667 = vector.broadcast %slice3A_1666 : vector<256x1xf32> to vector<256x128xf32>
      %sub3A_1668 = vector.broadcast %slice3A_1665 : vector<1x128xf32> to vector<256x128xf32>
      %sub3A_1669 = arith.subf %sub3A_1667, %sub3A_1668 : vector<256x128xf32>
      %mul3A_1670 = arith.mulf %sub3A_1669, %sub3A_1669 : vector<256x128xf32>
      %add3A_1671 = arith.addf %add3A_1664, %mul3A_1670 : vector<256x128xf32>
      %swap3A_1672 = arith.constant 0 : index
      %swap3A_1673 = arith.constant 640 : index
      %swap3A_1674 = vector.load %arg5[%swap3A_1672, %swap3A_1673] : memref<256x4096xf32, #tpu.memory_space<vmem>>, vector<256x128xf32>
      tpu.vector_store %arg5[%swap3A_1672, %swap3A_1673], %add3A_1671 {strides = array<i32>} : memref<256x4096xf32, #tpu.memory_space<vmem>>, vector<256x128xf32>,
      %slice3A_1675 = vector.extract_strided_slice %get3A_3 {offsets = [0, 768], sizes = [1, 128], strides = [1, 1]} : vector<3x4096xf32> to vector<1x128xf32>
      %slice3A_1676 = vector.extract_strided_slice %get3A_8 {offsets = [0, 0], sizes = [256, 1], strides = [1, 1]} : vector<256x3xf32> to vector<256x1xf32>
      %sub3A_1677 = vector.broadcast %slice3A_1676 : vector<256x1xf32> to vector<256x128xf32>
      %sub3A_1678 = vector.broadcast %slice3A_1675 : vector<1x128xf32> to vector<256x128xf32>
      %sub3A_1679 = arith.subf %sub3A_1677, %sub3A_1678 : vector<256x128xf32>
      %mul3A_1680 = arith.mulf %sub3A_1679, %sub3A_1679 : vector<256x128xf32>
      %slice3A_1681 = vector.extract_strided_slice %get3A_3 {offsets = [1, 768], sizes = [1, 128], strides = [1, 1]} : vector<3x4096xf32> to vector<1x128xf32>
      %slice3A_1682 = vector.extract_strided_slice %get3A_8 {offsets = [0, 1], sizes = [256, 1], strides = [1, 1]} : vector<256x3xf32> to vector<256x1xf32>
      %sub3A_1683 = vector.broadcast %slice3A_1682 : vector<256x1xf32> to vector<256x128xf32>
      %sub3A_1684 = vector.broadcast %slice3A_1681 : vector<1x128xf32> to vector<256x128xf32>
      %sub3A_1685 = arith.subf %sub3A_1683, %sub3A_1684 : vector<256x128xf32>
      %mul3A_1686 = arith.mulf %sub3A_1685, %sub3A_1685 : vector<256x128xf32>
      %add3A_1687 = arith.addf %mul3A_1680, %mul3A_1686 : vector<256x128xf32>
      %slice3A_1688 = vector.extract_strided_slice %get3A_3 {offsets = [2, 768], sizes = [1, 128], strides = [1, 1]} : vector<3x4096xf32> to vector<1x128xf32>
      %slice3A_1689 = vector.extract_strided_slice %get3A_8 {offsets = [0, 2], sizes = [256, 1], strides = [1, 1]} : vector<256x3xf32> to vector<256x1xf32>
      %sub3A_1690 = vector.broadcast %slice3A_1689 : vector<256x1xf32> to vector<256x128xf32>
      %sub3A_1691 = vector.broadcast %slice3A_1688 : vector<1x128xf32> to vector<256x128xf32>
      %sub3A_1692 = arith.subf %sub3A_1690, %sub3A_1691 : vector<256x128xf32>
      %mul3A_1693 = arith.mulf %sub3A_1692, %sub3A_1692 : vector<256x128xf32>
      %add3A_1694 = arith.addf %add3A_1687, %mul3A_1693 : vector<256x128xf32>
      %swap3A_1695 = arith.constant 0 : index
      %swap3A_1696 = arith.constant 768 : index
      %swap3A_1697 = vector.load %arg5[%swap3A_1695, %swap3A_1696] : memref<256x4096xf32, #tpu.memory_space<vmem>>, vector<256x128xf32>
      tpu.vector_store %arg5[%swap3A_1695, %swap3A_1696], %add3A_1694 {strides = array<i32>} : memref<256x4096xf32, #tpu.memory_space<vmem>>, vector<256x128xf32>,
      %slice3A_1698 = vector.extract_strided_slice %get3A_3 {offsets = [0, 896], sizes = [1, 128], strides = [1, 1]} : vector<3x4096xf32> to vector<1x128xf32>
      %slice3A_1699 = vector.extract_strided_slice %get3A_8 {offsets = [0, 0], sizes = [256, 1], strides = [1, 1]} : vector<256x3xf32> to vector<256x1xf32>
      %sub3A_1700 = vector.broadcast %slice3A_1699 : vector<256x1xf32> to vector<256x128xf32>
      %sub3A_1701 = vector.broadcast %slice3A_1698 : vector<1x128xf32> to vector<256x128xf32>
      %sub3A_1702 = arith.subf %sub3A_1700, %sub3A_1701 : vector<256x128xf32>
      %mul3A_1703 = arith.mulf %sub3A_1702, %sub3A_1702 : vector<256x128xf32>
      %slice3A_1704 = vector.extract_strided_slice %get3A_3 {offsets = [1, 896], sizes = [1, 128], strides = [1, 1]} : vector<3x4096xf32> to vector<1x128xf32>
      %slice3A_1705 = vector.extract_strided_slice %get3A_8 {offsets = [0, 1], sizes = [256, 1], strides = [1, 1]} : vector<256x3xf32> to vector<256x1xf32>
      %sub3A_1706 = vector.broadcast %slice3A_1705 : vector<256x1xf32> to vector<256x128xf32>
      %sub3A_1707 = vector.broadcast %slice3A_1704 : vector<1x128xf32> to vector<256x128xf32>
      %sub3A_1708 = arith.subf %sub3A_1706, %sub3A_1707 : vector<256x128xf32>
      %mul3A_1709 = arith.mulf %sub3A_1708, %sub3A_1708 : vector<256x128xf32>
      %add3A_1710 = arith.addf %mul3A_1703, %mul3A_1709 : vector<256x128xf32>
      %slice3A_1711 = vector.extract_strided_slice %get3A_3 {offsets = [2, 896], sizes = [1, 128], strides = [1, 1]} : vector<3x4096xf32> to vector<1x128xf32>
      %slice3A_1712 = vector.extract_strided_slice %get3A_8 {offsets = [0, 2], sizes = [256, 1], strides = [1, 1]} : vector<256x3xf32> to vector<256x1xf32>
      %sub3A_1713 = vector.broadcast %slice3A_1712 : vector<256x1xf32> to vector<256x128xf32>
      %sub3A_1714 = vector.broadcast %slice3A_1711 : vector<1x128xf32> to vector<256x128xf32>
      %sub3A_1715 = arith.subf %sub3A_1713, %sub3A_1714 : vector<256x128xf32>
      %mul3A_1716 = arith.mulf %sub3A_1715, %sub3A_1715 : vector<256x128xf32>
      %add3A_1717 = arith.addf %add3A_1710, %mul3A_1716 : vector<256x128xf32>
      %swap3A_1718 = arith.constant 0 : index
      %swap3A_1719 = arith.constant 896 : index
      %swap3A_1720 = vector.load %arg5[%swap3A_1718, %swap3A_1719] : memref<256x4096xf32, #tpu.memory_space<vmem>>, vector<256x128xf32>
      tpu.vector_store %arg5[%swap3A_1718, %swap3A_1719], %add3A_1717 {strides = array<i32>} : memref<256x4096xf32, #tpu.memory_space<vmem>>, vector<256x128xf32>,
      %slice3A_1721 = vector.extract_strided_slice %get3A_3 {offsets = [0, 1024], sizes = [1, 128], strides = [1, 1]} : vector<3x4096xf32> to vector<1x128xf32>
      %slice3A_1722 = vector.extract_strided_slice %get3A_8 {offsets = [0, 0], sizes = [256, 1], strides = [1, 1]} : vector<256x3xf32> to vector<256x1xf32>
      %sub3A_1723 = vector.broadcast %slice3A_1722 : vector<256x1xf32> to vector<256x128xf32>
      %sub3A_1724 = vector.broadcast %slice3A_1721 : vector<1x128xf32> to vector<256x128xf32>
      %sub3A_1725 = arith.subf %sub3A_1723, %sub3A_1724 : vector<256x128xf32>
      %mul3A_1726 = arith.mulf %sub3A_1725, %sub3A_1725 : vector<256x128xf32>
      %slice3A_1727 = vector.extract_strided_slice %get3A_3 {offsets = [1, 1024], sizes = [1, 128], strides = [1, 1]} : vector<3x4096xf32> to vector<1x128xf32>
      %slice3A_1728 = vector.extract_strided_slice %get3A_8 {offsets = [0, 1], sizes = [256, 1], strides = [1, 1]} : vector<256x3xf32> to vector<256x1xf32>
      %sub3A_1729 = vector.broadcast %slice3A_1728 : vector<256x1xf32> to vector<256x128xf32>
      %sub3A_1730 = vector.broadcast %slice3A_1727 : vector<1x128xf32> to vector<256x128xf32>
      %sub3A_1731 = arith.subf %sub3A_1729, %sub3A_1730 : vector<256x128xf32>
      %mul3A_1732 = arith.mulf %sub3A_1731, %sub3A_1731 : vector<256x128xf32>
      %add3A_1733 = arith.addf %mul3A_1726, %mul3A_1732 : vector<256x128xf32>
      %slice3A_1734 = vector.extract_strided_slice %get3A_3 {offsets = [2, 1024], sizes = [1, 128], strides = [1, 1]} : vector<3x4096xf32> to vector<1x128xf32>
      %slice3A_1735 = vector.extract_strided_slice %get3A_8 {offsets = [0, 2], sizes = [256, 1], strides = [1, 1]} : vector<256x3xf32> to vector<256x1xf32>
      %sub3A_1736 = vector.broadcast %slice3A_1735 : vector<256x1xf32> to vector<256x128xf32>
      %sub3A_1737 = vector.broadcast %slice3A_1734 : vector<1x128xf32> to vector<256x128xf32>
      %sub3A_1738 = arith.subf %sub3A_1736, %sub3A_1737 : vector<256x128xf32>
      %mul3A_1739 = arith.mulf %sub3A_1738, %sub3A_1738 : vector<256x128xf32>
      %add3A_1740 = arith.addf %add3A_1733, %mul3A_1739 : vector<256x128xf32>
      %swap3A_1741 = arith.constant 0 : index
      %swap3A_1742 = arith.constant 1024 : index
      %swap3A_1743 = vector.load %arg5[%swap3A_1741, %swap3A_1742] : memref<256x4096xf32, #tpu.memory_space<vmem>>, vector<256x128xf32>
      tpu.vector_store %arg5[%swap3A_1741, %swap3A_1742], %add3A_1740 {strides = array<i32>} : memref<256x4096xf32, #tpu.memory_space<vmem>>, vector<256x128xf32>,
      %slice3A_1744 = vector.extract_strided_slice %get3A_3 {offsets = [0, 1152], sizes = [1, 128], strides = [1, 1]} : vector<3x4096xf32> to vector<1x128xf32>
      %slice3A_1745 = vector.extract_strided_slice %get3A_8 {offsets = [0, 0], sizes = [256, 1], strides = [1, 1]} : vector<256x3xf32> to vector<256x1xf32>
      %sub3A_1746 = vector.broadcast %slice3A_1745 : vector<256x1xf32> to vector<256x128xf32>
      %sub3A_1747 = vector.broadcast %slice3A_1744 : vector<1x128xf32> to vector<256x128xf32>
      %sub3A_1748 = arith.subf %sub3A_1746, %sub3A_1747 : vector<256x128xf32>
      %mul3A_1749 = arith.mulf %sub3A_1748, %sub3A_1748 : vector<256x128xf32>
      %slice3A_1750 = vector.extract_strided_slice %get3A_3 {offsets = [1, 1152], sizes = [1, 128], strides = [1, 1]} : vector<3x4096xf32> to vector<1x128xf32>
      %slice3A_1751 = vector.extract_strided_slice %get3A_8 {offsets = [0, 1], sizes = [256, 1], strides = [1, 1]} : vector<256x3xf32> to vector<256x1xf32>
      %sub3A_1752 = vector.broadcast %slice3A_1751 : vector<256x1xf32> to vector<256x128xf32>
      %sub3A_1753 = vector.broadcast %slice3A_1750 : vector<1x128xf32> to vector<256x128xf32>
      %sub3A_1754 = arith.subf %sub3A_1752, %sub3A_1753 : vector<256x128xf32>
      %mul3A_1755 = arith.mulf %sub3A_1754, %sub3A_1754 : vector<256x128xf32>
      %add3A_1756 = arith.addf %mul3A_1749, %mul3A_1755 : vector<256x128xf32>
      %slice3A_1757 = vector.extract_strided_slice %get3A_3 {offsets = [2, 1152], sizes = [1, 128], strides = [1, 1]} : vector<3x4096xf32> to vector<1x128xf32>
      %slice3A_1758 = vector.extract_strided_slice %get3A_8 {offsets = [0, 2], sizes = [256, 1], strides = [1, 1]} : vector<256x3xf32> to vector<256x1xf32>
      %sub3A_1759 = vector.broadcast %slice3A_1758 : vector<256x1xf32> to vector<256x128xf32>
      %sub3A_1760 = vector.broadcast %slice3A_1757 : vector<1x128xf32> to vector<256x128xf32>
      %sub3A_1761 = arith.subf %sub3A_1759, %sub3A_1760 : vector<256x128xf32>
      %mul3A_1762 = arith.mulf %sub3A_1761, %sub3A_1761 : vector<256x128xf32>
      %add3A_1763 = arith.addf %add3A_1756, %mul3A_1762 : vector<256x128xf32>
      %swap3A_1764 = arith.constant 0 : index
      %swap3A_1765 = arith.constant 1152 : index
      %swap3A_1766 = vector.load %arg5[%swap3A_1764, %swap3A_1765] : memref<256x4096xf32, #tpu.memory_space<vmem>>, vector<256x128xf32>
      tpu.vector_store %arg5[%swap3A_1764, %swap3A_1765], %add3A_1763 {strides = array<i32>} : memref<256x4096xf32, #tpu.memory_space<vmem>>, vector<256x128xf32>,
      %slice3A_1767 = vector.extract_strided_slice %get3A_3 {offsets = [0, 1280], sizes = [1, 128], strides = [1, 1]} : vector<3x4096xf32> to vector<1x128xf32>
      %slice3A_1768 = vector.extract_strided_slice %get3A_8 {offsets = [0, 0], sizes = [256, 1], strides = [1, 1]} : vector<256x3xf32> to vector<256x1xf32>
      %sub3A_1769 = vector.broadcast %slice3A_1768 : vector<256x1xf32> to vector<256x128xf32>
      %sub3A_1770 = vector.broadcast %slice3A_1767 : vector<1x128xf32> to vector<256x128xf32>
      %sub3A_1771 = arith.subf %sub3A_1769, %sub3A_1770 : vector<256x128xf32>
      %mul3A_1772 = arith.mulf %sub3A_1771, %sub3A_1771 : vector<256x128xf32>
      %slice3A_1773 = vector.extract_strided_slice %get3A_3 {offsets = [1, 1280], sizes = [1, 128], strides = [1, 1]} : vector<3x4096xf32> to vector<1x128xf32>
      %slice3A_1774 = vector.extract_strided_slice %get3A_8 {offsets = [0, 1], sizes = [256, 1], strides = [1, 1]} : vector<256x3xf32> to vector<256x1xf32>
      %sub3A_1775 = vector.broadcast %slice3A_1774 : vector<256x1xf32> to vector<256x128xf32>
      %sub3A_1776 = vector.broadcast %slice3A_1773 : vector<1x128xf32> to vector<256x128xf32>
      %sub3A_1777 = arith.subf %sub3A_1775, %sub3A_1776 : vector<256x128xf32>
      %mul3A_1778 = arith.mulf %sub3A_1777, %sub3A_1777 : vector<256x128xf32>
      %add3A_1779 = arith.addf %mul3A_1772, %mul3A_1778 : vector<256x128xf32>
      %slice3A_1780 = vector.extract_strided_slice %get3A_3 {offsets = [2, 1280], sizes = [1, 128], strides = [1, 1]} : vector<3x4096xf32> to vector<1x128xf32>
      %slice3A_1781 = vector.extract_strided_slice %get3A_8 {offsets = [0, 2], sizes = [256, 1], strides = [1, 1]} : vector<256x3xf32> to vector<256x1xf32>
      %sub3A_1782 = vector.broadcast %slice3A_1781 : vector<256x1xf32> to vector<256x128xf32>
      %sub3A_1783 = vector.broadcast %slice3A_1780 : vector<1x128xf32> to vector<256x128xf32>
      %sub3A_1784 = arith.subf %sub3A_1782, %sub3A_1783 : vector<256x128xf32>
      %mul3A_1785 = arith.mulf %sub3A_1784, %sub3A_1784 : vector<256x128xf32>
      %add3A_1786 = arith.addf %add3A_1779, %mul3A_1785 : vector<256x128xf32>
      %swap3A_1787 = arith.constant 0 : index
      %swap3A_1788 = arith.constant 1280 : index
      %swap3A_1789 = vector.load %arg5[%swap3A_1787, %swap3A_1788] : memref<256x4096xf32, #tpu.memory_space<vmem>>, vector<256x128xf32>
      tpu.vector_store %arg5[%swap3A_1787, %swap3A_1788], %add3A_1786 {strides = array<i32>} : memref<256x4096xf32, #tpu.memory_space<vmem>>, vector<256x128xf32>,
      %slice3A_1790 = vector.extract_strided_slice %get3A_3 {offsets = [0, 1408], sizes = [1, 128], strides = [1, 1]} : vector<3x4096xf32> to vector<1x128xf32>
      %slice3A_1791 = vector.extract_strided_slice %get3A_8 {offsets = [0, 0], sizes = [256, 1], strides = [1, 1]} : vector<256x3xf32> to vector<256x1xf32>
      %sub3A_1792 = vector.broadcast %slice3A_1791 : vector<256x1xf32> to vector<256x128xf32>
      %sub3A_1793 = vector.broadcast %slice3A_1790 : vector<1x128xf32> to vector<256x128xf32>
      %sub3A_1794 = arith.subf %sub3A_1792, %sub3A_1793 : vector<256x128xf32>
      %mul3A_1795 = arith.mulf %sub3A_1794, %sub3A_1794 : vector<256x128xf32>
      %slice3A_1796 = vector.extract_strided_slice %get3A_3 {offsets = [1, 1408], sizes = [1, 128], strides = [1, 1]} : vector<3x4096xf32> to vector<1x128xf32>
      %slice3A_1797 = vector.extract_strided_slice %get3A_8 {offsets = [0, 1], sizes = [256, 1], strides = [1, 1]} : vector<256x3xf32> to vector<256x1xf32>
      %sub3A_1798 = vector.broadcast %slice3A_1797 : vector<256x1xf32> to vector<256x128xf32>
      %sub3A_1799 = vector.broadcast %slice3A_1796 : vector<1x128xf32> to vector<256x128xf32>
      %sub3A_1800 = arith.subf %sub3A_1798, %sub3A_1799 : vector<256x128xf32>
      %mul3A_1801 = arith.mulf %sub3A_1800, %sub3A_1800 : vector<256x128xf32>
      %add3A_1802 = arith.addf %mul3A_1795, %mul3A_1801 : vector<256x128xf32>
      %slice3A_1803 = vector.extract_strided_slice %get3A_3 {offsets = [2, 1408], sizes = [1, 128], strides = [1, 1]} : vector<3x4096xf32> to vector<1x128xf32>
      %slice3A_1804 = vector.extract_strided_slice %get3A_8 {offsets = [0, 2], sizes = [256, 1], strides = [1, 1]} : vector<256x3xf32> to vector<256x1xf32>
      %sub3A_1805 = vector.broadcast %slice3A_1804 : vector<256x1xf32> to vector<256x128xf32>
      %sub3A_1806 = vector.broadcast %slice3A_1803 : vector<1x128xf32> to vector<256x128xf32>
      %sub3A_1807 = arith.subf %sub3A_1805, %sub3A_1806 : vector<256x128xf32>
      %mul3A_1808 = arith.mulf %sub3A_1807, %sub3A_1807 : vector<256x128xf32>
      %add3A_1809 = arith.addf %add3A_1802, %mul3A_1808 : vector<256x128xf32>
      %swap3A_1810 = arith.constant 0 : index
      %swap3A_1811 = arith.constant 1408 : index
      %swap3A_1812 = vector.load %arg5[%swap3A_1810, %swap3A_1811] : memref<256x4096xf32, #tpu.memory_space<vmem>>, vector<256x128xf32>
      tpu.vector_store %arg5[%swap3A_1810, %swap3A_1811], %add3A_1809 {strides = array<i32>} : memref<256x4096xf32, #tpu.memory_space<vmem>>, vector<256x128xf32>,
      %slice3A_1813 = vector.extract_strided_slice %get3A_3 {offsets = [0, 1536], sizes = [1, 128], strides = [1, 1]} : vector<3x4096xf32> to vector<1x128xf32>
      %slice3A_1814 = vector.extract_strided_slice %get3A_8 {offsets = [0, 0], sizes = [256, 1], strides = [1, 1]} : vector<256x3xf32> to vector<256x1xf32>
      %sub3A_1815 = vector.broadcast %slice3A_1814 : vector<256x1xf32> to vector<256x128xf32>
      %sub3A_1816 = vector.broadcast %slice3A_1813 : vector<1x128xf32> to vector<256x128xf32>
      %sub3A_1817 = arith.subf %sub3A_1815, %sub3A_1816 : vector<256x128xf32>
      %mul3A_1818 = arith.mulf %sub3A_1817, %sub3A_1817 : vector<256x128xf32>
      %slice3A_1819 = vector.extract_strided_slice %get3A_3 {offsets = [1, 1536], sizes = [1, 128], strides = [1, 1]} : vector<3x4096xf32> to vector<1x128xf32>
      %slice3A_1820 = vector.extract_strided_slice %get3A_8 {offsets = [0, 1], sizes = [256, 1], strides = [1, 1]} : vector<256x3xf32> to vector<256x1xf32>
      %sub3A_1821 = vector.broadcast %slice3A_1820 : vector<256x1xf32> to vector<256x128xf32>
      %sub3A_1822 = vector.broadcast %slice3A_1819 : vector<1x128xf32> to vector<256x128xf32>
      %sub3A_1823 = arith.subf %sub3A_1821, %sub3A_1822 : vector<256x128xf32>
      %mul3A_1824 = arith.mulf %sub3A_1823, %sub3A_1823 : vector<256x128xf32>
      %add3A_1825 = arith.addf %mul3A_1818, %mul3A_1824 : vector<256x128xf32>
      %slice3A_1826 = vector.extract_strided_slice %get3A_3 {offsets = [2, 1536], sizes = [1, 128], strides = [1, 1]} : vector<3x4096xf32> to vector<1x128xf32>
      %slice3A_1827 = vector.extract_strided_slice %get3A_8 {offsets = [0, 2], sizes = [256, 1], strides = [1, 1]} : vector<256x3xf32> to vector<256x1xf32>
      %sub3A_1828 = vector.broadcast %slice3A_1827 : vector<256x1xf32> to vector<256x128xf32>
      %sub3A_1829 = vector.broadcast %slice3A_1826 : vector<1x128xf32> to vector<256x128xf32>
      %sub3A_1830 = arith.subf %sub3A_1828, %sub3A_1829 : vector<256x128xf32>
      %mul3A_1831 = arith.mulf %sub3A_1830, %sub3A_1830 : vector<256x128xf32>
      %add3A_1832 = arith.addf %add3A_1825, %mul3A_1831 : vector<256x128xf32>
      %swap3A_1833 = arith.constant 0 : index
      %swap3A_1834 = arith.constant 1536 : index
      %swap3A_1835 = vector.load %arg5[%swap3A_1833, %swap3A_1834] : memref<256x4096xf32, #tpu.memory_space<vmem>>, vector<256x128xf32>
      tpu.vector_store %arg5[%swap3A_1833, %swap3A_1834], %add3A_1832 {strides = array<i32>} : memref<256x4096xf32, #tpu.memory_space<vmem>>, vector<256x128xf32>,
      %slice3A_1836 = vector.extract_strided_slice %get3A_3 {offsets = [0, 1664], sizes = [1, 128], strides = [1, 1]} : vector<3x4096xf32> to vector<1x128xf32>
      %slice3A_1837 = vector.extract_strided_slice %get3A_8 {offsets = [0, 0], sizes = [256, 1], strides = [1, 1]} : vector<256x3xf32> to vector<256x1xf32>
      %sub3A_1838 = vector.broadcast %slice3A_1837 : vector<256x1xf32> to vector<256x128xf32>
      %sub3A_1839 = vector.broadcast %slice3A_1836 : vector<1x128xf32> to vector<256x128xf32>
      %sub3A_1840 = arith.subf %sub3A_1838, %sub3A_1839 : vector<256x128xf32>
      %mul3A_1841 = arith.mulf %sub3A_1840, %sub3A_1840 : vector<256x128xf32>
      %slice3A_1842 = vector.extract_strided_slice %get3A_3 {offsets = [1, 1664], sizes = [1, 128], strides = [1, 1]} : vector<3x4096xf32> to vector<1x128xf32>
      %slice3A_1843 = vector.extract_strided_slice %get3A_8 {offsets = [0, 1], sizes = [256, 1], strides = [1, 1]} : vector<256x3xf32> to vector<256x1xf32>
      %sub3A_1844 = vector.broadcast %slice3A_1843 : vector<256x1xf32> to vector<256x128xf32>
      %sub3A_1845 = vector.broadcast %slice3A_1842 : vector<1x128xf32> to vector<256x128xf32>
      %sub3A_1846 = arith.subf %sub3A_1844, %sub3A_1845 : vector<256x128xf32>
      %mul3A_1847 = arith.mulf %sub3A_1846, %sub3A_1846 : vector<256x128xf32>
      %add3A_1848 = arith.addf %mul3A_1841, %mul3A_1847 : vector<256x128xf32>
      %slice3A_1849 = vector.extract_strided_slice %get3A_3 {offsets = [2, 1664], sizes = [1, 128], strides = [1, 1]} : vector<3x4096xf32> to vector<1x128xf32>
      %slice3A_1850 = vector.extract_strided_slice %get3A_8 {offsets = [0, 2], sizes = [256, 1], strides = [1, 1]} : vector<256x3xf32> to vector<256x1xf32>
      %sub3A_1851 = vector.broadcast %slice3A_1850 : vector<256x1xf32> to vector<256x128xf32>
      %sub3A_1852 = vector.broadcast %slice3A_1849 : vector<1x128xf32> to vector<256x128xf32>
      %sub3A_1853 = arith.subf %sub3A_1851, %sub3A_1852 : vector<256x128xf32>
      %mul3A_1854 = arith.mulf %sub3A_1853, %sub3A_1853 : vector<256x128xf32>
      %add3A_1855 = arith.addf %add3A_1848, %mul3A_1854 : vector<256x128xf32>
      %swap3A_1856 = arith.constant 0 : index
      %swap3A_1857 = arith.constant 1664 : index
      %swap3A_1858 = vector.load %arg5[%swap3A_1856, %swap3A_1857] : memref<256x4096xf32, #tpu.memory_space<vmem>>, vector<256x128xf32>
      tpu.vector_store %arg5[%swap3A_1856, %swap3A_1857], %add3A_1855 {strides = array<i32>} : memref<256x4096xf32, #tpu.memory_space<vmem>>, vector<256x128xf32>,
      %slice3A_1859 = vector.extract_strided_slice %get3A_3 {offsets = [0, 1792], sizes = [1, 128], strides = [1, 1]} : vector<3x4096xf32> to vector<1x128xf32>
      %slice3A_1860 = vector.extract_strided_slice %get3A_8 {offsets = [0, 0], sizes = [256, 1], strides = [1, 1]} : vector<256x3xf32> to vector<256x1xf32>
      %sub3A_1861 = vector.broadcast %slice3A_1860 : vector<256x1xf32> to vector<256x128xf32>
      %sub3A_1862 = vector.broadcast %slice3A_1859 : vector<1x128xf32> to vector<256x128xf32>
      %sub3A_1863 = arith.subf %sub3A_1861, %sub3A_1862 : vector<256x128xf32>
      %mul3A_1864 = arith.mulf %sub3A_1863, %sub3A_1863 : vector<256x128xf32>
      %slice3A_1865 = vector.extract_strided_slice %get3A_3 {offsets = [1, 1792], sizes = [1, 128], strides = [1, 1]} : vector<3x4096xf32> to vector<1x128xf32>
      %slice3A_1866 = vector.extract_strided_slice %get3A_8 {offsets = [0, 1], sizes = [256, 1], strides = [1, 1]} : vector<256x3xf32> to vector<256x1xf32>
      %sub3A_1867 = vector.broadcast %slice3A_1866 : vector<256x1xf32> to vector<256x128xf32>
      %sub3A_1868 = vector.broadcast %slice3A_1865 : vector<1x128xf32> to vector<256x128xf32>
      %sub3A_1869 = arith.subf %sub3A_1867, %sub3A_1868 : vector<256x128xf32>
      %mul3A_1870 = arith.mulf %sub3A_1869, %sub3A_1869 : vector<256x128xf32>
      %add3A_1871 = arith.addf %mul3A_1864, %mul3A_1870 : vector<256x128xf32>
      %slice3A_1872 = vector.extract_strided_slice %get3A_3 {offsets = [2, 1792], sizes = [1, 128], strides = [1, 1]} : vector<3x4096xf32> to vector<1x128xf32>
      %slice3A_1873 = vector.extract_strided_slice %get3A_8 {offsets = [0, 2], sizes = [256, 1], strides = [1, 1]} : vector<256x3xf32> to vector<256x1xf32>
      %sub3A_1874 = vector.broadcast %slice3A_1873 : vector<256x1xf32> to vector<256x128xf32>
      %sub3A_1875 = vector.broadcast %slice3A_1872 : vector<1x128xf32> to vector<256x128xf32>
      %sub3A_1876 = arith.subf %sub3A_1874, %sub3A_1875 : vector<256x128xf32>
      %mul3A_1877 = arith.mulf %sub3A_1876, %sub3A_1876 : vector<256x128xf32>
      %add3A_1878 = arith.addf %add3A_1871, %mul3A_1877 : vector<256x128xf32>
      %swap3A_1879 = arith.constant 0 : index
      %swap3A_1880 = arith.constant 1792 : index
      %swap3A_1881 = vector.load %arg5[%swap3A_1879, %swap3A_1880] : memref<256x4096xf32, #tpu.memory_space<vmem>>, vector<256x128xf32>
      tpu.vector_store %arg5[%swap3A_1879, %swap3A_1880], %add3A_1878 {strides = array<i32>} : memref<256x4096xf32, #tpu.memory_space<vmem>>, vector<256x128xf32>,
      %slice3A_1882 = vector.extract_strided_slice %get3A_3 {offsets = [0, 1920], sizes = [1, 128], strides = [1, 1]} : vector<3x4096xf32> to vector<1x128xf32>
      %slice3A_1883 = vector.extract_strided_slice %get3A_8 {offsets = [0, 0], sizes = [256, 1], strides = [1, 1]} : vector<256x3xf32> to vector<256x1xf32>
      %sub3A_1884 = vector.broadcast %slice3A_1883 : vector<256x1xf32> to vector<256x128xf32>
      %sub3A_1885 = vector.broadcast %slice3A_1882 : vector<1x128xf32> to vector<256x128xf32>
      %sub3A_1886 = arith.subf %sub3A_1884, %sub3A_1885 : vector<256x128xf32>
      %mul3A_1887 = arith.mulf %sub3A_1886, %sub3A_1886 : vector<256x128xf32>
      %slice3A_1888 = vector.extract_strided_slice %get3A_3 {offsets = [1, 1920], sizes = [1, 128], strides = [1, 1]} : vector<3x4096xf32> to vector<1x128xf32>
      %slice3A_1889 = vector.extract_strided_slice %get3A_8 {offsets = [0, 1], sizes = [256, 1], strides = [1, 1]} : vector<256x3xf32> to vector<256x1xf32>
      %sub3A_1890 = vector.broadcast %slice3A_1889 : vector<256x1xf32> to vector<256x128xf32>
      %sub3A_1891 = vector.broadcast %slice3A_1888 : vector<1x128xf32> to vector<256x128xf32>
      %sub3A_1892 = arith.subf %sub3A_1890, %sub3A_1891 : vector<256x128xf32>
      %mul3A_1893 = arith.mulf %sub3A_1892, %sub3A_1892 : vector<256x128xf32>
      %add3A_1894 = arith.addf %mul3A_1887, %mul3A_1893 : vector<256x128xf32>
      %slice3A_1895 = vector.extract_strided_slice %get3A_3 {offsets = [2, 1920], sizes = [1, 128], strides = [1, 1]} : vector<3x4096xf32> to vector<1x128xf32>
      %slice3A_1896 = vector.extract_strided_slice %get3A_8 {offsets = [0, 2], sizes = [256, 1], strides = [1, 1]} : vector<256x3xf32> to vector<256x1xf32>
      %sub3A_1897 = vector.broadcast %slice3A_1896 : vector<256x1xf32> to vector<256x128xf32>
      %sub3A_1898 = vector.broadcast %slice3A_1895 : vector<1x128xf32> to vector<256x128xf32>
      %sub3A_1899 = arith.subf %sub3A_1897, %sub3A_1898 : vector<256x128xf32>
      %mul3A_1900 = arith.mulf %sub3A_1899, %sub3A_1899 : vector<256x128xf32>
      %add3A_1901 = arith.addf %add3A_1894, %mul3A_1900 : vector<256x128xf32>
      %swap3A_1902 = arith.constant 0 : index
      %swap3A_1903 = arith.constant 1920 : index
      %swap3A_1904 = vector.load %arg5[%swap3A_1902, %swap3A_1903] : memref<256x4096xf32, #tpu.memory_space<vmem>>, vector<256x128xf32>
      tpu.vector_store %arg5[%swap3A_1902, %swap3A_1903], %add3A_1901 {strides = array<i32>} : memref<256x4096xf32, #tpu.memory_space<vmem>>, vector<256x128xf32>,
      %slice3A_1905 = vector.extract_strided_slice %get3A_3 {offsets = [0, 2048], sizes = [1, 128], strides = [1, 1]} : vector<3x4096xf32> to vector<1x128xf32>
      %slice3A_1906 = vector.extract_strided_slice %get3A_8 {offsets = [0, 0], sizes = [256, 1], strides = [1, 1]} : vector<256x3xf32> to vector<256x1xf32>
      %sub3A_1907 = vector.broadcast %slice3A_1906 : vector<256x1xf32> to vector<256x128xf32>
      %sub3A_1908 = vector.broadcast %slice3A_1905 : vector<1x128xf32> to vector<256x128xf32>
      %sub3A_1909 = arith.subf %sub3A_1907, %sub3A_1908 : vector<256x128xf32>
      %mul3A_1910 = arith.mulf %sub3A_1909, %sub3A_1909 : vector<256x128xf32>
      %slice3A_1911 = vector.extract_strided_slice %get3A_3 {offsets = [1, 2048], sizes = [1, 128], strides = [1, 1]} : vector<3x4096xf32> to vector<1x128xf32>
      %slice3A_1912 = vector.extract_strided_slice %get3A_8 {offsets = [0, 1], sizes = [256, 1], strides = [1, 1]} : vector<256x3xf32> to vector<256x1xf32>
      %sub3A_1913 = vector.broadcast %slice3A_1912 : vector<256x1xf32> to vector<256x128xf32>
      %sub3A_1914 = vector.broadcast %slice3A_1911 : vector<1x128xf32> to vector<256x128xf32>
      %sub3A_1915 = arith.subf %sub3A_1913, %sub3A_1914 : vector<256x128xf32>
      %mul3A_1916 = arith.mulf %sub3A_1915, %sub3A_1915 : vector<256x128xf32>
      %add3A_1917 = arith.addf %mul3A_1910, %mul3A_1916 : vector<256x128xf32>
      %slice3A_1918 = vector.extract_strided_slice %get3A_3 {offsets = [2, 2048], sizes = [1, 128], strides = [1, 1]} : vector<3x4096xf32> to vector<1x128xf32>
      %slice3A_1919 = vector.extract_strided_slice %get3A_8 {offsets = [0, 2], sizes = [256, 1], strides = [1, 1]} : vector<256x3xf32> to vector<256x1xf32>
      %sub3A_1920 = vector.broadcast %slice3A_1919 : vector<256x1xf32> to vector<256x128xf32>
      %sub3A_1921 = vector.broadcast %slice3A_1918 : vector<1x128xf32> to vector<256x128xf32>
      %sub3A_1922 = arith.subf %sub3A_1920, %sub3A_1921 : vector<256x128xf32>
      %mul3A_1923 = arith.mulf %sub3A_1922, %sub3A_1922 : vector<256x128xf32>
      %add3A_1924 = arith.addf %add3A_1917, %mul3A_1923 : vector<256x128xf32>
      %swap3A_1925 = arith.constant 0 : index
      %swap3A_1926 = arith.constant 2048 : index
      %swap3A_1927 = vector.load %arg5[%swap3A_1925, %swap3A_1926] : memref<256x4096xf32, #tpu.memory_space<vmem>>, vector<256x128xf32>
      tpu.vector_store %arg5[%swap3A_1925, %swap3A_1926], %add3A_1924 {strides = array<i32>} : memref<256x4096xf32, #tpu.memory_space<vmem>>, vector<256x128xf32>,
      %slice3A_1928 = vector.extract_strided_slice %get3A_3 {offsets = [0, 2176], sizes = [1, 128], strides = [1, 1]} : vector<3x4096xf32> to vector<1x128xf32>
      %slice3A_1929 = vector.extract_strided_slice %get3A_8 {offsets = [0, 0], sizes = [256, 1], strides = [1, 1]} : vector<256x3xf32> to vector<256x1xf32>
      %sub3A_1930 = vector.broadcast %slice3A_1929 : vector<256x1xf32> to vector<256x128xf32>
      %sub3A_1931 = vector.broadcast %slice3A_1928 : vector<1x128xf32> to vector<256x128xf32>
      %sub3A_1932 = arith.subf %sub3A_1930, %sub3A_1931 : vector<256x128xf32>
      %mul3A_1933 = arith.mulf %sub3A_1932, %sub3A_1932 : vector<256x128xf32>
      %slice3A_1934 = vector.extract_strided_slice %get3A_3 {offsets = [1, 2176], sizes = [1, 128], strides = [1, 1]} : vector<3x4096xf32> to vector<1x128xf32>
      %slice3A_1935 = vector.extract_strided_slice %get3A_8 {offsets = [0, 1], sizes = [256, 1], strides = [1, 1]} : vector<256x3xf32> to vector<256x1xf32>
      %sub3A_1936 = vector.broadcast %slice3A_1935 : vector<256x1xf32> to vector<256x128xf32>
      %sub3A_1937 = vector.broadcast %slice3A_1934 : vector<1x128xf32> to vector<256x128xf32>
      %sub3A_1938 = arith.subf %sub3A_1936, %sub3A_1937 : vector<256x128xf32>
      %mul3A_1939 = arith.mulf %sub3A_1938, %sub3A_1938 : vector<256x128xf32>
      %add3A_1940 = arith.addf %mul3A_1933, %mul3A_1939 : vector<256x128xf32>
      %slice3A_1941 = vector.extract_strided_slice %get3A_3 {offsets = [2, 2176], sizes = [1, 128], strides = [1, 1]} : vector<3x4096xf32> to vector<1x128xf32>
      %slice3A_1942 = vector.extract_strided_slice %get3A_8 {offsets = [0, 2], sizes = [256, 1], strides = [1, 1]} : vector<256x3xf32> to vector<256x1xf32>
      %sub3A_1943 = vector.broadcast %slice3A_1942 : vector<256x1xf32> to vector<256x128xf32>
      %sub3A_1944 = vector.broadcast %slice3A_1941 : vector<1x128xf32> to vector<256x128xf32>
      %sub3A_1945 = arith.subf %sub3A_1943, %sub3A_1944 : vector<256x128xf32>
      %mul3A_1946 = arith.mulf %sub3A_1945, %sub3A_1945 : vector<256x128xf32>
      %add3A_1947 = arith.addf %add3A_1940, %mul3A_1946 : vector<256x128xf32>
      %swap3A_1948 = arith.constant 0 : index
      %swap3A_1949 = arith.constant 2176 : index
      %swap3A_1950 = vector.load %arg5[%swap3A_1948, %swap3A_1949] : memref<256x4096xf32, #tpu.memory_space<vmem>>, vector<256x128xf32>
      tpu.vector_store %arg5[%swap3A_1948, %swap3A_1949], %add3A_1947 {strides = array<i32>} : memref<256x4096xf32, #tpu.memory_space<vmem>>, vector<256x128xf32>,
      %slice3A_1951 = vector.extract_strided_slice %get3A_3 {offsets = [0, 2304], sizes = [1, 128], strides = [1, 1]} : vector<3x4096xf32> to vector<1x128xf32>
      %slice3A_1952 = vector.extract_strided_slice %get3A_8 {offsets = [0, 0], sizes = [256, 1], strides = [1, 1]} : vector<256x3xf32> to vector<256x1xf32>
      %sub3A_1953 = vector.broadcast %slice3A_1952 : vector<256x1xf32> to vector<256x128xf32>
      %sub3A_1954 = vector.broadcast %slice3A_1951 : vector<1x128xf32> to vector<256x128xf32>
      %sub3A_1955 = arith.subf %sub3A_1953, %sub3A_1954 : vector<256x128xf32>
      %mul3A_1956 = arith.mulf %sub3A_1955, %sub3A_1955 : vector<256x128xf32>
      %slice3A_1957 = vector.extract_strided_slice %get3A_3 {offsets = [1, 2304], sizes = [1, 128], strides = [1, 1]} : vector<3x4096xf32> to vector<1x128xf32>
      %slice3A_1958 = vector.extract_strided_slice %get3A_8 {offsets = [0, 1], sizes = [256, 1], strides = [1, 1]} : vector<256x3xf32> to vector<256x1xf32>
      %sub3A_1959 = vector.broadcast %slice3A_1958 : vector<256x1xf32> to vector<256x128xf32>
      %sub3A_1960 = vector.broadcast %slice3A_1957 : vector<1x128xf32> to vector<256x128xf32>
      %sub3A_1961 = arith.subf %sub3A_1959, %sub3A_1960 : vector<256x128xf32>
      %mul3A_1962 = arith.mulf %sub3A_1961, %sub3A_1961 : vector<256x128xf32>
      %add3A_1963 = arith.addf %mul3A_1956, %mul3A_1962 : vector<256x128xf32>
      %slice3A_1964 = vector.extract_strided_slice %get3A_3 {offsets = [2, 2304], sizes = [1, 128], strides = [1, 1]} : vector<3x4096xf32> to vector<1x128xf32>
      %slice3A_1965 = vector.extract_strided_slice %get3A_8 {offsets = [0, 2], sizes = [256, 1], strides = [1, 1]} : vector<256x3xf32> to vector<256x1xf32>
      %sub3A_1966 = vector.broadcast %slice3A_1965 : vector<256x1xf32> to vector<256x128xf32>
      %sub3A_1967 = vector.broadcast %slice3A_1964 : vector<1x128xf32> to vector<256x128xf32>
      %sub3A_1968 = arith.subf %sub3A_1966, %sub3A_1967 : vector<256x128xf32>
      %mul3A_1969 = arith.mulf %sub3A_1968, %sub3A_1968 : vector<256x128xf32>
      %add3A_1970 = arith.addf %add3A_1963, %mul3A_1969 : vector<256x128xf32>
      %swap3A_1971 = arith.constant 0 : index
      %swap3A_1972 = arith.constant 2304 : index
      %swap3A_1973 = vector.load %arg5[%swap3A_1971, %swap3A_1972] : memref<256x4096xf32, #tpu.memory_space<vmem>>, vector<256x128xf32>
      tpu.vector_store %arg5[%swap3A_1971, %swap3A_1972], %add3A_1970 {strides = array<i32>} : memref<256x4096xf32, #tpu.memory_space<vmem>>, vector<256x128xf32>,
      %slice3A_1974 = vector.extract_strided_slice %get3A_3 {offsets = [0, 2432], sizes = [1, 128], strides = [1, 1]} : vector<3x4096xf32> to vector<1x128xf32>
      %slice3A_1975 = vector.extract_strided_slice %get3A_8 {offsets = [0, 0], sizes = [256, 1], strides = [1, 1]} : vector<256x3xf32> to vector<256x1xf32>
      %sub3A_1976 = vector.broadcast %slice3A_1975 : vector<256x1xf32> to vector<256x128xf32>
      %sub3A_1977 = vector.broadcast %slice3A_1974 : vector<1x128xf32> to vector<256x128xf32>
      %sub3A_1978 = arith.subf %sub3A_1976, %sub3A_1977 : vector<256x128xf32>
      %mul3A_1979 = arith.mulf %sub3A_1978, %sub3A_1978 : vector<256x128xf32>
      %slice3A_1980 = vector.extract_strided_slice %get3A_3 {offsets = [1, 2432], sizes = [1, 128], strides = [1, 1]} : vector<3x4096xf32> to vector<1x128xf32>
      %slice3A_1981 = vector.extract_strided_slice %get3A_8 {offsets = [0, 1], sizes = [256, 1], strides = [1, 1]} : vector<256x3xf32> to vector<256x1xf32>
      %sub3A_1982 = vector.broadcast %slice3A_1981 : vector<256x1xf32> to vector<256x128xf32>
      %sub3A_1983 = vector.broadcast %slice3A_1980 : vector<1x128xf32> to vector<256x128xf32>
      %sub3A_1984 = arith.subf %sub3A_1982, %sub3A_1983 : vector<256x128xf32>
      %mul3A_1985 = arith.mulf %sub3A_1984, %sub3A_1984 : vector<256x128xf32>
      %add3A_1986 = arith.addf %mul3A_1979, %mul3A_1985 : vector<256x128xf32>
      %slice3A_1987 = vector.extract_strided_slice %get3A_3 {offsets = [2, 2432], sizes = [1, 128], strides = [1, 1]} : vector<3x4096xf32> to vector<1x128xf32>
      %slice3A_1988 = vector.extract_strided_slice %get3A_8 {offsets = [0, 2], sizes = [256, 1], strides = [1, 1]} : vector<256x3xf32> to vector<256x1xf32>
      %sub3A_1989 = vector.broadcast %slice3A_1988 : vector<256x1xf32> to vector<256x128xf32>
      %sub3A_1990 = vector.broadcast %slice3A_1987 : vector<1x128xf32> to vector<256x128xf32>
      %sub3A_1991 = arith.subf %sub3A_1989, %sub3A_1990 : vector<256x128xf32>
      %mul3A_1992 = arith.mulf %sub3A_1991, %sub3A_1991 : vector<256x128xf32>
      %add3A_1993 = arith.addf %add3A_1986, %mul3A_1992 : vector<256x128xf32>
      %swap3A_1994 = arith.constant 0 : index
      %swap3A_1995 = arith.constant 2432 : index
      %swap3A_1996 = vector.load %arg5[%swap3A_1994, %swap3A_1995] : memref<256x4096xf32, #tpu.memory_space<vmem>>, vector<256x128xf32>
      tpu.vector_store %arg5[%swap3A_1994, %swap3A_1995], %add3A_1993 {strides = array<i32>} : memref<256x4096xf32, #tpu.memory_space<vmem>>, vector<256x128xf32>,
      %slice3A_1997 = vector.extract_strided_slice %get3A_3 {offsets = [0, 2560], sizes = [1, 128], strides = [1, 1]} : vector<3x4096xf32> to vector<1x128xf32>
      %slice3A_1998 = vector.extract_strided_slice %get3A_8 {offsets = [0, 0], sizes = [256, 1], strides = [1, 1]} : vector<256x3xf32> to vector<256x1xf32>
      %sub3A_1999 = vector.broadcast %slice3A_1998 : vector<256x1xf32> to vector<256x128xf32>
      %sub3A_2000 = vector.broadcast %slice3A_1997 : vector<1x128xf32> to vector<256x128xf32>
      %sub3A_2001 = arith.subf %sub3A_1999, %sub3A_2000 : vector<256x128xf32>
      %mul3A_2002 = arith.mulf %sub3A_2001, %sub3A_2001 : vector<256x128xf32>
      %slice3A_2003 = vector.extract_strided_slice %get3A_3 {offsets = [1, 2560], sizes = [1, 128], strides = [1, 1]} : vector<3x4096xf32> to vector<1x128xf32>
      %slice3A_2004 = vector.extract_strided_slice %get3A_8 {offsets = [0, 1], sizes = [256, 1], strides = [1, 1]} : vector<256x3xf32> to vector<256x1xf32>
      %sub3A_2005 = vector.broadcast %slice3A_2004 : vector<256x1xf32> to vector<256x128xf32>
      %sub3A_2006 = vector.broadcast %slice3A_2003 : vector<1x128xf32> to vector<256x128xf32>
      %sub3A_2007 = arith.subf %sub3A_2005, %sub3A_2006 : vector<256x128xf32>
      %mul3A_2008 = arith.mulf %sub3A_2007, %sub3A_2007 : vector<256x128xf32>
      %add3A_2009 = arith.addf %mul3A_2002, %mul3A_2008 : vector<256x128xf32>
      %slice3A_2010 = vector.extract_strided_slice %get3A_3 {offsets = [2, 2560], sizes = [1, 128], strides = [1, 1]} : vector<3x4096xf32> to vector<1x128xf32>
      %slice3A_2011 = vector.extract_strided_slice %get3A_8 {offsets = [0, 2], sizes = [256, 1], strides = [1, 1]} : vector<256x3xf32> to vector<256x1xf32>
      %sub3A_2012 = vector.broadcast %slice3A_2011 : vector<256x1xf32> to vector<256x128xf32>
      %sub3A_2013 = vector.broadcast %slice3A_2010 : vector<1x128xf32> to vector<256x128xf32>
      %sub3A_2014 = arith.subf %sub3A_2012, %sub3A_2013 : vector<256x128xf32>
      %mul3A_2015 = arith.mulf %sub3A_2014, %sub3A_2014 : vector<256x128xf32>
      %add3A_2016 = arith.addf %add3A_2009, %mul3A_2015 : vector<256x128xf32>
      %swap3A_2017 = arith.constant 0 : index
      %swap3A_2018 = arith.constant 2560 : index
      %swap3A_2019 = vector.load %arg5[%swap3A_2017, %swap3A_2018] : memref<256x4096xf32, #tpu.memory_space<vmem>>, vector<256x128xf32>
      tpu.vector_store %arg5[%swap3A_2017, %swap3A_2018], %add3A_2016 {strides = array<i32>} : memref<256x4096xf32, #tpu.memory_space<vmem>>, vector<256x128xf32>,
      %slice3A_2020 = vector.extract_strided_slice %get3A_3 {offsets = [0, 2688], sizes = [1, 128], strides = [1, 1]} : vector<3x4096xf32> to vector<1x128xf32>
      %slice3A_2021 = vector.extract_strided_slice %get3A_8 {offsets = [0, 0], sizes = [256, 1], strides = [1, 1]} : vector<256x3xf32> to vector<256x1xf32>
      %sub3A_2022 = vector.broadcast %slice3A_2021 : vector<256x1xf32> to vector<256x128xf32>
      %sub3A_2023 = vector.broadcast %slice3A_2020 : vector<1x128xf32> to vector<256x128xf32>
      %sub3A_2024 = arith.subf %sub3A_2022, %sub3A_2023 : vector<256x128xf32>
      %mul3A_2025 = arith.mulf %sub3A_2024, %sub3A_2024 : vector<256x128xf32>
      %slice3A_2026 = vector.extract_strided_slice %get3A_3 {offsets = [1, 2688], sizes = [1, 128], strides = [1, 1]} : vector<3x4096xf32> to vector<1x128xf32>
      %slice3A_2027 = vector.extract_strided_slice %get3A_8 {offsets = [0, 1], sizes = [256, 1], strides = [1, 1]} : vector<256x3xf32> to vector<256x1xf32>
      %sub3A_2028 = vector.broadcast %slice3A_2027 : vector<256x1xf32> to vector<256x128xf32>
      %sub3A_2029 = vector.broadcast %slice3A_2026 : vector<1x128xf32> to vector<256x128xf32>
      %sub3A_2030 = arith.subf %sub3A_2028, %sub3A_2029 : vector<256x128xf32>
      %mul3A_2031 = arith.mulf %sub3A_2030, %sub3A_2030 : vector<256x128xf32>
      %add3A_2032 = arith.addf %mul3A_2025, %mul3A_2031 : vector<256x128xf32>
      %slice3A_2033 = vector.extract_strided_slice %get3A_3 {offsets = [2, 2688], sizes = [1, 128], strides = [1, 1]} : vector<3x4096xf32> to vector<1x128xf32>
      %slice3A_2034 = vector.extract_strided_slice %get3A_8 {offsets = [0, 2], sizes = [256, 1], strides = [1, 1]} : vector<256x3xf32> to vector<256x1xf32>
      %sub3A_2035 = vector.broadcast %slice3A_2034 : vector<256x1xf32> to vector<256x128xf32>
      %sub3A_2036 = vector.broadcast %slice3A_2033 : vector<1x128xf32> to vector<256x128xf32>
      %sub3A_2037 = arith.subf %sub3A_2035, %sub3A_2036 : vector<256x128xf32>
      %mul3A_2038 = arith.mulf %sub3A_2037, %sub3A_2037 : vector<256x128xf32>
      %add3A_2039 = arith.addf %add3A_2032, %mul3A_2038 : vector<256x128xf32>
      %swap3A_2040 = arith.constant 0 : index
      %swap3A_2041 = arith.constant 2688 : index
      %swap3A_2042 = vector.load %arg5[%swap3A_2040, %swap3A_2041] : memref<256x4096xf32, #tpu.memory_space<vmem>>, vector<256x128xf32>
      tpu.vector_store %arg5[%swap3A_2040, %swap3A_2041], %add3A_2039 {strides = array<i32>} : memref<256x4096xf32, #tpu.memory_space<vmem>>, vector<256x128xf32>,
      %slice3A_2043 = vector.extract_strided_slice %get3A_3 {offsets = [0, 2816], sizes = [1, 128], strides = [1, 1]} : vector<3x4096xf32> to vector<1x128xf32>
      %slice3A_2044 = vector.extract_strided_slice %get3A_8 {offsets = [0, 0], sizes = [256, 1], strides = [1, 1]} : vector<256x3xf32> to vector<256x1xf32>
      %sub3A_2045 = vector.broadcast %slice3A_2044 : vector<256x1xf32> to vector<256x128xf32>
      %sub3A_2046 = vector.broadcast %slice3A_2043 : vector<1x128xf32> to vector<256x128xf32>
      %sub3A_2047 = arith.subf %sub3A_2045, %sub3A_2046 : vector<256x128xf32>
      %mul3A_2048 = arith.mulf %sub3A_2047, %sub3A_2047 : vector<256x128xf32>
      %slice3A_2049 = vector.extract_strided_slice %get3A_3 {offsets = [1, 2816], sizes = [1, 128], strides = [1, 1]} : vector<3x4096xf32> to vector<1x128xf32>
      %slice3A_2050 = vector.extract_strided_slice %get3A_8 {offsets = [0, 1], sizes = [256, 1], strides = [1, 1]} : vector<256x3xf32> to vector<256x1xf32>
      %sub3A_2051 = vector.broadcast %slice3A_2050 : vector<256x1xf32> to vector<256x128xf32>
      %sub3A_2052 = vector.broadcast %slice3A_2049 : vector<1x128xf32> to vector<256x128xf32>
      %sub3A_2053 = arith.subf %sub3A_2051, %sub3A_2052 : vector<256x128xf32>
      %mul3A_2054 = arith.mulf %sub3A_2053, %sub3A_2053 : vector<256x128xf32>
      %add3A_2055 = arith.addf %mul3A_2048, %mul3A_2054 : vector<256x128xf32>
      %slice3A_2056 = vector.extract_strided_slice %get3A_3 {offsets = [2, 2816], sizes = [1, 128], strides = [1, 1]} : vector<3x4096xf32> to vector<1x128xf32>
      %slice3A_2057 = vector.extract_strided_slice %get3A_8 {offsets = [0, 2], sizes = [256, 1], strides = [1, 1]} : vector<256x3xf32> to vector<256x1xf32>
      %sub3A_2058 = vector.broadcast %slice3A_2057 : vector<256x1xf32> to vector<256x128xf32>
      %sub3A_2059 = vector.broadcast %slice3A_2056 : vector<1x128xf32> to vector<256x128xf32>
      %sub3A_2060 = arith.subf %sub3A_2058, %sub3A_2059 : vector<256x128xf32>
      %mul3A_2061 = arith.mulf %sub3A_2060, %sub3A_2060 : vector<256x128xf32>
      %add3A_2062 = arith.addf %add3A_2055, %mul3A_2061 : vector<256x128xf32>
      %swap3A_2063 = arith.constant 0 : index
      %swap3A_2064 = arith.constant 2816 : index
      %swap3A_2065 = vector.load %arg5[%swap3A_2063, %swap3A_2064] : memref<256x4096xf32, #tpu.memory_space<vmem>>, vector<256x128xf32>
      tpu.vector_store %arg5[%swap3A_2063, %swap3A_2064], %add3A_2062 {strides = array<i32>} : memref<256x4096xf32, #tpu.memory_space<vmem>>, vector<256x128xf32>,
      %slice3A_2066 = vector.extract_strided_slice %get3A_3 {offsets = [0, 2944], sizes = [1, 128], strides = [1, 1]} : vector<3x4096xf32> to vector<1x128xf32>
      %slice3A_2067 = vector.extract_strided_slice %get3A_8 {offsets = [0, 0], sizes = [256, 1], strides = [1, 1]} : vector<256x3xf32> to vector<256x1xf32>
      %sub3A_2068 = vector.broadcast %slice3A_2067 : vector<256x1xf32> to vector<256x128xf32>
      %sub3A_2069 = vector.broadcast %slice3A_2066 : vector<1x128xf32> to vector<256x128xf32>
      %sub3A_2070 = arith.subf %sub3A_2068, %sub3A_2069 : vector<256x128xf32>
      %mul3A_2071 = arith.mulf %sub3A_2070, %sub3A_2070 : vector<256x128xf32>
      %slice3A_2072 = vector.extract_strided_slice %get3A_3 {offsets = [1, 2944], sizes = [1, 128], strides = [1, 1]} : vector<3x4096xf32> to vector<1x128xf32>
      %slice3A_2073 = vector.extract_strided_slice %get3A_8 {offsets = [0, 1], sizes = [256, 1], strides = [1, 1]} : vector<256x3xf32> to vector<256x1xf32>
      %sub3A_2074 = vector.broadcast %slice3A_2073 : vector<256x1xf32> to vector<256x128xf32>
      %sub3A_2075 = vector.broadcast %slice3A_2072 : vector<1x128xf32> to vector<256x128xf32>
      %sub3A_2076 = arith.subf %sub3A_2074, %sub3A_2075 : vector<256x128xf32>
      %mul3A_2077 = arith.mulf %sub3A_2076, %sub3A_2076 : vector<256x128xf32>
      %add3A_2078 = arith.addf %mul3A_2071, %mul3A_2077 : vector<256x128xf32>
      %slice3A_2079 = vector.extract_strided_slice %get3A_3 {offsets = [2, 2944], sizes = [1, 128], strides = [1, 1]} : vector<3x4096xf32> to vector<1x128xf32>
      %slice3A_2080 = vector.extract_strided_slice %get3A_8 {offsets = [0, 2], sizes = [256, 1], strides = [1, 1]} : vector<256x3xf32> to vector<256x1xf32>
      %sub3A_2081 = vector.broadcast %slice3A_2080 : vector<256x1xf32> to vector<256x128xf32>
      %sub3A_2082 = vector.broadcast %slice3A_2079 : vector<1x128xf32> to vector<256x128xf32>
      %sub3A_2083 = arith.subf %sub3A_2081, %sub3A_2082 : vector<256x128xf32>
      %mul3A_2084 = arith.mulf %sub3A_2083, %sub3A_2083 : vector<256x128xf32>
      %add3A_2085 = arith.addf %add3A_2078, %mul3A_2084 : vector<256x128xf32>
      %swap3A_2086 = arith.constant 0 : index
      %swap3A_2087 = arith.constant 2944 : index
      %swap3A_2088 = vector.load %arg5[%swap3A_2086, %swap3A_2087] : memref<256x4096xf32, #tpu.memory_space<vmem>>, vector<256x128xf32>
      tpu.vector_store %arg5[%swap3A_2086, %swap3A_2087], %add3A_2085 {strides = array<i32>} : memref<256x4096xf32, #tpu.memory_space<vmem>>, vector<256x128xf32>,
      %slice3A_2089 = vector.extract_strided_slice %get3A_3 {offsets = [0, 3072], sizes = [1, 128], strides = [1, 1]} : vector<3x4096xf32> to vector<1x128xf32>
      %slice3A_2090 = vector.extract_strided_slice %get3A_8 {offsets = [0, 0], sizes = [256, 1], strides = [1, 1]} : vector<256x3xf32> to vector<256x1xf32>
      %sub3A_2091 = vector.broadcast %slice3A_2090 : vector<256x1xf32> to vector<256x128xf32>
      %sub3A_2092 = vector.broadcast %slice3A_2089 : vector<1x128xf32> to vector<256x128xf32>
      %sub3A_2093 = arith.subf %sub3A_2091, %sub3A_2092 : vector<256x128xf32>
      %mul3A_2094 = arith.mulf %sub3A_2093, %sub3A_2093 : vector<256x128xf32>
      %slice3A_2095 = vector.extract_strided_slice %get3A_3 {offsets = [1, 3072], sizes = [1, 128], strides = [1, 1]} : vector<3x4096xf32> to vector<1x128xf32>
      %slice3A_2096 = vector.extract_strided_slice %get3A_8 {offsets = [0, 1], sizes = [256, 1], strides = [1, 1]} : vector<256x3xf32> to vector<256x1xf32>
      %sub3A_2097 = vector.broadcast %slice3A_2096 : vector<256x1xf32> to vector<256x128xf32>
      %sub3A_2098 = vector.broadcast %slice3A_2095 : vector<1x128xf32> to vector<256x128xf32>
      %sub3A_2099 = arith.subf %sub3A_2097, %sub3A_2098 : vector<256x128xf32>
      %mul3A_2100 = arith.mulf %sub3A_2099, %sub3A_2099 : vector<256x128xf32>
      %add3A_2101 = arith.addf %mul3A_2094, %mul3A_2100 : vector<256x128xf32>
      %slice3A_2102 = vector.extract_strided_slice %get3A_3 {offsets = [2, 3072], sizes = [1, 128], strides = [1, 1]} : vector<3x4096xf32> to vector<1x128xf32>
      %slice3A_2103 = vector.extract_strided_slice %get3A_8 {offsets = [0, 2], sizes = [256, 1], strides = [1, 1]} : vector<256x3xf32> to vector<256x1xf32>
      %sub3A_2104 = vector.broadcast %slice3A_2103 : vector<256x1xf32> to vector<256x128xf32>
      %sub3A_2105 = vector.broadcast %slice3A_2102 : vector<1x128xf32> to vector<256x128xf32>
      %sub3A_2106 = arith.subf %sub3A_2104, %sub3A_2105 : vector<256x128xf32>
      %mul3A_2107 = arith.mulf %sub3A_2106, %sub3A_2106 : vector<256x128xf32>
      %add3A_2108 = arith.addf %add3A_2101, %mul3A_2107 : vector<256x128xf32>
      %swap3A_2109 = arith.constant 0 : index
      %swap3A_2110 = arith.constant 3072 : index
      %swap3A_2111 = vector.load %arg5[%swap3A_2109, %swap3A_2110] : memref<256x4096xf32, #tpu.memory_space<vmem>>, vector<256x128xf32>
      tpu.vector_store %arg5[%swap3A_2109, %swap3A_2110], %add3A_2108 {strides = array<i32>} : memref<256x4096xf32, #tpu.memory_space<vmem>>, vector<256x128xf32>,
      %slice3A_2112 = vector.extract_strided_slice %get3A_3 {offsets = [0, 3200], sizes = [1, 128], strides = [1, 1]} : vector<3x4096xf32> to vector<1x128xf32>
      %slice3A_2113 = vector.extract_strided_slice %get3A_8 {offsets = [0, 0], sizes = [256, 1], strides = [1, 1]} : vector<256x3xf32> to vector<256x1xf32>
      %sub3A_2114 = vector.broadcast %slice3A_2113 : vector<256x1xf32> to vector<256x128xf32>
      %sub3A_2115 = vector.broadcast %slice3A_2112 : vector<1x128xf32> to vector<256x128xf32>
      %sub3A_2116 = arith.subf %sub3A_2114, %sub3A_2115 : vector<256x128xf32>
      %mul3A_2117 = arith.mulf %sub3A_2116, %sub3A_2116 : vector<256x128xf32>
      %slice3A_2118 = vector.extract_strided_slice %get3A_3 {offsets = [1, 3200], sizes = [1, 128], strides = [1, 1]} : vector<3x4096xf32> to vector<1x128xf32>
      %slice3A_2119 = vector.extract_strided_slice %get3A_8 {offsets = [0, 1], sizes = [256, 1], strides = [1, 1]} : vector<256x3xf32> to vector<256x1xf32>
      %sub3A_2120 = vector.broadcast %slice3A_2119 : vector<256x1xf32> to vector<256x128xf32>
      %sub3A_2121 = vector.broadcast %slice3A_2118 : vector<1x128xf32> to vector<256x128xf32>
      %sub3A_2122 = arith.subf %sub3A_2120, %sub3A_2121 : vector<256x128xf32>
      %mul3A_2123 = arith.mulf %sub3A_2122, %sub3A_2122 : vector<256x128xf32>
      %add3A_2124 = arith.addf %mul3A_2117, %mul3A_2123 : vector<256x128xf32>
      %slice3A_2125 = vector.extract_strided_slice %get3A_3 {offsets = [2, 3200], sizes = [1, 128], strides = [1, 1]} : vector<3x4096xf32> to vector<1x128xf32>
      %slice3A_2126 = vector.extract_strided_slice %get3A_8 {offsets = [0, 2], sizes = [256, 1], strides = [1, 1]} : vector<256x3xf32> to vector<256x1xf32>
      %sub3A_2127 = vector.broadcast %slice3A_2126 : vector<256x1xf32> to vector<256x128xf32>
      %sub3A_2128 = vector.broadcast %slice3A_2125 : vector<1x128xf32> to vector<256x128xf32>
      %sub3A_2129 = arith.subf %sub3A_2127, %sub3A_2128 : vector<256x128xf32>
      %mul3A_2130 = arith.mulf %sub3A_2129, %sub3A_2129 : vector<256x128xf32>
      %add3A_2131 = arith.addf %add3A_2124, %mul3A_2130 : vector<256x128xf32>
      %swap3A_2132 = arith.constant 0 : index
      %swap3A_2133 = arith.constant 3200 : index
      %swap3A_2134 = vector.load %arg5[%swap3A_2132, %swap3A_2133] : memref<256x4096xf32, #tpu.memory_space<vmem>>, vector<256x128xf32>
      tpu.vector_store %arg5[%swap3A_2132, %swap3A_2133], %add3A_2131 {strides = array<i32>} : memref<256x4096xf32, #tpu.memory_space<vmem>>, vector<256x128xf32>,
      %slice3A_2135 = vector.extract_strided_slice %get3A_3 {offsets = [0, 3328], sizes = [1, 128], strides = [1, 1]} : vector<3x4096xf32> to vector<1x128xf32>
      %slice3A_2136 = vector.extract_strided_slice %get3A_8 {offsets = [0, 0], sizes = [256, 1], strides = [1, 1]} : vector<256x3xf32> to vector<256x1xf32>
      %sub3A_2137 = vector.broadcast %slice3A_2136 : vector<256x1xf32> to vector<256x128xf32>
      %sub3A_2138 = vector.broadcast %slice3A_2135 : vector<1x128xf32> to vector<256x128xf32>
      %sub3A_2139 = arith.subf %sub3A_2137, %sub3A_2138 : vector<256x128xf32>
      %mul3A_2140 = arith.mulf %sub3A_2139, %sub3A_2139 : vector<256x128xf32>
      %slice3A_2141 = vector.extract_strided_slice %get3A_3 {offsets = [1, 3328], sizes = [1, 128], strides = [1, 1]} : vector<3x4096xf32> to vector<1x128xf32>
      %slice3A_2142 = vector.extract_strided_slice %get3A_8 {offsets = [0, 1], sizes = [256, 1], strides = [1, 1]} : vector<256x3xf32> to vector<256x1xf32>
      %sub3A_2143 = vector.broadcast %slice3A_2142 : vector<256x1xf32> to vector<256x128xf32>
      %sub3A_2144 = vector.broadcast %slice3A_2141 : vector<1x128xf32> to vector<256x128xf32>
      %sub3A_2145 = arith.subf %sub3A_2143, %sub3A_2144 : vector<256x128xf32>
      %mul3A_2146 = arith.mulf %sub3A_2145, %sub3A_2145 : vector<256x128xf32>
      %add3A_2147 = arith.addf %mul3A_2140, %mul3A_2146 : vector<256x128xf32>
      %slice3A_2148 = vector.extract_strided_slice %get3A_3 {offsets = [2, 3328], sizes = [1, 128], strides = [1, 1]} : vector<3x4096xf32> to vector<1x128xf32>
      %slice3A_2149 = vector.extract_strided_slice %get3A_8 {offsets = [0, 2], sizes = [256, 1], strides = [1, 1]} : vector<256x3xf32> to vector<256x1xf32>
      %sub3A_2150 = vector.broadcast %slice3A_2149 : vector<256x1xf32> to vector<256x128xf32>
      %sub3A_2151 = vector.broadcast %slice3A_2148 : vector<1x128xf32> to vector<256x128xf32>
      %sub3A_2152 = arith.subf %sub3A_2150, %sub3A_2151 : vector<256x128xf32>
      %mul3A_2153 = arith.mulf %sub3A_2152, %sub3A_2152 : vector<256x128xf32>
      %add3A_2154 = arith.addf %add3A_2147, %mul3A_2153 : vector<256x128xf32>
      %swap3A_2155 = arith.constant 0 : index
      %swap3A_2156 = arith.constant 3328 : index
      %swap3A_2157 = vector.load %arg5[%swap3A_2155, %swap3A_2156] : memref<256x4096xf32, #tpu.memory_space<vmem>>, vector<256x128xf32>
      tpu.vector_store %arg5[%swap3A_2155, %swap3A_2156], %add3A_2154 {strides = array<i32>} : memref<256x4096xf32, #tpu.memory_space<vmem>>, vector<256x128xf32>,
      %slice3A_2158 = vector.extract_strided_slice %get3A_3 {offsets = [0, 3456], sizes = [1, 128], strides = [1, 1]} : vector<3x4096xf32> to vector<1x128xf32>
      %slice3A_2159 = vector.extract_strided_slice %get3A_8 {offsets = [0, 0], sizes = [256, 1], strides = [1, 1]} : vector<256x3xf32> to vector<256x1xf32>
      %sub3A_2160 = vector.broadcast %slice3A_2159 : vector<256x1xf32> to vector<256x128xf32>
      %sub3A_2161 = vector.broadcast %slice3A_2158 : vector<1x128xf32> to vector<256x128xf32>
      %sub3A_2162 = arith.subf %sub3A_2160, %sub3A_2161 : vector<256x128xf32>
      %mul3A_2163 = arith.mulf %sub3A_2162, %sub3A_2162 : vector<256x128xf32>
      %slice3A_2164 = vector.extract_strided_slice %get3A_3 {offsets = [1, 3456], sizes = [1, 128], strides = [1, 1]} : vector<3x4096xf32> to vector<1x128xf32>
      %slice3A_2165 = vector.extract_strided_slice %get3A_8 {offsets = [0, 1], sizes = [256, 1], strides = [1, 1]} : vector<256x3xf32> to vector<256x1xf32>
      %sub3A_2166 = vector.broadcast %slice3A_2165 : vector<256x1xf32> to vector<256x128xf32>
      %sub3A_2167 = vector.broadcast %slice3A_2164 : vector<1x128xf32> to vector<256x128xf32>
      %sub3A_2168 = arith.subf %sub3A_2166, %sub3A_2167 : vector<256x128xf32>
      %mul3A_2169 = arith.mulf %sub3A_2168, %sub3A_2168 : vector<256x128xf32>
      %add3A_2170 = arith.addf %mul3A_2163, %mul3A_2169 : vector<256x128xf32>
      %slice3A_2171 = vector.extract_strided_slice %get3A_3 {offsets = [2, 3456], sizes = [1, 128], strides = [1, 1]} : vector<3x4096xf32> to vector<1x128xf32>
      %slice3A_2172 = vector.extract_strided_slice %get3A_8 {offsets = [0, 2], sizes = [256, 1], strides = [1, 1]} : vector<256x3xf32> to vector<256x1xf32>
      %sub3A_2173 = vector.broadcast %slice3A_2172 : vector<256x1xf32> to vector<256x128xf32>
      %sub3A_2174 = vector.broadcast %slice3A_2171 : vector<1x128xf32> to vector<256x128xf32>
      %sub3A_2175 = arith.subf %sub3A_2173, %sub3A_2174 : vector<256x128xf32>
      %mul3A_2176 = arith.mulf %sub3A_2175, %sub3A_2175 : vector<256x128xf32>
      %add3A_2177 = arith.addf %add3A_2170, %mul3A_2176 : vector<256x128xf32>
      %swap3A_2178 = arith.constant 0 : index
      %swap3A_2179 = arith.constant 3456 : index
      %swap3A_2180 = vector.load %arg5[%swap3A_2178, %swap3A_2179] : memref<256x4096xf32, #tpu.memory_space<vmem>>, vector<256x128xf32>
      tpu.vector_store %arg5[%swap3A_2178, %swap3A_2179], %add3A_2177 {strides = array<i32>} : memref<256x4096xf32, #tpu.memory_space<vmem>>, vector<256x128xf32>,
      %slice3A_2181 = vector.extract_strided_slice %get3A_3 {offsets = [0, 3584], sizes = [1, 128], strides = [1, 1]} : vector<3x4096xf32> to vector<1x128xf32>
      %slice3A_2182 = vector.extract_strided_slice %get3A_8 {offsets = [0, 0], sizes = [256, 1], strides = [1, 1]} : vector<256x3xf32> to vector<256x1xf32>
      %sub3A_2183 = vector.broadcast %slice3A_2182 : vector<256x1xf32> to vector<256x128xf32>
      %sub3A_2184 = vector.broadcast %slice3A_2181 : vector<1x128xf32> to vector<256x128xf32>
      %sub3A_2185 = arith.subf %sub3A_2183, %sub3A_2184 : vector<256x128xf32>
      %mul3A_2186 = arith.mulf %sub3A_2185, %sub3A_2185 : vector<256x128xf32>
      %slice3A_2187 = vector.extract_strided_slice %get3A_3 {offsets = [1, 3584], sizes = [1, 128], strides = [1, 1]} : vector<3x4096xf32> to vector<1x128xf32>
      %slice3A_2188 = vector.extract_strided_slice %get3A_8 {offsets = [0, 1], sizes = [256, 1], strides = [1, 1]} : vector<256x3xf32> to vector<256x1xf32>
      %sub3A_2189 = vector.broadcast %slice3A_2188 : vector<256x1xf32> to vector<256x128xf32>
      %sub3A_2190 = vector.broadcast %slice3A_2187 : vector<1x128xf32> to vector<256x128xf32>
      %sub3A_2191 = arith.subf %sub3A_2189, %sub3A_2190 : vector<256x128xf32>
      %mul3A_2192 = arith.mulf %sub3A_2191, %sub3A_2191 : vector<256x128xf32>
      %add3A_2193 = arith.addf %mul3A_2186, %mul3A_2192 : vector<256x128xf32>
      %slice3A_2194 = vector.extract_strided_slice %get3A_3 {offsets = [2, 3584], sizes = [1, 128], strides = [1, 1]} : vector<3x4096xf32> to vector<1x128xf32>
      %slice3A_2195 = vector.extract_strided_slice %get3A_8 {offsets = [0, 2], sizes = [256, 1], strides = [1, 1]} : vector<256x3xf32> to vector<256x1xf32>
      %sub3A_2196 = vector.broadcast %slice3A_2195 : vector<256x1xf32> to vector<256x128xf32>
      %sub3A_2197 = vector.broadcast %slice3A_2194 : vector<1x128xf32> to vector<256x128xf32>
      %sub3A_2198 = arith.subf %sub3A_2196, %sub3A_2197 : vector<256x128xf32>
      %mul3A_2199 = arith.mulf %sub3A_2198, %sub3A_2198 : vector<256x128xf32>
      %add3A_2200 = arith.addf %add3A_2193, %mul3A_2199 : vector<256x128xf32>
      %swap3A_2201 = arith.constant 0 : index
      %swap3A_2202 = arith.constant 3584 : index
      %swap3A_2203 = vector.load %arg5[%swap3A_2201, %swap3A_2202] : memref<256x4096xf32, #tpu.memory_space<vmem>>, vector<256x128xf32>
      tpu.vector_store %arg5[%swap3A_2201, %swap3A_2202], %add3A_2200 {strides = array<i32>} : memref<256x4096xf32, #tpu.memory_space<vmem>>, vector<256x128xf32>,
      %slice3A_2204 = vector.extract_strided_slice %get3A_3 {offsets = [0, 3712], sizes = [1, 128], strides = [1, 1]} : vector<3x4096xf32> to vector<1x128xf32>
      %slice3A_2205 = vector.extract_strided_slice %get3A_8 {offsets = [0, 0], sizes = [256, 1], strides = [1, 1]} : vector<256x3xf32> to vector<256x1xf32>
      %sub3A_2206 = vector.broadcast %slice3A_2205 : vector<256x1xf32> to vector<256x128xf32>
      %sub3A_2207 = vector.broadcast %slice3A_2204 : vector<1x128xf32> to vector<256x128xf32>
      %sub3A_2208 = arith.subf %sub3A_2206, %sub3A_2207 : vector<256x128xf32>
      %mul3A_2209 = arith.mulf %sub3A_2208, %sub3A_2208 : vector<256x128xf32>
      %slice3A_2210 = vector.extract_strided_slice %get3A_3 {offsets = [1, 3712], sizes = [1, 128], strides = [1, 1]} : vector<3x4096xf32> to vector<1x128xf32>
      %slice3A_2211 = vector.extract_strided_slice %get3A_8 {offsets = [0, 1], sizes = [256, 1], strides = [1, 1]} : vector<256x3xf32> to vector<256x1xf32>
      %sub3A_2212 = vector.broadcast %slice3A_2211 : vector<256x1xf32> to vector<256x128xf32>
      %sub3A_2213 = vector.broadcast %slice3A_2210 : vector<1x128xf32> to vector<256x128xf32>
      %sub3A_2214 = arith.subf %sub3A_2212, %sub3A_2213 : vector<256x128xf32>
      %mul3A_2215 = arith.mulf %sub3A_2214, %sub3A_2214 : vector<256x128xf32>
      %add3A_2216 = arith.addf %mul3A_2209, %mul3A_2215 : vector<256x128xf32>
      %slice3A_2217 = vector.extract_strided_slice %get3A_3 {offsets = [2, 3712], sizes = [1, 128], strides = [1, 1]} : vector<3x4096xf32> to vector<1x128xf32>
      %slice3A_2218 = vector.extract_strided_slice %get3A_8 {offsets = [0, 2], sizes = [256, 1], strides = [1, 1]} : vector<256x3xf32> to vector<256x1xf32>
      %sub3A_2219 = vector.broadcast %slice3A_2218 : vector<256x1xf32> to vector<256x128xf32>
      %sub3A_2220 = vector.broadcast %slice3A_2217 : vector<1x128xf32> to vector<256x128xf32>
      %sub3A_2221 = arith.subf %sub3A_2219, %sub3A_2220 : vector<256x128xf32>
      %mul3A_2222 = arith.mulf %sub3A_2221, %sub3A_2221 : vector<256x128xf32>
      %add3A_2223 = arith.addf %add3A_2216, %mul3A_2222 : vector<256x128xf32>
      %swap3A_2224 = arith.constant 0 : index
      %swap3A_2225 = arith.constant 3712 : index
      %swap3A_2226 = vector.load %arg5[%swap3A_2224, %swap3A_2225] : memref<256x4096xf32, #tpu.memory_space<vmem>>, vector<256x128xf32>
      tpu.vector_store %arg5[%swap3A_2224, %swap3A_2225], %add3A_2223 {strides = array<i32>} : memref<256x4096xf32, #tpu.memory_space<vmem>>, vector<256x128xf32>,
      %slice3A_2227 = vector.extract_strided_slice %get3A_3 {offsets = [0, 3840], sizes = [1, 128], strides = [1, 1]} : vector<3x4096xf32> to vector<1x128xf32>
      %slice3A_2228 = vector.extract_strided_slice %get3A_8 {offsets = [0, 0], sizes = [256, 1], strides = [1, 1]} : vector<256x3xf32> to vector<256x1xf32>
      %sub3A_2229 = vector.broadcast %slice3A_2228 : vector<256x1xf32> to vector<256x128xf32>
      %sub3A_2230 = vector.broadcast %slice3A_2227 : vector<1x128xf32> to vector<256x128xf32>
      %sub3A_2231 = arith.subf %sub3A_2229, %sub3A_2230 : vector<256x128xf32>
      %mul3A_2232 = arith.mulf %sub3A_2231, %sub3A_2231 : vector<256x128xf32>
      %slice3A_2233 = vector.extract_strided_slice %get3A_3 {offsets = [1, 3840], sizes = [1, 128], strides = [1, 1]} : vector<3x4096xf32> to vector<1x128xf32>
      %slice3A_2234 = vector.extract_strided_slice %get3A_8 {offsets = [0, 1], sizes = [256, 1], strides = [1, 1]} : vector<256x3xf32> to vector<256x1xf32>
      %sub3A_2235 = vector.broadcast %slice3A_2234 : vector<256x1xf32> to vector<256x128xf32>
      %sub3A_2236 = vector.broadcast %slice3A_2233 : vector<1x128xf32> to vector<256x128xf32>
      %sub3A_2237 = arith.subf %sub3A_2235, %sub3A_2236 : vector<256x128xf32>
      %mul3A_2238 = arith.mulf %sub3A_2237, %sub3A_2237 : vector<256x128xf32>
      %add3A_2239 = arith.addf %mul3A_2232, %mul3A_2238 : vector<256x128xf32>
      %slice3A_2240 = vector.extract_strided_slice %get3A_3 {offsets = [2, 3840], sizes = [1, 128], strides = [1, 1]} : vector<3x4096xf32> to vector<1x128xf32>
      %slice3A_2241 = vector.extract_strided_slice %get3A_8 {offsets = [0, 2], sizes = [256, 1], strides = [1, 1]} : vector<256x3xf32> to vector<256x1xf32>
      %sub3A_2242 = vector.broadcast %slice3A_2241 : vector<256x1xf32> to vector<256x128xf32>
      %sub3A_2243 = vector.broadcast %slice3A_2240 : vector<1x128xf32> to vector<256x128xf32>
      %sub3A_2244 = arith.subf %sub3A_2242, %sub3A_2243 : vector<256x128xf32>
      %mul3A_2245 = arith.mulf %sub3A_2244, %sub3A_2244 : vector<256x128xf32>
      %add3A_2246 = arith.addf %add3A_2239, %mul3A_2245 : vector<256x128xf32>
      %swap3A_2247 = arith.constant 0 : index
      %swap3A_2248 = arith.constant 3840 : index
      %swap3A_2249 = vector.load %arg5[%swap3A_2247, %swap3A_2248] : memref<256x4096xf32, #tpu.memory_space<vmem>>, vector<256x128xf32>
      tpu.vector_store %arg5[%swap3A_2247, %swap3A_2248], %add3A_2246 {strides = array<i32>} : memref<256x4096xf32, #tpu.memory_space<vmem>>, vector<256x128xf32>,
      %slice3A_2250 = vector.extract_strided_slice %get3A_3 {offsets = [0, 3968], sizes = [1, 128], strides = [1, 1]} : vector<3x4096xf32> to vector<1x128xf32>
      %slice3A_2251 = vector.extract_strided_slice %get3A_8 {offsets = [0, 0], sizes = [256, 1], strides = [1, 1]} : vector<256x3xf32> to vector<256x1xf32>
      %sub3A_2252 = vector.broadcast %slice3A_2251 : vector<256x1xf32> to vector<256x128xf32>
      %sub3A_2253 = vector.broadcast %slice3A_2250 : vector<1x128xf32> to vector<256x128xf32>
      %sub3A_2254 = arith.subf %sub3A_2252, %sub3A_2253 : vector<256x128xf32>
      %mul3A_2255 = arith.mulf %sub3A_2254, %sub3A_2254 : vector<256x128xf32>
      %slice3A_2256 = vector.extract_strided_slice %get3A_3 {offsets = [1, 3968], sizes = [1, 128], strides = [1, 1]} : vector<3x4096xf32> to vector<1x128xf32>
      %slice3A_2257 = vector.extract_strided_slice %get3A_8 {offsets = [0, 1], sizes = [256, 1], strides = [1, 1]} : vector<256x3xf32> to vector<256x1xf32>
      %sub3A_2258 = vector.broadcast %slice3A_2257 : vector<256x1xf32> to vector<256x128xf32>
      %sub3A_2259 = vector.broadcast %slice3A_2256 : vector<1x128xf32> to vector<256x128xf32>
      %sub3A_2260 = arith.subf %sub3A_2258, %sub3A_2259 : vector<256x128xf32>
      %mul3A_2261 = arith.mulf %sub3A_2260, %sub3A_2260 : vector<256x128xf32>
      %add3A_2262 = arith.addf %mul3A_2255, %mul3A_2261 : vector<256x128xf32>
      %slice3A_2263 = vector.extract_strided_slice %get3A_3 {offsets = [2, 3968], sizes = [1, 128], strides = [1, 1]} : vector<3x4096xf32> to vector<1x128xf32>
      %slice3A_2264 = vector.extract_strided_slice %get3A_8 {offsets = [0, 2], sizes = [256, 1], strides = [1, 1]} : vector<256x3xf32> to vector<256x1xf32>
      %sub3A_2265 = vector.broadcast %slice3A_2264 : vector<256x1xf32> to vector<256x128xf32>
      %sub3A_2266 = vector.broadcast %slice3A_2263 : vector<1x128xf32> to vector<256x128xf32>
      %sub3A_2267 = arith.subf %sub3A_2265, %sub3A_2266 : vector<256x128xf32>
      %mul3A_2268 = arith.mulf %sub3A_2267, %sub3A_2267 : vector<256x128xf32>
      %add3A_2269 = arith.addf %add3A_2262, %mul3A_2268 : vector<256x128xf32>
      %swap3A_2270 = arith.constant 0 : index
      %swap3A_2271 = arith.constant 3968 : index
      %swap3A_2272 = vector.load %arg5[%swap3A_2270, %swap3A_2271] : memref<256x4096xf32, #tpu.memory_space<vmem>>, vector<256x128xf32>
      tpu.vector_store %arg5[%swap3A_2270, %swap3A_2271], %add3A_2269 {strides = array<i32>} : memref<256x4096xf32, #tpu.memory_space<vmem>>, vector<256x128xf32>,
      %broadcast_in_dim3A_2273 = arith.constant -1 : i32
      %broadcast_in_dim3A_2274 = vector.broadcast %broadcast_in_dim3A_2273 : i32 to vector<256x1xi32>
      %broadcast_in_dim3A_2275 = arith.constant 0 : i32
      %broadcast_in_dim3A_2276 = vector.broadcast %broadcast_in_dim3A_2275 : i32 to vector<256x32xi32>
      %scan3A_2277 = arith.constant 0 : i32
      %scan3A_2278 = arith.constant 32 : i32
      %scan3A_2279 = arith.addi %scan3A_2277, %scan3A_2278 : i32
      %scan3A_2280 = arith.constant 1 : i32
      %scan3A_2281:2 = scf.for %scan3A_2283 = %scan3A_2277 to %scan3A_2279 step %scan3A_2280 iter_args(%scan3A_2284 = %broadcast_in_dim3A_2274, %scan3A_2285 = %broadcast_in_dim3A_2276) -> (vector<256x1xi32>, vector<256x32xi32>)  : i32 {
        %add3A_2286 = arith.constant 0 : i32
        %add3A_2287 = vector.broadcast %add3A_2286 : i32 to vector<256x128xi32>
        %add3A_2288 = arith.addi %iota3A, %add3A_2287 : vector<256x128xi32>
        %get3A_2289 = arith.constant 0 : index
        %get3A_2290 = arith.constant 0 : index
        %get3A_2291 = vector.load %arg5[%get3A_2289, %get3A_2290] : memref<256x4096xf32, #tpu.memory_space<vmem>>, vector<256x128xf32>
        %eq3A_2292 = vector.broadcast %scan3A_2284 : vector<256x1xi32> to vector<256x128xi32>
        %eq3A_2293 = arith.cmpi eq, %add3A_2288, %eq3A_2292 : vector<256x128xi32>
        %jit3A = arith.constant 0x7F800000 : f32
        %broadcast_in_dim3A_2294 = vector.broadcast %jit3A : f32 to vector<256x128xf32>
        %select_n3A_2295 = arith.select %eq3A_2293, %broadcast_in_dim3A_2294, %get3A_2291 : vector<256x128xi1>, vector<256x128xf32>
        %swap3A_2296 = arith.constant 0 : index
        %swap3A_2297 = arith.constant 0 : index
        %swap3A_2298 = vector.load %arg5[%swap3A_2296, %swap3A_2297] : memref<256x4096xf32, #tpu.memory_space<vmem>>, vector<256x128xf32>
        tpu.vector_store %arg5[%swap3A_2296, %swap3A_2297], %select_n3A_2295 {strides = array<i32>} : memref<256x4096xf32, #tpu.memory_space<vmem>>, vector<256x128xf32>,
        %add3A_2299 = arith.constant 128 : i32
        %add3A_2300 = vector.broadcast %add3A_2299 : i32 to vector<256x128xi32>
        %add3A_2301 = arith.addi %iota3A, %add3A_2300 : vector<256x128xi32>
        %get3A_2302 = arith.constant 0 : index
        %get3A_2303 = arith.constant 128 : index
        %get3A_2304 = vector.load %arg5[%get3A_2302, %get3A_2303] : memref<256x4096xf32, #tpu.memory_space<vmem>>, vector<256x128xf32>
        %eq3A_2305 = vector.broadcast %scan3A_2284 : vector<256x1xi32> to vector<256x128xi32>
        %eq3A_2306 = arith.cmpi eq, %add3A_2301, %eq3A_2305 : vector<256x128xi32>
        %jit3A_2307 = arith.constant 0x7F800000 : f32
        %broadcast_in_dim3A_2308 = vector.broadcast %jit3A_2307 : f32 to vector<256x128xf32>
        %select_n3A_2309 = arith.select %eq3A_2306, %broadcast_in_dim3A_2308, %get3A_2304 : vector<256x128xi1>, vector<256x128xf32>
        %swap3A_2310 = arith.constant 0 : index
        %swap3A_2311 = arith.constant 128 : index
        %swap3A_2312 = vector.load %arg5[%swap3A_2310, %swap3A_2311] : memref<256x4096xf32, #tpu.memory_space<vmem>>, vector<256x128xf32>
        tpu.vector_store %arg5[%swap3A_2310, %swap3A_2311], %select_n3A_2309 {strides = array<i32>} : memref<256x4096xf32, #tpu.memory_space<vmem>>, vector<256x128xf32>,
        %lt3A_2313 = arith.cmpf olt, %select_n3A_2309, %select_n3A_2295 : vector<256x128xf32>
        %select_n3A_2314 = arith.select %lt3A_2313, %select_n3A_2309, %select_n3A_2295 : vector<256x128xi1>, vector<256x128xf32>
        %select_n3A_2315 = arith.select %lt3A_2313, %add3A_2301, %add3A_2288 : vector<256x128xi1>, vector<256x128xi32>
        %add3A_2316 = arith.constant 256 : i32
        %add3A_2317 = vector.broadcast %add3A_2316 : i32 to vector<256x128xi32>
        %add3A_2318 = arith.addi %iota3A, %add3A_2317 : vector<256x128xi32>
        %get3A_2319 = arith.constant 0 : index
        %get3A_2320 = arith.constant 256 : index
        %get3A_2321 = vector.load %arg5[%get3A_2319, %get3A_2320] : memref<256x4096xf32, #tpu.memory_space<vmem>>, vector<256x128xf32>
        %eq3A_2322 = vector.broadcast %scan3A_2284 : vector<256x1xi32> to vector<256x128xi32>
        %eq3A_2323 = arith.cmpi eq, %add3A_2318, %eq3A_2322 : vector<256x128xi32>
        %jit3A_2324 = arith.constant 0x7F800000 : f32
        %broadcast_in_dim3A_2325 = vector.broadcast %jit3A_2324 : f32 to vector<256x128xf32>
        %select_n3A_2326 = arith.select %eq3A_2323, %broadcast_in_dim3A_2325, %get3A_2321 : vector<256x128xi1>, vector<256x128xf32>
        %swap3A_2327 = arith.constant 0 : index
        %swap3A_2328 = arith.constant 256 : index
        %swap3A_2329 = vector.load %arg5[%swap3A_2327, %swap3A_2328] : memref<256x4096xf32, #tpu.memory_space<vmem>>, vector<256x128xf32>
        tpu.vector_store %arg5[%swap3A_2327, %swap3A_2328], %select_n3A_2326 {strides = array<i32>} : memref<256x4096xf32, #tpu.memory_space<vmem>>, vector<256x128xf32>,
        %lt3A_2330 = arith.cmpf olt, %select_n3A_2326, %select_n3A_2314 : vector<256x128xf32>
        %select_n3A_2331 = arith.select %lt3A_2330, %select_n3A_2326, %select_n3A_2314 : vector<256x128xi1>, vector<256x128xf32>
        %select_n3A_2332 = arith.select %lt3A_2330, %add3A_2318, %select_n3A_2315 : vector<256x128xi1>, vector<256x128xi32>
        %add3A_2333 = arith.constant 384 : i32
        %add3A_2334 = vector.broadcast %add3A_2333 : i32 to vector<256x128xi32>
        %add3A_2335 = arith.addi %iota3A, %add3A_2334 : vector<256x128xi32>
        %get3A_2336 = arith.constant 0 : index
        %get3A_2337 = arith.constant 384 : index
        %get3A_2338 = vector.load %arg5[%get3A_2336, %get3A_2337] : memref<256x4096xf32, #tpu.memory_space<vmem>>, vector<256x128xf32>
        %eq3A_2339 = vector.broadcast %scan3A_2284 : vector<256x1xi32> to vector<256x128xi32>
        %eq3A_2340 = arith.cmpi eq, %add3A_2335, %eq3A_2339 : vector<256x128xi32>
        %jit3A_2341 = arith.constant 0x7F800000 : f32
        %broadcast_in_dim3A_2342 = vector.broadcast %jit3A_2341 : f32 to vector<256x128xf32>
        %select_n3A_2343 = arith.select %eq3A_2340, %broadcast_in_dim3A_2342, %get3A_2338 : vector<256x128xi1>, vector<256x128xf32>
        %swap3A_2344 = arith.constant 0 : index
        %swap3A_2345 = arith.constant 384 : index
        %swap3A_2346 = vector.load %arg5[%swap3A_2344, %swap3A_2345] : memref<256x4096xf32, #tpu.memory_space<vmem>>, vector<256x128xf32>
        tpu.vector_store %arg5[%swap3A_2344, %swap3A_2345], %select_n3A_2343 {strides = array<i32>} : memref<256x4096xf32, #tpu.memory_space<vmem>>, vector<256x128xf32>,
        %lt3A_2347 = arith.cmpf olt, %select_n3A_2343, %select_n3A_2331 : vector<256x128xf32>
        %select_n3A_2348 = arith.select %lt3A_2347, %select_n3A_2343, %select_n3A_2331 : vector<256x128xi1>, vector<256x128xf32>
        %select_n3A_2349 = arith.select %lt3A_2347, %add3A_2335, %select_n3A_2332 : vector<256x128xi1>, vector<256x128xi32>
        %add3A_2350 = arith.constant 512 : i32
        %add3A_2351 = vector.broadcast %add3A_2350 : i32 to vector<256x128xi32>
        %add3A_2352 = arith.addi %iota3A, %add3A_2351 : vector<256x128xi32>
        %get3A_2353 = arith.constant 0 : index
        %get3A_2354 = arith.constant 512 : index
        %get3A_2355 = vector.load %arg5[%get3A_2353, %get3A_2354] : memref<256x4096xf32, #tpu.memory_space<vmem>>, vector<256x128xf32>
        %eq3A_2356 = vector.broadcast %scan3A_2284 : vector<256x1xi32> to vector<256x128xi32>
        %eq3A_2357 = arith.cmpi eq, %add3A_2352, %eq3A_2356 : vector<256x128xi32>
        %jit3A_2358 = arith.constant 0x7F800000 : f32
        %broadcast_in_dim3A_2359 = vector.broadcast %jit3A_2358 : f32 to vector<256x128xf32>
        %select_n3A_2360 = arith.select %eq3A_2357, %broadcast_in_dim3A_2359, %get3A_2355 : vector<256x128xi1>, vector<256x128xf32>
        %swap3A_2361 = arith.constant 0 : index
        %swap3A_2362 = arith.constant 512 : index
        %swap3A_2363 = vector.load %arg5[%swap3A_2361, %swap3A_2362] : memref<256x4096xf32, #tpu.memory_space<vmem>>, vector<256x128xf32>
        tpu.vector_store %arg5[%swap3A_2361, %swap3A_2362], %select_n3A_2360 {strides = array<i32>} : memref<256x4096xf32, #tpu.memory_space<vmem>>, vector<256x128xf32>,
        %lt3A_2364 = arith.cmpf olt, %select_n3A_2360, %select_n3A_2348 : vector<256x128xf32>
        %select_n3A_2365 = arith.select %lt3A_2364, %select_n3A_2360, %select_n3A_2348 : vector<256x128xi1>, vector<256x128xf32>
        %select_n3A_2366 = arith.select %lt3A_2364, %add3A_2352, %select_n3A_2349 : vector<256x128xi1>, vector<256x128xi32>
        %add3A_2367 = arith.constant 640 : i32
        %add3A_2368 = vector.broadcast %add3A_2367 : i32 to vector<256x128xi32>
        %add3A_2369 = arith.addi %iota3A, %add3A_2368 : vector<256x128xi32>
        %get3A_2370 = arith.constant 0 : index
        %get3A_2371 = arith.constant 640 : index
        %get3A_2372 = vector.load %arg5[%get3A_2370, %get3A_2371] : memref<256x4096xf32, #tpu.memory_space<vmem>>, vector<256x128xf32>
        %eq3A_2373 = vector.broadcast %scan3A_2284 : vector<256x1xi32> to vector<256x128xi32>
        %eq3A_2374 = arith.cmpi eq, %add3A_2369, %eq3A_2373 : vector<256x128xi32>
        %jit3A_2375 = arith.constant 0x7F800000 : f32
        %broadcast_in_dim3A_2376 = vector.broadcast %jit3A_2375 : f32 to vector<256x128xf32>
        %select_n3A_2377 = arith.select %eq3A_2374, %broadcast_in_dim3A_2376, %get3A_2372 : vector<256x128xi1>, vector<256x128xf32>
        %swap3A_2378 = arith.constant 0 : index
        %swap3A_2379 = arith.constant 640 : index
        %swap3A_2380 = vector.load %arg5[%swap3A_2378, %swap3A_2379] : memref<256x4096xf32, #tpu.memory_space<vmem>>, vector<256x128xf32>
        tpu.vector_store %arg5[%swap3A_2378, %swap3A_2379], %select_n3A_2377 {strides = array<i32>} : memref<256x4096xf32, #tpu.memory_space<vmem>>, vector<256x128xf32>,
        %lt3A_2381 = arith.cmpf olt, %select_n3A_2377, %select_n3A_2365 : vector<256x128xf32>
        %select_n3A_2382 = arith.select %lt3A_2381, %select_n3A_2377, %select_n3A_2365 : vector<256x128xi1>, vector<256x128xf32>
        %select_n3A_2383 = arith.select %lt3A_2381, %add3A_2369, %select_n3A_2366 : vector<256x128xi1>, vector<256x128xi32>
        %add3A_2384 = arith.constant 768 : i32
        %add3A_2385 = vector.broadcast %add3A_2384 : i32 to vector<256x128xi32>
        %add3A_2386 = arith.addi %iota3A, %add3A_2385 : vector<256x128xi32>
        %get3A_2387 = arith.constant 0 : index
        %get3A_2388 = arith.constant 768 : index
        %get3A_2389 = vector.load %arg5[%get3A_2387, %get3A_2388] : memref<256x4096xf32, #tpu.memory_space<vmem>>, vector<256x128xf32>
        %eq3A_2390 = vector.broadcast %scan3A_2284 : vector<256x1xi32> to vector<256x128xi32>
        %eq3A_2391 = arith.cmpi eq, %add3A_2386, %eq3A_2390 : vector<256x128xi32>
        %jit3A_2392 = arith.constant 0x7F800000 : f32
        %broadcast_in_dim3A_2393 = vector.broadcast %jit3A_2392 : f32 to vector<256x128xf32>
        %select_n3A_2394 = arith.select %eq3A_2391, %broadcast_in_dim3A_2393, %get3A_2389 : vector<256x128xi1>, vector<256x128xf32>
        %swap3A_2395 = arith.constant 0 : index
        %swap3A_2396 = arith.constant 768 : index
        %swap3A_2397 = vector.load %arg5[%swap3A_2395, %swap3A_2396] : memref<256x4096xf32, #tpu.memory_space<vmem>>, vector<256x128xf32>
        tpu.vector_store %arg5[%swap3A_2395, %swap3A_2396], %select_n3A_2394 {strides = array<i32>} : memref<256x4096xf32, #tpu.memory_space<vmem>>, vector<256x128xf32>,
        %lt3A_2398 = arith.cmpf olt, %select_n3A_2394, %select_n3A_2382 : vector<256x128xf32>
        %select_n3A_2399 = arith.select %lt3A_2398, %select_n3A_2394, %select_n3A_2382 : vector<256x128xi1>, vector<256x128xf32>
        %select_n3A_2400 = arith.select %lt3A_2398, %add3A_2386, %select_n3A_2383 : vector<256x128xi1>, vector<256x128xi32>
        %add3A_2401 = arith.constant 896 : i32
        %add3A_2402 = vector.broadcast %add3A_2401 : i32 to vector<256x128xi32>
        %add3A_2403 = arith.addi %iota3A, %add3A_2402 : vector<256x128xi32>
        %get3A_2404 = arith.constant 0 : index
        %get3A_2405 = arith.constant 896 : index
        %get3A_2406 = vector.load %arg5[%get3A_2404, %get3A_2405] : memref<256x4096xf32, #tpu.memory_space<vmem>>, vector<256x128xf32>
        %eq3A_2407 = vector.broadcast %scan3A_2284 : vector<256x1xi32> to vector<256x128xi32>
        %eq3A_2408 = arith.cmpi eq, %add3A_2403, %eq3A_2407 : vector<256x128xi32>
        %jit3A_2409 = arith.constant 0x7F800000 : f32
        %broadcast_in_dim3A_2410 = vector.broadcast %jit3A_2409 : f32 to vector<256x128xf32>
        %select_n3A_2411 = arith.select %eq3A_2408, %broadcast_in_dim3A_2410, %get3A_2406 : vector<256x128xi1>, vector<256x128xf32>
        %swap3A_2412 = arith.constant 0 : index
        %swap3A_2413 = arith.constant 896 : index
        %swap3A_2414 = vector.load %arg5[%swap3A_2412, %swap3A_2413] : memref<256x4096xf32, #tpu.memory_space<vmem>>, vector<256x128xf32>
        tpu.vector_store %arg5[%swap3A_2412, %swap3A_2413], %select_n3A_2411 {strides = array<i32>} : memref<256x4096xf32, #tpu.memory_space<vmem>>, vector<256x128xf32>,
        %lt3A_2415 = arith.cmpf olt, %select_n3A_2411, %select_n3A_2399 : vector<256x128xf32>
        %select_n3A_2416 = arith.select %lt3A_2415, %select_n3A_2411, %select_n3A_2399 : vector<256x128xi1>, vector<256x128xf32>
        %select_n3A_2417 = arith.select %lt3A_2415, %add3A_2403, %select_n3A_2400 : vector<256x128xi1>, vector<256x128xi32>
        %add3A_2418 = arith.constant 1024 : i32
        %add3A_2419 = vector.broadcast %add3A_2418 : i32 to vector<256x128xi32>
        %add3A_2420 = arith.addi %iota3A, %add3A_2419 : vector<256x128xi32>
        %get3A_2421 = arith.constant 0 : index
        %get3A_2422 = arith.constant 1024 : index
        %get3A_2423 = vector.load %arg5[%get3A_2421, %get3A_2422] : memref<256x4096xf32, #tpu.memory_space<vmem>>, vector<256x128xf32>
        %eq3A_2424 = vector.broadcast %scan3A_2284 : vector<256x1xi32> to vector<256x128xi32>
        %eq3A_2425 = arith.cmpi eq, %add3A_2420, %eq3A_2424 : vector<256x128xi32>
        %jit3A_2426 = arith.constant 0x7F800000 : f32
        %broadcast_in_dim3A_2427 = vector.broadcast %jit3A_2426 : f32 to vector<256x128xf32>
        %select_n3A_2428 = arith.select %eq3A_2425, %broadcast_in_dim3A_2427, %get3A_2423 : vector<256x128xi1>, vector<256x128xf32>
        %swap3A_2429 = arith.constant 0 : index
        %swap3A_2430 = arith.constant 1024 : index
        %swap3A_2431 = vector.load %arg5[%swap3A_2429, %swap3A_2430] : memref<256x4096xf32, #tpu.memory_space<vmem>>, vector<256x128xf32>
        tpu.vector_store %arg5[%swap3A_2429, %swap3A_2430], %select_n3A_2428 {strides = array<i32>} : memref<256x4096xf32, #tpu.memory_space<vmem>>, vector<256x128xf32>,
        %lt3A_2432 = arith.cmpf olt, %select_n3A_2428, %select_n3A_2416 : vector<256x128xf32>
        %select_n3A_2433 = arith.select %lt3A_2432, %select_n3A_2428, %select_n3A_2416 : vector<256x128xi1>, vector<256x128xf32>
        %select_n3A_2434 = arith.select %lt3A_2432, %add3A_2420, %select_n3A_2417 : vector<256x128xi1>, vector<256x128xi32>
        %add3A_2435 = arith.constant 1152 : i32
        %add3A_2436 = vector.broadcast %add3A_2435 : i32 to vector<256x128xi32>
        %add3A_2437 = arith.addi %iota3A, %add3A_2436 : vector<256x128xi32>
        %get3A_2438 = arith.constant 0 : index
        %get3A_2439 = arith.constant 1152 : index
        %get3A_2440 = vector.load %arg5[%get3A_2438, %get3A_2439] : memref<256x4096xf32, #tpu.memory_space<vmem>>, vector<256x128xf32>
        %eq3A_2441 = vector.broadcast %scan3A_2284 : vector<256x1xi32> to vector<256x128xi32>
        %eq3A_2442 = arith.cmpi eq, %add3A_2437, %eq3A_2441 : vector<256x128xi32>
        %jit3A_2443 = arith.constant 0x7F800000 : f32
        %broadcast_in_dim3A_2444 = vector.broadcast %jit3A_2443 : f32 to vector<256x128xf32>
        %select_n3A_2445 = arith.select %eq3A_2442, %broadcast_in_dim3A_2444, %get3A_2440 : vector<256x128xi1>, vector<256x128xf32>
        %swap3A_2446 = arith.constant 0 : index
        %swap3A_2447 = arith.constant 1152 : index
        %swap3A_2448 = vector.load %arg5[%swap3A_2446, %swap3A_2447] : memref<256x4096xf32, #tpu.memory_space<vmem>>, vector<256x128xf32>
        tpu.vector_store %arg5[%swap3A_2446, %swap3A_2447], %select_n3A_2445 {strides = array<i32>} : memref<256x4096xf32, #tpu.memory_space<vmem>>, vector<256x128xf32>,
        %lt3A_2449 = arith.cmpf olt, %select_n3A_2445, %select_n3A_2433 : vector<256x128xf32>
        %select_n3A_2450 = arith.select %lt3A_2449, %select_n3A_2445, %select_n3A_2433 : vector<256x128xi1>, vector<256x128xf32>
        %select_n3A_2451 = arith.select %lt3A_2449, %add3A_2437, %select_n3A_2434 : vector<256x128xi1>, vector<256x128xi32>
        %add3A_2452 = arith.constant 1280 : i32
        %add3A_2453 = vector.broadcast %add3A_2452 : i32 to vector<256x128xi32>
        %add3A_2454 = arith.addi %iota3A, %add3A_2453 : vector<256x128xi32>
        %get3A_2455 = arith.constant 0 : index
        %get3A_2456 = arith.constant 1280 : index
        %get3A_2457 = vector.load %arg5[%get3A_2455, %get3A_2456] : memref<256x4096xf32, #tpu.memory_space<vmem>>, vector<256x128xf32>
        %eq3A_2458 = vector.broadcast %scan3A_2284 : vector<256x1xi32> to vector<256x128xi32>
        %eq3A_2459 = arith.cmpi eq, %add3A_2454, %eq3A_2458 : vector<256x128xi32>
        %jit3A_2460 = arith.constant 0x7F800000 : f32
        %broadcast_in_dim3A_2461 = vector.broadcast %jit3A_2460 : f32 to vector<256x128xf32>
        %select_n3A_2462 = arith.select %eq3A_2459, %broadcast_in_dim3A_2461, %get3A_2457 : vector<256x128xi1>, vector<256x128xf32>
        %swap3A_2463 = arith.constant 0 : index
        %swap3A_2464 = arith.constant 1280 : index
        %swap3A_2465 = vector.load %arg5[%swap3A_2463, %swap3A_2464] : memref<256x4096xf32, #tpu.memory_space<vmem>>, vector<256x128xf32>
        tpu.vector_store %arg5[%swap3A_2463, %swap3A_2464], %select_n3A_2462 {strides = array<i32>} : memref<256x4096xf32, #tpu.memory_space<vmem>>, vector<256x128xf32>,
        %lt3A_2466 = arith.cmpf olt, %select_n3A_2462, %select_n3A_2450 : vector<256x128xf32>
        %select_n3A_2467 = arith.select %lt3A_2466, %select_n3A_2462, %select_n3A_2450 : vector<256x128xi1>, vector<256x128xf32>
        %select_n3A_2468 = arith.select %lt3A_2466, %add3A_2454, %select_n3A_2451 : vector<256x128xi1>, vector<256x128xi32>
        %add3A_2469 = arith.constant 1408 : i32
        %add3A_2470 = vector.broadcast %add3A_2469 : i32 to vector<256x128xi32>
        %add3A_2471 = arith.addi %iota3A, %add3A_2470 : vector<256x128xi32>
        %get3A_2472 = arith.constant 0 : index
        %get3A_2473 = arith.constant 1408 : index
        %get3A_2474 = vector.load %arg5[%get3A_2472, %get3A_2473] : memref<256x4096xf32, #tpu.memory_space<vmem>>, vector<256x128xf32>
        %eq3A_2475 = vector.broadcast %scan3A_2284 : vector<256x1xi32> to vector<256x128xi32>
        %eq3A_2476 = arith.cmpi eq, %add3A_2471, %eq3A_2475 : vector<256x128xi32>
        %jit3A_2477 = arith.constant 0x7F800000 : f32
        %broadcast_in_dim3A_2478 = vector.broadcast %jit3A_2477 : f32 to vector<256x128xf32>
        %select_n3A_2479 = arith.select %eq3A_2476, %broadcast_in_dim3A_2478, %get3A_2474 : vector<256x128xi1>, vector<256x128xf32>
        %swap3A_2480 = arith.constant 0 : index
        %swap3A_2481 = arith.constant 1408 : index
        %swap3A_2482 = vector.load %arg5[%swap3A_2480, %swap3A_2481] : memref<256x4096xf32, #tpu.memory_space<vmem>>, vector<256x128xf32>
        tpu.vector_store %arg5[%swap3A_2480, %swap3A_2481], %select_n3A_2479 {strides = array<i32>} : memref<256x4096xf32, #tpu.memory_space<vmem>>, vector<256x128xf32>,
        %lt3A_2483 = arith.cmpf olt, %select_n3A_2479, %select_n3A_2467 : vector<256x128xf32>
        %select_n3A_2484 = arith.select %lt3A_2483, %select_n3A_2479, %select_n3A_2467 : vector<256x128xi1>, vector<256x128xf32>
        %select_n3A_2485 = arith.select %lt3A_2483, %add3A_2471, %select_n3A_2468 : vector<256x128xi1>, vector<256x128xi32>
        %add3A_2486 = arith.constant 1536 : i32
        %add3A_2487 = vector.broadcast %add3A_2486 : i32 to vector<256x128xi32>
        %add3A_2488 = arith.addi %iota3A, %add3A_2487 : vector<256x128xi32>
        %get3A_2489 = arith.constant 0 : index
        %get3A_2490 = arith.constant 1536 : index
        %get3A_2491 = vector.load %arg5[%get3A_2489, %get3A_2490] : memref<256x4096xf32, #tpu.memory_space<vmem>>, vector<256x128xf32>
        %eq3A_2492 = vector.broadcast %scan3A_2284 : vector<256x1xi32> to vector<256x128xi32>
        %eq3A_2493 = arith.cmpi eq, %add3A_2488, %eq3A_2492 : vector<256x128xi32>
        %jit3A_2494 = arith.constant 0x7F800000 : f32
        %broadcast_in_dim3A_2495 = vector.broadcast %jit3A_2494 : f32 to vector<256x128xf32>
        %select_n3A_2496 = arith.select %eq3A_2493, %broadcast_in_dim3A_2495, %get3A_2491 : vector<256x128xi1>, vector<256x128xf32>
        %swap3A_2497 = arith.constant 0 : index
        %swap3A_2498 = arith.constant 1536 : index
        %swap3A_2499 = vector.load %arg5[%swap3A_2497, %swap3A_2498] : memref<256x4096xf32, #tpu.memory_space<vmem>>, vector<256x128xf32>
        tpu.vector_store %arg5[%swap3A_2497, %swap3A_2498], %select_n3A_2496 {strides = array<i32>} : memref<256x4096xf32, #tpu.memory_space<vmem>>, vector<256x128xf32>,
        %lt3A_2500 = arith.cmpf olt, %select_n3A_2496, %select_n3A_2484 : vector<256x128xf32>
        %select_n3A_2501 = arith.select %lt3A_2500, %select_n3A_2496, %select_n3A_2484 : vector<256x128xi1>, vector<256x128xf32>
        %select_n3A_2502 = arith.select %lt3A_2500, %add3A_2488, %select_n3A_2485 : vector<256x128xi1>, vector<256x128xi32>
        %add3A_2503 = arith.constant 1664 : i32
        %add3A_2504 = vector.broadcast %add3A_2503 : i32 to vector<256x128xi32>
        %add3A_2505 = arith.addi %iota3A, %add3A_2504 : vector<256x128xi32>
        %get3A_2506 = arith.constant 0 : index
        %get3A_2507 = arith.constant 1664 : index
        %get3A_2508 = vector.load %arg5[%get3A_2506, %get3A_2507] : memref<256x4096xf32, #tpu.memory_space<vmem>>, vector<256x128xf32>
        %eq3A_2509 = vector.broadcast %scan3A_2284 : vector<256x1xi32> to vector<256x128xi32>
        %eq3A_2510 = arith.cmpi eq, %add3A_2505, %eq3A_2509 : vector<256x128xi32>
        %jit3A_2511 = arith.constant 0x7F800000 : f32
        %broadcast_in_dim3A_2512 = vector.broadcast %jit3A_2511 : f32 to vector<256x128xf32>
        %select_n3A_2513 = arith.select %eq3A_2510, %broadcast_in_dim3A_2512, %get3A_2508 : vector<256x128xi1>, vector<256x128xf32>
        %swap3A_2514 = arith.constant 0 : index
        %swap3A_2515 = arith.constant 1664 : index
        %swap3A_2516 = vector.load %arg5[%swap3A_2514, %swap3A_2515] : memref<256x4096xf32, #tpu.memory_space<vmem>>, vector<256x128xf32>
        tpu.vector_store %arg5[%swap3A_2514, %swap3A_2515], %select_n3A_2513 {strides = array<i32>} : memref<256x4096xf32, #tpu.memory_space<vmem>>, vector<256x128xf32>,
        %lt3A_2517 = arith.cmpf olt, %select_n3A_2513, %select_n3A_2501 : vector<256x128xf32>
        %select_n3A_2518 = arith.select %lt3A_2517, %select_n3A_2513, %select_n3A_2501 : vector<256x128xi1>, vector<256x128xf32>
        %select_n3A_2519 = arith.select %lt3A_2517, %add3A_2505, %select_n3A_2502 : vector<256x128xi1>, vector<256x128xi32>
        %add3A_2520 = arith.constant 1792 : i32
        %add3A_2521 = vector.broadcast %add3A_2520 : i32 to vector<256x128xi32>
        %add3A_2522 = arith.addi %iota3A, %add3A_2521 : vector<256x128xi32>
        %get3A_2523 = arith.constant 0 : index
        %get3A_2524 = arith.constant 1792 : index
        %get3A_2525 = vector.load %arg5[%get3A_2523, %get3A_2524] : memref<256x4096xf32, #tpu.memory_space<vmem>>, vector<256x128xf32>
        %eq3A_2526 = vector.broadcast %scan3A_2284 : vector<256x1xi32> to vector<256x128xi32>
        %eq3A_2527 = arith.cmpi eq, %add3A_2522, %eq3A_2526 : vector<256x128xi32>
        %jit3A_2528 = arith.constant 0x7F800000 : f32
        %broadcast_in_dim3A_2529 = vector.broadcast %jit3A_2528 : f32 to vector<256x128xf32>
        %select_n3A_2530 = arith.select %eq3A_2527, %broadcast_in_dim3A_2529, %get3A_2525 : vector<256x128xi1>, vector<256x128xf32>
        %swap3A_2531 = arith.constant 0 : index
        %swap3A_2532 = arith.constant 1792 : index
        %swap3A_2533 = vector.load %arg5[%swap3A_2531, %swap3A_2532] : memref<256x4096xf32, #tpu.memory_space<vmem>>, vector<256x128xf32>
        tpu.vector_store %arg5[%swap3A_2531, %swap3A_2532], %select_n3A_2530 {strides = array<i32>} : memref<256x4096xf32, #tpu.memory_space<vmem>>, vector<256x128xf32>,
        %lt3A_2534 = arith.cmpf olt, %select_n3A_2530, %select_n3A_2518 : vector<256x128xf32>
        %select_n3A_2535 = arith.select %lt3A_2534, %select_n3A_2530, %select_n3A_2518 : vector<256x128xi1>, vector<256x128xf32>
        %select_n3A_2536 = arith.select %lt3A_2534, %add3A_2522, %select_n3A_2519 : vector<256x128xi1>, vector<256x128xi32>
        %add3A_2537 = arith.constant 1920 : i32
        %add3A_2538 = vector.broadcast %add3A_2537 : i32 to vector<256x128xi32>
        %add3A_2539 = arith.addi %iota3A, %add3A_2538 : vector<256x128xi32>
        %get3A_2540 = arith.constant 0 : index
        %get3A_2541 = arith.constant 1920 : index
        %get3A_2542 = vector.load %arg5[%get3A_2540, %get3A_2541] : memref<256x4096xf32, #tpu.memory_space<vmem>>, vector<256x128xf32>
        %eq3A_2543 = vector.broadcast %scan3A_2284 : vector<256x1xi32> to vector<256x128xi32>
        %eq3A_2544 = arith.cmpi eq, %add3A_2539, %eq3A_2543 : vector<256x128xi32>
        %jit3A_2545 = arith.constant 0x7F800000 : f32
        %broadcast_in_dim3A_2546 = vector.broadcast %jit3A_2545 : f32 to vector<256x128xf32>
        %select_n3A_2547 = arith.select %eq3A_2544, %broadcast_in_dim3A_2546, %get3A_2542 : vector<256x128xi1>, vector<256x128xf32>
        %swap3A_2548 = arith.constant 0 : index
        %swap3A_2549 = arith.constant 1920 : index
        %swap3A_2550 = vector.load %arg5[%swap3A_2548, %swap3A_2549] : memref<256x4096xf32, #tpu.memory_space<vmem>>, vector<256x128xf32>
        tpu.vector_store %arg5[%swap3A_2548, %swap3A_2549], %select_n3A_2547 {strides = array<i32>} : memref<256x4096xf32, #tpu.memory_space<vmem>>, vector<256x128xf32>,
        %lt3A_2551 = arith.cmpf olt, %select_n3A_2547, %select_n3A_2535 : vector<256x128xf32>
        %select_n3A_2552 = arith.select %lt3A_2551, %select_n3A_2547, %select_n3A_2535 : vector<256x128xi1>, vector<256x128xf32>
        %select_n3A_2553 = arith.select %lt3A_2551, %add3A_2539, %select_n3A_2536 : vector<256x128xi1>, vector<256x128xi32>
        %add3A_2554 = arith.constant 2048 : i32
        %add3A_2555 = vector.broadcast %add3A_2554 : i32 to vector<256x128xi32>
        %add3A_2556 = arith.addi %iota3A, %add3A_2555 : vector<256x128xi32>
        %get3A_2557 = arith.constant 0 : index
        %get3A_2558 = arith.constant 2048 : index
        %get3A_2559 = vector.load %arg5[%get3A_2557, %get3A_2558] : memref<256x4096xf32, #tpu.memory_space<vmem>>, vector<256x128xf32>
        %eq3A_2560 = vector.broadcast %scan3A_2284 : vector<256x1xi32> to vector<256x128xi32>
        %eq3A_2561 = arith.cmpi eq, %add3A_2556, %eq3A_2560 : vector<256x128xi32>
        %jit3A_2562 = arith.constant 0x7F800000 : f32
        %broadcast_in_dim3A_2563 = vector.broadcast %jit3A_2562 : f32 to vector<256x128xf32>
        %select_n3A_2564 = arith.select %eq3A_2561, %broadcast_in_dim3A_2563, %get3A_2559 : vector<256x128xi1>, vector<256x128xf32>
        %swap3A_2565 = arith.constant 0 : index
        %swap3A_2566 = arith.constant 2048 : index
        %swap3A_2567 = vector.load %arg5[%swap3A_2565, %swap3A_2566] : memref<256x4096xf32, #tpu.memory_space<vmem>>, vector<256x128xf32>
        tpu.vector_store %arg5[%swap3A_2565, %swap3A_2566], %select_n3A_2564 {strides = array<i32>} : memref<256x4096xf32, #tpu.memory_space<vmem>>, vector<256x128xf32>,
        %lt3A_2568 = arith.cmpf olt, %select_n3A_2564, %select_n3A_2552 : vector<256x128xf32>
        %select_n3A_2569 = arith.select %lt3A_2568, %select_n3A_2564, %select_n3A_2552 : vector<256x128xi1>, vector<256x128xf32>
        %select_n3A_2570 = arith.select %lt3A_2568, %add3A_2556, %select_n3A_2553 : vector<256x128xi1>, vector<256x128xi32>
        %add3A_2571 = arith.constant 2176 : i32
        %add3A_2572 = vector.broadcast %add3A_2571 : i32 to vector<256x128xi32>
        %add3A_2573 = arith.addi %iota3A, %add3A_2572 : vector<256x128xi32>
        %get3A_2574 = arith.constant 0 : index
        %get3A_2575 = arith.constant 2176 : index
        %get3A_2576 = vector.load %arg5[%get3A_2574, %get3A_2575] : memref<256x4096xf32, #tpu.memory_space<vmem>>, vector<256x128xf32>
        %eq3A_2577 = vector.broadcast %scan3A_2284 : vector<256x1xi32> to vector<256x128xi32>
        %eq3A_2578 = arith.cmpi eq, %add3A_2573, %eq3A_2577 : vector<256x128xi32>
        %jit3A_2579 = arith.constant 0x7F800000 : f32
        %broadcast_in_dim3A_2580 = vector.broadcast %jit3A_2579 : f32 to vector<256x128xf32>
        %select_n3A_2581 = arith.select %eq3A_2578, %broadcast_in_dim3A_2580, %get3A_2576 : vector<256x128xi1>, vector<256x128xf32>
        %swap3A_2582 = arith.constant 0 : index
        %swap3A_2583 = arith.constant 2176 : index
        %swap3A_2584 = vector.load %arg5[%swap3A_2582, %swap3A_2583] : memref<256x4096xf32, #tpu.memory_space<vmem>>, vector<256x128xf32>
        tpu.vector_store %arg5[%swap3A_2582, %swap3A_2583], %select_n3A_2581 {strides = array<i32>} : memref<256x4096xf32, #tpu.memory_space<vmem>>, vector<256x128xf32>,
        %lt3A_2585 = arith.cmpf olt, %select_n3A_2581, %select_n3A_2569 : vector<256x128xf32>
        %select_n3A_2586 = arith.select %lt3A_2585, %select_n3A_2581, %select_n3A_2569 : vector<256x128xi1>, vector<256x128xf32>
        %select_n3A_2587 = arith.select %lt3A_2585, %add3A_2573, %select_n3A_2570 : vector<256x128xi1>, vector<256x128xi32>
        %add3A_2588 = arith.constant 2304 : i32
        %add3A_2589 = vector.broadcast %add3A_2588 : i32 to vector<256x128xi32>
        %add3A_2590 = arith.addi %iota3A, %add3A_2589 : vector<256x128xi32>
        %get3A_2591 = arith.constant 0 : index
        %get3A_2592 = arith.constant 2304 : index
        %get3A_2593 = vector.load %arg5[%get3A_2591, %get3A_2592] : memref<256x4096xf32, #tpu.memory_space<vmem>>, vector<256x128xf32>
        %eq3A_2594 = vector.broadcast %scan3A_2284 : vector<256x1xi32> to vector<256x128xi32>
        %eq3A_2595 = arith.cmpi eq, %add3A_2590, %eq3A_2594 : vector<256x128xi32>
        %jit3A_2596 = arith.constant 0x7F800000 : f32
        %broadcast_in_dim3A_2597 = vector.broadcast %jit3A_2596 : f32 to vector<256x128xf32>
        %select_n3A_2598 = arith.select %eq3A_2595, %broadcast_in_dim3A_2597, %get3A_2593 : vector<256x128xi1>, vector<256x128xf32>
        %swap3A_2599 = arith.constant 0 : index
        %swap3A_2600 = arith.constant 2304 : index
        %swap3A_2601 = vector.load %arg5[%swap3A_2599, %swap3A_2600] : memref<256x4096xf32, #tpu.memory_space<vmem>>, vector<256x128xf32>
        tpu.vector_store %arg5[%swap3A_2599, %swap3A_2600], %select_n3A_2598 {strides = array<i32>} : memref<256x4096xf32, #tpu.memory_space<vmem>>, vector<256x128xf32>,
        %lt3A_2602 = arith.cmpf olt, %select_n3A_2598, %select_n3A_2586 : vector<256x128xf32>
        %select_n3A_2603 = arith.select %lt3A_2602, %select_n3A_2598, %select_n3A_2586 : vector<256x128xi1>, vector<256x128xf32>
        %select_n3A_2604 = arith.select %lt3A_2602, %add3A_2590, %select_n3A_2587 : vector<256x128xi1>, vector<256x128xi32>
        %add3A_2605 = arith.constant 2432 : i32
        %add3A_2606 = vector.broadcast %add3A_2605 : i32 to vector<256x128xi32>
        %add3A_2607 = arith.addi %iota3A, %add3A_2606 : vector<256x128xi32>
        %get3A_2608 = arith.constant 0 : index
        %get3A_2609 = arith.constant 2432 : index
        %get3A_2610 = vector.load %arg5[%get3A_2608, %get3A_2609] : memref<256x4096xf32, #tpu.memory_space<vmem>>, vector<256x128xf32>
        %eq3A_2611 = vector.broadcast %scan3A_2284 : vector<256x1xi32> to vector<256x128xi32>
        %eq3A_2612 = arith.cmpi eq, %add3A_2607, %eq3A_2611 : vector<256x128xi32>
        %jit3A_2613 = arith.constant 0x7F800000 : f32
        %broadcast_in_dim3A_2614 = vector.broadcast %jit3A_2613 : f32 to vector<256x128xf32>
        %select_n3A_2615 = arith.select %eq3A_2612, %broadcast_in_dim3A_2614, %get3A_2610 : vector<256x128xi1>, vector<256x128xf32>
        %swap3A_2616 = arith.constant 0 : index
        %swap3A_2617 = arith.constant 2432 : index
        %swap3A_2618 = vector.load %arg5[%swap3A_2616, %swap3A_2617] : memref<256x4096xf32, #tpu.memory_space<vmem>>, vector<256x128xf32>
        tpu.vector_store %arg5[%swap3A_2616, %swap3A_2617], %select_n3A_2615 {strides = array<i32>} : memref<256x4096xf32, #tpu.memory_space<vmem>>, vector<256x128xf32>,
        %lt3A_2619 = arith.cmpf olt, %select_n3A_2615, %select_n3A_2603 : vector<256x128xf32>
        %select_n3A_2620 = arith.select %lt3A_2619, %select_n3A_2615, %select_n3A_2603 : vector<256x128xi1>, vector<256x128xf32>
        %select_n3A_2621 = arith.select %lt3A_2619, %add3A_2607, %select_n3A_2604 : vector<256x128xi1>, vector<256x128xi32>
        %add3A_2622 = arith.constant 2560 : i32
        %add3A_2623 = vector.broadcast %add3A_2622 : i32 to vector<256x128xi32>
        %add3A_2624 = arith.addi %iota3A, %add3A_2623 : vector<256x128xi32>
        %get3A_2625 = arith.constant 0 : index
        %get3A_2626 = arith.constant 2560 : index
        %get3A_2627 = vector.load %arg5[%get3A_2625, %get3A_2626] : memref<256x4096xf32, #tpu.memory_space<vmem>>, vector<256x128xf32>
        %eq3A_2628 = vector.broadcast %scan3A_2284 : vector<256x1xi32> to vector<256x128xi32>
        %eq3A_2629 = arith.cmpi eq, %add3A_2624, %eq3A_2628 : vector<256x128xi32>
        %jit3A_2630 = arith.constant 0x7F800000 : f32
        %broadcast_in_dim3A_2631 = vector.broadcast %jit3A_2630 : f32 to vector<256x128xf32>
        %select_n3A_2632 = arith.select %eq3A_2629, %broadcast_in_dim3A_2631, %get3A_2627 : vector<256x128xi1>, vector<256x128xf32>
        %swap3A_2633 = arith.constant 0 : index
        %swap3A_2634 = arith.constant 2560 : index
        %swap3A_2635 = vector.load %arg5[%swap3A_2633, %swap3A_2634] : memref<256x4096xf32, #tpu.memory_space<vmem>>, vector<256x128xf32>
        tpu.vector_store %arg5[%swap3A_2633, %swap3A_2634], %select_n3A_2632 {strides = array<i32>} : memref<256x4096xf32, #tpu.memory_space<vmem>>, vector<256x128xf32>,
        %lt3A_2636 = arith.cmpf olt, %select_n3A_2632, %select_n3A_2620 : vector<256x128xf32>
        %select_n3A_2637 = arith.select %lt3A_2636, %select_n3A_2632, %select_n3A_2620 : vector<256x128xi1>, vector<256x128xf32>
        %select_n3A_2638 = arith.select %lt3A_2636, %add3A_2624, %select_n3A_2621 : vector<256x128xi1>, vector<256x128xi32>
        %add3A_2639 = arith.constant 2688 : i32
        %add3A_2640 = vector.broadcast %add3A_2639 : i32 to vector<256x128xi32>
        %add3A_2641 = arith.addi %iota3A, %add3A_2640 : vector<256x128xi32>
        %get3A_2642 = arith.constant 0 : index
        %get3A_2643 = arith.constant 2688 : index
        %get3A_2644 = vector.load %arg5[%get3A_2642, %get3A_2643] : memref<256x4096xf32, #tpu.memory_space<vmem>>, vector<256x128xf32>
        %eq3A_2645 = vector.broadcast %scan3A_2284 : vector<256x1xi32> to vector<256x128xi32>
        %eq3A_2646 = arith.cmpi eq, %add3A_2641, %eq3A_2645 : vector<256x128xi32>
        %jit3A_2647 = arith.constant 0x7F800000 : f32
        %broadcast_in_dim3A_2648 = vector.broadcast %jit3A_2647 : f32 to vector<256x128xf32>
        %select_n3A_2649 = arith.select %eq3A_2646, %broadcast_in_dim3A_2648, %get3A_2644 : vector<256x128xi1>, vector<256x128xf32>
        %swap3A_2650 = arith.constant 0 : index
        %swap3A_2651 = arith.constant 2688 : index
        %swap3A_2652 = vector.load %arg5[%swap3A_2650, %swap3A_2651] : memref<256x4096xf32, #tpu.memory_space<vmem>>, vector<256x128xf32>
        tpu.vector_store %arg5[%swap3A_2650, %swap3A_2651], %select_n3A_2649 {strides = array<i32>} : memref<256x4096xf32, #tpu.memory_space<vmem>>, vector<256x128xf32>,
        %lt3A_2653 = arith.cmpf olt, %select_n3A_2649, %select_n3A_2637 : vector<256x128xf32>
        %select_n3A_2654 = arith.select %lt3A_2653, %select_n3A_2649, %select_n3A_2637 : vector<256x128xi1>, vector<256x128xf32>
        %select_n3A_2655 = arith.select %lt3A_2653, %add3A_2641, %select_n3A_2638 : vector<256x128xi1>, vector<256x128xi32>
        %add3A_2656 = arith.constant 2816 : i32
        %add3A_2657 = vector.broadcast %add3A_2656 : i32 to vector<256x128xi32>
        %add3A_2658 = arith.addi %iota3A, %add3A_2657 : vector<256x128xi32>
        %get3A_2659 = arith.constant 0 : index
        %get3A_2660 = arith.constant 2816 : index
        %get3A_2661 = vector.load %arg5[%get3A_2659, %get3A_2660] : memref<256x4096xf32, #tpu.memory_space<vmem>>, vector<256x128xf32>
        %eq3A_2662 = vector.broadcast %scan3A_2284 : vector<256x1xi32> to vector<256x128xi32>
        %eq3A_2663 = arith.cmpi eq, %add3A_2658, %eq3A_2662 : vector<256x128xi32>
        %jit3A_2664 = arith.constant 0x7F800000 : f32
        %broadcast_in_dim3A_2665 = vector.broadcast %jit3A_2664 : f32 to vector<256x128xf32>
        %select_n3A_2666 = arith.select %eq3A_2663, %broadcast_in_dim3A_2665, %get3A_2661 : vector<256x128xi1>, vector<256x128xf32>
        %swap3A_2667 = arith.constant 0 : index
        %swap3A_2668 = arith.constant 2816 : index
        %swap3A_2669 = vector.load %arg5[%swap3A_2667, %swap3A_2668] : memref<256x4096xf32, #tpu.memory_space<vmem>>, vector<256x128xf32>
        tpu.vector_store %arg5[%swap3A_2667, %swap3A_2668], %select_n3A_2666 {strides = array<i32>} : memref<256x4096xf32, #tpu.memory_space<vmem>>, vector<256x128xf32>,
        %lt3A_2670 = arith.cmpf olt, %select_n3A_2666, %select_n3A_2654 : vector<256x128xf32>
        %select_n3A_2671 = arith.select %lt3A_2670, %select_n3A_2666, %select_n3A_2654 : vector<256x128xi1>, vector<256x128xf32>
        %select_n3A_2672 = arith.select %lt3A_2670, %add3A_2658, %select_n3A_2655 : vector<256x128xi1>, vector<256x128xi32>
        %add3A_2673 = arith.constant 2944 : i32
        %add3A_2674 = vector.broadcast %add3A_2673 : i32 to vector<256x128xi32>
        %add3A_2675 = arith.addi %iota3A, %add3A_2674 : vector<256x128xi32>
        %get3A_2676 = arith.constant 0 : index
        %get3A_2677 = arith.constant 2944 : index
        %get3A_2678 = vector.load %arg5[%get3A_2676, %get3A_2677] : memref<256x4096xf32, #tpu.memory_space<vmem>>, vector<256x128xf32>
        %eq3A_2679 = vector.broadcast %scan3A_2284 : vector<256x1xi32> to vector<256x128xi32>
        %eq3A_2680 = arith.cmpi eq, %add3A_2675, %eq3A_2679 : vector<256x128xi32>
        %jit3A_2681 = arith.constant 0x7F800000 : f32
        %broadcast_in_dim3A_2682 = vector.broadcast %jit3A_2681 : f32 to vector<256x128xf32>
        %select_n3A_2683 = arith.select %eq3A_2680, %broadcast_in_dim3A_2682, %get3A_2678 : vector<256x128xi1>, vector<256x128xf32>
        %swap3A_2684 = arith.constant 0 : index
        %swap3A_2685 = arith.constant 2944 : index
        %swap3A_2686 = vector.load %arg5[%swap3A_2684, %swap3A_2685] : memref<256x4096xf32, #tpu.memory_space<vmem>>, vector<256x128xf32>
        tpu.vector_store %arg5[%swap3A_2684, %swap3A_2685], %select_n3A_2683 {strides = array<i32>} : memref<256x4096xf32, #tpu.memory_space<vmem>>, vector<256x128xf32>,
        %lt3A_2687 = arith.cmpf olt, %select_n3A_2683, %select_n3A_2671 : vector<256x128xf32>
        %select_n3A_2688 = arith.select %lt3A_2687, %select_n3A_2683, %select_n3A_2671 : vector<256x128xi1>, vector<256x128xf32>
        %select_n3A_2689 = arith.select %lt3A_2687, %add3A_2675, %select_n3A_2672 : vector<256x128xi1>, vector<256x128xi32>
        %add3A_2690 = arith.constant 3072 : i32
        %add3A_2691 = vector.broadcast %add3A_2690 : i32 to vector<256x128xi32>
        %add3A_2692 = arith.addi %iota3A, %add3A_2691 : vector<256x128xi32>
        %get3A_2693 = arith.constant 0 : index
        %get3A_2694 = arith.constant 3072 : index
        %get3A_2695 = vector.load %arg5[%get3A_2693, %get3A_2694] : memref<256x4096xf32, #tpu.memory_space<vmem>>, vector<256x128xf32>
        %eq3A_2696 = vector.broadcast %scan3A_2284 : vector<256x1xi32> to vector<256x128xi32>
        %eq3A_2697 = arith.cmpi eq, %add3A_2692, %eq3A_2696 : vector<256x128xi32>
        %jit3A_2698 = arith.constant 0x7F800000 : f32
        %broadcast_in_dim3A_2699 = vector.broadcast %jit3A_2698 : f32 to vector<256x128xf32>
        %select_n3A_2700 = arith.select %eq3A_2697, %broadcast_in_dim3A_2699, %get3A_2695 : vector<256x128xi1>, vector<256x128xf32>
        %swap3A_2701 = arith.constant 0 : index
        %swap3A_2702 = arith.constant 3072 : index
        %swap3A_2703 = vector.load %arg5[%swap3A_2701, %swap3A_2702] : memref<256x4096xf32, #tpu.memory_space<vmem>>, vector<256x128xf32>
        tpu.vector_store %arg5[%swap3A_2701, %swap3A_2702], %select_n3A_2700 {strides = array<i32>} : memref<256x4096xf32, #tpu.memory_space<vmem>>, vector<256x128xf32>,
        %lt3A_2704 = arith.cmpf olt, %select_n3A_2700, %select_n3A_2688 : vector<256x128xf32>
        %select_n3A_2705 = arith.select %lt3A_2704, %select_n3A_2700, %select_n3A_2688 : vector<256x128xi1>, vector<256x128xf32>
        %select_n3A_2706 = arith.select %lt3A_2704, %add3A_2692, %select_n3A_2689 : vector<256x128xi1>, vector<256x128xi32>
        %add3A_2707 = arith.constant 3200 : i32
        %add3A_2708 = vector.broadcast %add3A_2707 : i32 to vector<256x128xi32>
        %add3A_2709 = arith.addi %iota3A, %add3A_2708 : vector<256x128xi32>
        %get3A_2710 = arith.constant 0 : index
        %get3A_2711 = arith.constant 3200 : index
        %get3A_2712 = vector.load %arg5[%get3A_2710, %get3A_2711] : memref<256x4096xf32, #tpu.memory_space<vmem>>, vector<256x128xf32>
        %eq3A_2713 = vector.broadcast %scan3A_2284 : vector<256x1xi32> to vector<256x128xi32>
        %eq3A_2714 = arith.cmpi eq, %add3A_2709, %eq3A_2713 : vector<256x128xi32>
        %jit3A_2715 = arith.constant 0x7F800000 : f32
        %broadcast_in_dim3A_2716 = vector.broadcast %jit3A_2715 : f32 to vector<256x128xf32>
        %select_n3A_2717 = arith.select %eq3A_2714, %broadcast_in_dim3A_2716, %get3A_2712 : vector<256x128xi1>, vector<256x128xf32>
        %swap3A_2718 = arith.constant 0 : index
        %swap3A_2719 = arith.constant 3200 : index
        %swap3A_2720 = vector.load %arg5[%swap3A_2718, %swap3A_2719] : memref<256x4096xf32, #tpu.memory_space<vmem>>, vector<256x128xf32>
        tpu.vector_store %arg5[%swap3A_2718, %swap3A_2719], %select_n3A_2717 {strides = array<i32>} : memref<256x4096xf32, #tpu.memory_space<vmem>>, vector<256x128xf32>,
        %lt3A_2721 = arith.cmpf olt, %select_n3A_2717, %select_n3A_2705 : vector<256x128xf32>
        %select_n3A_2722 = arith.select %lt3A_2721, %select_n3A_2717, %select_n3A_2705 : vector<256x128xi1>, vector<256x128xf32>
        %select_n3A_2723 = arith.select %lt3A_2721, %add3A_2709, %select_n3A_2706 : vector<256x128xi1>, vector<256x128xi32>
        %add3A_2724 = arith.constant 3328 : i32
        %add3A_2725 = vector.broadcast %add3A_2724 : i32 to vector<256x128xi32>
        %add3A_2726 = arith.addi %iota3A, %add3A_2725 : vector<256x128xi32>
        %get3A_2727 = arith.constant 0 : index
        %get3A_2728 = arith.constant 3328 : index
        %get3A_2729 = vector.load %arg5[%get3A_2727, %get3A_2728] : memref<256x4096xf32, #tpu.memory_space<vmem>>, vector<256x128xf32>
        %eq3A_2730 = vector.broadcast %scan3A_2284 : vector<256x1xi32> to vector<256x128xi32>
        %eq3A_2731 = arith.cmpi eq, %add3A_2726, %eq3A_2730 : vector<256x128xi32>
        %jit3A_2732 = arith.constant 0x7F800000 : f32
        %broadcast_in_dim3A_2733 = vector.broadcast %jit3A_2732 : f32 to vector<256x128xf32>
        %select_n3A_2734 = arith.select %eq3A_2731, %broadcast_in_dim3A_2733, %get3A_2729 : vector<256x128xi1>, vector<256x128xf32>
        %swap3A_2735 = arith.constant 0 : index
        %swap3A_2736 = arith.constant 3328 : index
        %swap3A_2737 = vector.load %arg5[%swap3A_2735, %swap3A_2736] : memref<256x4096xf32, #tpu.memory_space<vmem>>, vector<256x128xf32>
        tpu.vector_store %arg5[%swap3A_2735, %swap3A_2736], %select_n3A_2734 {strides = array<i32>} : memref<256x4096xf32, #tpu.memory_space<vmem>>, vector<256x128xf32>,
        %lt3A_2738 = arith.cmpf olt, %select_n3A_2734, %select_n3A_2722 : vector<256x128xf32>
        %select_n3A_2739 = arith.select %lt3A_2738, %select_n3A_2734, %select_n3A_2722 : vector<256x128xi1>, vector<256x128xf32>
        %select_n3A_2740 = arith.select %lt3A_2738, %add3A_2726, %select_n3A_2723 : vector<256x128xi1>, vector<256x128xi32>
        %add3A_2741 = arith.constant 3456 : i32
        %add3A_2742 = vector.broadcast %add3A_2741 : i32 to vector<256x128xi32>
        %add3A_2743 = arith.addi %iota3A, %add3A_2742 : vector<256x128xi32>
        %get3A_2744 = arith.constant 0 : index
        %get3A_2745 = arith.constant 3456 : index
        %get3A_2746 = vector.load %arg5[%get3A_2744, %get3A_2745] : memref<256x4096xf32, #tpu.memory_space<vmem>>, vector<256x128xf32>
        %eq3A_2747 = vector.broadcast %scan3A_2284 : vector<256x1xi32> to vector<256x128xi32>
        %eq3A_2748 = arith.cmpi eq, %add3A_2743, %eq3A_2747 : vector<256x128xi32>
        %jit3A_2749 = arith.constant 0x7F800000 : f32
        %broadcast_in_dim3A_2750 = vector.broadcast %jit3A_2749 : f32 to vector<256x128xf32>
        %select_n3A_2751 = arith.select %eq3A_2748, %broadcast_in_dim3A_2750, %get3A_2746 : vector<256x128xi1>, vector<256x128xf32>
        %swap3A_2752 = arith.constant 0 : index
        %swap3A_2753 = arith.constant 3456 : index
        %swap3A_2754 = vector.load %arg5[%swap3A_2752, %swap3A_2753] : memref<256x4096xf32, #tpu.memory_space<vmem>>, vector<256x128xf32>
        tpu.vector_store %arg5[%swap3A_2752, %swap3A_2753], %select_n3A_2751 {strides = array<i32>} : memref<256x4096xf32, #tpu.memory_space<vmem>>, vector<256x128xf32>,
        %lt3A_2755 = arith.cmpf olt, %select_n3A_2751, %select_n3A_2739 : vector<256x128xf32>
        %select_n3A_2756 = arith.select %lt3A_2755, %select_n3A_2751, %select_n3A_2739 : vector<256x128xi1>, vector<256x128xf32>
        %select_n3A_2757 = arith.select %lt3A_2755, %add3A_2743, %select_n3A_2740 : vector<256x128xi1>, vector<256x128xi32>
        %add3A_2758 = arith.constant 3584 : i32
        %add3A_2759 = vector.broadcast %add3A_2758 : i32 to vector<256x128xi32>
        %add3A_2760 = arith.addi %iota3A, %add3A_2759 : vector<256x128xi32>
        %get3A_2761 = arith.constant 0 : index
        %get3A_2762 = arith.constant 3584 : index
        %get3A_2763 = vector.load %arg5[%get3A_2761, %get3A_2762] : memref<256x4096xf32, #tpu.memory_space<vmem>>, vector<256x128xf32>
        %eq3A_2764 = vector.broadcast %scan3A_2284 : vector<256x1xi32> to vector<256x128xi32>
        %eq3A_2765 = arith.cmpi eq, %add3A_2760, %eq3A_2764 : vector<256x128xi32>
        %jit3A_2766 = arith.constant 0x7F800000 : f32
        %broadcast_in_dim3A_2767 = vector.broadcast %jit3A_2766 : f32 to vector<256x128xf32>
        %select_n3A_2768 = arith.select %eq3A_2765, %broadcast_in_dim3A_2767, %get3A_2763 : vector<256x128xi1>, vector<256x128xf32>
        %swap3A_2769 = arith.constant 0 : index
        %swap3A_2770 = arith.constant 3584 : index
        %swap3A_2771 = vector.load %arg5[%swap3A_2769, %swap3A_2770] : memref<256x4096xf32, #tpu.memory_space<vmem>>, vector<256x128xf32>
        tpu.vector_store %arg5[%swap3A_2769, %swap3A_2770], %select_n3A_2768 {strides = array<i32>} : memref<256x4096xf32, #tpu.memory_space<vmem>>, vector<256x128xf32>,
        %lt3A_2772 = arith.cmpf olt, %select_n3A_2768, %select_n3A_2756 : vector<256x128xf32>
        %select_n3A_2773 = arith.select %lt3A_2772, %select_n3A_2768, %select_n3A_2756 : vector<256x128xi1>, vector<256x128xf32>
        %select_n3A_2774 = arith.select %lt3A_2772, %add3A_2760, %select_n3A_2757 : vector<256x128xi1>, vector<256x128xi32>
        %add3A_2775 = arith.constant 3712 : i32
        %add3A_2776 = vector.broadcast %add3A_2775 : i32 to vector<256x128xi32>
        %add3A_2777 = arith.addi %iota3A, %add3A_2776 : vector<256x128xi32>
        %get3A_2778 = arith.constant 0 : index
        %get3A_2779 = arith.constant 3712 : index
        %get3A_2780 = vector.load %arg5[%get3A_2778, %get3A_2779] : memref<256x4096xf32, #tpu.memory_space<vmem>>, vector<256x128xf32>
        %eq3A_2781 = vector.broadcast %scan3A_2284 : vector<256x1xi32> to vector<256x128xi32>
        %eq3A_2782 = arith.cmpi eq, %add3A_2777, %eq3A_2781 : vector<256x128xi32>
        %jit3A_2783 = arith.constant 0x7F800000 : f32
        %broadcast_in_dim3A_2784 = vector.broadcast %jit3A_2783 : f32 to vector<256x128xf32>
        %select_n3A_2785 = arith.select %eq3A_2782, %broadcast_in_dim3A_2784, %get3A_2780 : vector<256x128xi1>, vector<256x128xf32>
        %swap3A_2786 = arith.constant 0 : index
        %swap3A_2787 = arith.constant 3712 : index
        %swap3A_2788 = vector.load %arg5[%swap3A_2786, %swap3A_2787] : memref<256x4096xf32, #tpu.memory_space<vmem>>, vector<256x128xf32>
        tpu.vector_store %arg5[%swap3A_2786, %swap3A_2787], %select_n3A_2785 {strides = array<i32>} : memref<256x4096xf32, #tpu.memory_space<vmem>>, vector<256x128xf32>,
        %lt3A_2789 = arith.cmpf olt, %select_n3A_2785, %select_n3A_2773 : vector<256x128xf32>
        %select_n3A_2790 = arith.select %lt3A_2789, %select_n3A_2785, %select_n3A_2773 : vector<256x128xi1>, vector<256x128xf32>
        %select_n3A_2791 = arith.select %lt3A_2789, %add3A_2777, %select_n3A_2774 : vector<256x128xi1>, vector<256x128xi32>
        %add3A_2792 = arith.constant 3840 : i32
        %add3A_2793 = vector.broadcast %add3A_2792 : i32 to vector<256x128xi32>
        %add3A_2794 = arith.addi %iota3A, %add3A_2793 : vector<256x128xi32>
        %get3A_2795 = arith.constant 0 : index
        %get3A_2796 = arith.constant 3840 : index
        %get3A_2797 = vector.load %arg5[%get3A_2795, %get3A_2796] : memref<256x4096xf32, #tpu.memory_space<vmem>>, vector<256x128xf32>
        %eq3A_2798 = vector.broadcast %scan3A_2284 : vector<256x1xi32> to vector<256x128xi32>
        %eq3A_2799 = arith.cmpi eq, %add3A_2794, %eq3A_2798 : vector<256x128xi32>
        %jit3A_2800 = arith.constant 0x7F800000 : f32
        %broadcast_in_dim3A_2801 = vector.broadcast %jit3A_2800 : f32 to vector<256x128xf32>
        %select_n3A_2802 = arith.select %eq3A_2799, %broadcast_in_dim3A_2801, %get3A_2797 : vector<256x128xi1>, vector<256x128xf32>
        %swap3A_2803 = arith.constant 0 : index
        %swap3A_2804 = arith.constant 3840 : index
        %swap3A_2805 = vector.load %arg5[%swap3A_2803, %swap3A_2804] : memref<256x4096xf32, #tpu.memory_space<vmem>>, vector<256x128xf32>
        tpu.vector_store %arg5[%swap3A_2803, %swap3A_2804], %select_n3A_2802 {strides = array<i32>} : memref<256x4096xf32, #tpu.memory_space<vmem>>, vector<256x128xf32>,
        %lt3A_2806 = arith.cmpf olt, %select_n3A_2802, %select_n3A_2790 : vector<256x128xf32>
        %select_n3A_2807 = arith.select %lt3A_2806, %select_n3A_2802, %select_n3A_2790 : vector<256x128xi1>, vector<256x128xf32>
        %select_n3A_2808 = arith.select %lt3A_2806, %add3A_2794, %select_n3A_2791 : vector<256x128xi1>, vector<256x128xi32>
        %add3A_2809 = arith.constant 3968 : i32
        %add3A_2810 = vector.broadcast %add3A_2809 : i32 to vector<256x128xi32>
        %add3A_2811 = arith.addi %iota3A, %add3A_2810 : vector<256x128xi32>
        %get3A_2812 = arith.constant 0 : index
        %get3A_2813 = arith.constant 3968 : index
        %get3A_2814 = vector.load %arg5[%get3A_2812, %get3A_2813] : memref<256x4096xf32, #tpu.memory_space<vmem>>, vector<256x128xf32>
        %eq3A_2815 = vector.broadcast %scan3A_2284 : vector<256x1xi32> to vector<256x128xi32>
        %eq3A_2816 = arith.cmpi eq, %add3A_2811, %eq3A_2815 : vector<256x128xi32>
        %jit3A_2817 = arith.constant 0x7F800000 : f32
        %broadcast_in_dim3A_2818 = vector.broadcast %jit3A_2817 : f32 to vector<256x128xf32>
        %select_n3A_2819 = arith.select %eq3A_2816, %broadcast_in_dim3A_2818, %get3A_2814 : vector<256x128xi1>, vector<256x128xf32>
        %swap3A_2820 = arith.constant 0 : index
        %swap3A_2821 = arith.constant 3968 : index
        %swap3A_2822 = vector.load %arg5[%swap3A_2820, %swap3A_2821] : memref<256x4096xf32, #tpu.memory_space<vmem>>, vector<256x128xf32>
        tpu.vector_store %arg5[%swap3A_2820, %swap3A_2821], %select_n3A_2819 {strides = array<i32>} : memref<256x4096xf32, #tpu.memory_space<vmem>>, vector<256x128xf32>,
        %lt3A_2823 = arith.cmpf olt, %select_n3A_2819, %select_n3A_2807 : vector<256x128xf32>
        %select_n3A_2824 = arith.select %lt3A_2823, %select_n3A_2819, %select_n3A_2807 : vector<256x128xi1>, vector<256x128xf32>
        %select_n3A_2825 = arith.select %lt3A_2823, %add3A_2811, %select_n3A_2808 : vector<256x128xi1>, vector<256x128xi32>
        %reduce_min3A = arith.constant dense<0x7F800000> : vector<256xf32>
        %reduce_min3A_2826 = vector.multi_reduction <minimumf>, %select_n3A_2824, %reduce_min3A [1] : vector<256x128xf32> to vector<256xf32>
        %broadcast_in_dim3A_2827 = vector.shape_cast %reduce_min3A_2826 : vector<256xf32> to vector<256x1xf32>
        %eq3A_2828 = vector.broadcast %broadcast_in_dim3A_2827 : vector<256x1xf32> to vector<256x128xf32>
        %eq3A_2829 = arith.cmpf oeq, %select_n3A_2824, %eq3A_2828 : vector<256x128xf32>
        %broadcast_in_dim3A_2830 = vector.broadcast %cond3A : i32 to vector<256x128xi32>
        %select_n3A_2831 = arith.select %eq3A_2829, %select_n3A_2825, %broadcast_in_dim3A_2830 : vector<256x128xi1>, vector<256x128xi32>
        %reduce_min3A_2832 = arith.constant dense<2147483647> : vector<256xi32>
        %reduce_min3A_2833 = vector.multi_reduction <minsi>, %select_n3A_2831, %reduce_min3A_2832 [1] : vector<256x128xi32> to vector<256xi32>
        %broadcast_in_dim3A_2834 = vector.shape_cast %reduce_min3A_2833 : vector<256xi32> to vector<256x1xi32>
        %eq3A_2835 = vector.broadcast %scan3A_2283 : i32 to vector<256x32xi32>
        %eq3A_2836 = arith.cmpi eq, %iota3A_9, %eq3A_2835 : vector<256x32xi32>
        %broadcast_in_dim3A_2837 = vector.shape_cast %broadcast_in_dim3A_2834 : vector<256x1xi32> to vector<256x1xi32>
        %broadcast_in_dim3A_2838 = vector.broadcast %broadcast_in_dim3A_2837 : vector<256x1xi32> to vector<256x32xi32>
        %select_n3A_2839 = arith.select %eq3A_2836, %broadcast_in_dim3A_2838, %scan3A_2285 : vector<256x32xi1>, vector<256x32xi32>
        scf.yield %broadcast_in_dim3A_2834, %select_n3A_2839 : vector<256x1xi32>, vector<256x32xi32>
      }
      %scan3A_2282 = arith.constant 32 : i32
      scf.yield %scan3A_2281#1 : vector<256x32xi32>
    } else {
      scf.yield %scan3A_1507#3 : vector<256x32xi32>
    }
    %mul3A_1528 = arith.constant 4096 : i32
    %mul3A_1529 = arith.muli %arg0, %mul3A_1528 : i32
    %add3A_1530 = vector.broadcast %mul3A_1529 : i32 to vector<256x32xi32>
    %add3A_1531 = arith.addi %cond3A_1527, %add3A_1530 : vector<256x32xi32>
    %swap3A = arith.constant 0 : index
    %swap3A_1532 = arith.constant 0 : index
    %swap3A_1533 = arith.constant 0 : index
    %swap3A_1534 = vector.load %arg4[%swap3A, %swap3A_1532, %swap3A_1533] : memref<1x256x32xi32, #tpu.memory_space<vmem>>, vector<1x256x32xi32>
    %swap3A_1535 = vector.shape_cast %swap3A_1534 : vector<1x256x32xi32> to vector<256x32xi32>
    %swap3A_1536 = vector.shape_cast %add3A_1531 : vector<256x32xi32> to vector<1x256x32xi32>
    tpu.vector_store %arg4[%swap3A, %swap3A_1532, %swap3A_1533], %swap3A_1536 {strides = array<i32>} : memref<1x256x32xi32, #tpu.memory_space<vmem>>, vector<1x256x32xi32>,
    return
  }
  func.func @transform_0(%arg0: i32, %arg1: i32) -> (i32, i32, i32) {
    %c0_i32 = arith.constant 0 : i32
    %c0_i32_0 = arith.constant 0 : i32
    return %arg0, %arg1, %c0_i32 : i32, i32, i32
  }
  func.func @transform_1(%arg0: i32, %arg1: i32) -> (i32, i32, i32) {
    %c0_i32 = arith.constant 0 : i32
    %c0_i32_0 = arith.constant 0 : i32
    %c0_i32_1 = arith.constant 0 : i32
    return %arg0, %c0_i32, %c0_i32_0 : i32, i32, i32
  }
  func.func @transform_2(%arg0: i32, %arg1: i32) -> (i32, i32, i32) {
    %c0_i32 = arith.constant 0 : i32
    %c0_i32_0 = arith.constant 0 : i32
    return %arg0, %arg1, %c0_i32 : i32, i32, i32
  }
}

</mosaic_0001>

<sc_bundles>
// kernel: kernel.6.cloned.1.call-start
scs
__scs_entry_jumppad:
0x0: {  	(pc) =	sbr.rel $0x88, $3  }
0x1: {  	(tag) =	ssettag $0x0;
	lr =	simm.s32 $0x1  }
0x2: {  	[smem:$0x3F9E] =	sst lr;
	_ =	strace $0xD0000000  }
0x3: {  	_ = 	snop  }
0x4: {  	_ = 	snop  }
0x5: {  	_ = 	snop  }
0x6: {  	_ = 	snop  }
0x7: {  	_ = 	snop  }
__scs_overlays_trampoline_lowered:
0x8: {  	[smem:$0x3FAD] =	sst s0  }
0x9: {  	[smem:$0x3FAE] =	sst s1  }
0xa: {  	[smem:$0x3FAF] =	sst s2  }
0xb: {  	[smem:$0x3FB0] =	sst s3  }
0xc: {  	[smem:$0x3FB1] =	sst s4  }
0xd: {  	[smem:$0x3FB2] =	sst s5  }
0xe: {  	[smem:$0x3FB3] =	sst s6  }
0xf: {  	[smem:$0x3FB4] =	sst s7  }
0x10: {  	[smem:$0x3FB5] =	sst s8  }
0x11: {  	[smem:$0x3FB6] =	sst s9;
	s0 =	simm.s32 @!p0 $0x0  }
0x12: {  	s1 =	sld [smem:$0x3F9C];
	s0 =	simm.s32 @p0 $0x1  }
0x13: {  	[smem:$0x3FB7] =	sst s0;
	s0 =	simm.s32 @!p1 $0x0  }
0x14: {  	s2 =	sld [smem:$0x3F9B];
	s0 =	simm.s32 @p1 $0x1  }
0x15: {  	[smem:$0x3FB8] =	sst s0;
	s0 =	simm.s32 @!p2 $0x0  }
0x16: {  	s3 =	sld [smem:$0x3FDB];
	s0 =	simm.s32 @p2 $0x1  }
0x17: {  	s4 =	simm.s32 $0x1BF5;
	[smem:$0x3FBA] =	sst s0  }
0x18: {  	s0 =	sld [smem:$0x3F9D];
	_ =	swait.ge [sflag:s4], $0x0  }
0x19: {  	s7 =	sld [smem:$0x3F9E]  }
0x1a: {  	s8 =	sadd.s32 $0xFFFFE003, lr  }
0x1b: {  	s9 =	sadd.s32 $0xFFFFFEF7, lr;
	s5 =	simm.s32 $0xFFFFFFFF;
	p2 =	slt.u32 s8, $0xFFFFF086  }
0x1c: {  	p1 =	slt.u32 s9, $0xF7A;
	s5 =	simm.s32 @!p2 $0x0  }
0x1d: {  	s5 =	simm.s32 @p1 $0x1;
	p0 =	seq.s32 s7, s2  }
0x1e: {  	s7 =	smul.u32 @!p0 $0xF7A, s2;
	p2 =	seq.s32 @!p0 s5, $0x0  }
0x1f: {  	s9 =	smul.u32 $0xF7A, s1;
	s8 =	simm.s32 @!p0 $0x1BF5;
	p2 =	por !p2, p0  }
0x20: {  	[sflag:s8] =	ssyncset.s32 @!p0 $0xFFFFF086;
	s6 =	sadd.s32 @!p0 s3, s7;
	s7 =	simm.s32 @!p0 $0x108  }
0x21: {  	s3 =	sadd.s32 s3, s9;
	s6 =	sadd.s32 @!p0 $0x88, s6;
	s7 =	simm.s32 @p2 $0x1082  }
0x22: {  	[simem:s7], [sflag:s8] =	dma.local @!p0 [hbm:s6], $0xF7A  }
0x23: {  	s9 =	sor.u32 $0xD0000000, s2;
	s6 =	simm.s32 $0x108;
	_ =	swait.ge @!p0 [sflag:s8], $0x0  }
0x24: {  	s3 =	sadd.s32 $0x88, s3;
	s6 =	simm.s32 @!p1 $0x1082;
	[sflag:s4] =	ssyncset.s32 $0xFFFFF086  }
0x25: {  	[simem:s6], [sflag:s4] =	dma.local [hbm:s3], $0xF7A  }
0x26: {  	[smem:$0x3F9E] =	sst s1;
	(tag) =	ssettag s2;
	_ =	strace s9  }
0x27: {  	s1 =	sld [smem:$0x3FAE]  }
0x28: {  	s2 =	sld [smem:$0x3FAF]  }
0x29: {  	s4 =	sld [smem:$0x3FB1]  }
0x2a: {  	p0 =	seq.s32 s5, $0x0;
	s5 =	sld [smem:$0x3FB2]  }
0x2b: {  	s6 =	sld [smem:$0x3FB3]  }
0x2c: {  	s7 =	sld [smem:$0x3FB4]  }
0x2d: {  	s3 =	simm.s32 $0x108;
	s8 =	sld [smem:$0x3FB5]  }
0x2e: {  	s3 =	simm.s32 @!p0 $0x1082;
	s9 =	sld [smem:$0x3FB6]  }
0x2f: {  	lr =	sadd.s32 s0, s3;
	s0 =	sld [smem:$0x3FAD]  }
0x30: {  	s3 =	sld [smem:$0x3FB0]  }
0x31: {  	[smem:$0x3FB9] =	sst s10  }
0x32: {  	s10 =	sld [smem:$0x3FB7];
	_ =	sdelay $0x3  }
0x33: {  	p0 =	seq.s32 s10, $0x1;
	s10 =	sld [smem:$0x3FB9];
	_ =	sdelay $0x3  }
0x34: {  	[smem:$0x3FB9] =	sst s10  }
0x35: {  	s10 =	sld [smem:$0x3FB8];
	_ =	sdelay $0x3  }
0x36: {  	p1 =	seq.s32 s10, $0x1;
	s10 =	sld [smem:$0x3FB9];
	_ =	sdelay $0x3  }
0x37: {  	[smem:$0x3FB9] =	sst s10  }
0x38: {  	s10 =	sld [smem:$0x3FBA]  }
0x39: {  	_ = 	snop;
	(pc) =	sbr.ind lr, $3  }
0x3a: {  	_ = 	snop  }
0x3b: {  	_ = 	snop  }
0x3c: {  	p2 =	seq.s32 s10, $0x1;
	s10 =	sld [smem:$0x3FB9]  }
0x3d: {  	_ =	shalt  }
0x3e: {  	_ =	shalt  }
0x3f: {  	_ =	shalt  }
0x40: {  	_ =	shalt  }
0x41: {  	_ =	shalt  }
0x42: {  	_ =	shalt  }
0x43: {  	_ =	shalt  }
0x44: {  	_ =	shalt  }
0x45: {  	_ =	shalt  }
0x46: {  	_ =	shalt  }
0x47: {  	_ =	shalt  }
0x48: {  	_ =	shalt  }
0x49: {  	_ =	shalt  }
0x4a: {  	_ =	shalt  }
0x4b: {  	_ =	shalt  }
0x4c: {  	_ =	shalt  }
0x4d: {  	_ =	shalt  }
0x4e: {  	_ =	shalt  }
0x4f: {  	_ =	shalt  }
0x50: {  	_ =	shalt  }
0x51: {  	_ =	shalt  }
0x52: {  	_ =	shalt  }
0x53: {  	_ =	shalt  }
0x54: {  	_ =	shalt  }
0x55: {  	_ =	shalt  }
0x56: {  	_ =	shalt  }
0x57: {  	_ =	shalt  }
0x58: {  	_ =	shalt  }
0x59: {  	_ =	shalt  }
0x5a: {  	_ =	shalt  }
0x5b: {  	_ =	shalt  }
0x5c: {  	_ =	shalt  }
0x5d: {  	_ =	shalt  }
0x5e: {  	_ =	shalt  }
0x5f: {  	_ =	shalt  }
0x60: {  	_ =	shalt  }
0x61: {  	_ =	shalt  }
0x62: {  	_ =	shalt  }
0x63: {  	_ =	shalt  }
0x64: {  	_ =	shalt  }
0x65: {  	_ =	shalt  }
0x66: {  	_ =	shalt  }
0x67: {  	_ =	shalt  }
0x68: {  	_ =	shalt  }
0x69: {  	_ =	shalt  }
0x6a: {  	_ =	shalt  }
0x6b: {  	_ =	shalt  }
0x6c: {  	_ =	shalt  }
0x6d: {  	_ =	shalt  }
0x6e: {  	_ =	shalt  }
0x6f: {  	_ =	shalt  }
0x70: {  	_ =	shalt  }
0x71: {  	_ =	shalt  }
0x72: {  	_ =	shalt  }
0x73: {  	_ =	shalt  }
0x74: {  	_ =	shalt  }
0x75: {  	_ =	shalt  }
0x76: {  	_ =	shalt  }
0x77: {  	_ =	shalt  }
0x78: {  	_ =	shalt  }
0x79: {  	_ =	shalt  }
0x7a: {  	_ =	shalt  }
0x7b: {  	_ =	shalt  }
0x7c: {  	_ =	shalt  }
0x7d: {  	_ =	shalt  }
0x7e: {  	_ =	shalt  }
0x7f: {  	_ =	shalt  }
0x80: {  	_ =	shalt  }
0x81: {  	_ =	shalt  }
0x82: {  	_ =	shalt  }
0x83: {  	_ =	shalt  }
0x84: {  	_ =	shalt  }
0x85: {  	_ =	shalt  }
0x86: {  	_ =	shalt  }
0x87: {  	_ =	shalt  }
.Lfunc_end0:
.L_simem_size_0:
called_computation_lowered:
.L_overlay_start_0:
0x88: {  	s2 =	sld [smem:$0x3FD9]  }
0x89: {  	s3 =	sld [smem:$0x3FFE];
	_ =	sdelay $0x1  }
0x8a: {  	s1 =	srdreg.scid  }
0x8b: {  	s0 =	sand.u32 $0x1, s1  }
0x8c: {  	s17 =	sshll.u32 s0, $0xA;
	s2 =	sadd.s32 s3, s2  }
0x8d: {  	s2 =	sadd.s32 s2, s17  }
0x8e: {  	[smem:$0x3FC5] =	sst s2  }
0x8f: {  	_ = 	snop  }
0x90: {  	s2 =	sld [smem:$0x3FD0];
	(tm) =	ssettm $0x1  }
0x91: {  	s18 =	sld [smem:$0x3FFB];
	_ =	sdelay $0x3  }
0x92: {  	_ =	strace s18  }
0x93: {  	s3 =	sld [smem:$0x3FFC];
	_ =	sdelay $0x3  }
0x94: {  	_ =	strace s3  }
0x95: {  	s3 =	sld [smem:$0x3FFD];
	_ =	sdelay $0x3  }
0x96: {  	_ =	strace s3  }
0x97: {  	_ =	strace $0x8FFFFFFF  }
0x98: {  	s19 =	sld [smem:$0x3FDB];
	_ =	sdelay $0x1  }
0x99: {  	s4 =	simm.s32 $_scs_section_size  }
0x9a: {  	s5 =	simm.s32 $_size__tile_overlayer_lowered;
	s6 =	simm.s32 $_tile_overlayer_lowered  }
0x9b: {  	s22 =	simm.s32 $0x1BFF;
	s21 =	sshll.u32 s6, $0x1;
	s3 =	sadd.s32 s4, s19  }
0x9c: {  	s7 =	simm.s32 $0x0;
	s20 =	sshll.u32 s5, $0x1;
	s5 =	sadd.s32 s21, s3  }
0x9d: {  	[timem:s7], [sflag:s22] =	dma.local [hbm:s5], s20  }
0x9e: {  	_ =	swait.ge [sflag:s22], s20  }
0x9f: {  	s4 =	ssub.s32 $0x0, s20;
	[sflag:s22] =	ssyncset.done $0x0  }
0xa0: {  	[sflag:s22] =	ssyncadd.s32 s4;
	_ =	sdelay $0x1  }
0xa1: {  	s23 =	simm.s32 $0x1B8B  }
0xa2: {  	_ =	swait.ge [sflag:s23], $0x1  }
0xa3: {  	[sflag:s23] =	ssyncset.done $0x0  }
0xa4: {  	s25 =	simm.s32 $0x1B8E;
	s24 =	sld [smem:$0x3FFE];
	[sflag:s23] =	ssyncadd.s32 $0xFFFFFFFF  }
0xa5: {  	s26 =	simm.s32 $execute0_lowered;
	[smem:$0x3FD2] =	sst s25  }
0xa6: {  	s5 =	sshll.u32 s26, $0x1;
	_ =	strace $0x80000046;
	[dreg:$0x1] =	wrdreg $0xFFFFFFFF  }
0xa7: {  	s28 =	simm.s32 $_size_execute0_lowered;
	s3 =	sadd.s32 s3, s5;
	[dreg:$0x0] =	wrdreg $0x0  }
0xa8: {  	s5 =	sshll.u32 s28, $0x1;
	[dreg:$0x2] =	wrdreg s3  }
0xa9: {  	[dreg:$0x3] =	wrdreg s5  }
0xaa: {  	[dreg:$0x4] =	wrdreg $0xC0  }
0xab: {  	_ =	task [dreg:s7], $0x5FFFF  }
0xac: {  	[dreg:$0x1] =	wrdreg $0xFFFFFFFF  }
0xad: {  	[dreg:$0x0] =	wrdreg $0x60  }
0xae: {  	[dreg:$0x2] =	wrdreg s24  }
0xaf: {  	[dreg:$0x3] =	wrdreg s2  }
0xb0: {  	[dreg:$0x4] =	wrdreg $0x9  }
0xb1: {  	_ =	task.clear_ibuf [dreg:s7], $0x5FFFF;
	_ =	strace $0x90000046  }
0xb2: {  	s29 =	simm.s32 $0x9;
	_ =	strace $0x80000048  }
0xb3: {  	_ =	swait.ge [sflag:s29], $0x1  }
0xb4: {  	[sflag:s29] =	ssyncadd.s32 $0xFFFFFFFF  }
0xb5: {  	_ =	strace $0x90000048  }
0xb6: {  	_ =	sfence  }
0xb7: {  	s30 =	sld [smem:$0x0];
	_ =	sdelay $0x2  }
0xb8: {  	s31 =	sshll.u32 s1, $0xD;
	s1 =	sshrl.u32 s1, $0x2  }
0xb9: {  	s3 =	sand.u32 $0x4000, s31;
	s1 =	sadd.s32 s1, s30  }
0xba: {  	s0 =	sor.u32 s3, s0;
	s1 =	sshll.u32 s1, $0x11  }
0xbb: {  	s0 =	sor.u32 s1, s0  }
0xbc: {  	s0 =	sadd.s32 $0x8F2B, s0  }
0xbd: {  	[sflag:s0] =	ssyncadd.remote.s32 $0x1  }
0xbe: {  	_ =	sfence.sel $0xFFFF  }
0xbf: {  	[dreg:$0x0] =	wrdreg $0xFFFFFFFF;
	(pc) =	sbr.abs _section_cstart, $3  }
0xc0: {  	[dreg:$0x1] =	wrdreg $0xFFFFFFFF  }
0xc1: {  	_ =	task.clear_ibuf [dreg:s7], $0x2FFFF;
	_ =	strace $0x9FFFFFFF  }
0xc2: {  	(tm) =	ssettm $0x7FFFFFFF  }
0xc3: {  	_ =	shalt  }
tec
execute0_lowered:
.L_overlay_start_1:
0x0: {  	(tag) =	ssettag $0x1  }
0x1: {  	s3 =	rddreg [dreg:$0x0]  }
0x2: {  	s5 =	rddreg [dreg:$0x1]  }
0x3: {  	s0 =	rddreg [dreg:$0x2];
	s1 =	stileid.u32  }
0x4: {  	s4 =	srdreg.scid;
	s2 =	simm.s32 $0x0;
	s6 =	smul.u32 $0xA000, s1  }
0x5: {  	s4 =	sand.u32 $0x1, s4;
	[smem:$0x7FF] =	sst s2;
	s9 =	sshll.u32 s1, $0xC  }
0x6: {  	s7 =	ssub.s32 $0x2, s4;
	_ =	strace $0x80000047;
	s10 =	sshll.u32 s4, $0xB  }
0x7: {  	s11 =	smul.u32 $0x5000, s4;
	s6 =	sadd.s32 s6, s3;
	s8 =	sshrl.u32 s7, $0x1  }
0x8: {  	s3 =	sadd.s32 $0x1000, s3;
	s31 =	sor.u32 s10, s9;
	s9 =	simm.s32 $0x1  }
0x9: {  	s10 =	simm.s32 $0x0;
	s30 =	ssub.s32 s7, s8;
	s7 =	sshrl.u32 s31, $0x3  }
0xa: {  	s6 =	sadd.s32 s11, s6;
	s8 =	simm.s32 $0x80;
	s4 =	smax.u32 s30, $0x1  }
0xb: {  	s5 =	sadd.s32 s7, s5;
	s6 =	sadd.s32 $0x29000, s6;
	s7 =	simm.s32 $0x2  }
.LBB2_1:
0xc: {  	s11 =	sadd.s32 $0x0, s5  }
0xd: {  	[tilespmem:s2], [sflag:$0x2] =	stream.linear.gather [hbm4b:s11+s2], $0x80, $0x38;
	[tilespmem:$0x2880] =	vst v63  }
0xe: {  	_ =	swait.ge [sflag:s7], $0x80  }
0xf: {  	[sflag:s7] =	ssyncset.done $0x0  }
0x10: {  	[sflag:s7] =	ssyncadd.s32 $0xFFFFFF80  }
0x11: {  	[tilespmem:s8], [sflag:$0x1] =	stream.indirect.gather [hbm4b:s3+s8], $0x50, s2, s8, $0xb8;
	[tilespmem:$0x2880] =	vst v63  }
0x12: {  	_ =	swait.ge [sflag:s9], $0x2800  }
0x13: {  	[sflag:s9] =	ssyncset.done $0x0  }
0x14: {  	[sflag:s9] =	ssyncadd.s32 $0xFFFFD800  }
0x15: {  	[hbm4b:s6+s2] =	stream.linear.scatter [tilespmem:s8], [sflag:$0x2], $0x2800, $0x38;
	[tilespmem:$0x2880] =	vst v63  }
0x16: {  	s12 =	simm.s32 $0x10;
	_ =	swait.ge [sflag:s7], $0x2800  }
0x17: {  	s13 =	simm.s32 $0x20;
	s11 =	sadd.s32 $0x500, s6;
	[sflag:s7] =	ssyncset.done $0x0  }
.LBB2_2:
0x18: {  	s14 =	sadd.s32 s12, s5  }
0x19: {  	[sflag:s7] =	ssyncadd.s32 $0xFFFFD800;
	s12 =	smov.u32 s13;
	s15 =	sadd.s32 $0x10, s13  }
0x1a: {  	[tilespmem:s2], [sflag:$0x2] =	stream.linear.gather [hbm4b:s14+s2], $0x80, $0x38;
	[tilespmem:$0x2880] =	vst v63  }
0x1b: {  	p0 =	sne.s32 s13, $0xF0;
	_ =	swait.ge [sflag:s7], $0x80  }
0x1c: {  	[sflag:s7] =	ssyncset.done $0x0  }
0x1d: {  	[sflag:s7] =	ssyncadd.s32 $0xFFFFFF80  }
0x1e: {  	[tilespmem:s8], [sflag:$0x1] =	stream.indirect.gather [hbm4b:s3+s8], $0x50, s2, s8, $0xb8;
	[tilespmem:$0x2880] =	vst v63  }
0x1f: {  	_ =	swait.ge [sflag:s9], $0x2800  }
.Ltmp0:
0x20: {  	[sflag:s9] =	ssyncset.done $0x0;
	(pc) =	sbr.rel @p0 .LBB2_2-.Ltmp0, $4  }
0x21: {  	[sflag:s9] =	ssyncadd.s32 $0xFFFFD800  }
0x22: {  	[hbm4b:s11+s2] =	stream.linear.scatter [tilespmem:s8], [sflag:$0x2], $0x2800, $0x38;
	[tilespmem:$0x2880] =	vst v63  }
0x23: {  	_ =	swait.ge [sflag:s7], $0x2800  }
0x24: {  	s13 =	smov.u32 s15;
	s11 =	sadd.s32 $0x500, s11;
	[sflag:s7] =	ssyncset.done $0x0  }
0x25: {  	s12 =	sadd.s32 s12, s5;
	[sflag:s7] =	ssyncadd.s32 $0xFFFFD800  }
0x26: {  	[tilespmem:s2], [sflag:$0x2] =	stream.linear.gather [hbm4b:s12+s2], $0x80, $0x38;
	[tilespmem:$0x2880] =	vst v63  }
0x27: {  	_ =	swait.ge [sflag:s7], $0x80  }
0x28: {  	[sflag:s7] =	ssyncset.done $0x0  }
0x29: {  	[sflag:s7] =	ssyncadd.s32 $0xFFFFFF80  }
0x2a: {  	[tilespmem:s8], [sflag:$0x1] =	stream.indirect.gather [hbm4b:s3+s8], $0x50, s2, s8, $0xb8;
	[tilespmem:$0x2880] =	vst v63  }
0x2b: {  	s10 =	sadd.s32 $0x1, s10;
	_ =	swait.ge [sflag:s9], $0x2800  }
0x2c: {  	p0 =	sne.s32 s10, s4;
	[sflag:s9] =	ssyncset.done $0x0  }
.Ltmp1:
0x2d: {  	[sflag:s9] =	ssyncadd.s32 $0xFFFFD800;
	(pc) =	sbr.rel @p0 .LBB2_1-.Ltmp1, $4  }
0x2e: {  	[hbm4b:s11+s2] =	stream.linear.scatter [tilespmem:s8], [sflag:$0x2], $0x2800, $0x38;
	[tilespmem:$0x2880] =	vst v63  }
0x2f: {  	_ =	swait.ge [sflag:s7], $0x2800  }
0x30: {  	[sflag:s7] =	ssyncset.done $0x0  }
0x31: {  	[sflag:s7] =	ssyncadd.s32 $0xFFFFD800  }
0x32: {  	_ =	sfence.sel $0x180000  }
0x33: {  	[bflag:$0x0] =	sbarrier.arrive $0xFFFF  }
0x34: {  	p0 =	sne.s32 s1, $0x0;
	_ =	strace $0x90000047  }
0x35: {  	s0 =	sadd.s32 @!p0 $0x100000, s0;
	[bflag:$0x2] =	sbarrier.arrive $0xFFFF  }
0x36: {  	[sflag:s0] =	ssyncadd.tile.s32 @!p0 $0x1;
	_ =	shalt  }
.Lfunc_end2:
_tile_overlayer_lowered:
.L_overlay_start_2:
0x37: {  	(tag) =	ssettag $0x2  }
0x38: {  	s0 =	rddreg [dreg:$0x0];
	s2 =	stileid.u32  }
0x39: {  	s1 =	rddreg [dreg:$0x1];
	p0 =	sne.s32 s2, $0x0  }
0x3a: {  	s3 =	rddreg [dreg:$0x2];
	[bflag:$0x3] =	sbarrier.arrive $0xFFFF;
	s2 =	simm.s32 @!p0 $0x1C02  }
0x3b: {  	[timem:s3], [sflag:s2] =	dma.local @!p0 [hbm:s0], s1  }
0x3c: {  	s0 =	simm.s32 @!p0 $0x2  }
0x3d: {  	_ =	swait.ge @!p0 [sflag:s0], s1  }
0x3e: {  	s1 =	ssub.s32 @!p0 $0x0, s1;
	[sflag:s0] =	ssyncset.done @!p0 $0x0  }
0x3f: {  	[sflag:s0] =	ssyncadd.s32 @!p0 s1  }
0x40: {  	[bflag:$0x3] =	sbarrier.arrive $0xFFFF  }
0x41: {  	_ =	shalt  }

// kernel: kernel.9.cloned.1.call-start
scs
__scs_entry_jumppad:
0x0: {  	(pc) =	sbr.rel $0x88, $3  }
0x1: {  	(tag) =	ssettag $0x0;
	lr =	simm.s32 $0x1  }
0x2: {  	[smem:$0x3F9E] =	sst lr;
	_ =	strace $0xD0000000  }
0x3: {  	_ = 	snop  }
0x4: {  	_ = 	snop  }
0x5: {  	_ = 	snop  }
0x6: {  	_ = 	snop  }
0x7: {  	_ = 	snop  }
__scs_overlays_trampoline_lowered:
0x8: {  	[smem:$0x3FAD] =	sst s0  }
0x9: {  	[smem:$0x3FAE] =	sst s1  }
0xa: {  	[smem:$0x3FAF] =	sst s2  }
0xb: {  	[smem:$0x3FB0] =	sst s3  }
0xc: {  	[smem:$0x3FB1] =	sst s4  }
0xd: {  	[smem:$0x3FB2] =	sst s5  }
0xe: {  	[smem:$0x3FB3] =	sst s6  }
0xf: {  	[smem:$0x3FB4] =	sst s7  }
0x10: {  	[smem:$0x3FB5] =	sst s8  }
0x11: {  	[smem:$0x3FB6] =	sst s9;
	s0 =	simm.s32 @!p0 $0x0  }
0x12: {  	s1 =	sld [smem:$0x3F9C];
	s0 =	simm.s32 @p0 $0x1  }
0x13: {  	[smem:$0x3FB7] =	sst s0;
	s0 =	simm.s32 @!p1 $0x0  }
0x14: {  	s2 =	sld [smem:$0x3F9B];
	s0 =	simm.s32 @p1 $0x1  }
0x15: {  	[smem:$0x3FB8] =	sst s0;
	s0 =	simm.s32 @!p2 $0x0  }
0x16: {  	s3 =	sld [smem:$0x3FDB];
	s0 =	simm.s32 @p2 $0x1  }
0x17: {  	s4 =	simm.s32 $0x1BF5;
	[smem:$0x3FBA] =	sst s0  }
0x18: {  	s0 =	sld [smem:$0x3F9D];
	_ =	swait.ge [sflag:s4], $0x0  }
0x19: {  	s7 =	sld [smem:$0x3F9E]  }
0x1a: {  	s8 =	sadd.s32 $0xFFFFE003, lr  }
0x1b: {  	s9 =	sadd.s32 $0xFFFFFEF7, lr;
	s5 =	simm.s32 $0xFFFFFFFF;
	p2 =	slt.u32 s8, $0xFFFFF086  }
0x1c: {  	p1 =	slt.u32 s9, $0xF7A;
	s5 =	simm.s32 @!p2 $0x0  }
0x1d: {  	s5 =	simm.s32 @p1 $0x1;
	p0 =	seq.s32 s7, s2  }
0x1e: {  	s7 =	smul.u32 @!p0 $0xF7A, s2;
	p2 =	seq.s32 @!p0 s5, $0x0  }
0x1f: {  	s9 =	smul.u32 $0xF7A, s1;
	s8 =	simm.s32 @!p0 $0x1BF5;
	p2 =	por !p2, p0  }
0x20: {  	[sflag:s8] =	ssyncset.s32 @!p0 $0xFFFFF086;
	s6 =	sadd.s32 @!p0 s3, s7;
	s7 =	simm.s32 @!p0 $0x108  }
0x21: {  	s3 =	sadd.s32 s3, s9;
	s6 =	sadd.s32 @!p0 $0x88, s6;
	s7 =	simm.s32 @p2 $0x1082  }
0x22: {  	[simem:s7], [sflag:s8] =	dma.local @!p0 [hbm:s6], $0xF7A  }
0x23: {  	s9 =	sor.u32 $0xD0000000, s2;
	s6 =	simm.s32 $0x108;
	_ =	swait.ge @!p0 [sflag:s8], $0x0  }
0x24: {  	s3 =	sadd.s32 $0x88, s3;
	s6 =	simm.s32 @!p1 $0x1082;
	[sflag:s4] =	ssyncset.s32 $0xFFFFF086  }
0x25: {  	[simem:s6], [sflag:s4] =	dma.local [hbm:s3], $0xF7A  }
0x26: {  	[smem:$0x3F9E] =	sst s1;
	(tag) =	ssettag s2;
	_ =	strace s9  }
0x27: {  	s1 =	sld [smem:$0x3FAE]  }
0x28: {  	s2 =	sld [smem:$0x3FAF]  }
0x29: {  	s4 =	sld [smem:$0x3FB1]  }
0x2a: {  	p0 =	seq.s32 s5, $0x0;
	s5 =	sld [smem:$0x3FB2]  }
0x2b: {  	s6 =	sld [smem:$0x3FB3]  }
0x2c: {  	s7 =	sld [smem:$0x3FB4]  }
0x2d: {  	s3 =	simm.s32 $0x108;
	s8 =	sld [smem:$0x3FB5]  }
0x2e: {  	s3 =	simm.s32 @!p0 $0x1082;
	s9 =	sld [smem:$0x3FB6]  }
0x2f: {  	lr =	sadd.s32 s0, s3;
	s0 =	sld [smem:$0x3FAD]  }
0x30: {  	s3 =	sld [smem:$0x3FB0]  }
0x31: {  	[smem:$0x3FB9] =	sst s10  }
0x32: {  	s10 =	sld [smem:$0x3FB7];
	_ =	sdelay $0x3  }
0x33: {  	p0 =	seq.s32 s10, $0x1;
	s10 =	sld [smem:$0x3FB9];
	_ =	sdelay $0x3  }
0x34: {  	[smem:$0x3FB9] =	sst s10  }
0x35: {  	s10 =	sld [smem:$0x3FB8];
	_ =	sdelay $0x3  }
0x36: {  	p1 =	seq.s32 s10, $0x1;
	s10 =	sld [smem:$0x3FB9];
	_ =	sdelay $0x3  }
0x37: {  	[smem:$0x3FB9] =	sst s10  }
0x38: {  	s10 =	sld [smem:$0x3FBA]  }
0x39: {  	_ = 	snop;
	(pc) =	sbr.ind lr, $3  }
0x3a: {  	_ = 	snop  }
0x3b: {  	_ = 	snop  }
0x3c: {  	p2 =	seq.s32 s10, $0x1;
	s10 =	sld [smem:$0x3FB9]  }
0x3d: {  	_ =	shalt  }
0x3e: {  	_ =	shalt  }
0x3f: {  	_ =	shalt  }
0x40: {  	_ =	shalt  }
0x41: {  	_ =	shalt  }
0x42: {  	_ =	shalt  }
0x43: {  	_ =	shalt  }
0x44: {  	_ =	shalt  }
0x45: {  	_ =	shalt  }
0x46: {  	_ =	shalt  }
0x47: {  	_ =	shalt  }
0x48: {  	_ =	shalt  }
0x49: {  	_ =	shalt  }
0x4a: {  	_ =	shalt  }
0x4b: {  	_ =	shalt  }
0x4c: {  	_ =	shalt  }
0x4d: {  	_ =	shalt  }
0x4e: {  	_ =	shalt  }
0x4f: {  	_ =	shalt  }
0x50: {  	_ =	shalt  }
0x51: {  	_ =	shalt  }
0x52: {  	_ =	shalt  }
0x53: {  	_ =	shalt  }
0x54: {  	_ =	shalt  }
0x55: {  	_ =	shalt  }
0x56: {  	_ =	shalt  }
0x57: {  	_ =	shalt  }
0x58: {  	_ =	shalt  }
0x59: {  	_ =	shalt  }
0x5a: {  	_ =	shalt  }
0x5b: {  	_ =	shalt  }
0x5c: {  	_ =	shalt  }
0x5d: {  	_ =	shalt  }
0x5e: {  	_ =	shalt  }
0x5f: {  	_ =	shalt  }
0x60: {  	_ =	shalt  }
0x61: {  	_ =	shalt  }
0x62: {  	_ =	shalt  }
0x63: {  	_ =	shalt  }
0x64: {  	_ =	shalt  }
0x65: {  	_ =	shalt  }
0x66: {  	_ =	shalt  }
0x67: {  	_ =	shalt  }
0x68: {  	_ =	shalt  }
0x69: {  	_ =	shalt  }
0x6a: {  	_ =	shalt  }
0x6b: {  	_ =	shalt  }
0x6c: {  	_ =	shalt  }
0x6d: {  	_ =	shalt  }
0x6e: {  	_ =	shalt  }
0x6f: {  	_ =	shalt  }
0x70: {  	_ =	shalt  }
0x71: {  	_ =	shalt  }
0x72: {  	_ =	shalt  }
0x73: {  	_ =	shalt  }
0x74: {  	_ =	shalt  }
0x75: {  	_ =	shalt  }
0x76: {  	_ =	shalt  }
0x77: {  	_ =	shalt  }
0x78: {  	_ =	shalt  }
0x79: {  	_ =	shalt  }
0x7a: {  	_ =	shalt  }
0x7b: {  	_ =	shalt  }
0x7c: {  	_ =	shalt  }
0x7d: {  	_ =	shalt  }
0x7e: {  	_ =	shalt  }
0x7f: {  	_ =	shalt  }
0x80: {  	_ =	shalt  }
0x81: {  	_ =	shalt  }
0x82: {  	_ =	shalt  }
0x83: {  	_ =	shalt  }
0x84: {  	_ =	shalt  }
0x85: {  	_ =	shalt  }
0x86: {  	_ =	shalt  }
0x87: {  	_ =	shalt  }
.Lfunc_end0:
.L_simem_size_0:
called_computation.1_lowered:
.L_overlay_start_0:
0x88: {  	s2 =	sld [smem:$0x3FD9]  }
0x89: {  	s3 =	sld [smem:$0x3FFE];
	_ =	sdelay $0x1  }
0x8a: {  	s1 =	srdreg.scid  }
0x8b: {  	s0 =	sand.u32 $0x1, s1  }
0x8c: {  	s17 =	sshll.u32 s0, $0xA;
	s2 =	sadd.s32 s3, s2  }
0x8d: {  	s2 =	sadd.s32 s2, s17  }
0x8e: {  	[smem:$0x3FC5] =	sst s2  }
0x8f: {  	_ = 	snop  }
0x90: {  	(tm) =	ssettm $0x1  }
0x91: {  	s18 =	sld [smem:$0x3FFB];
	_ =	sdelay $0x3  }
0x92: {  	_ =	strace s18  }
0x93: {  	s2 =	sld [smem:$0x3FFC];
	_ =	sdelay $0x3  }
0x94: {  	_ =	strace s2  }
0x95: {  	s2 =	sld [smem:$0x3FFD];
	_ =	sdelay $0x3  }
0x96: {  	_ =	strace s2  }
0x97: {  	_ =	strace $0x8FFFFFFF  }
0x98: {  	s19 =	sld [smem:$0x3FDB];
	_ =	sdelay $0x1  }
0x99: {  	s20 =	simm.s32 $_scs_section_size  }
0x9a: {  	s4 =	simm.s32 $_size__tile_overlayer_lowered;
	s5 =	simm.s32 $_tile_overlayer_lowered  }
0x9b: {  	s6 =	simm.s32 $0x1BFF;
	s21 =	sshll.u32 s5, $0x1;
	s3 =	sadd.s32 s20, s19  }
0x9c: {  	s22 =	simm.s32 $0x0;
	s4 =	sshll.u32 s4, $0x1;
	s5 =	sadd.s32 s21, s3  }
0x9d: {  	[timem:s22], [sflag:s6] =	dma.local [hbm:s5], s4  }
0x9e: {  	_ =	swait.ge [sflag:s6], s4  }
0x9f: {  	s4 =	ssub.s32 $0x0, s4;
	[sflag:s6] =	ssyncset.done $0x0  }
0xa0: {  	[sflag:s6] =	ssyncadd.s32 s4;
	_ =	sdelay $0x1  }
0xa1: {  	s23 =	simm.s32 $0x1B8B  }
0xa2: {  	_ =	swait.ge [sflag:s23], $0x1  }
0xa3: {  	[sflag:s23] =	ssyncset.done $0x0  }
0xa4: {  	[sflag:s23] =	ssyncadd.s32 $0xFFFFFFFF  }
0xa5: {  	s4 =	sld [smem:$0x0]  }
0xa6: {  	s5 =	sand.u32 $0xFFFFFFFE, s1  }
0xa7: {  	p0 =	sne.s32 s1, s5  }
0xa8: {  	s5 =	sshll.u32 @p0 s5, $0xE  }
0xa9: {  	s5 =	sadd.s32 @p0 $0x11B8D, s5;
	s6 =	sshll.u32 @p0 s4, $0x11  }
0xaa: {  	s5 =	sor.u32 @p0 s6, s5  }
0xab: {  	[sflag:s5] =	ssyncadd.remote.s32 @p0 $0x1;
	_ =	sdelay $0x1  }
0xac: {  	s5 =	simm.s32 @p0 $0x1B8D  }
0xad: {  	_ =	swait.eq @p0 [sflag:s5], $0x1  }
0xae: {  	[sflag:s5] =	ssyncadd.s32 @p0 $0xFFFFFFFF  }
0xaf: {  	s6 =	sshll.u32 @!p0 s1, $0xE  }
0xb0: {  	s6 =	sor.u32 @!p0 $0x4000, s6;
	s5 =	simm.s32 @!p0 $0x1B8D  }
0xb1: {  	s4 =	sshll.u32 @!p0 s4, $0x11;
	s6 =	sadd.s32 @!p0 $0x11B8D, s6;
	_ =	swait.eq @!p0 [sflag:s5], $0x1  }
0xb2: {  	s4 =	sor.u32 @!p0 s4, s6;
	[sflag:s5] =	ssyncadd.s32 @!p0 $0xFFFFFFFF  }
0xb3: {  	s25 =	simm.s32 $0x1B8E;
	s24 =	sld [smem:$0x3FFE];
	[sflag:s4] =	ssyncadd.remote.s32 @!p0 $0x1  }
0xb4: {  	s26 =	simm.s32 $execute0_lowered;
	[smem:$0x3FD2] =	sst s25  }
0xb5: {  	s5 =	sshll.u32 s26, $0x1;
	_ =	strace $0x80000049;
	[dreg:$0x1] =	wrdreg $0xFFFFFFFF  }
0xb6: {  	s28 =	simm.s32 $_size_execute0_lowered;
	s3 =	sadd.s32 s3, s5;
	[dreg:$0x0] =	wrdreg $0x0  }
0xb7: {  	s5 =	sshll.u32 s28, $0x1;
	[dreg:$0x2] =	wrdreg s3  }
0xb8: {  	[dreg:$0x3] =	wrdreg s5  }
0xb9: {  	[dreg:$0x4] =	wrdreg $0xC0  }
0xba: {  	_ =	task [dreg:s22], $0x5FFFF  }
0xbb: {  	[dreg:$0x1] =	wrdreg $0xFFFFFFFF  }
0xbc: {  	[dreg:$0x0] =	wrdreg $0x60  }
0xbd: {  	[dreg:$0x2] =	wrdreg s24  }
0xbe: {  	[dreg:$0x3] =	wrdreg $0xA  }
0xbf: {  	_ =	task.clear_ibuf [dreg:s22], $0x4FFFF;
	_ =	strace $0x90000049  }
0xc0: {  	s29 =	simm.s32 $0xA;
	_ =	strace $0x8000004B  }
0xc1: {  	_ =	swait.ge [sflag:s29], $0x1  }
0xc2: {  	[sflag:s29] =	ssyncadd.s32 $0xFFFFFFFF  }
0xc3: {  	_ =	strace $0x9000004B  }
0xc4: {  	_ =	sfence  }
0xc5: {  	s30 =	sld [smem:$0x0];
	_ =	sdelay $0x2  }
0xc6: {  	s31 =	sshll.u32 s1, $0xD;
	s1 =	sshrl.u32 s1, $0x2  }
0xc7: {  	s4 =	sand.u32 $0x4000, s31;
	s1 =	sadd.s32 s1, s30  }
0xc8: {  	s0 =	sor.u32 s4, s0;
	s1 =	sshll.u32 s1, $0x11  }
0xc9: {  	s0 =	sor.u32 s1, s0  }
0xca: {  	s0 =	sadd.s32 $0x8F2B, s0  }
0xcb: {  	[sflag:s0] =	ssyncadd.remote.s32 $0x1  }
0xcc: {  	_ =	sfence.sel $0xFFFF  }
0xcd: {  	[dreg:$0x0] =	wrdreg $0xFFFFFFFF;
	(pc) =	sbr.abs _section_cstart, $3  }
0xce: {  	[dreg:$0x1] =	wrdreg $0xFFFFFFFF  }
0xcf: {  	_ =	task.clear_ibuf [dreg:s22], $0x2FFFF;
	_ =	strace $0x9FFFFFFF  }
0xd0: {  	(tm) =	ssettm $0x7FFFFFFF  }
0xd1: {  	_ =	shalt  }
tec
execute0_lowered:
.L_overlay_start_1:
0x0: {  	(tag) =	ssettag $0x1  }
0x1: {  	s4 =	rddreg [dreg:$0x0]  }
0x2: {  	s0 =	rddreg [dreg:$0x1];
	s2 =	simm.s32 $0x0;
	s5 =	srdreg.scid  }
0x3: {  	s1 =	stileid.u32;
	s10 =	simm.s32 $0x0;
	[smem:$0x7FF] =	sst s2  }
0x4: {  	s3 =	sadd.s32 $0x1000, s4;
	s5 =	sand.u32 $0x1, s5;
	s6 =	sshll.u32 s1, $0xC  }
0x5: {  	s8 =	smul.u32 $0xA000, s1;
	_ =	strace $0x8000004A;
	s7 =	sshll.u32 s5, $0xB  }
0x6: {  	s9 =	ssub.s32 $0x2, s5;
	s5 =	smul.u32 $0x5000, s5;
	s6 =	sor.u32 s7, s6  }
0x7: {  	s30 =	sshrl.u32 s9, $0x1;
	s8 =	sadd.s32 s8, s4;
	s6 =	sshrl.u32 s6, $0x3  }
0x8: {  	s7 =	ssub.s32 s9, s30;
	s31 =	sadd.s32 s5, s8;
	s8 =	simm.s32 $0x80  }
0x9: {  	s9 =	simm.s32 $0x1;
	s6 =	sadd.s32 s6, s4;
	s4 =	smax.u32 s7, $0x1  }
0xa: {  	s7 =	simm.s32 $0x2;
	s5 =	sadd.s32 $0xC9000, s6;
	s6 =	sadd.s32 $0xCB000, s31  }
.LBB2_1:
0xb: {  	s11 =	sadd.s32 $0x0, s5  }
0xc: {  	[tilespmem:s2], [sflag:$0x2] =	stream.linear.gather [hbm4b:s11+s2], $0x80, $0x38;
	[tilespmem:$0x2880] =	vst v63  }
0xd: {  	_ =	swait.ge [sflag:s7], $0x80  }
0xe: {  	[sflag:s7] =	ssyncset.done $0x0  }
0xf: {  	[sflag:s7] =	ssyncadd.s32 $0xFFFFFF80  }
0x10: {  	[tilespmem:s8], [sflag:$0x1] =	stream.indirect.gather [hbm4b:s3+s8], $0x50, s2, s8, $0xb8;
	[tilespmem:$0x2880] =	vst v63  }
0x11: {  	_ =	swait.ge [sflag:s9], $0x2800  }
0x12: {  	[sflag:s9] =	ssyncset.done $0x0  }
0x13: {  	[sflag:s9] =	ssyncadd.s32 $0xFFFFD800  }
0x14: {  	[hbm4b:s6+s2] =	stream.linear.scatter [tilespmem:s8], [sflag:$0x2], $0x2800, $0x38;
	[tilespmem:$0x2880] =	vst v63  }
0x15: {  	s12 =	simm.s32 $0x10;
	_ =	swait.ge [sflag:s7], $0x2800  }
0x16: {  	s13 =	simm.s32 $0x20;
	s11 =	sadd.s32 $0x500, s6;
	[sflag:s7] =	ssyncset.done $0x0  }
.LBB2_2:
0x17: {  	s14 =	sadd.s32 s12, s5  }
0x18: {  	[sflag:s7] =	ssyncadd.s32 $0xFFFFD800;
	s12 =	smov.u32 s13;
	s15 =	sadd.s32 $0x10, s13  }
0x19: {  	[tilespmem:s2], [sflag:$0x2] =	stream.linear.gather [hbm4b:s14+s2], $0x80, $0x38;
	[tilespmem:$0x2880] =	vst v63  }
0x1a: {  	p0 =	sne.s32 s13, $0xF0;
	_ =	swait.ge [sflag:s7], $0x80  }
0x1b: {  	[sflag:s7] =	ssyncset.done $0x0  }
0x1c: {  	[sflag:s7] =	ssyncadd.s32 $0xFFFFFF80  }
0x1d: {  	[tilespmem:s8], [sflag:$0x1] =	stream.indirect.gather [hbm4b:s3+s8], $0x50, s2, s8, $0xb8;
	[tilespmem:$0x2880] =	vst v63  }
0x1e: {  	_ =	swait.ge [sflag:s9], $0x2800  }
.Ltmp0:
0x1f: {  	[sflag:s9] =	ssyncset.done $0x0;
	(pc) =	sbr.rel @p0 .LBB2_2-.Ltmp0, $4  }
0x20: {  	[sflag:s9] =	ssyncadd.s32 $0xFFFFD800  }
0x21: {  	[hbm4b:s11+s2] =	stream.linear.scatter [tilespmem:s8], [sflag:$0x2], $0x2800, $0x38;
	[tilespmem:$0x2880] =	vst v63  }
0x22: {  	_ =	swait.ge [sflag:s7], $0x2800  }
0x23: {  	s13 =	smov.u32 s15;
	s11 =	sadd.s32 $0x500, s11;
	[sflag:s7] =	ssyncset.done $0x0  }
0x24: {  	s12 =	sadd.s32 s12, s5;
	[sflag:s7] =	ssyncadd.s32 $0xFFFFD800  }
0x25: {  	[tilespmem:s2], [sflag:$0x2] =	stream.linear.gather [hbm4b:s12+s2], $0x80, $0x38;
	[tilespmem:$0x2880] =	vst v63  }
0x26: {  	_ =	swait.ge [sflag:s7], $0x80  }
0x27: {  	[sflag:s7] =	ssyncset.done $0x0  }
0x28: {  	[sflag:s7] =	ssyncadd.s32 $0xFFFFFF80  }
0x29: {  	[tilespmem:s8], [sflag:$0x1] =	stream.indirect.gather [hbm4b:s3+s8], $0x50, s2, s8, $0xb8;
	[tilespmem:$0x2880] =	vst v63  }
0x2a: {  	s10 =	sadd.s32 $0x1, s10;
	_ =	swait.ge [sflag:s9], $0x2800  }
0x2b: {  	p0 =	sne.s32 s10, s4;
	[sflag:s9] =	ssyncset.done $0x0  }
.Ltmp1:
0x2c: {  	[sflag:s9] =	ssyncadd.s32 $0xFFFFD800;
	(pc) =	sbr.rel @p0 .LBB2_1-.Ltmp1, $4  }
0x2d: {  	[hbm4b:s11+s2] =	stream.linear.scatter [tilespmem:s8], [sflag:$0x2], $0x2800, $0x38;
	[tilespmem:$0x2880] =	vst v63  }
0x2e: {  	_ =	swait.ge [sflag:s7], $0x2800  }
0x2f: {  	[sflag:s7] =	ssyncset.done $0x0  }
0x30: {  	[sflag:s7] =	ssyncadd.s32 $0xFFFFD800  }
0x31: {  	_ =	sfence.sel $0x180000  }
0x32: {  	[bflag:$0x0] =	sbarrier.arrive $0xFFFF  }
0x33: {  	p0 =	sne.s32 s1, $0x0;
	_ =	strace $0x9000004A  }
0x34: {  	s0 =	sadd.s32 @!p0 $0x100000, s0;
	[bflag:$0x2] =	sbarrier.arrive $0xFFFF  }
0x35: {  	[sflag:s0] =	ssyncadd.tile.s32 @!p0 $0x1;
	_ =	shalt  }
.Lfunc_end2:
_tile_overlayer_lowered:
.L_overlay_start_2:
0x36: {  	(tag) =	ssettag $0x2  }
0x37: {  	s0 =	rddreg [dreg:$0x0];
	s2 =	stileid.u32  }
0x38: {  	s1 =	rddreg [dreg:$0x1];
	p0 =	sne.s32 s2, $0x0  }
0x39: {  	s3 =	rddreg [dreg:$0x2];
	[bflag:$0x3] =	sbarrier.arrive $0xFFFF;
	s2 =	simm.s32 @!p0 $0x1C02  }
0x3a: {  	[timem:s3], [sflag:s2] =	dma.local @!p0 [hbm:s0], s1  }
0x3b: {  	s0 =	simm.s32 @!p0 $0x2  }
0x3c: {  	_ =	swait.ge @!p0 [sflag:s0], s1  }
0x3d: {  	s1 =	ssub.s32 @!p0 $0x0, s1;
	[sflag:s0] =	ssyncset.done @!p0 $0x0  }
0x3e: {  	[sflag:s0] =	ssyncadd.s32 @!p0 s1  }
0x3f: {  	[bflag:$0x3] =	sbarrier.arrive $0xFFFF  }
0x40: {  	_ =	shalt  }

</sc_bundles>
